<compile_context>
chip_gen: v7x
topology: tpu7x:2x2x1
jax: 0.10.2.dev20260603
libtpu: 0.0.44.dev20260713+nightly
codegen_flags: <defaults>
</compile_context>

<pallas_src>
import functools

import jax
import jax.numpy as jnp
from jax import lax
from jax.experimental import pallas as pl
from jax.experimental.pallas import tpu as pltpu
from jax.experimental.pallas import tpu_sc as plsc

_LP = (0.99999705, -0.49982547, 0.33078786, -0.23417359, 0.14810663,
       -0.06577001, 0.01402682)



def _fold_body(We, be, Wf1, bf1, Ws1, bs1, Wf2, bf2, Ws2, bs2, wc, bc):
    we = We[...]
    bev = be[...]
    pieces_w = []
    pieces_b = []
    for Wm, bm in ((Wf1, bf1), (Ws1, bs1), (Wf2, bf2), (Ws2, bs2)):
        wblk = Wm[256:384, :]
        pieces_w.append(jnp.dot(we, wblk, preferred_element_type=jnp.float32))
        pieces_b.append(jnp.dot(bev, wblk, preferred_element_type=jnp.float32)
                        + bm[...])
    wc[...] = jnp.concatenate(pieces_w, axis=1)
    bc[...] = jnp.concatenate(pieces_b, axis=1)


def _edge_body(ea, wc, bc, e1, e2):
    y = jnp.dot(ea[...], wc[...], preferred_element_type=jnp.float32) + bc[...]
    e1[...] = y[:, 0:256]
    e2[...] = y[:, 256:512]


def _node1_body(x, Wn, bn, Wd, Ws_, h0, tabd, tabs):
    h = jnp.dot(x[...], Wn[...], preferred_element_type=jnp.float32) + bn[...]
    h0[...] = h
    tabd[...] = jnp.dot(h, Wd[...], preferred_element_type=jnp.float32)
    tabs[...] = jnp.dot(h, Ws_[...], preferred_element_type=jnp.float32)


def _node2_body(a0, a1, hprev, Wd, Ws_, h1, tabd, tabs):
    h = jnp.maximum(a0[...] + a1[...] + hprev[...], 0.0)
    h1[...] = h
    tabd[...] = jnp.dot(h, Wd[...], preferred_element_type=jnp.float32)
    tabs[...] = jnp.dot(h, Ws_[...], preferred_element_type=jnp.float32)


def _out_body(a0, a1, hprev, Wa, ba, out):
    h = jnp.maximum(a0[...] + a1[...] + hprev[...], 0.0)
    out[...] = jnp.dot(h, Wa[...], preferred_element_type=jnp.float32) + ba[...]


def _full(shape):
    return pl.BlockSpec(shape, lambda i: (0,) * len(shape))


def _rows(bn, cols):
    return pl.BlockSpec((bn, cols), lambda i: (i, 0))



def _sc_edge_layer(tabd, tabs, edge, src, dst, n_nodes):
    n_edges = edge.shape[0]
    H = 128
    C = 40
    n_tiles = 32
    per_tile = n_edges // n_tiles
    n_chunks = per_tile // C
    RPT = (n_nodes // 16) // 8 * 8
    REM = n_nodes - 16 * RPT
    ZR = 16

    mesh = plsc.VectorSubcoreMesh(core_axis_name="c", subcore_axis_name="s")

    @functools.partial(
        pl.kernel, mesh=mesh,
        out_type=(jax.ShapeDtypeStruct((n_nodes, H), jnp.float32),
                  jax.ShapeDtypeStruct((n_nodes, H), jnp.float32)),
        scratch_types=[
            pltpu.VMEM((C,), jnp.int32),
            pltpu.VMEM((C,), jnp.int32),
            pltpu.VMEM((C, 256), jnp.float32),
            pltpu.VMEM((C, 256), jnp.float32),
            pltpu.VMEM((C, 256), jnp.float32),
            pltpu.VMEM((C, H), jnp.float32),
            pltpu.VMEM((ZR, H), jnp.float32),
            pltpu.VMEM_SHARED((n_nodes, H), jnp.float32),
            pltpu.SemaphoreType.DMA,
            pltpu.SemaphoreType.DMA,
        ],
    )
    def k(tabd_h, tabs_h, edge_h, src_h, dst_h, out0, out1,
          dstv, srcv, gd, gs, ge, mv, zv, agg, sem1, sem2):
        c = lax.axis_index("c")
        s = lax.axis_index("s")
        tid = c * 16 + s

        def zrow(r, _):
            for kk in range(H // 16):
                zv[r, pl.ds(kk * 16, 16)] = jnp.zeros((16,), jnp.float32)
            return 0
        lax.fori_loop(0, ZR, zrow, 0)
        row0 = s * RPT
        for zb in range(RPT // ZR):
            pltpu.sync_copy(zv, agg.at[pl.ds(row0 + zb * ZR, ZR)])

        @pl.when(s == 15)
        def _():
            pltpu.sync_copy(zv.at[pl.ds(0, REM)],
                            agg.at[pl.ds(16 * RPT, REM)])
        plsc.subcore_barrier()

        base0 = tid * per_tile

        def chunk(g, _):
            b = base0 + g * C
            pltpu.sync_copy(dst_h.at[pl.ds(b, C)], dstv)
            pltpu.sync_copy(src_h.at[pl.ds(b, C)], srcv)
            cp1 = pltpu.async_copy(tabd_h.at[dstv], gd, sem1)
            cp2 = pltpu.async_copy(tabs_h.at[srcv], gs, sem2)
            pltpu.sync_copy(edge_h.at[pl.ds(b, C)], ge)
            cp1.wait()
            cp2.wait()

            def row(r, _):
                for kk in range(H // 16):
                    slf = pl.ds(kk * 16, 16)
                    sls = pl.ds(H + kk * 16, 16)
                    f = gd[r, slf] + gs[r, slf] + ge[r, slf]
                    sv = gd[r, sls] + gs[r, sls] + ge[r, sls]
                    y = jnp.exp(-jnp.abs(sv))
                    p = _LP[6]
                    for cf in (_LP[5], _LP[4], _LP[3], _LP[2], _LP[1], _LP[0]):
                        p = p * y + cf
                    sp = jnp.maximum(sv, 0.0) + p * y
                    mv[r, slf] = sp / (1.0 + jnp.exp(-f))
                return 0
            lax.fori_loop(0, C, row, 0)
            pltpu.sync_copy(mv, agg.at[dstv], add=True)
            return 0
        lax.fori_loop(0, n_chunks, chunk, 0)
        plsc.subcore_barrier()

        sl = pl.ds(row0, RPT)
        sl_rem = pl.ds(16 * RPT, REM)

        @pl.when(c == 0)
        def _():
            pltpu.sync_copy(agg.at[sl], out0.at[sl])

            @pl.when(s == 15)
            def _():
                pltpu.sync_copy(agg.at[sl_rem], out0.at[sl_rem])

        @pl.when(c == 1)
        def _():
            pltpu.sync_copy(agg.at[sl], out1.at[sl])

            @pl.when(s == 15)
            def _():
                pltpu.sync_copy(agg.at[sl_rem], out1.at[sl_rem])

    return k(tabd, tabs, edge, src, dst)



def kernel(x, edge_index, edge_attr, Wn, bn, We, be,
           Wf1, bf1, Ws1, bs1, Wf2, bf2, Ws2, bs2, Wa, ba):
    n_nodes, dn = x.shape
    n_edges = edge_attr.shape[0]
    H = Wn.shape[1]
    src = edge_index[0]
    dst = edge_index[1]

    bn2 = bn.reshape(1, H)
    be2 = be.reshape(1, We.shape[1])
    ba2 = ba.reshape(1, H)
    bf1r, bs1r = bf1.reshape(1, H), bs1.reshape(1, H)
    bf2r, bs2r = bf2.reshape(1, H), bs2.reshape(1, H)
    Wd1 = jnp.concatenate([Wf1[0:H], Ws1[0:H]], axis=1)
    Wsj1 = jnp.concatenate([Wf1[H:2 * H], Ws1[H:2 * H]], axis=1)
    Wd2 = jnp.concatenate([Wf2[0:H], Ws2[0:H]], axis=1)
    Wsj2 = jnp.concatenate([Wf2[H:2 * H], Ws2[H:2 * H]], axis=1)

    f32 = jnp.float32

    wc, bc = pl.pallas_call(
        _fold_body,
        out_shape=(jax.ShapeDtypeStruct((16, 512), f32),
                   jax.ShapeDtypeStruct((1, 512), f32)),
    )(We, be2, Wf1, bf1r, Ws1, bs1r, Wf2, bf2r, Ws2, bs2r)

    BE = 2000
    edge1, edge2 = pl.pallas_call(
        _edge_body,
        grid=(n_edges // BE,),
        in_specs=[_rows(BE, 16), _full((16, 512)), _full((1, 512))],
        out_specs=(_rows(BE, 256), _rows(BE, 256)),
        out_shape=(jax.ShapeDtypeStruct((n_edges, 256), f32),
                   jax.ShapeDtypeStruct((n_edges, 256), f32)),
    )(edge_attr, wc, bc)

    BN = 2000
    h0, tabd1, tabs1 = pl.pallas_call(
        _node1_body,
        grid=(n_nodes // BN,),
        in_specs=[_rows(BN, dn), _full((dn, H)), _full((1, H)),
                  _full((H, 256)), _full((H, 256))],
        out_specs=(_rows(BN, H), _rows(BN, 256), _rows(BN, 256)),
        out_shape=(jax.ShapeDtypeStruct((n_nodes, H), f32),
                   jax.ShapeDtypeStruct((n_nodes, 256), f32),
                   jax.ShapeDtypeStruct((n_nodes, 256), f32)),
    )(x, Wn, bn2, Wd1, Wsj1)

    a0, a1 = _sc_edge_layer(tabd1, tabs1, edge1, src, dst, n_nodes)

    h1, tabd2, tabs2 = pl.pallas_call(
        _node2_body,
        grid=(n_nodes // BN,),
        in_specs=[_rows(BN, H), _rows(BN, H), _rows(BN, H),
                  _full((H, 256)), _full((H, 256))],
        out_specs=(_rows(BN, H), _rows(BN, 256), _rows(BN, 256)),
        out_shape=(jax.ShapeDtypeStruct((n_nodes, H), f32),
                   jax.ShapeDtypeStruct((n_nodes, 256), f32),
                   jax.ShapeDtypeStruct((n_nodes, 256), f32)),
    )(a0, a1, h0, Wd2, Wsj2)

    b0, b1 = _sc_edge_layer(tabd2, tabs2, edge2, src, dst, n_nodes)

    out = pl.pallas_call(
        _out_body,
        grid=(n_nodes // BN,),
        in_specs=[_rows(BN, H), _rows(BN, H), _rows(BN, H),
                  _full((H, H)), _full((1, H))],
        out_specs=_rows(BN, H),
        out_shape=jax.ShapeDtypeStruct((n_nodes, H), f32),
    )(b0, b1, h1, Wa, ba2)

    return out

# --- scband reference (transcript-rebuilt; emitter-appended) ---
"""Pipeline reference for scband-cgcnn-55190329753768 (READ-ONLY COPY).

The authoritative reference and input builder live on the scoring server;
editing this copy changes nothing except your own understanding.
"""

import jax, jax.numpy as jnp
import numpy as np

N = 10000
E = 160000
D_NODE = 128
D_EDGE = 16
H = 128


def _lin(k, fin, fout):
    kw, kb = jax.random.split(k)
    s = 1.0 / np.sqrt(fin)
    W = jax.random.uniform(kw, (fin, fout), minval=-s, maxval=s, dtype=jnp.float32)
    b = jax.random.uniform(kb, (fout,), minval=-s, maxval=s, dtype=jnp.float32)
    return W, b


def setup_inputs(seed: int = 0) -> dict:
    key = jax.random.key(seed)
    ks = jax.random.split(key, 12)
    x = jax.random.normal(ks[0], (N, D_NODE), dtype=jnp.float32)
    edge_index = jax.random.randint(ks[1], (2, E), 0, N, dtype=jnp.int32)
    edge_attr = jax.random.normal(ks[2], (E, D_EDGE), dtype=jnp.float32)
    Wn, bn = _lin(ks[3], D_NODE, H)
    We, be = _lin(ks[4], D_EDGE, H)
    Wf1, bf1 = _lin(ks[5], 3 * H, H)
    Ws1, bs1 = _lin(ks[6], 3 * H, H)
    Wf2, bf2 = _lin(ks[7], 3 * H, H)
    Ws2, bs2 = _lin(ks[8], 3 * H, H)
    Wa, ba = _lin(ks[9], H, H)
    return {
        "x": x, "edge_index": edge_index, "edge_attr": edge_attr,
        "Wn": Wn, "bn": bn, "We": We, "be": be,
        "Wf1": Wf1, "bf1": bf1, "Ws1": Ws1, "bs1": bs1,
        "Wf2": Wf2, "bf2": bf2, "Ws2": Ws2, "bs2": bs2,
        "Wa": Wa, "ba": ba,
    }


def _cgconv(x, src, dst, edge_attr, Wf, bf, Ws, bs):
    # PyG CGConv: z_ij = [x_i, x_j, e_ij]; out_i = x_i + sum_j sigmoid(z W_f + b_f) * softplus(z W_s + b_s)
    x_i = x[dst]
    x_j = x[src]
    z = jnp.concatenate([x_i, x_j, edge_attr], axis=-1)
    m = jax.nn.sigmoid(z @ Wf + bf) * jax.nn.softplus(z @ Ws + bs)
    agg = jax.ops.segment_sum(m, dst, num_segments=x.shape[0])
    return agg + x


def reference(x, edge_index, edge_attr, Wn, bn, We, be, Wf1, bf1, Ws1, bs1, Wf2, bf2, Ws2, bs2, Wa, ba):
    src = edge_index[0]
    dst = edge_index[1]
    h = x @ Wn + bn
    e = edge_attr @ We + be
    h = _cgconv(h, src, dst, e, Wf1, bf1, Ws1, bs1)
    h = jax.nn.relu(h)
    h = _cgconv(h, src, dst, e, Wf2, bf2, Ws2, bs2)
    h = jax.nn.relu(h)
    out = h @ Wa + ba
    return out

if __name__ == "__main__":
    import jax
    _d = setup_inputs()
    print(jax.jit(kernel)(*tuple(_d.values())))

</pallas_src>

<mosaic_0001>
#map = affine_map<(d0, d1) -> (0, 0)>
#map1 = affine_map<(d0, d1) -> (0)>
module attributes {stable_mosaic.version = 14 : i64} {
  func.func @k(%arg0: i32, %arg1: i32, %arg2: memref<10000x256xf32, #tpu.memory_space<hbm>>, %arg3: memref<10000x256xf32, #tpu.memory_space<hbm>>, %arg4: memref<160000x256xf32, #tpu.memory_space<hbm>>, %arg5: memref<160000xi32, #tpu.memory_space<hbm>>, %arg6: memref<160000xi32, #tpu.memory_space<hbm>>, %arg7: memref<10000x128xf32, #tpu.memory_space<hbm>>, %arg8: memref<10000x128xf32, #tpu.memory_space<hbm>>, %arg9: memref<40xi32, #tpu.memory_space<vmem>>, %arg10: memref<40xi32, #tpu.memory_space<vmem>>, %arg11: memref<40x256xf32, #tpu.memory_space<vmem>>, %arg12: memref<40x256xf32, #tpu.memory_space<vmem>>, %arg13: memref<40x256xf32, #tpu.memory_space<vmem>>, %arg14: memref<40x128xf32, #tpu.memory_space<vmem>>, %arg15: memref<16x128xf32, #tpu.memory_space<vmem>>, %arg16: memref<10000x128xf32, #tpu.memory_space<vmem_shared>>, %arg17: memref<!tpu.dma_semaphore, #tpu.memory_space<semaphore_mem>>, %arg18: memref<!tpu.dma_semaphore, #tpu.memory_space<semaphore_mem>>) attributes {dimension_semantics = [#tpu.dimension_semantics<core_parallel>, #tpu.dimension_semantics<subcore_parallel>], iteration_bounds = array<i64: 2, 16>, scalar_prefetch = 0 : i64, scratch_operands = 10 : i64, tpu.core_type = #tpu.core_type<sc_vector_subcore>, window_params = [{transform_indices = #map}, {transform_indices = #map}, {transform_indices = #map}, {transform_indices = #map1}, {transform_indices = #map1}, {transform_indices = #map}, {transform_indices = #map}]} {
    %mul3A = arith.constant 16 : i32
    %mul3A_0 = arith.muli %arg0, %mul3A : i32
    %add3A = arith.addi %mul3A_0, %arg1 : i32
    %scan3A = arith.constant 0 : i32
    %scan3A_1 = arith.constant 0 : i32
    %scan3A_2 = arith.constant 16 : i32
    %scan3A_3 = arith.addi %scan3A_1, %scan3A_2 : i32
    %scan3A_4 = arith.constant 1 : i32
    %scan3A_5 = scf.for %scan3A_109 = %scan3A_1 to %scan3A_3 step %scan3A_4 iter_args(%scan3A_110 = %scan3A) -> (i32)  : i32 {
      %broadcast_in_dim3A = arith.constant 0.000000e+00 : f32
      %broadcast_in_dim3A_111 = vector.broadcast %broadcast_in_dim3A : f32 to vector<16xf32>
      %swap3A = arith.index_cast %scan3A_109 : i32 to index
      %swap3A_112 = arith.constant 0 : index
      %swap3A_113 = tpu.vector_load %arg15[%swap3A, %swap3A_112] {strides = array<i32>} : memref<16x128xf32, #tpu.memory_space<vmem>>, vector<1x16xf32>,
      %swap3A_114 = vector.shape_cast %swap3A_113 : vector<1x16xf32> to vector<16xf32>
      %swap3A_115 = vector.shape_cast %broadcast_in_dim3A_111 : vector<16xf32> to vector<1x16xf32>
      tpu.vector_store %arg15[%swap3A, %swap3A_112], %swap3A_115 {strides = array<i32>} : memref<16x128xf32, #tpu.memory_space<vmem>>, vector<1x16xf32>,
      %broadcast_in_dim3A_116 = arith.constant 0.000000e+00 : f32
      %broadcast_in_dim3A_117 = vector.broadcast %broadcast_in_dim3A_116 : f32 to vector<16xf32>
      %swap3A_118 = arith.index_cast %scan3A_109 : i32 to index
      %swap3A_119 = arith.constant 16 : index
      %swap3A_120 = tpu.vector_load %arg15[%swap3A_118, %swap3A_119] {strides = array<i32>} : memref<16x128xf32, #tpu.memory_space<vmem>>, vector<1x16xf32>,
      %swap3A_121 = vector.shape_cast %swap3A_120 : vector<1x16xf32> to vector<16xf32>
      %swap3A_122 = vector.shape_cast %broadcast_in_dim3A_117 : vector<16xf32> to vector<1x16xf32>
      tpu.vector_store %arg15[%swap3A_118, %swap3A_119], %swap3A_122 {strides = array<i32>} : memref<16x128xf32, #tpu.memory_space<vmem>>, vector<1x16xf32>,
      %broadcast_in_dim3A_123 = arith.constant 0.000000e+00 : f32
      %broadcast_in_dim3A_124 = vector.broadcast %broadcast_in_dim3A_123 : f32 to vector<16xf32>
      %swap3A_125 = arith.index_cast %scan3A_109 : i32 to index
      %swap3A_126 = arith.constant 32 : index
      %swap3A_127 = tpu.vector_load %arg15[%swap3A_125, %swap3A_126] {strides = array<i32>} : memref<16x128xf32, #tpu.memory_space<vmem>>, vector<1x16xf32>,
      %swap3A_128 = vector.shape_cast %swap3A_127 : vector<1x16xf32> to vector<16xf32>
      %swap3A_129 = vector.shape_cast %broadcast_in_dim3A_124 : vector<16xf32> to vector<1x16xf32>
      tpu.vector_store %arg15[%swap3A_125, %swap3A_126], %swap3A_129 {strides = array<i32>} : memref<16x128xf32, #tpu.memory_space<vmem>>, vector<1x16xf32>,
      %broadcast_in_dim3A_130 = arith.constant 0.000000e+00 : f32
      %broadcast_in_dim3A_131 = vector.broadcast %broadcast_in_dim3A_130 : f32 to vector<16xf32>
      %swap3A_132 = arith.index_cast %scan3A_109 : i32 to index
      %swap3A_133 = arith.constant 48 : index
      %swap3A_134 = tpu.vector_load %arg15[%swap3A_132, %swap3A_133] {strides = array<i32>} : memref<16x128xf32, #tpu.memory_space<vmem>>, vector<1x16xf32>,
      %swap3A_135 = vector.shape_cast %swap3A_134 : vector<1x16xf32> to vector<16xf32>
      %swap3A_136 = vector.shape_cast %broadcast_in_dim3A_131 : vector<16xf32> to vector<1x16xf32>
      tpu.vector_store %arg15[%swap3A_132, %swap3A_133], %swap3A_136 {strides = array<i32>} : memref<16x128xf32, #tpu.memory_space<vmem>>, vector<1x16xf32>,
      %broadcast_in_dim3A_137 = arith.constant 0.000000e+00 : f32
      %broadcast_in_dim3A_138 = vector.broadcast %broadcast_in_dim3A_137 : f32 to vector<16xf32>
      %swap3A_139 = arith.index_cast %scan3A_109 : i32 to index
      %swap3A_140 = arith.constant 64 : index
      %swap3A_141 = tpu.vector_load %arg15[%swap3A_139, %swap3A_140] {strides = array<i32>} : memref<16x128xf32, #tpu.memory_space<vmem>>, vector<1x16xf32>,
      %swap3A_142 = vector.shape_cast %swap3A_141 : vector<1x16xf32> to vector<16xf32>
      %swap3A_143 = vector.shape_cast %broadcast_in_dim3A_138 : vector<16xf32> to vector<1x16xf32>
      tpu.vector_store %arg15[%swap3A_139, %swap3A_140], %swap3A_143 {strides = array<i32>} : memref<16x128xf32, #tpu.memory_space<vmem>>, vector<1x16xf32>,
      %broadcast_in_dim3A_144 = arith.constant 0.000000e+00 : f32
      %broadcast_in_dim3A_145 = vector.broadcast %broadcast_in_dim3A_144 : f32 to vector<16xf32>
      %swap3A_146 = arith.index_cast %scan3A_109 : i32 to index
      %swap3A_147 = arith.constant 80 : index
      %swap3A_148 = tpu.vector_load %arg15[%swap3A_146, %swap3A_147] {strides = array<i32>} : memref<16x128xf32, #tpu.memory_space<vmem>>, vector<1x16xf32>,
      %swap3A_149 = vector.shape_cast %swap3A_148 : vector<1x16xf32> to vector<16xf32>
      %swap3A_150 = vector.shape_cast %broadcast_in_dim3A_145 : vector<16xf32> to vector<1x16xf32>
      tpu.vector_store %arg15[%swap3A_146, %swap3A_147], %swap3A_150 {strides = array<i32>} : memref<16x128xf32, #tpu.memory_space<vmem>>, vector<1x16xf32>,
      %broadcast_in_dim3A_151 = arith.constant 0.000000e+00 : f32
      %broadcast_in_dim3A_152 = vector.broadcast %broadcast_in_dim3A_151 : f32 to vector<16xf32>
      %swap3A_153 = arith.index_cast %scan3A_109 : i32 to index
      %swap3A_154 = arith.constant 96 : index
      %swap3A_155 = tpu.vector_load %arg15[%swap3A_153, %swap3A_154] {strides = array<i32>} : memref<16x128xf32, #tpu.memory_space<vmem>>, vector<1x16xf32>,
      %swap3A_156 = vector.shape_cast %swap3A_155 : vector<1x16xf32> to vector<16xf32>
      %swap3A_157 = vector.shape_cast %broadcast_in_dim3A_152 : vector<16xf32> to vector<1x16xf32>
      tpu.vector_store %arg15[%swap3A_153, %swap3A_154], %swap3A_157 {strides = array<i32>} : memref<16x128xf32, #tpu.memory_space<vmem>>, vector<1x16xf32>,
      %broadcast_in_dim3A_158 = arith.constant 0.000000e+00 : f32
      %broadcast_in_dim3A_159 = vector.broadcast %broadcast_in_dim3A_158 : f32 to vector<16xf32>
      %swap3A_160 = arith.index_cast %scan3A_109 : i32 to index
      %swap3A_161 = arith.constant 112 : index
      %swap3A_162 = tpu.vector_load %arg15[%swap3A_160, %swap3A_161] {strides = array<i32>} : memref<16x128xf32, #tpu.memory_space<vmem>>, vector<1x16xf32>,
      %swap3A_163 = vector.shape_cast %swap3A_162 : vector<1x16xf32> to vector<16xf32>
      %swap3A_164 = vector.shape_cast %broadcast_in_dim3A_159 : vector<16xf32> to vector<1x16xf32>
      tpu.vector_store %arg15[%swap3A_160, %swap3A_161], %swap3A_164 {strides = array<i32>} : memref<16x128xf32, #tpu.memory_space<vmem>>, vector<1x16xf32>,
      %scan3A_165 = arith.constant 0 : i32
      scf.yield %scan3A_165 : i32
    }
    %scan3A_6 = arith.constant 16 : i32
    %mul3A_7 = arith.constant 624 : i32
    %mul3A_8 = arith.muli %arg1, %mul3A_7 : i32
    %add3A_9 = arith.constant 0 : i32
    %add3A_10 = arith.addi %mul3A_8, %add3A_9 : i32
    "tpu.region"() ({
      %run_scoped3A = tpu.sem_alloc : memref<!tpu.dma_semaphore, #tpu.memory_space<semaphore_mem>>
      %dma_start3A = arith.constant 0 : i32
      %dma_start3A_109 = tpu.memref_slice %arg16[%add3A_10, %dma_start3A] : memref<10000x128xf32, #tpu.memory_space<vmem_shared>> -> memref<16x128xf32, #tpu.memory_space<vmem_shared>>
      %dma_start3A_110 = arith.constant 0 : i32
      %dma_start3A_111 = tpu.memref_slice %arg16[%add3A_10, %dma_start3A_110] : memref<10000x128xf32, #tpu.memory_space<vmem_shared>> -> memref<16x128xf32, #tpu.memory_space<vmem_shared>>
      tpu.enqueue_dma source(%arg15 : memref<16x128xf32, #tpu.memory_space<vmem>>) target(%dma_start3A_111 : memref<16x128xf32, #tpu.memory_space<vmem_shared>>) target_semaphore(%run_scoped3A : memref<!tpu.dma_semaphore, #tpu.memory_space<semaphore_mem>>)
      %dma_wait3A = arith.constant 0 : i32
      %dma_wait3A_112 = tpu.memref_slice %arg16[%add3A_10, %dma_wait3A] : memref<10000x128xf32, #tpu.memory_space<vmem_shared>> -> memref<16x128xf32, #tpu.memory_space<vmem_shared>>
      %dma_wait3A_113 = arith.constant 0 : i32
      %dma_wait3A_114 = tpu.memref_slice %arg16[%add3A_10, %dma_wait3A_113] : memref<10000x128xf32, #tpu.memory_space<vmem_shared>> -> memref<16x128xf32, #tpu.memory_space<vmem_shared>>
      tpu.wait_dma2 semaphore(%run_scoped3A : memref<!tpu.dma_semaphore, #tpu.memory_space<semaphore_mem>>) src(%arg15 : memref<16x128xf32, #tpu.memory_space<vmem>>) dst(%dma_wait3A_114 : memref<16x128xf32, #tpu.memory_space<vmem_shared>>)
      tpu.yield
    }) : () -> ()
    %add3A_11 = arith.constant 16 : i32
    %add3A_12 = arith.addi %mul3A_8, %add3A_11 : i32
    "tpu.region"() ({
      %run_scoped3A = tpu.sem_alloc : memref<!tpu.dma_semaphore, #tpu.memory_space<semaphore_mem>>
      %dma_start3A = arith.constant 0 : i32
      %dma_start3A_109 = tpu.memref_slice %arg16[%add3A_12, %dma_start3A] : memref<10000x128xf32, #tpu.memory_space<vmem_shared>> -> memref<16x128xf32, #tpu.memory_space<vmem_shared>>
      %dma_start3A_110 = arith.constant 0 : i32
      %dma_start3A_111 = tpu.memref_slice %arg16[%add3A_12, %dma_start3A_110] : memref<10000x128xf32, #tpu.memory_space<vmem_shared>> -> memref<16x128xf32, #tpu.memory_space<vmem_shared>>
      tpu.enqueue_dma source(%arg15 : memref<16x128xf32, #tpu.memory_space<vmem>>) target(%dma_start3A_111 : memref<16x128xf32, #tpu.memory_space<vmem_shared>>) target_semaphore(%run_scoped3A : memref<!tpu.dma_semaphore, #tpu.memory_space<semaphore_mem>>)
      %dma_wait3A = arith.constant 0 : i32
      %dma_wait3A_112 = tpu.memref_slice %arg16[%add3A_12, %dma_wait3A] : memref<10000x128xf32, #tpu.memory_space<vmem_shared>> -> memref<16x128xf32, #tpu.memory_space<vmem_shared>>
      %dma_wait3A_113 = arith.constant 0 : i32
      %dma_wait3A_114 = tpu.memref_slice %arg16[%add3A_12, %dma_wait3A_113] : memref<10000x128xf32, #tpu.memory_space<vmem_shared>> -> memref<16x128xf32, #tpu.memory_space<vmem_shared>>
      tpu.wait_dma2 semaphore(%run_scoped3A : memref<!tpu.dma_semaphore, #tpu.memory_space<semaphore_mem>>) src(%arg15 : memref<16x128xf32, #tpu.memory_space<vmem>>) dst(%dma_wait3A_114 : memref<16x128xf32, #tpu.memory_space<vmem_shared>>)
      tpu.yield
    }) : () -> ()
    %add3A_13 = arith.constant 32 : i32
    %add3A_14 = arith.addi %mul3A_8, %add3A_13 : i32
    "tpu.region"() ({
      %run_scoped3A = tpu.sem_alloc : memref<!tpu.dma_semaphore, #tpu.memory_space<semaphore_mem>>
      %dma_start3A = arith.constant 0 : i32
      %dma_start3A_109 = tpu.memref_slice %arg16[%add3A_14, %dma_start3A] : memref<10000x128xf32, #tpu.memory_space<vmem_shared>> -> memref<16x128xf32, #tpu.memory_space<vmem_shared>>
      %dma_start3A_110 = arith.constant 0 : i32
      %dma_start3A_111 = tpu.memref_slice %arg16[%add3A_14, %dma_start3A_110] : memref<10000x128xf32, #tpu.memory_space<vmem_shared>> -> memref<16x128xf32, #tpu.memory_space<vmem_shared>>
      tpu.enqueue_dma source(%arg15 : memref<16x128xf32, #tpu.memory_space<vmem>>) target(%dma_start3A_111 : memref<16x128xf32, #tpu.memory_space<vmem_shared>>) target_semaphore(%run_scoped3A : memref<!tpu.dma_semaphore, #tpu.memory_space<semaphore_mem>>)
      %dma_wait3A = arith.constant 0 : i32
      %dma_wait3A_112 = tpu.memref_slice %arg16[%add3A_14, %dma_wait3A] : memref<10000x128xf32, #tpu.memory_space<vmem_shared>> -> memref<16x128xf32, #tpu.memory_space<vmem_shared>>
      %dma_wait3A_113 = arith.constant 0 : i32
      %dma_wait3A_114 = tpu.memref_slice %arg16[%add3A_14, %dma_wait3A_113] : memref<10000x128xf32, #tpu.memory_space<vmem_shared>> -> memref<16x128xf32, #tpu.memory_space<vmem_shared>>
      tpu.wait_dma2 semaphore(%run_scoped3A : memref<!tpu.dma_semaphore, #tpu.memory_space<semaphore_mem>>) src(%arg15 : memref<16x128xf32, #tpu.memory_space<vmem>>) dst(%dma_wait3A_114 : memref<16x128xf32, #tpu.memory_space<vmem_shared>>)
      tpu.yield
    }) : () -> ()
    %add3A_15 = arith.constant 48 : i32
    %add3A_16 = arith.addi %mul3A_8, %add3A_15 : i32
    "tpu.region"() ({
      %run_scoped3A = tpu.sem_alloc : memref<!tpu.dma_semaphore, #tpu.memory_space<semaphore_mem>>
      %dma_start3A = arith.constant 0 : i32
      %dma_start3A_109 = tpu.memref_slice %arg16[%add3A_16, %dma_start3A] : memref<10000x128xf32, #tpu.memory_space<vmem_shared>> -> memref<16x128xf32, #tpu.memory_space<vmem_shared>>
      %dma_start3A_110 = arith.constant 0 : i32
      %dma_start3A_111 = tpu.memref_slice %arg16[%add3A_16, %dma_start3A_110] : memref<10000x128xf32, #tpu.memory_space<vmem_shared>> -> memref<16x128xf32, #tpu.memory_space<vmem_shared>>
      tpu.enqueue_dma source(%arg15 : memref<16x128xf32, #tpu.memory_space<vmem>>) target(%dma_start3A_111 : memref<16x128xf32, #tpu.memory_space<vmem_shared>>) target_semaphore(%run_scoped3A : memref<!tpu.dma_semaphore, #tpu.memory_space<semaphore_mem>>)
      %dma_wait3A = arith.constant 0 : i32
      %dma_wait3A_112 = tpu.memref_slice %arg16[%add3A_16, %dma_wait3A] : memref<10000x128xf32, #tpu.memory_space<vmem_shared>> -> memref<16x128xf32, #tpu.memory_space<vmem_shared>>
      %dma_wait3A_113 = arith.constant 0 : i32
      %dma_wait3A_114 = tpu.memref_slice %arg16[%add3A_16, %dma_wait3A_113] : memref<10000x128xf32, #tpu.memory_space<vmem_shared>> -> memref<16x128xf32, #tpu.memory_space<vmem_shared>>
      tpu.wait_dma2 semaphore(%run_scoped3A : memref<!tpu.dma_semaphore, #tpu.memory_space<semaphore_mem>>) src(%arg15 : memref<16x128xf32, #tpu.memory_space<vmem>>) dst(%dma_wait3A_114 : memref<16x128xf32, #tpu.memory_space<vmem_shared>>)
      tpu.yield
    }) : () -> ()
    %add3A_17 = arith.constant 64 : i32
    %add3A_18 = arith.addi %mul3A_8, %add3A_17 : i32
    "tpu.region"() ({
      %run_scoped3A = tpu.sem_alloc : memref<!tpu.dma_semaphore, #tpu.memory_space<semaphore_mem>>
      %dma_start3A = arith.constant 0 : i32
      %dma_start3A_109 = tpu.memref_slice %arg16[%add3A_18, %dma_start3A] : memref<10000x128xf32, #tpu.memory_space<vmem_shared>> -> memref<16x128xf32, #tpu.memory_space<vmem_shared>>
      %dma_start3A_110 = arith.constant 0 : i32
      %dma_start3A_111 = tpu.memref_slice %arg16[%add3A_18, %dma_start3A_110] : memref<10000x128xf32, #tpu.memory_space<vmem_shared>> -> memref<16x128xf32, #tpu.memory_space<vmem_shared>>
      tpu.enqueue_dma source(%arg15 : memref<16x128xf32, #tpu.memory_space<vmem>>) target(%dma_start3A_111 : memref<16x128xf32, #tpu.memory_space<vmem_shared>>) target_semaphore(%run_scoped3A : memref<!tpu.dma_semaphore, #tpu.memory_space<semaphore_mem>>)
      %dma_wait3A = arith.constant 0 : i32
      %dma_wait3A_112 = tpu.memref_slice %arg16[%add3A_18, %dma_wait3A] : memref<10000x128xf32, #tpu.memory_space<vmem_shared>> -> memref<16x128xf32, #tpu.memory_space<vmem_shared>>
      %dma_wait3A_113 = arith.constant 0 : i32
      %dma_wait3A_114 = tpu.memref_slice %arg16[%add3A_18, %dma_wait3A_113] : memref<10000x128xf32, #tpu.memory_space<vmem_shared>> -> memref<16x128xf32, #tpu.memory_space<vmem_shared>>
      tpu.wait_dma2 semaphore(%run_scoped3A : memref<!tpu.dma_semaphore, #tpu.memory_space<semaphore_mem>>) src(%arg15 : memref<16x128xf32, #tpu.memory_space<vmem>>) dst(%dma_wait3A_114 : memref<16x128xf32, #tpu.memory_space<vmem_shared>>)
      tpu.yield
    }) : () -> ()
    %add3A_19 = arith.constant 80 : i32
    %add3A_20 = arith.addi %mul3A_8, %add3A_19 : i32
    "tpu.region"() ({
      %run_scoped3A = tpu.sem_alloc : memref<!tpu.dma_semaphore, #tpu.memory_space<semaphore_mem>>
      %dma_start3A = arith.constant 0 : i32
      %dma_start3A_109 = tpu.memref_slice %arg16[%add3A_20, %dma_start3A] : memref<10000x128xf32, #tpu.memory_space<vmem_shared>> -> memref<16x128xf32, #tpu.memory_space<vmem_shared>>
      %dma_start3A_110 = arith.constant 0 : i32
      %dma_start3A_111 = tpu.memref_slice %arg16[%add3A_20, %dma_start3A_110] : memref<10000x128xf32, #tpu.memory_space<vmem_shared>> -> memref<16x128xf32, #tpu.memory_space<vmem_shared>>
      tpu.enqueue_dma source(%arg15 : memref<16x128xf32, #tpu.memory_space<vmem>>) target(%dma_start3A_111 : memref<16x128xf32, #tpu.memory_space<vmem_shared>>) target_semaphore(%run_scoped3A : memref<!tpu.dma_semaphore, #tpu.memory_space<semaphore_mem>>)
      %dma_wait3A = arith.constant 0 : i32
      %dma_wait3A_112 = tpu.memref_slice %arg16[%add3A_20, %dma_wait3A] : memref<10000x128xf32, #tpu.memory_space<vmem_shared>> -> memref<16x128xf32, #tpu.memory_space<vmem_shared>>
      %dma_wait3A_113 = arith.constant 0 : i32
      %dma_wait3A_114 = tpu.memref_slice %arg16[%add3A_20, %dma_wait3A_113] : memref<10000x128xf32, #tpu.memory_space<vmem_shared>> -> memref<16x128xf32, #tpu.memory_space<vmem_shared>>
      tpu.wait_dma2 semaphore(%run_scoped3A : memref<!tpu.dma_semaphore, #tpu.memory_space<semaphore_mem>>) src(%arg15 : memref<16x128xf32, #tpu.memory_space<vmem>>) dst(%dma_wait3A_114 : memref<16x128xf32, #tpu.memory_space<vmem_shared>>)
      tpu.yield
    }) : () -> ()
    %add3A_21 = arith.constant 96 : i32
    %add3A_22 = arith.addi %mul3A_8, %add3A_21 : i32
    "tpu.region"() ({
      %run_scoped3A = tpu.sem_alloc : memref<!tpu.dma_semaphore, #tpu.memory_space<semaphore_mem>>
      %dma_start3A = arith.constant 0 : i32
      %dma_start3A_109 = tpu.memref_slice %arg16[%add3A_22, %dma_start3A] : memref<10000x128xf32, #tpu.memory_space<vmem_shared>> -> memref<16x128xf32, #tpu.memory_space<vmem_shared>>
      %dma_start3A_110 = arith.constant 0 : i32
      %dma_start3A_111 = tpu.memref_slice %arg16[%add3A_22, %dma_start3A_110] : memref<10000x128xf32, #tpu.memory_space<vmem_shared>> -> memref<16x128xf32, #tpu.memory_space<vmem_shared>>
      tpu.enqueue_dma source(%arg15 : memref<16x128xf32, #tpu.memory_space<vmem>>) target(%dma_start3A_111 : memref<16x128xf32, #tpu.memory_space<vmem_shared>>) target_semaphore(%run_scoped3A : memref<!tpu.dma_semaphore, #tpu.memory_space<semaphore_mem>>)
      %dma_wait3A = arith.constant 0 : i32
      %dma_wait3A_112 = tpu.memref_slice %arg16[%add3A_22, %dma_wait3A] : memref<10000x128xf32, #tpu.memory_space<vmem_shared>> -> memref<16x128xf32, #tpu.memory_space<vmem_shared>>
      %dma_wait3A_113 = arith.constant 0 : i32
      %dma_wait3A_114 = tpu.memref_slice %arg16[%add3A_22, %dma_wait3A_113] : memref<10000x128xf32, #tpu.memory_space<vmem_shared>> -> memref<16x128xf32, #tpu.memory_space<vmem_shared>>
      tpu.wait_dma2 semaphore(%run_scoped3A : memref<!tpu.dma_semaphore, #tpu.memory_space<semaphore_mem>>) src(%arg15 : memref<16x128xf32, #tpu.memory_space<vmem>>) dst(%dma_wait3A_114 : memref<16x128xf32, #tpu.memory_space<vmem_shared>>)
      tpu.yield
    }) : () -> ()
    %add3A_23 = arith.constant 112 : i32
    %add3A_24 = arith.addi %mul3A_8, %add3A_23 : i32
    "tpu.region"() ({
      %run_scoped3A = tpu.sem_alloc : memref<!tpu.dma_semaphore, #tpu.memory_space<semaphore_mem>>
      %dma_start3A = arith.constant 0 : i32
      %dma_start3A_109 = tpu.memref_slice %arg16[%add3A_24, %dma_start3A] : memref<10000x128xf32, #tpu.memory_space<vmem_shared>> -> memref<16x128xf32, #tpu.memory_space<vmem_shared>>
      %dma_start3A_110 = arith.constant 0 : i32
      %dma_start3A_111 = tpu.memref_slice %arg16[%add3A_24, %dma_start3A_110] : memref<10000x128xf32, #tpu.memory_space<vmem_shared>> -> memref<16x128xf32, #tpu.memory_space<vmem_shared>>
      tpu.enqueue_dma source(%arg15 : memref<16x128xf32, #tpu.memory_space<vmem>>) target(%dma_start3A_111 : memref<16x128xf32, #tpu.memory_space<vmem_shared>>) target_semaphore(%run_scoped3A : memref<!tpu.dma_semaphore, #tpu.memory_space<semaphore_mem>>)
      %dma_wait3A = arith.constant 0 : i32
      %dma_wait3A_112 = tpu.memref_slice %arg16[%add3A_24, %dma_wait3A] : memref<10000x128xf32, #tpu.memory_space<vmem_shared>> -> memref<16x128xf32, #tpu.memory_space<vmem_shared>>
      %dma_wait3A_113 = arith.constant 0 : i32
      %dma_wait3A_114 = tpu.memref_slice %arg16[%add3A_24, %dma_wait3A_113] : memref<10000x128xf32, #tpu.memory_space<vmem_shared>> -> memref<16x128xf32, #tpu.memory_space<vmem_shared>>
      tpu.wait_dma2 semaphore(%run_scoped3A : memref<!tpu.dma_semaphore, #tpu.memory_space<semaphore_mem>>) src(%arg15 : memref<16x128xf32, #tpu.memory_space<vmem>>) dst(%dma_wait3A_114 : memref<16x128xf32, #tpu.memory_space<vmem_shared>>)
      tpu.yield
    }) : () -> ()
    %add3A_25 = arith.constant 128 : i32
    %add3A_26 = arith.addi %mul3A_8, %add3A_25 : i32
    "tpu.region"() ({
      %run_scoped3A = tpu.sem_alloc : memref<!tpu.dma_semaphore, #tpu.memory_space<semaphore_mem>>
      %dma_start3A = arith.constant 0 : i32
      %dma_start3A_109 = tpu.memref_slice %arg16[%add3A_26, %dma_start3A] : memref<10000x128xf32, #tpu.memory_space<vmem_shared>> -> memref<16x128xf32, #tpu.memory_space<vmem_shared>>
      %dma_start3A_110 = arith.constant 0 : i32
      %dma_start3A_111 = tpu.memref_slice %arg16[%add3A_26, %dma_start3A_110] : memref<10000x128xf32, #tpu.memory_space<vmem_shared>> -> memref<16x128xf32, #tpu.memory_space<vmem_shared>>
      tpu.enqueue_dma source(%arg15 : memref<16x128xf32, #tpu.memory_space<vmem>>) target(%dma_start3A_111 : memref<16x128xf32, #tpu.memory_space<vmem_shared>>) target_semaphore(%run_scoped3A : memref<!tpu.dma_semaphore, #tpu.memory_space<semaphore_mem>>)
      %dma_wait3A = arith.constant 0 : i32
      %dma_wait3A_112 = tpu.memref_slice %arg16[%add3A_26, %dma_wait3A] : memref<10000x128xf32, #tpu.memory_space<vmem_shared>> -> memref<16x128xf32, #tpu.memory_space<vmem_shared>>
      %dma_wait3A_113 = arith.constant 0 : i32
      %dma_wait3A_114 = tpu.memref_slice %arg16[%add3A_26, %dma_wait3A_113] : memref<10000x128xf32, #tpu.memory_space<vmem_shared>> -> memref<16x128xf32, #tpu.memory_space<vmem_shared>>
      tpu.wait_dma2 semaphore(%run_scoped3A : memref<!tpu.dma_semaphore, #tpu.memory_space<semaphore_mem>>) src(%arg15 : memref<16x128xf32, #tpu.memory_space<vmem>>) dst(%dma_wait3A_114 : memref<16x128xf32, #tpu.memory_space<vmem_shared>>)
      tpu.yield
    }) : () -> ()
    %add3A_27 = arith.constant 144 : i32
    %add3A_28 = arith.addi %mul3A_8, %add3A_27 : i32
    "tpu.region"() ({
      %run_scoped3A = tpu.sem_alloc : memref<!tpu.dma_semaphore, #tpu.memory_space<semaphore_mem>>
      %dma_start3A = arith.constant 0 : i32
      %dma_start3A_109 = tpu.memref_slice %arg16[%add3A_28, %dma_start3A] : memref<10000x128xf32, #tpu.memory_space<vmem_shared>> -> memref<16x128xf32, #tpu.memory_space<vmem_shared>>
      %dma_start3A_110 = arith.constant 0 : i32
      %dma_start3A_111 = tpu.memref_slice %arg16[%add3A_28, %dma_start3A_110] : memref<10000x128xf32, #tpu.memory_space<vmem_shared>> -> memref<16x128xf32, #tpu.memory_space<vmem_shared>>
      tpu.enqueue_dma source(%arg15 : memref<16x128xf32, #tpu.memory_space<vmem>>) target(%dma_start3A_111 : memref<16x128xf32, #tpu.memory_space<vmem_shared>>) target_semaphore(%run_scoped3A : memref<!tpu.dma_semaphore, #tpu.memory_space<semaphore_mem>>)
      %dma_wait3A = arith.constant 0 : i32
      %dma_wait3A_112 = tpu.memref_slice %arg16[%add3A_28, %dma_wait3A] : memref<10000x128xf32, #tpu.memory_space<vmem_shared>> -> memref<16x128xf32, #tpu.memory_space<vmem_shared>>
      %dma_wait3A_113 = arith.constant 0 : i32
      %dma_wait3A_114 = tpu.memref_slice %arg16[%add3A_28, %dma_wait3A_113] : memref<10000x128xf32, #tpu.memory_space<vmem_shared>> -> memref<16x128xf32, #tpu.memory_space<vmem_shared>>
      tpu.wait_dma2 semaphore(%run_scoped3A : memref<!tpu.dma_semaphore, #tpu.memory_space<semaphore_mem>>) src(%arg15 : memref<16x128xf32, #tpu.memory_space<vmem>>) dst(%dma_wait3A_114 : memref<16x128xf32, #tpu.memory_space<vmem_shared>>)
      tpu.yield
    }) : () -> ()
    %add3A_29 = arith.constant 160 : i32
    %add3A_30 = arith.addi %mul3A_8, %add3A_29 : i32
    "tpu.region"() ({
      %run_scoped3A = tpu.sem_alloc : memref<!tpu.dma_semaphore, #tpu.memory_space<semaphore_mem>>
      %dma_start3A = arith.constant 0 : i32
      %dma_start3A_109 = tpu.memref_slice %arg16[%add3A_30, %dma_start3A] : memref<10000x128xf32, #tpu.memory_space<vmem_shared>> -> memref<16x128xf32, #tpu.memory_space<vmem_shared>>
      %dma_start3A_110 = arith.constant 0 : i32
      %dma_start3A_111 = tpu.memref_slice %arg16[%add3A_30, %dma_start3A_110] : memref<10000x128xf32, #tpu.memory_space<vmem_shared>> -> memref<16x128xf32, #tpu.memory_space<vmem_shared>>
      tpu.enqueue_dma source(%arg15 : memref<16x128xf32, #tpu.memory_space<vmem>>) target(%dma_start3A_111 : memref<16x128xf32, #tpu.memory_space<vmem_shared>>) target_semaphore(%run_scoped3A : memref<!tpu.dma_semaphore, #tpu.memory_space<semaphore_mem>>)
      %dma_wait3A = arith.constant 0 : i32
      %dma_wait3A_112 = tpu.memref_slice %arg16[%add3A_30, %dma_wait3A] : memref<10000x128xf32, #tpu.memory_space<vmem_shared>> -> memref<16x128xf32, #tpu.memory_space<vmem_shared>>
      %dma_wait3A_113 = arith.constant 0 : i32
      %dma_wait3A_114 = tpu.memref_slice %arg16[%add3A_30, %dma_wait3A_113] : memref<10000x128xf32, #tpu.memory_space<vmem_shared>> -> memref<16x128xf32, #tpu.memory_space<vmem_shared>>
      tpu.wait_dma2 semaphore(%run_scoped3A : memref<!tpu.dma_semaphore, #tpu.memory_space<semaphore_mem>>) src(%arg15 : memref<16x128xf32, #tpu.memory_space<vmem>>) dst(%dma_wait3A_114 : memref<16x128xf32, #tpu.memory_space<vmem_shared>>)
      tpu.yield
    }) : () -> ()
    %add3A_31 = arith.constant 176 : i32
    %add3A_32 = arith.addi %mul3A_8, %add3A_31 : i32
    "tpu.region"() ({
      %run_scoped3A = tpu.sem_alloc : memref<!tpu.dma_semaphore, #tpu.memory_space<semaphore_mem>>
      %dma_start3A = arith.constant 0 : i32
      %dma_start3A_109 = tpu.memref_slice %arg16[%add3A_32, %dma_start3A] : memref<10000x128xf32, #tpu.memory_space<vmem_shared>> -> memref<16x128xf32, #tpu.memory_space<vmem_shared>>
      %dma_start3A_110 = arith.constant 0 : i32
      %dma_start3A_111 = tpu.memref_slice %arg16[%add3A_32, %dma_start3A_110] : memref<10000x128xf32, #tpu.memory_space<vmem_shared>> -> memref<16x128xf32, #tpu.memory_space<vmem_shared>>
      tpu.enqueue_dma source(%arg15 : memref<16x128xf32, #tpu.memory_space<vmem>>) target(%dma_start3A_111 : memref<16x128xf32, #tpu.memory_space<vmem_shared>>) target_semaphore(%run_scoped3A : memref<!tpu.dma_semaphore, #tpu.memory_space<semaphore_mem>>)
      %dma_wait3A = arith.constant 0 : i32
      %dma_wait3A_112 = tpu.memref_slice %arg16[%add3A_32, %dma_wait3A] : memref<10000x128xf32, #tpu.memory_space<vmem_shared>> -> memref<16x128xf32, #tpu.memory_space<vmem_shared>>
      %dma_wait3A_113 = arith.constant 0 : i32
      %dma_wait3A_114 = tpu.memref_slice %arg16[%add3A_32, %dma_wait3A_113] : memref<10000x128xf32, #tpu.memory_space<vmem_shared>> -> memref<16x128xf32, #tpu.memory_space<vmem_shared>>
      tpu.wait_dma2 semaphore(%run_scoped3A : memref<!tpu.dma_semaphore, #tpu.memory_space<semaphore_mem>>) src(%arg15 : memref<16x128xf32, #tpu.memory_space<vmem>>) dst(%dma_wait3A_114 : memref<16x128xf32, #tpu.memory_space<vmem_shared>>)
      tpu.yield
    }) : () -> ()
    %add3A_33 = arith.constant 192 : i32
    %add3A_34 = arith.addi %mul3A_8, %add3A_33 : i32
    "tpu.region"() ({
      %run_scoped3A = tpu.sem_alloc : memref<!tpu.dma_semaphore, #tpu.memory_space<semaphore_mem>>
      %dma_start3A = arith.constant 0 : i32
      %dma_start3A_109 = tpu.memref_slice %arg16[%add3A_34, %dma_start3A] : memref<10000x128xf32, #tpu.memory_space<vmem_shared>> -> memref<16x128xf32, #tpu.memory_space<vmem_shared>>
      %dma_start3A_110 = arith.constant 0 : i32
      %dma_start3A_111 = tpu.memref_slice %arg16[%add3A_34, %dma_start3A_110] : memref<10000x128xf32, #tpu.memory_space<vmem_shared>> -> memref<16x128xf32, #tpu.memory_space<vmem_shared>>
      tpu.enqueue_dma source(%arg15 : memref<16x128xf32, #tpu.memory_space<vmem>>) target(%dma_start3A_111 : memref<16x128xf32, #tpu.memory_space<vmem_shared>>) target_semaphore(%run_scoped3A : memref<!tpu.dma_semaphore, #tpu.memory_space<semaphore_mem>>)
      %dma_wait3A = arith.constant 0 : i32
      %dma_wait3A_112 = tpu.memref_slice %arg16[%add3A_34, %dma_wait3A] : memref<10000x128xf32, #tpu.memory_space<vmem_shared>> -> memref<16x128xf32, #tpu.memory_space<vmem_shared>>
      %dma_wait3A_113 = arith.constant 0 : i32
      %dma_wait3A_114 = tpu.memref_slice %arg16[%add3A_34, %dma_wait3A_113] : memref<10000x128xf32, #tpu.memory_space<vmem_shared>> -> memref<16x128xf32, #tpu.memory_space<vmem_shared>>
      tpu.wait_dma2 semaphore(%run_scoped3A : memref<!tpu.dma_semaphore, #tpu.memory_space<semaphore_mem>>) src(%arg15 : memref<16x128xf32, #tpu.memory_space<vmem>>) dst(%dma_wait3A_114 : memref<16x128xf32, #tpu.memory_space<vmem_shared>>)
      tpu.yield
    }) : () -> ()
    %add3A_35 = arith.constant 208 : i32
    %add3A_36 = arith.addi %mul3A_8, %add3A_35 : i32
    "tpu.region"() ({
      %run_scoped3A = tpu.sem_alloc : memref<!tpu.dma_semaphore, #tpu.memory_space<semaphore_mem>>
      %dma_start3A = arith.constant 0 : i32
      %dma_start3A_109 = tpu.memref_slice %arg16[%add3A_36, %dma_start3A] : memref<10000x128xf32, #tpu.memory_space<vmem_shared>> -> memref<16x128xf32, #tpu.memory_space<vmem_shared>>
      %dma_start3A_110 = arith.constant 0 : i32
      %dma_start3A_111 = tpu.memref_slice %arg16[%add3A_36, %dma_start3A_110] : memref<10000x128xf32, #tpu.memory_space<vmem_shared>> -> memref<16x128xf32, #tpu.memory_space<vmem_shared>>
      tpu.enqueue_dma source(%arg15 : memref<16x128xf32, #tpu.memory_space<vmem>>) target(%dma_start3A_111 : memref<16x128xf32, #tpu.memory_space<vmem_shared>>) target_semaphore(%run_scoped3A : memref<!tpu.dma_semaphore, #tpu.memory_space<semaphore_mem>>)
      %dma_wait3A = arith.constant 0 : i32
      %dma_wait3A_112 = tpu.memref_slice %arg16[%add3A_36, %dma_wait3A] : memref<10000x128xf32, #tpu.memory_space<vmem_shared>> -> memref<16x128xf32, #tpu.memory_space<vmem_shared>>
      %dma_wait3A_113 = arith.constant 0 : i32
      %dma_wait3A_114 = tpu.memref_slice %arg16[%add3A_36, %dma_wait3A_113] : memref<10000x128xf32, #tpu.memory_space<vmem_shared>> -> memref<16x128xf32, #tpu.memory_space<vmem_shared>>
      tpu.wait_dma2 semaphore(%run_scoped3A : memref<!tpu.dma_semaphore, #tpu.memory_space<semaphore_mem>>) src(%arg15 : memref<16x128xf32, #tpu.memory_space<vmem>>) dst(%dma_wait3A_114 : memref<16x128xf32, #tpu.memory_space<vmem_shared>>)
      tpu.yield
    }) : () -> ()
    %add3A_37 = arith.constant 224 : i32
    %add3A_38 = arith.addi %mul3A_8, %add3A_37 : i32
    "tpu.region"() ({
      %run_scoped3A = tpu.sem_alloc : memref<!tpu.dma_semaphore, #tpu.memory_space<semaphore_mem>>
      %dma_start3A = arith.constant 0 : i32
      %dma_start3A_109 = tpu.memref_slice %arg16[%add3A_38, %dma_start3A] : memref<10000x128xf32, #tpu.memory_space<vmem_shared>> -> memref<16x128xf32, #tpu.memory_space<vmem_shared>>
      %dma_start3A_110 = arith.constant 0 : i32
      %dma_start3A_111 = tpu.memref_slice %arg16[%add3A_38, %dma_start3A_110] : memref<10000x128xf32, #tpu.memory_space<vmem_shared>> -> memref<16x128xf32, #tpu.memory_space<vmem_shared>>
      tpu.enqueue_dma source(%arg15 : memref<16x128xf32, #tpu.memory_space<vmem>>) target(%dma_start3A_111 : memref<16x128xf32, #tpu.memory_space<vmem_shared>>) target_semaphore(%run_scoped3A : memref<!tpu.dma_semaphore, #tpu.memory_space<semaphore_mem>>)
      %dma_wait3A = arith.constant 0 : i32
      %dma_wait3A_112 = tpu.memref_slice %arg16[%add3A_38, %dma_wait3A] : memref<10000x128xf32, #tpu.memory_space<vmem_shared>> -> memref<16x128xf32, #tpu.memory_space<vmem_shared>>
      %dma_wait3A_113 = arith.constant 0 : i32
      %dma_wait3A_114 = tpu.memref_slice %arg16[%add3A_38, %dma_wait3A_113] : memref<10000x128xf32, #tpu.memory_space<vmem_shared>> -> memref<16x128xf32, #tpu.memory_space<vmem_shared>>
      tpu.wait_dma2 semaphore(%run_scoped3A : memref<!tpu.dma_semaphore, #tpu.memory_space<semaphore_mem>>) src(%arg15 : memref<16x128xf32, #tpu.memory_space<vmem>>) dst(%dma_wait3A_114 : memref<16x128xf32, #tpu.memory_space<vmem_shared>>)
      tpu.yield
    }) : () -> ()
    %add3A_39 = arith.constant 240 : i32
    %add3A_40 = arith.addi %mul3A_8, %add3A_39 : i32
    "tpu.region"() ({
      %run_scoped3A = tpu.sem_alloc : memref<!tpu.dma_semaphore, #tpu.memory_space<semaphore_mem>>
      %dma_start3A = arith.constant 0 : i32
      %dma_start3A_109 = tpu.memref_slice %arg16[%add3A_40, %dma_start3A] : memref<10000x128xf32, #tpu.memory_space<vmem_shared>> -> memref<16x128xf32, #tpu.memory_space<vmem_shared>>
      %dma_start3A_110 = arith.constant 0 : i32
      %dma_start3A_111 = tpu.memref_slice %arg16[%add3A_40, %dma_start3A_110] : memref<10000x128xf32, #tpu.memory_space<vmem_shared>> -> memref<16x128xf32, #tpu.memory_space<vmem_shared>>
      tpu.enqueue_dma source(%arg15 : memref<16x128xf32, #tpu.memory_space<vmem>>) target(%dma_start3A_111 : memref<16x128xf32, #tpu.memory_space<vmem_shared>>) target_semaphore(%run_scoped3A : memref<!tpu.dma_semaphore, #tpu.memory_space<semaphore_mem>>)
      %dma_wait3A = arith.constant 0 : i32
      %dma_wait3A_112 = tpu.memref_slice %arg16[%add3A_40, %dma_wait3A] : memref<10000x128xf32, #tpu.memory_space<vmem_shared>> -> memref<16x128xf32, #tpu.memory_space<vmem_shared>>
      %dma_wait3A_113 = arith.constant 0 : i32
      %dma_wait3A_114 = tpu.memref_slice %arg16[%add3A_40, %dma_wait3A_113] : memref<10000x128xf32, #tpu.memory_space<vmem_shared>> -> memref<16x128xf32, #tpu.memory_space<vmem_shared>>
      tpu.wait_dma2 semaphore(%run_scoped3A : memref<!tpu.dma_semaphore, #tpu.memory_space<semaphore_mem>>) src(%arg15 : memref<16x128xf32, #tpu.memory_space<vmem>>) dst(%dma_wait3A_114 : memref<16x128xf32, #tpu.memory_space<vmem_shared>>)
      tpu.yield
    }) : () -> ()
    %add3A_41 = arith.constant 256 : i32
    %add3A_42 = arith.addi %mul3A_8, %add3A_41 : i32
    "tpu.region"() ({
      %run_scoped3A = tpu.sem_alloc : memref<!tpu.dma_semaphore, #tpu.memory_space<semaphore_mem>>
      %dma_start3A = arith.constant 0 : i32
      %dma_start3A_109 = tpu.memref_slice %arg16[%add3A_42, %dma_start3A] : memref<10000x128xf32, #tpu.memory_space<vmem_shared>> -> memref<16x128xf32, #tpu.memory_space<vmem_shared>>
      %dma_start3A_110 = arith.constant 0 : i32
      %dma_start3A_111 = tpu.memref_slice %arg16[%add3A_42, %dma_start3A_110] : memref<10000x128xf32, #tpu.memory_space<vmem_shared>> -> memref<16x128xf32, #tpu.memory_space<vmem_shared>>
      tpu.enqueue_dma source(%arg15 : memref<16x128xf32, #tpu.memory_space<vmem>>) target(%dma_start3A_111 : memref<16x128xf32, #tpu.memory_space<vmem_shared>>) target_semaphore(%run_scoped3A : memref<!tpu.dma_semaphore, #tpu.memory_space<semaphore_mem>>)
      %dma_wait3A = arith.constant 0 : i32
      %dma_wait3A_112 = tpu.memref_slice %arg16[%add3A_42, %dma_wait3A] : memref<10000x128xf32, #tpu.memory_space<vmem_shared>> -> memref<16x128xf32, #tpu.memory_space<vmem_shared>>
      %dma_wait3A_113 = arith.constant 0 : i32
      %dma_wait3A_114 = tpu.memref_slice %arg16[%add3A_42, %dma_wait3A_113] : memref<10000x128xf32, #tpu.memory_space<vmem_shared>> -> memref<16x128xf32, #tpu.memory_space<vmem_shared>>
      tpu.wait_dma2 semaphore(%run_scoped3A : memref<!tpu.dma_semaphore, #tpu.memory_space<semaphore_mem>>) src(%arg15 : memref<16x128xf32, #tpu.memory_space<vmem>>) dst(%dma_wait3A_114 : memref<16x128xf32, #tpu.memory_space<vmem_shared>>)
      tpu.yield
    }) : () -> ()
    %add3A_43 = arith.constant 272 : i32
    %add3A_44 = arith.addi %mul3A_8, %add3A_43 : i32
    "tpu.region"() ({
      %run_scoped3A = tpu.sem_alloc : memref<!tpu.dma_semaphore, #tpu.memory_space<semaphore_mem>>
      %dma_start3A = arith.constant 0 : i32
      %dma_start3A_109 = tpu.memref_slice %arg16[%add3A_44, %dma_start3A] : memref<10000x128xf32, #tpu.memory_space<vmem_shared>> -> memref<16x128xf32, #tpu.memory_space<vmem_shared>>
      %dma_start3A_110 = arith.constant 0 : i32
      %dma_start3A_111 = tpu.memref_slice %arg16[%add3A_44, %dma_start3A_110] : memref<10000x128xf32, #tpu.memory_space<vmem_shared>> -> memref<16x128xf32, #tpu.memory_space<vmem_shared>>
      tpu.enqueue_dma source(%arg15 : memref<16x128xf32, #tpu.memory_space<vmem>>) target(%dma_start3A_111 : memref<16x128xf32, #tpu.memory_space<vmem_shared>>) target_semaphore(%run_scoped3A : memref<!tpu.dma_semaphore, #tpu.memory_space<semaphore_mem>>)
      %dma_wait3A = arith.constant 0 : i32
      %dma_wait3A_112 = tpu.memref_slice %arg16[%add3A_44, %dma_wait3A] : memref<10000x128xf32, #tpu.memory_space<vmem_shared>> -> memref<16x128xf32, #tpu.memory_space<vmem_shared>>
      %dma_wait3A_113 = arith.constant 0 : i32
      %dma_wait3A_114 = tpu.memref_slice %arg16[%add3A_44, %dma_wait3A_113] : memref<10000x128xf32, #tpu.memory_space<vmem_shared>> -> memref<16x128xf32, #tpu.memory_space<vmem_shared>>
      tpu.wait_dma2 semaphore(%run_scoped3A : memref<!tpu.dma_semaphore, #tpu.memory_space<semaphore_mem>>) src(%arg15 : memref<16x128xf32, #tpu.memory_space<vmem>>) dst(%dma_wait3A_114 : memref<16x128xf32, #tpu.memory_space<vmem_shared>>)
      tpu.yield
    }) : () -> ()
    %add3A_45 = arith.constant 288 : i32
    %add3A_46 = arith.addi %mul3A_8, %add3A_45 : i32
    "tpu.region"() ({
      %run_scoped3A = tpu.sem_alloc : memref<!tpu.dma_semaphore, #tpu.memory_space<semaphore_mem>>
      %dma_start3A = arith.constant 0 : i32
      %dma_start3A_109 = tpu.memref_slice %arg16[%add3A_46, %dma_start3A] : memref<10000x128xf32, #tpu.memory_space<vmem_shared>> -> memref<16x128xf32, #tpu.memory_space<vmem_shared>>
      %dma_start3A_110 = arith.constant 0 : i32
      %dma_start3A_111 = tpu.memref_slice %arg16[%add3A_46, %dma_start3A_110] : memref<10000x128xf32, #tpu.memory_space<vmem_shared>> -> memref<16x128xf32, #tpu.memory_space<vmem_shared>>
      tpu.enqueue_dma source(%arg15 : memref<16x128xf32, #tpu.memory_space<vmem>>) target(%dma_start3A_111 : memref<16x128xf32, #tpu.memory_space<vmem_shared>>) target_semaphore(%run_scoped3A : memref<!tpu.dma_semaphore, #tpu.memory_space<semaphore_mem>>)
      %dma_wait3A = arith.constant 0 : i32
      %dma_wait3A_112 = tpu.memref_slice %arg16[%add3A_46, %dma_wait3A] : memref<10000x128xf32, #tpu.memory_space<vmem_shared>> -> memref<16x128xf32, #tpu.memory_space<vmem_shared>>
      %dma_wait3A_113 = arith.constant 0 : i32
      %dma_wait3A_114 = tpu.memref_slice %arg16[%add3A_46, %dma_wait3A_113] : memref<10000x128xf32, #tpu.memory_space<vmem_shared>> -> memref<16x128xf32, #tpu.memory_space<vmem_shared>>
      tpu.wait_dma2 semaphore(%run_scoped3A : memref<!tpu.dma_semaphore, #tpu.memory_space<semaphore_mem>>) src(%arg15 : memref<16x128xf32, #tpu.memory_space<vmem>>) dst(%dma_wait3A_114 : memref<16x128xf32, #tpu.memory_space<vmem_shared>>)
      tpu.yield
    }) : () -> ()
    %add3A_47 = arith.constant 304 : i32
    %add3A_48 = arith.addi %mul3A_8, %add3A_47 : i32
    "tpu.region"() ({
      %run_scoped3A = tpu.sem_alloc : memref<!tpu.dma_semaphore, #tpu.memory_space<semaphore_mem>>
      %dma_start3A = arith.constant 0 : i32
      %dma_start3A_109 = tpu.memref_slice %arg16[%add3A_48, %dma_start3A] : memref<10000x128xf32, #tpu.memory_space<vmem_shared>> -> memref<16x128xf32, #tpu.memory_space<vmem_shared>>
      %dma_start3A_110 = arith.constant 0 : i32
      %dma_start3A_111 = tpu.memref_slice %arg16[%add3A_48, %dma_start3A_110] : memref<10000x128xf32, #tpu.memory_space<vmem_shared>> -> memref<16x128xf32, #tpu.memory_space<vmem_shared>>
      tpu.enqueue_dma source(%arg15 : memref<16x128xf32, #tpu.memory_space<vmem>>) target(%dma_start3A_111 : memref<16x128xf32, #tpu.memory_space<vmem_shared>>) target_semaphore(%run_scoped3A : memref<!tpu.dma_semaphore, #tpu.memory_space<semaphore_mem>>)
      %dma_wait3A = arith.constant 0 : i32
      %dma_wait3A_112 = tpu.memref_slice %arg16[%add3A_48, %dma_wait3A] : memref<10000x128xf32, #tpu.memory_space<vmem_shared>> -> memref<16x128xf32, #tpu.memory_space<vmem_shared>>
      %dma_wait3A_113 = arith.constant 0 : i32
      %dma_wait3A_114 = tpu.memref_slice %arg16[%add3A_48, %dma_wait3A_113] : memref<10000x128xf32, #tpu.memory_space<vmem_shared>> -> memref<16x128xf32, #tpu.memory_space<vmem_shared>>
      tpu.wait_dma2 semaphore(%run_scoped3A : memref<!tpu.dma_semaphore, #tpu.memory_space<semaphore_mem>>) src(%arg15 : memref<16x128xf32, #tpu.memory_space<vmem>>) dst(%dma_wait3A_114 : memref<16x128xf32, #tpu.memory_space<vmem_shared>>)
      tpu.yield
    }) : () -> ()
    %add3A_49 = arith.constant 320 : i32
    %add3A_50 = arith.addi %mul3A_8, %add3A_49 : i32
    "tpu.region"() ({
      %run_scoped3A = tpu.sem_alloc : memref<!tpu.dma_semaphore, #tpu.memory_space<semaphore_mem>>
      %dma_start3A = arith.constant 0 : i32
      %dma_start3A_109 = tpu.memref_slice %arg16[%add3A_50, %dma_start3A] : memref<10000x128xf32, #tpu.memory_space<vmem_shared>> -> memref<16x128xf32, #tpu.memory_space<vmem_shared>>
      %dma_start3A_110 = arith.constant 0 : i32
      %dma_start3A_111 = tpu.memref_slice %arg16[%add3A_50, %dma_start3A_110] : memref<10000x128xf32, #tpu.memory_space<vmem_shared>> -> memref<16x128xf32, #tpu.memory_space<vmem_shared>>
      tpu.enqueue_dma source(%arg15 : memref<16x128xf32, #tpu.memory_space<vmem>>) target(%dma_start3A_111 : memref<16x128xf32, #tpu.memory_space<vmem_shared>>) target_semaphore(%run_scoped3A : memref<!tpu.dma_semaphore, #tpu.memory_space<semaphore_mem>>)
      %dma_wait3A = arith.constant 0 : i32
      %dma_wait3A_112 = tpu.memref_slice %arg16[%add3A_50, %dma_wait3A] : memref<10000x128xf32, #tpu.memory_space<vmem_shared>> -> memref<16x128xf32, #tpu.memory_space<vmem_shared>>
      %dma_wait3A_113 = arith.constant 0 : i32
      %dma_wait3A_114 = tpu.memref_slice %arg16[%add3A_50, %dma_wait3A_113] : memref<10000x128xf32, #tpu.memory_space<vmem_shared>> -> memref<16x128xf32, #tpu.memory_space<vmem_shared>>
      tpu.wait_dma2 semaphore(%run_scoped3A : memref<!tpu.dma_semaphore, #tpu.memory_space<semaphore_mem>>) src(%arg15 : memref<16x128xf32, #tpu.memory_space<vmem>>) dst(%dma_wait3A_114 : memref<16x128xf32, #tpu.memory_space<vmem_shared>>)
      tpu.yield
    }) : () -> ()
    %add3A_51 = arith.constant 336 : i32
    %add3A_52 = arith.addi %mul3A_8, %add3A_51 : i32
    "tpu.region"() ({
      %run_scoped3A = tpu.sem_alloc : memref<!tpu.dma_semaphore, #tpu.memory_space<semaphore_mem>>
      %dma_start3A = arith.constant 0 : i32
      %dma_start3A_109 = tpu.memref_slice %arg16[%add3A_52, %dma_start3A] : memref<10000x128xf32, #tpu.memory_space<vmem_shared>> -> memref<16x128xf32, #tpu.memory_space<vmem_shared>>
      %dma_start3A_110 = arith.constant 0 : i32
      %dma_start3A_111 = tpu.memref_slice %arg16[%add3A_52, %dma_start3A_110] : memref<10000x128xf32, #tpu.memory_space<vmem_shared>> -> memref<16x128xf32, #tpu.memory_space<vmem_shared>>
      tpu.enqueue_dma source(%arg15 : memref<16x128xf32, #tpu.memory_space<vmem>>) target(%dma_start3A_111 : memref<16x128xf32, #tpu.memory_space<vmem_shared>>) target_semaphore(%run_scoped3A : memref<!tpu.dma_semaphore, #tpu.memory_space<semaphore_mem>>)
      %dma_wait3A = arith.constant 0 : i32
      %dma_wait3A_112 = tpu.memref_slice %arg16[%add3A_52, %dma_wait3A] : memref<10000x128xf32, #tpu.memory_space<vmem_shared>> -> memref<16x128xf32, #tpu.memory_space<vmem_shared>>
      %dma_wait3A_113 = arith.constant 0 : i32
      %dma_wait3A_114 = tpu.memref_slice %arg16[%add3A_52, %dma_wait3A_113] : memref<10000x128xf32, #tpu.memory_space<vmem_shared>> -> memref<16x128xf32, #tpu.memory_space<vmem_shared>>
      tpu.wait_dma2 semaphore(%run_scoped3A : memref<!tpu.dma_semaphore, #tpu.memory_space<semaphore_mem>>) src(%arg15 : memref<16x128xf32, #tpu.memory_space<vmem>>) dst(%dma_wait3A_114 : memref<16x128xf32, #tpu.memory_space<vmem_shared>>)
      tpu.yield
    }) : () -> ()
    %add3A_53 = arith.constant 352 : i32
    %add3A_54 = arith.addi %mul3A_8, %add3A_53 : i32
    "tpu.region"() ({
      %run_scoped3A = tpu.sem_alloc : memref<!tpu.dma_semaphore, #tpu.memory_space<semaphore_mem>>
      %dma_start3A = arith.constant 0 : i32
      %dma_start3A_109 = tpu.memref_slice %arg16[%add3A_54, %dma_start3A] : memref<10000x128xf32, #tpu.memory_space<vmem_shared>> -> memref<16x128xf32, #tpu.memory_space<vmem_shared>>
      %dma_start3A_110 = arith.constant 0 : i32
      %dma_start3A_111 = tpu.memref_slice %arg16[%add3A_54, %dma_start3A_110] : memref<10000x128xf32, #tpu.memory_space<vmem_shared>> -> memref<16x128xf32, #tpu.memory_space<vmem_shared>>
      tpu.enqueue_dma source(%arg15 : memref<16x128xf32, #tpu.memory_space<vmem>>) target(%dma_start3A_111 : memref<16x128xf32, #tpu.memory_space<vmem_shared>>) target_semaphore(%run_scoped3A : memref<!tpu.dma_semaphore, #tpu.memory_space<semaphore_mem>>)
      %dma_wait3A = arith.constant 0 : i32
      %dma_wait3A_112 = tpu.memref_slice %arg16[%add3A_54, %dma_wait3A] : memref<10000x128xf32, #tpu.memory_space<vmem_shared>> -> memref<16x128xf32, #tpu.memory_space<vmem_shared>>
      %dma_wait3A_113 = arith.constant 0 : i32
      %dma_wait3A_114 = tpu.memref_slice %arg16[%add3A_54, %dma_wait3A_113] : memref<10000x128xf32, #tpu.memory_space<vmem_shared>> -> memref<16x128xf32, #tpu.memory_space<vmem_shared>>
      tpu.wait_dma2 semaphore(%run_scoped3A : memref<!tpu.dma_semaphore, #tpu.memory_space<semaphore_mem>>) src(%arg15 : memref<16x128xf32, #tpu.memory_space<vmem>>) dst(%dma_wait3A_114 : memref<16x128xf32, #tpu.memory_space<vmem_shared>>)
      tpu.yield
    }) : () -> ()
    %add3A_55 = arith.constant 368 : i32
    %add3A_56 = arith.addi %mul3A_8, %add3A_55 : i32
    "tpu.region"() ({
      %run_scoped3A = tpu.sem_alloc : memref<!tpu.dma_semaphore, #tpu.memory_space<semaphore_mem>>
      %dma_start3A = arith.constant 0 : i32
      %dma_start3A_109 = tpu.memref_slice %arg16[%add3A_56, %dma_start3A] : memref<10000x128xf32, #tpu.memory_space<vmem_shared>> -> memref<16x128xf32, #tpu.memory_space<vmem_shared>>
      %dma_start3A_110 = arith.constant 0 : i32
      %dma_start3A_111 = tpu.memref_slice %arg16[%add3A_56, %dma_start3A_110] : memref<10000x128xf32, #tpu.memory_space<vmem_shared>> -> memref<16x128xf32, #tpu.memory_space<vmem_shared>>
      tpu.enqueue_dma source(%arg15 : memref<16x128xf32, #tpu.memory_space<vmem>>) target(%dma_start3A_111 : memref<16x128xf32, #tpu.memory_space<vmem_shared>>) target_semaphore(%run_scoped3A : memref<!tpu.dma_semaphore, #tpu.memory_space<semaphore_mem>>)
      %dma_wait3A = arith.constant 0 : i32
      %dma_wait3A_112 = tpu.memref_slice %arg16[%add3A_56, %dma_wait3A] : memref<10000x128xf32, #tpu.memory_space<vmem_shared>> -> memref<16x128xf32, #tpu.memory_space<vmem_shared>>
      %dma_wait3A_113 = arith.constant 0 : i32
      %dma_wait3A_114 = tpu.memref_slice %arg16[%add3A_56, %dma_wait3A_113] : memref<10000x128xf32, #tpu.memory_space<vmem_shared>> -> memref<16x128xf32, #tpu.memory_space<vmem_shared>>
      tpu.wait_dma2 semaphore(%run_scoped3A : memref<!tpu.dma_semaphore, #tpu.memory_space<semaphore_mem>>) src(%arg15 : memref<16x128xf32, #tpu.memory_space<vmem>>) dst(%dma_wait3A_114 : memref<16x128xf32, #tpu.memory_space<vmem_shared>>)
      tpu.yield
    }) : () -> ()
    %add3A_57 = arith.constant 384 : i32
    %add3A_58 = arith.addi %mul3A_8, %add3A_57 : i32
    "tpu.region"() ({
      %run_scoped3A = tpu.sem_alloc : memref<!tpu.dma_semaphore, #tpu.memory_space<semaphore_mem>>
      %dma_start3A = arith.constant 0 : i32
      %dma_start3A_109 = tpu.memref_slice %arg16[%add3A_58, %dma_start3A] : memref<10000x128xf32, #tpu.memory_space<vmem_shared>> -> memref<16x128xf32, #tpu.memory_space<vmem_shared>>
      %dma_start3A_110 = arith.constant 0 : i32
      %dma_start3A_111 = tpu.memref_slice %arg16[%add3A_58, %dma_start3A_110] : memref<10000x128xf32, #tpu.memory_space<vmem_shared>> -> memref<16x128xf32, #tpu.memory_space<vmem_shared>>
      tpu.enqueue_dma source(%arg15 : memref<16x128xf32, #tpu.memory_space<vmem>>) target(%dma_start3A_111 : memref<16x128xf32, #tpu.memory_space<vmem_shared>>) target_semaphore(%run_scoped3A : memref<!tpu.dma_semaphore, #tpu.memory_space<semaphore_mem>>)
      %dma_wait3A = arith.constant 0 : i32
      %dma_wait3A_112 = tpu.memref_slice %arg16[%add3A_58, %dma_wait3A] : memref<10000x128xf32, #tpu.memory_space<vmem_shared>> -> memref<16x128xf32, #tpu.memory_space<vmem_shared>>
      %dma_wait3A_113 = arith.constant 0 : i32
      %dma_wait3A_114 = tpu.memref_slice %arg16[%add3A_58, %dma_wait3A_113] : memref<10000x128xf32, #tpu.memory_space<vmem_shared>> -> memref<16x128xf32, #tpu.memory_space<vmem_shared>>
      tpu.wait_dma2 semaphore(%run_scoped3A : memref<!tpu.dma_semaphore, #tpu.memory_space<semaphore_mem>>) src(%arg15 : memref<16x128xf32, #tpu.memory_space<vmem>>) dst(%dma_wait3A_114 : memref<16x128xf32, #tpu.memory_space<vmem_shared>>)
      tpu.yield
    }) : () -> ()
    %add3A_59 = arith.constant 400 : i32
    %add3A_60 = arith.addi %mul3A_8, %add3A_59 : i32
    "tpu.region"() ({
      %run_scoped3A = tpu.sem_alloc : memref<!tpu.dma_semaphore, #tpu.memory_space<semaphore_mem>>
      %dma_start3A = arith.constant 0 : i32
      %dma_start3A_109 = tpu.memref_slice %arg16[%add3A_60, %dma_start3A] : memref<10000x128xf32, #tpu.memory_space<vmem_shared>> -> memref<16x128xf32, #tpu.memory_space<vmem_shared>>
      %dma_start3A_110 = arith.constant 0 : i32
      %dma_start3A_111 = tpu.memref_slice %arg16[%add3A_60, %dma_start3A_110] : memref<10000x128xf32, #tpu.memory_space<vmem_shared>> -> memref<16x128xf32, #tpu.memory_space<vmem_shared>>
      tpu.enqueue_dma source(%arg15 : memref<16x128xf32, #tpu.memory_space<vmem>>) target(%dma_start3A_111 : memref<16x128xf32, #tpu.memory_space<vmem_shared>>) target_semaphore(%run_scoped3A : memref<!tpu.dma_semaphore, #tpu.memory_space<semaphore_mem>>)
      %dma_wait3A = arith.constant 0 : i32
      %dma_wait3A_112 = tpu.memref_slice %arg16[%add3A_60, %dma_wait3A] : memref<10000x128xf32, #tpu.memory_space<vmem_shared>> -> memref<16x128xf32, #tpu.memory_space<vmem_shared>>
      %dma_wait3A_113 = arith.constant 0 : i32
      %dma_wait3A_114 = tpu.memref_slice %arg16[%add3A_60, %dma_wait3A_113] : memref<10000x128xf32, #tpu.memory_space<vmem_shared>> -> memref<16x128xf32, #tpu.memory_space<vmem_shared>>
      tpu.wait_dma2 semaphore(%run_scoped3A : memref<!tpu.dma_semaphore, #tpu.memory_space<semaphore_mem>>) src(%arg15 : memref<16x128xf32, #tpu.memory_space<vmem>>) dst(%dma_wait3A_114 : memref<16x128xf32, #tpu.memory_space<vmem_shared>>)
      tpu.yield
    }) : () -> ()
    %add3A_61 = arith.constant 416 : i32
    %add3A_62 = arith.addi %mul3A_8, %add3A_61 : i32
    "tpu.region"() ({
      %run_scoped3A = tpu.sem_alloc : memref<!tpu.dma_semaphore, #tpu.memory_space<semaphore_mem>>
      %dma_start3A = arith.constant 0 : i32
      %dma_start3A_109 = tpu.memref_slice %arg16[%add3A_62, %dma_start3A] : memref<10000x128xf32, #tpu.memory_space<vmem_shared>> -> memref<16x128xf32, #tpu.memory_space<vmem_shared>>
      %dma_start3A_110 = arith.constant 0 : i32
      %dma_start3A_111 = tpu.memref_slice %arg16[%add3A_62, %dma_start3A_110] : memref<10000x128xf32, #tpu.memory_space<vmem_shared>> -> memref<16x128xf32, #tpu.memory_space<vmem_shared>>
      tpu.enqueue_dma source(%arg15 : memref<16x128xf32, #tpu.memory_space<vmem>>) target(%dma_start3A_111 : memref<16x128xf32, #tpu.memory_space<vmem_shared>>) target_semaphore(%run_scoped3A : memref<!tpu.dma_semaphore, #tpu.memory_space<semaphore_mem>>)
      %dma_wait3A = arith.constant 0 : i32
      %dma_wait3A_112 = tpu.memref_slice %arg16[%add3A_62, %dma_wait3A] : memref<10000x128xf32, #tpu.memory_space<vmem_shared>> -> memref<16x128xf32, #tpu.memory_space<vmem_shared>>
      %dma_wait3A_113 = arith.constant 0 : i32
      %dma_wait3A_114 = tpu.memref_slice %arg16[%add3A_62, %dma_wait3A_113] : memref<10000x128xf32, #tpu.memory_space<vmem_shared>> -> memref<16x128xf32, #tpu.memory_space<vmem_shared>>
      tpu.wait_dma2 semaphore(%run_scoped3A : memref<!tpu.dma_semaphore, #tpu.memory_space<semaphore_mem>>) src(%arg15 : memref<16x128xf32, #tpu.memory_space<vmem>>) dst(%dma_wait3A_114 : memref<16x128xf32, #tpu.memory_space<vmem_shared>>)
      tpu.yield
    }) : () -> ()
    %add3A_63 = arith.constant 432 : i32
    %add3A_64 = arith.addi %mul3A_8, %add3A_63 : i32
    "tpu.region"() ({
      %run_scoped3A = tpu.sem_alloc : memref<!tpu.dma_semaphore, #tpu.memory_space<semaphore_mem>>
      %dma_start3A = arith.constant 0 : i32
      %dma_start3A_109 = tpu.memref_slice %arg16[%add3A_64, %dma_start3A] : memref<10000x128xf32, #tpu.memory_space<vmem_shared>> -> memref<16x128xf32, #tpu.memory_space<vmem_shared>>
      %dma_start3A_110 = arith.constant 0 : i32
      %dma_start3A_111 = tpu.memref_slice %arg16[%add3A_64, %dma_start3A_110] : memref<10000x128xf32, #tpu.memory_space<vmem_shared>> -> memref<16x128xf32, #tpu.memory_space<vmem_shared>>
      tpu.enqueue_dma source(%arg15 : memref<16x128xf32, #tpu.memory_space<vmem>>) target(%dma_start3A_111 : memref<16x128xf32, #tpu.memory_space<vmem_shared>>) target_semaphore(%run_scoped3A : memref<!tpu.dma_semaphore, #tpu.memory_space<semaphore_mem>>)
      %dma_wait3A = arith.constant 0 : i32
      %dma_wait3A_112 = tpu.memref_slice %arg16[%add3A_64, %dma_wait3A] : memref<10000x128xf32, #tpu.memory_space<vmem_shared>> -> memref<16x128xf32, #tpu.memory_space<vmem_shared>>
      %dma_wait3A_113 = arith.constant 0 : i32
      %dma_wait3A_114 = tpu.memref_slice %arg16[%add3A_64, %dma_wait3A_113] : memref<10000x128xf32, #tpu.memory_space<vmem_shared>> -> memref<16x128xf32, #tpu.memory_space<vmem_shared>>
      tpu.wait_dma2 semaphore(%run_scoped3A : memref<!tpu.dma_semaphore, #tpu.memory_space<semaphore_mem>>) src(%arg15 : memref<16x128xf32, #tpu.memory_space<vmem>>) dst(%dma_wait3A_114 : memref<16x128xf32, #tpu.memory_space<vmem_shared>>)
      tpu.yield
    }) : () -> ()
    %add3A_65 = arith.constant 448 : i32
    %add3A_66 = arith.addi %mul3A_8, %add3A_65 : i32
    "tpu.region"() ({
      %run_scoped3A = tpu.sem_alloc : memref<!tpu.dma_semaphore, #tpu.memory_space<semaphore_mem>>
      %dma_start3A = arith.constant 0 : i32
      %dma_start3A_109 = tpu.memref_slice %arg16[%add3A_66, %dma_start3A] : memref<10000x128xf32, #tpu.memory_space<vmem_shared>> -> memref<16x128xf32, #tpu.memory_space<vmem_shared>>
      %dma_start3A_110 = arith.constant 0 : i32
      %dma_start3A_111 = tpu.memref_slice %arg16[%add3A_66, %dma_start3A_110] : memref<10000x128xf32, #tpu.memory_space<vmem_shared>> -> memref<16x128xf32, #tpu.memory_space<vmem_shared>>
      tpu.enqueue_dma source(%arg15 : memref<16x128xf32, #tpu.memory_space<vmem>>) target(%dma_start3A_111 : memref<16x128xf32, #tpu.memory_space<vmem_shared>>) target_semaphore(%run_scoped3A : memref<!tpu.dma_semaphore, #tpu.memory_space<semaphore_mem>>)
      %dma_wait3A = arith.constant 0 : i32
      %dma_wait3A_112 = tpu.memref_slice %arg16[%add3A_66, %dma_wait3A] : memref<10000x128xf32, #tpu.memory_space<vmem_shared>> -> memref<16x128xf32, #tpu.memory_space<vmem_shared>>
      %dma_wait3A_113 = arith.constant 0 : i32
      %dma_wait3A_114 = tpu.memref_slice %arg16[%add3A_66, %dma_wait3A_113] : memref<10000x128xf32, #tpu.memory_space<vmem_shared>> -> memref<16x128xf32, #tpu.memory_space<vmem_shared>>
      tpu.wait_dma2 semaphore(%run_scoped3A : memref<!tpu.dma_semaphore, #tpu.memory_space<semaphore_mem>>) src(%arg15 : memref<16x128xf32, #tpu.memory_space<vmem>>) dst(%dma_wait3A_114 : memref<16x128xf32, #tpu.memory_space<vmem_shared>>)
      tpu.yield
    }) : () -> ()
    %add3A_67 = arith.constant 464 : i32
    %add3A_68 = arith.addi %mul3A_8, %add3A_67 : i32
    "tpu.region"() ({
      %run_scoped3A = tpu.sem_alloc : memref<!tpu.dma_semaphore, #tpu.memory_space<semaphore_mem>>
      %dma_start3A = arith.constant 0 : i32
      %dma_start3A_109 = tpu.memref_slice %arg16[%add3A_68, %dma_start3A] : memref<10000x128xf32, #tpu.memory_space<vmem_shared>> -> memref<16x128xf32, #tpu.memory_space<vmem_shared>>
      %dma_start3A_110 = arith.constant 0 : i32
      %dma_start3A_111 = tpu.memref_slice %arg16[%add3A_68, %dma_start3A_110] : memref<10000x128xf32, #tpu.memory_space<vmem_shared>> -> memref<16x128xf32, #tpu.memory_space<vmem_shared>>
      tpu.enqueue_dma source(%arg15 : memref<16x128xf32, #tpu.memory_space<vmem>>) target(%dma_start3A_111 : memref<16x128xf32, #tpu.memory_space<vmem_shared>>) target_semaphore(%run_scoped3A : memref<!tpu.dma_semaphore, #tpu.memory_space<semaphore_mem>>)
      %dma_wait3A = arith.constant 0 : i32
      %dma_wait3A_112 = tpu.memref_slice %arg16[%add3A_68, %dma_wait3A] : memref<10000x128xf32, #tpu.memory_space<vmem_shared>> -> memref<16x128xf32, #tpu.memory_space<vmem_shared>>
      %dma_wait3A_113 = arith.constant 0 : i32
      %dma_wait3A_114 = tpu.memref_slice %arg16[%add3A_68, %dma_wait3A_113] : memref<10000x128xf32, #tpu.memory_space<vmem_shared>> -> memref<16x128xf32, #tpu.memory_space<vmem_shared>>
      tpu.wait_dma2 semaphore(%run_scoped3A : memref<!tpu.dma_semaphore, #tpu.memory_space<semaphore_mem>>) src(%arg15 : memref<16x128xf32, #tpu.memory_space<vmem>>) dst(%dma_wait3A_114 : memref<16x128xf32, #tpu.memory_space<vmem_shared>>)
      tpu.yield
    }) : () -> ()
    %add3A_69 = arith.constant 480 : i32
    %add3A_70 = arith.addi %mul3A_8, %add3A_69 : i32
    "tpu.region"() ({
      %run_scoped3A = tpu.sem_alloc : memref<!tpu.dma_semaphore, #tpu.memory_space<semaphore_mem>>
      %dma_start3A = arith.constant 0 : i32
      %dma_start3A_109 = tpu.memref_slice %arg16[%add3A_70, %dma_start3A] : memref<10000x128xf32, #tpu.memory_space<vmem_shared>> -> memref<16x128xf32, #tpu.memory_space<vmem_shared>>
      %dma_start3A_110 = arith.constant 0 : i32
      %dma_start3A_111 = tpu.memref_slice %arg16[%add3A_70, %dma_start3A_110] : memref<10000x128xf32, #tpu.memory_space<vmem_shared>> -> memref<16x128xf32, #tpu.memory_space<vmem_shared>>
      tpu.enqueue_dma source(%arg15 : memref<16x128xf32, #tpu.memory_space<vmem>>) target(%dma_start3A_111 : memref<16x128xf32, #tpu.memory_space<vmem_shared>>) target_semaphore(%run_scoped3A : memref<!tpu.dma_semaphore, #tpu.memory_space<semaphore_mem>>)
      %dma_wait3A = arith.constant 0 : i32
      %dma_wait3A_112 = tpu.memref_slice %arg16[%add3A_70, %dma_wait3A] : memref<10000x128xf32, #tpu.memory_space<vmem_shared>> -> memref<16x128xf32, #tpu.memory_space<vmem_shared>>
      %dma_wait3A_113 = arith.constant 0 : i32
      %dma_wait3A_114 = tpu.memref_slice %arg16[%add3A_70, %dma_wait3A_113] : memref<10000x128xf32, #tpu.memory_space<vmem_shared>> -> memref<16x128xf32, #tpu.memory_space<vmem_shared>>
      tpu.wait_dma2 semaphore(%run_scoped3A : memref<!tpu.dma_semaphore, #tpu.memory_space<semaphore_mem>>) src(%arg15 : memref<16x128xf32, #tpu.memory_space<vmem>>) dst(%dma_wait3A_114 : memref<16x128xf32, #tpu.memory_space<vmem_shared>>)
      tpu.yield
    }) : () -> ()
    %add3A_71 = arith.constant 496 : i32
    %add3A_72 = arith.addi %mul3A_8, %add3A_71 : i32
    "tpu.region"() ({
      %run_scoped3A = tpu.sem_alloc : memref<!tpu.dma_semaphore, #tpu.memory_space<semaphore_mem>>
      %dma_start3A = arith.constant 0 : i32
      %dma_start3A_109 = tpu.memref_slice %arg16[%add3A_72, %dma_start3A] : memref<10000x128xf32, #tpu.memory_space<vmem_shared>> -> memref<16x128xf32, #tpu.memory_space<vmem_shared>>
      %dma_start3A_110 = arith.constant 0 : i32
      %dma_start3A_111 = tpu.memref_slice %arg16[%add3A_72, %dma_start3A_110] : memref<10000x128xf32, #tpu.memory_space<vmem_shared>> -> memref<16x128xf32, #tpu.memory_space<vmem_shared>>
      tpu.enqueue_dma source(%arg15 : memref<16x128xf32, #tpu.memory_space<vmem>>) target(%dma_start3A_111 : memref<16x128xf32, #tpu.memory_space<vmem_shared>>) target_semaphore(%run_scoped3A : memref<!tpu.dma_semaphore, #tpu.memory_space<semaphore_mem>>)
      %dma_wait3A = arith.constant 0 : i32
      %dma_wait3A_112 = tpu.memref_slice %arg16[%add3A_72, %dma_wait3A] : memref<10000x128xf32, #tpu.memory_space<vmem_shared>> -> memref<16x128xf32, #tpu.memory_space<vmem_shared>>
      %dma_wait3A_113 = arith.constant 0 : i32
      %dma_wait3A_114 = tpu.memref_slice %arg16[%add3A_72, %dma_wait3A_113] : memref<10000x128xf32, #tpu.memory_space<vmem_shared>> -> memref<16x128xf32, #tpu.memory_space<vmem_shared>>
      tpu.wait_dma2 semaphore(%run_scoped3A : memref<!tpu.dma_semaphore, #tpu.memory_space<semaphore_mem>>) src(%arg15 : memref<16x128xf32, #tpu.memory_space<vmem>>) dst(%dma_wait3A_114 : memref<16x128xf32, #tpu.memory_space<vmem_shared>>)
      tpu.yield
    }) : () -> ()
    %add3A_73 = arith.constant 512 : i32
    %add3A_74 = arith.addi %mul3A_8, %add3A_73 : i32
    "tpu.region"() ({
      %run_scoped3A = tpu.sem_alloc : memref<!tpu.dma_semaphore, #tpu.memory_space<semaphore_mem>>
      %dma_start3A = arith.constant 0 : i32
      %dma_start3A_109 = tpu.memref_slice %arg16[%add3A_74, %dma_start3A] : memref<10000x128xf32, #tpu.memory_space<vmem_shared>> -> memref<16x128xf32, #tpu.memory_space<vmem_shared>>
      %dma_start3A_110 = arith.constant 0 : i32
      %dma_start3A_111 = tpu.memref_slice %arg16[%add3A_74, %dma_start3A_110] : memref<10000x128xf32, #tpu.memory_space<vmem_shared>> -> memref<16x128xf32, #tpu.memory_space<vmem_shared>>
      tpu.enqueue_dma source(%arg15 : memref<16x128xf32, #tpu.memory_space<vmem>>) target(%dma_start3A_111 : memref<16x128xf32, #tpu.memory_space<vmem_shared>>) target_semaphore(%run_scoped3A : memref<!tpu.dma_semaphore, #tpu.memory_space<semaphore_mem>>)
      %dma_wait3A = arith.constant 0 : i32
      %dma_wait3A_112 = tpu.memref_slice %arg16[%add3A_74, %dma_wait3A] : memref<10000x128xf32, #tpu.memory_space<vmem_shared>> -> memref<16x128xf32, #tpu.memory_space<vmem_shared>>
      %dma_wait3A_113 = arith.constant 0 : i32
      %dma_wait3A_114 = tpu.memref_slice %arg16[%add3A_74, %dma_wait3A_113] : memref<10000x128xf32, #tpu.memory_space<vmem_shared>> -> memref<16x128xf32, #tpu.memory_space<vmem_shared>>
      tpu.wait_dma2 semaphore(%run_scoped3A : memref<!tpu.dma_semaphore, #tpu.memory_space<semaphore_mem>>) src(%arg15 : memref<16x128xf32, #tpu.memory_space<vmem>>) dst(%dma_wait3A_114 : memref<16x128xf32, #tpu.memory_space<vmem_shared>>)
      tpu.yield
    }) : () -> ()
    %add3A_75 = arith.constant 528 : i32
    %add3A_76 = arith.addi %mul3A_8, %add3A_75 : i32
    "tpu.region"() ({
      %run_scoped3A = tpu.sem_alloc : memref<!tpu.dma_semaphore, #tpu.memory_space<semaphore_mem>>
      %dma_start3A = arith.constant 0 : i32
      %dma_start3A_109 = tpu.memref_slice %arg16[%add3A_76, %dma_start3A] : memref<10000x128xf32, #tpu.memory_space<vmem_shared>> -> memref<16x128xf32, #tpu.memory_space<vmem_shared>>
      %dma_start3A_110 = arith.constant 0 : i32
      %dma_start3A_111 = tpu.memref_slice %arg16[%add3A_76, %dma_start3A_110] : memref<10000x128xf32, #tpu.memory_space<vmem_shared>> -> memref<16x128xf32, #tpu.memory_space<vmem_shared>>
      tpu.enqueue_dma source(%arg15 : memref<16x128xf32, #tpu.memory_space<vmem>>) target(%dma_start3A_111 : memref<16x128xf32, #tpu.memory_space<vmem_shared>>) target_semaphore(%run_scoped3A : memref<!tpu.dma_semaphore, #tpu.memory_space<semaphore_mem>>)
      %dma_wait3A = arith.constant 0 : i32
      %dma_wait3A_112 = tpu.memref_slice %arg16[%add3A_76, %dma_wait3A] : memref<10000x128xf32, #tpu.memory_space<vmem_shared>> -> memref<16x128xf32, #tpu.memory_space<vmem_shared>>
      %dma_wait3A_113 = arith.constant 0 : i32
      %dma_wait3A_114 = tpu.memref_slice %arg16[%add3A_76, %dma_wait3A_113] : memref<10000x128xf32, #tpu.memory_space<vmem_shared>> -> memref<16x128xf32, #tpu.memory_space<vmem_shared>>
      tpu.wait_dma2 semaphore(%run_scoped3A : memref<!tpu.dma_semaphore, #tpu.memory_space<semaphore_mem>>) src(%arg15 : memref<16x128xf32, #tpu.memory_space<vmem>>) dst(%dma_wait3A_114 : memref<16x128xf32, #tpu.memory_space<vmem_shared>>)
      tpu.yield
    }) : () -> ()
    %add3A_77 = arith.constant 544 : i32
    %add3A_78 = arith.addi %mul3A_8, %add3A_77 : i32
    "tpu.region"() ({
      %run_scoped3A = tpu.sem_alloc : memref<!tpu.dma_semaphore, #tpu.memory_space<semaphore_mem>>
      %dma_start3A = arith.constant 0 : i32
      %dma_start3A_109 = tpu.memref_slice %arg16[%add3A_78, %dma_start3A] : memref<10000x128xf32, #tpu.memory_space<vmem_shared>> -> memref<16x128xf32, #tpu.memory_space<vmem_shared>>
      %dma_start3A_110 = arith.constant 0 : i32
      %dma_start3A_111 = tpu.memref_slice %arg16[%add3A_78, %dma_start3A_110] : memref<10000x128xf32, #tpu.memory_space<vmem_shared>> -> memref<16x128xf32, #tpu.memory_space<vmem_shared>>
      tpu.enqueue_dma source(%arg15 : memref<16x128xf32, #tpu.memory_space<vmem>>) target(%dma_start3A_111 : memref<16x128xf32, #tpu.memory_space<vmem_shared>>) target_semaphore(%run_scoped3A : memref<!tpu.dma_semaphore, #tpu.memory_space<semaphore_mem>>)
      %dma_wait3A = arith.constant 0 : i32
      %dma_wait3A_112 = tpu.memref_slice %arg16[%add3A_78, %dma_wait3A] : memref<10000x128xf32, #tpu.memory_space<vmem_shared>> -> memref<16x128xf32, #tpu.memory_space<vmem_shared>>
      %dma_wait3A_113 = arith.constant 0 : i32
      %dma_wait3A_114 = tpu.memref_slice %arg16[%add3A_78, %dma_wait3A_113] : memref<10000x128xf32, #tpu.memory_space<vmem_shared>> -> memref<16x128xf32, #tpu.memory_space<vmem_shared>>
      tpu.wait_dma2 semaphore(%run_scoped3A : memref<!tpu.dma_semaphore, #tpu.memory_space<semaphore_mem>>) src(%arg15 : memref<16x128xf32, #tpu.memory_space<vmem>>) dst(%dma_wait3A_114 : memref<16x128xf32, #tpu.memory_space<vmem_shared>>)
      tpu.yield
    }) : () -> ()
    %add3A_79 = arith.constant 560 : i32
    %add3A_80 = arith.addi %mul3A_8, %add3A_79 : i32
    "tpu.region"() ({
      %run_scoped3A = tpu.sem_alloc : memref<!tpu.dma_semaphore, #tpu.memory_space<semaphore_mem>>
      %dma_start3A = arith.constant 0 : i32
      %dma_start3A_109 = tpu.memref_slice %arg16[%add3A_80, %dma_start3A] : memref<10000x128xf32, #tpu.memory_space<vmem_shared>> -> memref<16x128xf32, #tpu.memory_space<vmem_shared>>
      %dma_start3A_110 = arith.constant 0 : i32
      %dma_start3A_111 = tpu.memref_slice %arg16[%add3A_80, %dma_start3A_110] : memref<10000x128xf32, #tpu.memory_space<vmem_shared>> -> memref<16x128xf32, #tpu.memory_space<vmem_shared>>
      tpu.enqueue_dma source(%arg15 : memref<16x128xf32, #tpu.memory_space<vmem>>) target(%dma_start3A_111 : memref<16x128xf32, #tpu.memory_space<vmem_shared>>) target_semaphore(%run_scoped3A : memref<!tpu.dma_semaphore, #tpu.memory_space<semaphore_mem>>)
      %dma_wait3A = arith.constant 0 : i32
      %dma_wait3A_112 = tpu.memref_slice %arg16[%add3A_80, %dma_wait3A] : memref<10000x128xf32, #tpu.memory_space<vmem_shared>> -> memref<16x128xf32, #tpu.memory_space<vmem_shared>>
      %dma_wait3A_113 = arith.constant 0 : i32
      %dma_wait3A_114 = tpu.memref_slice %arg16[%add3A_80, %dma_wait3A_113] : memref<10000x128xf32, #tpu.memory_space<vmem_shared>> -> memref<16x128xf32, #tpu.memory_space<vmem_shared>>
      tpu.wait_dma2 semaphore(%run_scoped3A : memref<!tpu.dma_semaphore, #tpu.memory_space<semaphore_mem>>) src(%arg15 : memref<16x128xf32, #tpu.memory_space<vmem>>) dst(%dma_wait3A_114 : memref<16x128xf32, #tpu.memory_space<vmem_shared>>)
      tpu.yield
    }) : () -> ()
    %add3A_81 = arith.constant 576 : i32
    %add3A_82 = arith.addi %mul3A_8, %add3A_81 : i32
    "tpu.region"() ({
      %run_scoped3A = tpu.sem_alloc : memref<!tpu.dma_semaphore, #tpu.memory_space<semaphore_mem>>
      %dma_start3A = arith.constant 0 : i32
      %dma_start3A_109 = tpu.memref_slice %arg16[%add3A_82, %dma_start3A] : memref<10000x128xf32, #tpu.memory_space<vmem_shared>> -> memref<16x128xf32, #tpu.memory_space<vmem_shared>>
      %dma_start3A_110 = arith.constant 0 : i32
      %dma_start3A_111 = tpu.memref_slice %arg16[%add3A_82, %dma_start3A_110] : memref<10000x128xf32, #tpu.memory_space<vmem_shared>> -> memref<16x128xf32, #tpu.memory_space<vmem_shared>>
      tpu.enqueue_dma source(%arg15 : memref<16x128xf32, #tpu.memory_space<vmem>>) target(%dma_start3A_111 : memref<16x128xf32, #tpu.memory_space<vmem_shared>>) target_semaphore(%run_scoped3A : memref<!tpu.dma_semaphore, #tpu.memory_space<semaphore_mem>>)
      %dma_wait3A = arith.constant 0 : i32
      %dma_wait3A_112 = tpu.memref_slice %arg16[%add3A_82, %dma_wait3A] : memref<10000x128xf32, #tpu.memory_space<vmem_shared>> -> memref<16x128xf32, #tpu.memory_space<vmem_shared>>
      %dma_wait3A_113 = arith.constant 0 : i32
      %dma_wait3A_114 = tpu.memref_slice %arg16[%add3A_82, %dma_wait3A_113] : memref<10000x128xf32, #tpu.memory_space<vmem_shared>> -> memref<16x128xf32, #tpu.memory_space<vmem_shared>>
      tpu.wait_dma2 semaphore(%run_scoped3A : memref<!tpu.dma_semaphore, #tpu.memory_space<semaphore_mem>>) src(%arg15 : memref<16x128xf32, #tpu.memory_space<vmem>>) dst(%dma_wait3A_114 : memref<16x128xf32, #tpu.memory_space<vmem_shared>>)
      tpu.yield
    }) : () -> ()
    %add3A_83 = arith.constant 592 : i32
    %add3A_84 = arith.addi %mul3A_8, %add3A_83 : i32
    "tpu.region"() ({
      %run_scoped3A = tpu.sem_alloc : memref<!tpu.dma_semaphore, #tpu.memory_space<semaphore_mem>>
      %dma_start3A = arith.constant 0 : i32
      %dma_start3A_109 = tpu.memref_slice %arg16[%add3A_84, %dma_start3A] : memref<10000x128xf32, #tpu.memory_space<vmem_shared>> -> memref<16x128xf32, #tpu.memory_space<vmem_shared>>
      %dma_start3A_110 = arith.constant 0 : i32
      %dma_start3A_111 = tpu.memref_slice %arg16[%add3A_84, %dma_start3A_110] : memref<10000x128xf32, #tpu.memory_space<vmem_shared>> -> memref<16x128xf32, #tpu.memory_space<vmem_shared>>
      tpu.enqueue_dma source(%arg15 : memref<16x128xf32, #tpu.memory_space<vmem>>) target(%dma_start3A_111 : memref<16x128xf32, #tpu.memory_space<vmem_shared>>) target_semaphore(%run_scoped3A : memref<!tpu.dma_semaphore, #tpu.memory_space<semaphore_mem>>)
      %dma_wait3A = arith.constant 0 : i32
      %dma_wait3A_112 = tpu.memref_slice %arg16[%add3A_84, %dma_wait3A] : memref<10000x128xf32, #tpu.memory_space<vmem_shared>> -> memref<16x128xf32, #tpu.memory_space<vmem_shared>>
      %dma_wait3A_113 = arith.constant 0 : i32
      %dma_wait3A_114 = tpu.memref_slice %arg16[%add3A_84, %dma_wait3A_113] : memref<10000x128xf32, #tpu.memory_space<vmem_shared>> -> memref<16x128xf32, #tpu.memory_space<vmem_shared>>
      tpu.wait_dma2 semaphore(%run_scoped3A : memref<!tpu.dma_semaphore, #tpu.memory_space<semaphore_mem>>) src(%arg15 : memref<16x128xf32, #tpu.memory_space<vmem>>) dst(%dma_wait3A_114 : memref<16x128xf32, #tpu.memory_space<vmem_shared>>)
      tpu.yield
    }) : () -> ()
    %add3A_85 = arith.constant 608 : i32
    %add3A_86 = arith.addi %mul3A_8, %add3A_85 : i32
    "tpu.region"() ({
      %run_scoped3A = tpu.sem_alloc : memref<!tpu.dma_semaphore, #tpu.memory_space<semaphore_mem>>
      %dma_start3A = arith.constant 0 : i32
      %dma_start3A_109 = tpu.memref_slice %arg16[%add3A_86, %dma_start3A] : memref<10000x128xf32, #tpu.memory_space<vmem_shared>> -> memref<16x128xf32, #tpu.memory_space<vmem_shared>>
      %dma_start3A_110 = arith.constant 0 : i32
      %dma_start3A_111 = tpu.memref_slice %arg16[%add3A_86, %dma_start3A_110] : memref<10000x128xf32, #tpu.memory_space<vmem_shared>> -> memref<16x128xf32, #tpu.memory_space<vmem_shared>>
      tpu.enqueue_dma source(%arg15 : memref<16x128xf32, #tpu.memory_space<vmem>>) target(%dma_start3A_111 : memref<16x128xf32, #tpu.memory_space<vmem_shared>>) target_semaphore(%run_scoped3A : memref<!tpu.dma_semaphore, #tpu.memory_space<semaphore_mem>>)
      %dma_wait3A = arith.constant 0 : i32
      %dma_wait3A_112 = tpu.memref_slice %arg16[%add3A_86, %dma_wait3A] : memref<10000x128xf32, #tpu.memory_space<vmem_shared>> -> memref<16x128xf32, #tpu.memory_space<vmem_shared>>
      %dma_wait3A_113 = arith.constant 0 : i32
      %dma_wait3A_114 = tpu.memref_slice %arg16[%add3A_86, %dma_wait3A_113] : memref<10000x128xf32, #tpu.memory_space<vmem_shared>> -> memref<16x128xf32, #tpu.memory_space<vmem_shared>>
      tpu.wait_dma2 semaphore(%run_scoped3A : memref<!tpu.dma_semaphore, #tpu.memory_space<semaphore_mem>>) src(%arg15 : memref<16x128xf32, #tpu.memory_space<vmem>>) dst(%dma_wait3A_114 : memref<16x128xf32, #tpu.memory_space<vmem_shared>>)
      tpu.yield
    }) : () -> ()
    %eq3A = arith.constant 15 : i32
    %eq3A_87 = arith.cmpi eq, %arg1, %eq3A : i32
    %convert_element_type3A = arith.extui %eq3A_87 : i1 to i32
    %cond3A = arith.constant 0 : i32
    %cond3A_88 = arith.cmpi ne, %convert_element_type3A, %cond3A : i32
    scf.if %cond3A_88 {
      "tpu.region"() ({
        %run_scoped3A = tpu.sem_alloc : memref<!tpu.dma_semaphore, #tpu.memory_space<semaphore_mem>>
        %dma_start3A = arith.constant 0 : i32
        %dma_start3A_109 = arith.constant 0 : i32
        %dma_start3A_110 = tpu.memref_slice %arg15[%dma_start3A, %dma_start3A_109] : memref<16x128xf32, #tpu.memory_space<vmem>> -> memref<16x128xf32, #tpu.memory_space<vmem>>
        %dma_start3A_111 = arith.constant 9984 : i32
        %dma_start3A_112 = arith.constant 0 : i32
        %dma_start3A_113 = tpu.memref_slice %arg16[%dma_start3A_111, %dma_start3A_112] : memref<10000x128xf32, #tpu.memory_space<vmem_shared>> -> memref<16x128xf32, #tpu.memory_space<vmem_shared>>
        %dma_start3A_114 = arith.constant 9984 : i32
        %dma_start3A_115 = arith.constant 0 : i32
        %dma_start3A_116 = tpu.memref_slice %arg16[%dma_start3A_114, %dma_start3A_115] : memref<10000x128xf32, #tpu.memory_space<vmem_shared>> -> memref<16x128xf32, #tpu.memory_space<vmem_shared>>
        %dma_start3A_117 = arith.constant 0 : i32
        %dma_start3A_118 = arith.constant 0 : i32
        %dma_start3A_119 = tpu.memref_slice %arg15[%dma_start3A_117, %dma_start3A_118] : memref<16x128xf32, #tpu.memory_space<vmem>> -> memref<16x128xf32, #tpu.memory_space<vmem>>
        tpu.enqueue_dma source(%dma_start3A_119 : memref<16x128xf32, #tpu.memory_space<vmem>>) target(%dma_start3A_116 : memref<16x128xf32, #tpu.memory_space<vmem_shared>>) target_semaphore(%run_scoped3A : memref<!tpu.dma_semaphore, #tpu.memory_space<semaphore_mem>>)
        %dma_wait3A = arith.constant 0 : i32
        %dma_wait3A_120 = arith.constant 0 : i32
        %dma_wait3A_121 = tpu.memref_slice %arg15[%dma_wait3A, %dma_wait3A_120] : memref<16x128xf32, #tpu.memory_space<vmem>> -> memref<16x128xf32, #tpu.memory_space<vmem>>
        %dma_wait3A_122 = arith.constant 9984 : i32
        %dma_wait3A_123 = arith.constant 0 : i32
        %dma_wait3A_124 = tpu.memref_slice %arg16[%dma_wait3A_122, %dma_wait3A_123] : memref<10000x128xf32, #tpu.memory_space<vmem_shared>> -> memref<16x128xf32, #tpu.memory_space<vmem_shared>>
        %dma_wait3A_125 = arith.constant 9984 : i32
        %dma_wait3A_126 = arith.constant 0 : i32
        %dma_wait3A_127 = tpu.memref_slice %arg16[%dma_wait3A_125, %dma_wait3A_126] : memref<10000x128xf32, #tpu.memory_space<vmem_shared>> -> memref<16x128xf32, #tpu.memory_space<vmem_shared>>
        %dma_wait3A_128 = arith.constant 0 : i32
        %dma_wait3A_129 = arith.constant 0 : i32
        %dma_wait3A_130 = tpu.memref_slice %arg15[%dma_wait3A_128, %dma_wait3A_129] : memref<16x128xf32, #tpu.memory_space<vmem>> -> memref<16x128xf32, #tpu.memory_space<vmem>>
        tpu.wait_dma2 semaphore(%run_scoped3A : memref<!tpu.dma_semaphore, #tpu.memory_space<semaphore_mem>>) src(%dma_wait3A_130 : memref<16x128xf32, #tpu.memory_space<vmem>>) dst(%dma_wait3A_127 : memref<16x128xf32, #tpu.memory_space<vmem_shared>>)
        tpu.yield
      }) : () -> ()
    } else {
    }
    %barrier3A = arith.constant 0 : index
    tpu.barrier barrier_id(%barrier3A)
    %mul3A_89 = arith.constant 5000 : i32
    %mul3A_90 = arith.muli %add3A, %mul3A_89 : i32
    %scan3A_91 = arith.constant 0 : i32
    %scan3A_92 = arith.constant 0 : i32
    %scan3A_93 = arith.constant 125 : i32
    %scan3A_94 = arith.addi %scan3A_92, %scan3A_93 : i32
    %scan3A_95 = arith.constant 1 : i32
    %scan3A_96 = scf.for %scan3A_109 = %scan3A_92 to %scan3A_94 step %scan3A_95 iter_args(%scan3A_110 = %scan3A_91) -> (i32)  : i32 {
      %mul3A_111 = arith.constant 40 : i32
      %mul3A_112 = arith.muli %scan3A_109, %mul3A_111 : i32
      %add3A_113 = arith.addi %mul3A_90, %mul3A_112 : i32
      "tpu.region"() ({
        %run_scoped3A = tpu.sem_alloc : memref<!tpu.dma_semaphore, #tpu.memory_space<semaphore_mem>>
        %dma_start3A_132 = tpu.memref_slice %arg6[%add3A_113] : memref<160000xi32, #tpu.memory_space<hbm>> -> memref<40xi32, #tpu.memory_space<hbm>>
        %dma_start3A_133 = tpu.memref_slice %arg6[%add3A_113] : memref<160000xi32, #tpu.memory_space<hbm>> -> memref<40xi32, #tpu.memory_space<hbm>>
        tpu.enqueue_dma source(%dma_start3A_133 : memref<40xi32, #tpu.memory_space<hbm>>) target(%arg9 : memref<40xi32, #tpu.memory_space<vmem>>) target_semaphore(%run_scoped3A : memref<!tpu.dma_semaphore, #tpu.memory_space<semaphore_mem>>)
        %dma_wait3A_134 = tpu.memref_slice %arg6[%add3A_113] : memref<160000xi32, #tpu.memory_space<hbm>> -> memref<40xi32, #tpu.memory_space<hbm>>
        %dma_wait3A_135 = tpu.memref_slice %arg6[%add3A_113] : memref<160000xi32, #tpu.memory_space<hbm>> -> memref<40xi32, #tpu.memory_space<hbm>>
        tpu.wait_dma2 semaphore(%run_scoped3A : memref<!tpu.dma_semaphore, #tpu.memory_space<semaphore_mem>>) src(%dma_wait3A_135 : memref<40xi32, #tpu.memory_space<hbm>>) dst(%arg9 : memref<40xi32, #tpu.memory_space<vmem>>)
        tpu.yield
      }) : () -> ()
      "tpu.region"() ({
        %run_scoped3A = tpu.sem_alloc : memref<!tpu.dma_semaphore, #tpu.memory_space<semaphore_mem>>
        %dma_start3A_132 = tpu.memref_slice %arg5[%add3A_113] : memref<160000xi32, #tpu.memory_space<hbm>> -> memref<40xi32, #tpu.memory_space<hbm>>
        %dma_start3A_133 = tpu.memref_slice %arg5[%add3A_113] : memref<160000xi32, #tpu.memory_space<hbm>> -> memref<40xi32, #tpu.memory_space<hbm>>
        tpu.enqueue_dma source(%dma_start3A_133 : memref<40xi32, #tpu.memory_space<hbm>>) target(%arg10 : memref<40xi32, #tpu.memory_space<vmem>>) target_semaphore(%run_scoped3A : memref<!tpu.dma_semaphore, #tpu.memory_space<semaphore_mem>>)
        %dma_wait3A_134 = tpu.memref_slice %arg5[%add3A_113] : memref<160000xi32, #tpu.memory_space<hbm>> -> memref<40xi32, #tpu.memory_space<hbm>>
        %dma_wait3A_135 = tpu.memref_slice %arg5[%add3A_113] : memref<160000xi32, #tpu.memory_space<hbm>> -> memref<40xi32, #tpu.memory_space<hbm>>
        tpu.wait_dma2 semaphore(%run_scoped3A : memref<!tpu.dma_semaphore, #tpu.memory_space<semaphore_mem>>) src(%dma_wait3A_135 : memref<40xi32, #tpu.memory_space<hbm>>) dst(%arg10 : memref<40xi32, #tpu.memory_space<vmem>>)
        tpu.yield
      }) : () -> ()
      %dma_start3A = arith.constant 0 : i32
      %dma_start3A_114 = arith.constant 0 : i32
      %dma_start3A_115 = tpu.memref_slice %arg2[%dma_start3A, %dma_start3A_114] : memref<10000x256xf32, #tpu.memory_space<hbm>> -> memref<10000x256xf32, #tpu.memory_space<hbm>>
      tpu.enqueue_indirect_dma source(%dma_start3A_115 : memref<10000x256xf32, #tpu.memory_space<hbm>>) target(%arg11 : memref<40x256xf32, #tpu.memory_space<vmem>>) offsets(%arg9 : memref<40xi32, #tpu.memory_space<vmem>>) semaphore(%arg17 : memref<!tpu.dma_semaphore, #tpu.memory_space<semaphore_mem>>)
      %dma_start3A_116 = arith.constant 0 : i32
      %dma_start3A_117 = arith.constant 0 : i32
      %dma_start3A_118 = tpu.memref_slice %arg3[%dma_start3A_116, %dma_start3A_117] : memref<10000x256xf32, #tpu.memory_space<hbm>> -> memref<10000x256xf32, #tpu.memory_space<hbm>>
      tpu.enqueue_indirect_dma source(%dma_start3A_118 : memref<10000x256xf32, #tpu.memory_space<hbm>>) target(%arg12 : memref<40x256xf32, #tpu.memory_space<vmem>>) offsets(%arg10 : memref<40xi32, #tpu.memory_space<vmem>>) semaphore(%arg18 : memref<!tpu.dma_semaphore, #tpu.memory_space<semaphore_mem>>)
      "tpu.region"() ({
        %run_scoped3A = tpu.sem_alloc : memref<!tpu.dma_semaphore, #tpu.memory_space<semaphore_mem>>
        %dma_start3A_132 = arith.constant 0 : i32
        %dma_start3A_133 = tpu.memref_slice %arg4[%add3A_113, %dma_start3A_132] : memref<160000x256xf32, #tpu.memory_space<hbm>> -> memref<40x256xf32, #tpu.memory_space<hbm>>
        %dma_start3A_134 = arith.constant 0 : i32
        %dma_start3A_135 = tpu.memref_slice %arg4[%add3A_113, %dma_start3A_134] : memref<160000x256xf32, #tpu.memory_space<hbm>> -> memref<40x256xf32, #tpu.memory_space<hbm>>
        tpu.enqueue_dma source(%dma_start3A_135 : memref<40x256xf32, #tpu.memory_space<hbm>>) target(%arg13 : memref<40x256xf32, #tpu.memory_space<vmem>>) target_semaphore(%run_scoped3A : memref<!tpu.dma_semaphore, #tpu.memory_space<semaphore_mem>>)
        %dma_wait3A_136 = arith.constant 0 : i32
        %dma_wait3A_137 = tpu.memref_slice %arg4[%add3A_113, %dma_wait3A_136] : memref<160000x256xf32, #tpu.memory_space<hbm>> -> memref<40x256xf32, #tpu.memory_space<hbm>>
        %dma_wait3A_138 = arith.constant 0 : i32
        %dma_wait3A_139 = tpu.memref_slice %arg4[%add3A_113, %dma_wait3A_138] : memref<160000x256xf32, #tpu.memory_space<hbm>> -> memref<40x256xf32, #tpu.memory_space<hbm>>
        tpu.wait_dma2 semaphore(%run_scoped3A : memref<!tpu.dma_semaphore, #tpu.memory_space<semaphore_mem>>) src(%dma_wait3A_139 : memref<40x256xf32, #tpu.memory_space<hbm>>) dst(%arg13 : memref<40x256xf32, #tpu.memory_space<vmem>>)
        tpu.yield
      }) : () -> ()
      %dma_wait3A = arith.constant 0 : i32
      %dma_wait3A_119 = arith.constant 0 : i32
      %dma_wait3A_120 = tpu.memref_slice %arg2[%dma_wait3A, %dma_wait3A_119] : memref<10000x256xf32, #tpu.memory_space<hbm>> -> memref<10000x256xf32, #tpu.memory_space<hbm>>
      tpu.wait_indirect_dma semaphore(%arg17 : memref<!tpu.dma_semaphore, #tpu.memory_space<semaphore_mem>>) src(%dma_wait3A_120 : memref<10000x256xf32, #tpu.memory_space<hbm>>) dst(%arg11 : memref<40x256xf32, #tpu.memory_space<vmem>>)
      %dma_wait3A_121 = arith.constant 0 : i32
      %dma_wait3A_122 = arith.constant 0 : i32
      %dma_wait3A_123 = tpu.memref_slice %arg3[%dma_wait3A_121, %dma_wait3A_122] : memref<10000x256xf32, #tpu.memory_space<hbm>> -> memref<10000x256xf32, #tpu.memory_space<hbm>>
      tpu.wait_indirect_dma semaphore(%arg18 : memref<!tpu.dma_semaphore, #tpu.memory_space<semaphore_mem>>) src(%dma_wait3A_123 : memref<10000x256xf32, #tpu.memory_space<hbm>>) dst(%arg12 : memref<40x256xf32, #tpu.memory_space<vmem>>)
      %scan3A_124 = arith.constant 0 : i32
      %scan3A_125 = arith.constant 0 : i32
      %scan3A_126 = arith.constant 40 : i32
      %scan3A_127 = arith.addi %scan3A_125, %scan3A_126 : i32
      %scan3A_128 = arith.constant 1 : i32
      %scan3A_129 = scf.for %scan3A_132 = %scan3A_125 to %scan3A_127 step %scan3A_128 iter_args(%scan3A_133 = %scan3A_124) -> (i32)  : i32 {
        %get3A = arith.index_cast %scan3A_132 : i32 to index
        %get3A_134 = arith.constant 0 : index
        %get3A_135 = tpu.vector_load %arg11[%get3A, %get3A_134] {strides = array<i32>} : memref<40x256xf32, #tpu.memory_space<vmem>>, vector<1x16xf32>,
        %get3A_136 = vector.shape_cast %get3A_135 : vector<1x16xf32> to vector<16xf32>
        %get3A_137 = arith.index_cast %scan3A_132 : i32 to index
        %get3A_138 = arith.constant 0 : index
        %get3A_139 = tpu.vector_load %arg12[%get3A_137, %get3A_138] {strides = array<i32>} : memref<40x256xf32, #tpu.memory_space<vmem>>, vector<1x16xf32>,
        %get3A_140 = vector.shape_cast %get3A_139 : vector<1x16xf32> to vector<16xf32>
        %add3A_141 = arith.addf %get3A_136, %get3A_140 : vector<16xf32>
        %get3A_142 = arith.index_cast %scan3A_132 : i32 to index
        %get3A_143 = arith.constant 0 : index
        %get3A_144 = tpu.vector_load %arg13[%get3A_142, %get3A_143] {strides = array<i32>} : memref<40x256xf32, #tpu.memory_space<vmem>>, vector<1x16xf32>,
        %get3A_145 = vector.shape_cast %get3A_144 : vector<1x16xf32> to vector<16xf32>
        %add3A_146 = arith.addf %add3A_141, %get3A_145 : vector<16xf32>
        %get3A_147 = arith.index_cast %scan3A_132 : i32 to index
        %get3A_148 = arith.constant 128 : index
        %get3A_149 = tpu.vector_load %arg11[%get3A_147, %get3A_148] {strides = array<i32>} : memref<40x256xf32, #tpu.memory_space<vmem>>, vector<1x16xf32>,
        %get3A_150 = vector.shape_cast %get3A_149 : vector<1x16xf32> to vector<16xf32>
        %get3A_151 = arith.index_cast %scan3A_132 : i32 to index
        %get3A_152 = arith.constant 128 : index
        %get3A_153 = tpu.vector_load %arg12[%get3A_151, %get3A_152] {strides = array<i32>} : memref<40x256xf32, #tpu.memory_space<vmem>>, vector<1x16xf32>,
        %get3A_154 = vector.shape_cast %get3A_153 : vector<1x16xf32> to vector<16xf32>
        %add3A_155 = arith.addf %get3A_150, %get3A_154 : vector<16xf32>
        %get3A_156 = arith.index_cast %scan3A_132 : i32 to index
        %get3A_157 = arith.constant 128 : index
        %get3A_158 = tpu.vector_load %arg13[%get3A_156, %get3A_157] {strides = array<i32>} : memref<40x256xf32, #tpu.memory_space<vmem>>, vector<1x16xf32>,
        %get3A_159 = vector.shape_cast %get3A_158 : vector<1x16xf32> to vector<16xf32>
        %add3A_160 = arith.addf %add3A_155, %get3A_159 : vector<16xf32>
        %abs3A = math.absf %add3A_160 : vector<16xf32>
        %neg3A = arith.constant 0.000000e+00 : f32
        %neg3A_161 = vector.broadcast %neg3A : f32 to vector<16xf32>
        %neg3A_162 = arith.subf %neg3A_161, %abs3A : vector<16xf32>
        %exp3A = math.exp %neg3A_162 : vector<16xf32>
        %mul3A_163 = arith.constant 0.0140268197 : f32
        %mul3A_164 = vector.broadcast %mul3A_163 : f32 to vector<16xf32>
        %mul3A_165 = arith.mulf %mul3A_164, %exp3A : vector<16xf32>
        %add3A_166 = arith.constant -0.0657700077 : f32
        %add3A_167 = vector.broadcast %add3A_166 : f32 to vector<16xf32>
        %add3A_168 = arith.addf %mul3A_165, %add3A_167 : vector<16xf32>
        %mul3A_169 = arith.mulf %add3A_168, %exp3A : vector<16xf32>
        %add3A_170 = arith.constant 0.148106635 : f32
        %add3A_171 = vector.broadcast %add3A_170 : f32 to vector<16xf32>
        %add3A_172 = arith.addf %mul3A_169, %add3A_171 : vector<16xf32>
        %mul3A_173 = arith.mulf %add3A_172, %exp3A : vector<16xf32>
        %add3A_174 = arith.constant -0.234173596 : f32
        %add3A_175 = vector.broadcast %add3A_174 : f32 to vector<16xf32>
        %add3A_176 = arith.addf %mul3A_173, %add3A_175 : vector<16xf32>
        %mul3A_177 = arith.mulf %add3A_176, %exp3A : vector<16xf32>
        %add3A_178 = arith.constant 0.330787867 : f32
        %add3A_179 = vector.broadcast %add3A_178 : f32 to vector<16xf32>
        %add3A_180 = arith.addf %mul3A_177, %add3A_179 : vector<16xf32>
        %mul3A_181 = arith.mulf %add3A_180, %exp3A : vector<16xf32>
        %add3A_182 = arith.constant -0.499825478 : f32
        %add3A_183 = vector.broadcast %add3A_182 : f32 to vector<16xf32>
        %add3A_184 = arith.addf %mul3A_181, %add3A_183 : vector<16xf32>
        %mul3A_185 = arith.mulf %add3A_184, %exp3A : vector<16xf32>
        %add3A_186 = arith.constant 0.999997079 : f32
        %add3A_187 = vector.broadcast %add3A_186 : f32 to vector<16xf32>
        %add3A_188 = arith.addf %mul3A_185, %add3A_187 : vector<16xf32>
        %max3A = arith.constant 0.000000e+00 : f32
        %max3A_189 = vector.broadcast %max3A : f32 to vector<16xf32>
        %max3A_190 = arith.maximumf %add3A_160, %max3A_189 : vector<16xf32>
        %mul3A_191 = arith.mulf %add3A_188, %exp3A : vector<16xf32>
        %add3A_192 = arith.addf %max3A_190, %mul3A_191 : vector<16xf32>
        %neg3A_193 = arith.constant 0.000000e+00 : f32
        %neg3A_194 = vector.broadcast %neg3A_193 : f32 to vector<16xf32>
        %neg3A_195 = arith.subf %neg3A_194, %add3A_146 : vector<16xf32>
        %exp3A_196 = math.exp %neg3A_195 : vector<16xf32>
        %add3A_197 = arith.constant 1.000000e+00 : f32
        %add3A_198 = vector.broadcast %add3A_197 : f32 to vector<16xf32>
        %add3A_199 = arith.addf %add3A_198, %exp3A_196 : vector<16xf32>
        %div3A = arith.divf %add3A_192, %add3A_199 : vector<16xf32>
        %swap3A = arith.index_cast %scan3A_132 : i32 to index
        %swap3A_200 = arith.constant 0 : index
        %swap3A_201 = tpu.vector_load %arg14[%swap3A, %swap3A_200] {strides = array<i32>} : memref<40x128xf32, #tpu.memory_space<vmem>>, vector<1x16xf32>,
        %swap3A_202 = vector.shape_cast %swap3A_201 : vector<1x16xf32> to vector<16xf32>
        %swap3A_203 = vector.shape_cast %div3A : vector<16xf32> to vector<1x16xf32>
        tpu.vector_store %arg14[%swap3A, %swap3A_200], %swap3A_203 {strides = array<i32>} : memref<40x128xf32, #tpu.memory_space<vmem>>, vector<1x16xf32>,
        %get3A_204 = arith.index_cast %scan3A_132 : i32 to index
        %get3A_205 = arith.constant 16 : index
        %get3A_206 = tpu.vector_load %arg11[%get3A_204, %get3A_205] {strides = array<i32>} : memref<40x256xf32, #tpu.memory_space<vmem>>, vector<1x16xf32>,
        %get3A_207 = vector.shape_cast %get3A_206 : vector<1x16xf32> to vector<16xf32>
        %get3A_208 = arith.index_cast %scan3A_132 : i32 to index
        %get3A_209 = arith.constant 16 : index
        %get3A_210 = tpu.vector_load %arg12[%get3A_208, %get3A_209] {strides = array<i32>} : memref<40x256xf32, #tpu.memory_space<vmem>>, vector<1x16xf32>,
        %get3A_211 = vector.shape_cast %get3A_210 : vector<1x16xf32> to vector<16xf32>
        %add3A_212 = arith.addf %get3A_207, %get3A_211 : vector<16xf32>
        %get3A_213 = arith.index_cast %scan3A_132 : i32 to index
        %get3A_214 = arith.constant 16 : index
        %get3A_215 = tpu.vector_load %arg13[%get3A_213, %get3A_214] {strides = array<i32>} : memref<40x256xf32, #tpu.memory_space<vmem>>, vector<1x16xf32>,
        %get3A_216 = vector.shape_cast %get3A_215 : vector<1x16xf32> to vector<16xf32>
        %add3A_217 = arith.addf %add3A_212, %get3A_216 : vector<16xf32>
        %get3A_218 = arith.index_cast %scan3A_132 : i32 to index
        %get3A_219 = arith.constant 144 : index
        %get3A_220 = tpu.vector_load %arg11[%get3A_218, %get3A_219] {strides = array<i32>} : memref<40x256xf32, #tpu.memory_space<vmem>>, vector<1x16xf32>,
        %get3A_221 = vector.shape_cast %get3A_220 : vector<1x16xf32> to vector<16xf32>
        %get3A_222 = arith.index_cast %scan3A_132 : i32 to index
        %get3A_223 = arith.constant 144 : index
        %get3A_224 = tpu.vector_load %arg12[%get3A_222, %get3A_223] {strides = array<i32>} : memref<40x256xf32, #tpu.memory_space<vmem>>, vector<1x16xf32>,
        %get3A_225 = vector.shape_cast %get3A_224 : vector<1x16xf32> to vector<16xf32>
        %add3A_226 = arith.addf %get3A_221, %get3A_225 : vector<16xf32>
        %get3A_227 = arith.index_cast %scan3A_132 : i32 to index
        %get3A_228 = arith.constant 144 : index
        %get3A_229 = tpu.vector_load %arg13[%get3A_227, %get3A_228] {strides = array<i32>} : memref<40x256xf32, #tpu.memory_space<vmem>>, vector<1x16xf32>,
        %get3A_230 = vector.shape_cast %get3A_229 : vector<1x16xf32> to vector<16xf32>
        %add3A_231 = arith.addf %add3A_226, %get3A_230 : vector<16xf32>
        %abs3A_232 = math.absf %add3A_231 : vector<16xf32>
        %neg3A_233 = arith.constant 0.000000e+00 : f32
        %neg3A_234 = vector.broadcast %neg3A_233 : f32 to vector<16xf32>
        %neg3A_235 = arith.subf %neg3A_234, %abs3A_232 : vector<16xf32>
        %exp3A_236 = math.exp %neg3A_235 : vector<16xf32>
        %mul3A_237 = arith.constant 0.0140268197 : f32
        %mul3A_238 = vector.broadcast %mul3A_237 : f32 to vector<16xf32>
        %mul3A_239 = arith.mulf %mul3A_238, %exp3A_236 : vector<16xf32>
        %add3A_240 = arith.constant -0.0657700077 : f32
        %add3A_241 = vector.broadcast %add3A_240 : f32 to vector<16xf32>
        %add3A_242 = arith.addf %mul3A_239, %add3A_241 : vector<16xf32>
        %mul3A_243 = arith.mulf %add3A_242, %exp3A_236 : vector<16xf32>
        %add3A_244 = arith.constant 0.148106635 : f32
        %add3A_245 = vector.broadcast %add3A_244 : f32 to vector<16xf32>
        %add3A_246 = arith.addf %mul3A_243, %add3A_245 : vector<16xf32>
        %mul3A_247 = arith.mulf %add3A_246, %exp3A_236 : vector<16xf32>
        %add3A_248 = arith.constant -0.234173596 : f32
        %add3A_249 = vector.broadcast %add3A_248 : f32 to vector<16xf32>
        %add3A_250 = arith.addf %mul3A_247, %add3A_249 : vector<16xf32>
        %mul3A_251 = arith.mulf %add3A_250, %exp3A_236 : vector<16xf32>
        %add3A_252 = arith.constant 0.330787867 : f32
        %add3A_253 = vector.broadcast %add3A_252 : f32 to vector<16xf32>
        %add3A_254 = arith.addf %mul3A_251, %add3A_253 : vector<16xf32>
        %mul3A_255 = arith.mulf %add3A_254, %exp3A_236 : vector<16xf32>
        %add3A_256 = arith.constant -0.499825478 : f32
        %add3A_257 = vector.broadcast %add3A_256 : f32 to vector<16xf32>
        %add3A_258 = arith.addf %mul3A_255, %add3A_257 : vector<16xf32>
        %mul3A_259 = arith.mulf %add3A_258, %exp3A_236 : vector<16xf32>
        %add3A_260 = arith.constant 0.999997079 : f32
        %add3A_261 = vector.broadcast %add3A_260 : f32 to vector<16xf32>
        %add3A_262 = arith.addf %mul3A_259, %add3A_261 : vector<16xf32>
        %max3A_263 = arith.constant 0.000000e+00 : f32
        %max3A_264 = vector.broadcast %max3A_263 : f32 to vector<16xf32>
        %max3A_265 = arith.maximumf %add3A_231, %max3A_264 : vector<16xf32>
        %mul3A_266 = arith.mulf %add3A_262, %exp3A_236 : vector<16xf32>
        %add3A_267 = arith.addf %max3A_265, %mul3A_266 : vector<16xf32>
        %neg3A_268 = arith.constant 0.000000e+00 : f32
        %neg3A_269 = vector.broadcast %neg3A_268 : f32 to vector<16xf32>
        %neg3A_270 = arith.subf %neg3A_269, %add3A_217 : vector<16xf32>
        %exp3A_271 = math.exp %neg3A_270 : vector<16xf32>
        %add3A_272 = arith.constant 1.000000e+00 : f32
        %add3A_273 = vector.broadcast %add3A_272 : f32 to vector<16xf32>
        %add3A_274 = arith.addf %add3A_273, %exp3A_271 : vector<16xf32>
        %div3A_275 = arith.divf %add3A_267, %add3A_274 : vector<16xf32>
        %swap3A_276 = arith.index_cast %scan3A_132 : i32 to index
        %swap3A_277 = arith.constant 16 : index
        %swap3A_278 = tpu.vector_load %arg14[%swap3A_276, %swap3A_277] {strides = array<i32>} : memref<40x128xf32, #tpu.memory_space<vmem>>, vector<1x16xf32>,
        %swap3A_279 = vector.shape_cast %swap3A_278 : vector<1x16xf32> to vector<16xf32>
        %swap3A_280 = vector.shape_cast %div3A_275 : vector<16xf32> to vector<1x16xf32>
        tpu.vector_store %arg14[%swap3A_276, %swap3A_277], %swap3A_280 {strides = array<i32>} : memref<40x128xf32, #tpu.memory_space<vmem>>, vector<1x16xf32>,
        %get3A_281 = arith.index_cast %scan3A_132 : i32 to index
        %get3A_282 = arith.constant 32 : index
        %get3A_283 = tpu.vector_load %arg11[%get3A_281, %get3A_282] {strides = array<i32>} : memref<40x256xf32, #tpu.memory_space<vmem>>, vector<1x16xf32>,
        %get3A_284 = vector.shape_cast %get3A_283 : vector<1x16xf32> to vector<16xf32>
        %get3A_285 = arith.index_cast %scan3A_132 : i32 to index
        %get3A_286 = arith.constant 32 : index
        %get3A_287 = tpu.vector_load %arg12[%get3A_285, %get3A_286] {strides = array<i32>} : memref<40x256xf32, #tpu.memory_space<vmem>>, vector<1x16xf32>,
        %get3A_288 = vector.shape_cast %get3A_287 : vector<1x16xf32> to vector<16xf32>
        %add3A_289 = arith.addf %get3A_284, %get3A_288 : vector<16xf32>
        %get3A_290 = arith.index_cast %scan3A_132 : i32 to index
        %get3A_291 = arith.constant 32 : index
        %get3A_292 = tpu.vector_load %arg13[%get3A_290, %get3A_291] {strides = array<i32>} : memref<40x256xf32, #tpu.memory_space<vmem>>, vector<1x16xf32>,
        %get3A_293 = vector.shape_cast %get3A_292 : vector<1x16xf32> to vector<16xf32>
        %add3A_294 = arith.addf %add3A_289, %get3A_293 : vector<16xf32>
        %get3A_295 = arith.index_cast %scan3A_132 : i32 to index
        %get3A_296 = arith.constant 160 : index
        %get3A_297 = tpu.vector_load %arg11[%get3A_295, %get3A_296] {strides = array<i32>} : memref<40x256xf32, #tpu.memory_space<vmem>>, vector<1x16xf32>,
        %get3A_298 = vector.shape_cast %get3A_297 : vector<1x16xf32> to vector<16xf32>
        %get3A_299 = arith.index_cast %scan3A_132 : i32 to index
        %get3A_300 = arith.constant 160 : index
        %get3A_301 = tpu.vector_load %arg12[%get3A_299, %get3A_300] {strides = array<i32>} : memref<40x256xf32, #tpu.memory_space<vmem>>, vector<1x16xf32>,
        %get3A_302 = vector.shape_cast %get3A_301 : vector<1x16xf32> to vector<16xf32>
        %add3A_303 = arith.addf %get3A_298, %get3A_302 : vector<16xf32>
        %get3A_304 = arith.index_cast %scan3A_132 : i32 to index
        %get3A_305 = arith.constant 160 : index
        %get3A_306 = tpu.vector_load %arg13[%get3A_304, %get3A_305] {strides = array<i32>} : memref<40x256xf32, #tpu.memory_space<vmem>>, vector<1x16xf32>,
        %get3A_307 = vector.shape_cast %get3A_306 : vector<1x16xf32> to vector<16xf32>
        %add3A_308 = arith.addf %add3A_303, %get3A_307 : vector<16xf32>
        %abs3A_309 = math.absf %add3A_308 : vector<16xf32>
        %neg3A_310 = arith.constant 0.000000e+00 : f32
        %neg3A_311 = vector.broadcast %neg3A_310 : f32 to vector<16xf32>
        %neg3A_312 = arith.subf %neg3A_311, %abs3A_309 : vector<16xf32>
        %exp3A_313 = math.exp %neg3A_312 : vector<16xf32>
        %mul3A_314 = arith.constant 0.0140268197 : f32
        %mul3A_315 = vector.broadcast %mul3A_314 : f32 to vector<16xf32>
        %mul3A_316 = arith.mulf %mul3A_315, %exp3A_313 : vector<16xf32>
        %add3A_317 = arith.constant -0.0657700077 : f32
        %add3A_318 = vector.broadcast %add3A_317 : f32 to vector<16xf32>
        %add3A_319 = arith.addf %mul3A_316, %add3A_318 : vector<16xf32>
        %mul3A_320 = arith.mulf %add3A_319, %exp3A_313 : vector<16xf32>
        %add3A_321 = arith.constant 0.148106635 : f32
        %add3A_322 = vector.broadcast %add3A_321 : f32 to vector<16xf32>
        %add3A_323 = arith.addf %mul3A_320, %add3A_322 : vector<16xf32>
        %mul3A_324 = arith.mulf %add3A_323, %exp3A_313 : vector<16xf32>
        %add3A_325 = arith.constant -0.234173596 : f32
        %add3A_326 = vector.broadcast %add3A_325 : f32 to vector<16xf32>
        %add3A_327 = arith.addf %mul3A_324, %add3A_326 : vector<16xf32>
        %mul3A_328 = arith.mulf %add3A_327, %exp3A_313 : vector<16xf32>
        %add3A_329 = arith.constant 0.330787867 : f32
        %add3A_330 = vector.broadcast %add3A_329 : f32 to vector<16xf32>
        %add3A_331 = arith.addf %mul3A_328, %add3A_330 : vector<16xf32>
        %mul3A_332 = arith.mulf %add3A_331, %exp3A_313 : vector<16xf32>
        %add3A_333 = arith.constant -0.499825478 : f32
        %add3A_334 = vector.broadcast %add3A_333 : f32 to vector<16xf32>
        %add3A_335 = arith.addf %mul3A_332, %add3A_334 : vector<16xf32>
        %mul3A_336 = arith.mulf %add3A_335, %exp3A_313 : vector<16xf32>
        %add3A_337 = arith.constant 0.999997079 : f32
        %add3A_338 = vector.broadcast %add3A_337 : f32 to vector<16xf32>
        %add3A_339 = arith.addf %mul3A_336, %add3A_338 : vector<16xf32>
        %max3A_340 = arith.constant 0.000000e+00 : f32
        %max3A_341 = vector.broadcast %max3A_340 : f32 to vector<16xf32>
        %max3A_342 = arith.maximumf %add3A_308, %max3A_341 : vector<16xf32>
        %mul3A_343 = arith.mulf %add3A_339, %exp3A_313 : vector<16xf32>
        %add3A_344 = arith.addf %max3A_342, %mul3A_343 : vector<16xf32>
        %neg3A_345 = arith.constant 0.000000e+00 : f32
        %neg3A_346 = vector.broadcast %neg3A_345 : f32 to vector<16xf32>
        %neg3A_347 = arith.subf %neg3A_346, %add3A_294 : vector<16xf32>
        %exp3A_348 = math.exp %neg3A_347 : vector<16xf32>
        %add3A_349 = arith.constant 1.000000e+00 : f32
        %add3A_350 = vector.broadcast %add3A_349 : f32 to vector<16xf32>
        %add3A_351 = arith.addf %add3A_350, %exp3A_348 : vector<16xf32>
        %div3A_352 = arith.divf %add3A_344, %add3A_351 : vector<16xf32>
        %swap3A_353 = arith.index_cast %scan3A_132 : i32 to index
        %swap3A_354 = arith.constant 32 : index
        %swap3A_355 = tpu.vector_load %arg14[%swap3A_353, %swap3A_354] {strides = array<i32>} : memref<40x128xf32, #tpu.memory_space<vmem>>, vector<1x16xf32>,
        %swap3A_356 = vector.shape_cast %swap3A_355 : vector<1x16xf32> to vector<16xf32>
        %swap3A_357 = vector.shape_cast %div3A_352 : vector<16xf32> to vector<1x16xf32>
        tpu.vector_store %arg14[%swap3A_353, %swap3A_354], %swap3A_357 {strides = array<i32>} : memref<40x128xf32, #tpu.memory_space<vmem>>, vector<1x16xf32>,
        %get3A_358 = arith.index_cast %scan3A_132 : i32 to index
        %get3A_359 = arith.constant 48 : index
        %get3A_360 = tpu.vector_load %arg11[%get3A_358, %get3A_359] {strides = array<i32>} : memref<40x256xf32, #tpu.memory_space<vmem>>, vector<1x16xf32>,
        %get3A_361 = vector.shape_cast %get3A_360 : vector<1x16xf32> to vector<16xf32>
        %get3A_362 = arith.index_cast %scan3A_132 : i32 to index
        %get3A_363 = arith.constant 48 : index
        %get3A_364 = tpu.vector_load %arg12[%get3A_362, %get3A_363] {strides = array<i32>} : memref<40x256xf32, #tpu.memory_space<vmem>>, vector<1x16xf32>,
        %get3A_365 = vector.shape_cast %get3A_364 : vector<1x16xf32> to vector<16xf32>
        %add3A_366 = arith.addf %get3A_361, %get3A_365 : vector<16xf32>
        %get3A_367 = arith.index_cast %scan3A_132 : i32 to index
        %get3A_368 = arith.constant 48 : index
        %get3A_369 = tpu.vector_load %arg13[%get3A_367, %get3A_368] {strides = array<i32>} : memref<40x256xf32, #tpu.memory_space<vmem>>, vector<1x16xf32>,
        %get3A_370 = vector.shape_cast %get3A_369 : vector<1x16xf32> to vector<16xf32>
        %add3A_371 = arith.addf %add3A_366, %get3A_370 : vector<16xf32>
        %get3A_372 = arith.index_cast %scan3A_132 : i32 to index
        %get3A_373 = arith.constant 176 : index
        %get3A_374 = tpu.vector_load %arg11[%get3A_372, %get3A_373] {strides = array<i32>} : memref<40x256xf32, #tpu.memory_space<vmem>>, vector<1x16xf32>,
        %get3A_375 = vector.shape_cast %get3A_374 : vector<1x16xf32> to vector<16xf32>
        %get3A_376 = arith.index_cast %scan3A_132 : i32 to index
        %get3A_377 = arith.constant 176 : index
        %get3A_378 = tpu.vector_load %arg12[%get3A_376, %get3A_377] {strides = array<i32>} : memref<40x256xf32, #tpu.memory_space<vmem>>, vector<1x16xf32>,
        %get3A_379 = vector.shape_cast %get3A_378 : vector<1x16xf32> to vector<16xf32>
        %add3A_380 = arith.addf %get3A_375, %get3A_379 : vector<16xf32>
        %get3A_381 = arith.index_cast %scan3A_132 : i32 to index
        %get3A_382 = arith.constant 176 : index
        %get3A_383 = tpu.vector_load %arg13[%get3A_381, %get3A_382] {strides = array<i32>} : memref<40x256xf32, #tpu.memory_space<vmem>>, vector<1x16xf32>,
        %get3A_384 = vector.shape_cast %get3A_383 : vector<1x16xf32> to vector<16xf32>
        %add3A_385 = arith.addf %add3A_380, %get3A_384 : vector<16xf32>
        %abs3A_386 = math.absf %add3A_385 : vector<16xf32>
        %neg3A_387 = arith.constant 0.000000e+00 : f32
        %neg3A_388 = vector.broadcast %neg3A_387 : f32 to vector<16xf32>
        %neg3A_389 = arith.subf %neg3A_388, %abs3A_386 : vector<16xf32>
        %exp3A_390 = math.exp %neg3A_389 : vector<16xf32>
        %mul3A_391 = arith.constant 0.0140268197 : f32
        %mul3A_392 = vector.broadcast %mul3A_391 : f32 to vector<16xf32>
        %mul3A_393 = arith.mulf %mul3A_392, %exp3A_390 : vector<16xf32>
        %add3A_394 = arith.constant -0.0657700077 : f32
        %add3A_395 = vector.broadcast %add3A_394 : f32 to vector<16xf32>
        %add3A_396 = arith.addf %mul3A_393, %add3A_395 : vector<16xf32>
        %mul3A_397 = arith.mulf %add3A_396, %exp3A_390 : vector<16xf32>
        %add3A_398 = arith.constant 0.148106635 : f32
        %add3A_399 = vector.broadcast %add3A_398 : f32 to vector<16xf32>
        %add3A_400 = arith.addf %mul3A_397, %add3A_399 : vector<16xf32>
        %mul3A_401 = arith.mulf %add3A_400, %exp3A_390 : vector<16xf32>
        %add3A_402 = arith.constant -0.234173596 : f32
        %add3A_403 = vector.broadcast %add3A_402 : f32 to vector<16xf32>
        %add3A_404 = arith.addf %mul3A_401, %add3A_403 : vector<16xf32>
        %mul3A_405 = arith.mulf %add3A_404, %exp3A_390 : vector<16xf32>
        %add3A_406 = arith.constant 0.330787867 : f32
        %add3A_407 = vector.broadcast %add3A_406 : f32 to vector<16xf32>
        %add3A_408 = arith.addf %mul3A_405, %add3A_407 : vector<16xf32>
        %mul3A_409 = arith.mulf %add3A_408, %exp3A_390 : vector<16xf32>
        %add3A_410 = arith.constant -0.499825478 : f32
        %add3A_411 = vector.broadcast %add3A_410 : f32 to vector<16xf32>
        %add3A_412 = arith.addf %mul3A_409, %add3A_411 : vector<16xf32>
        %mul3A_413 = arith.mulf %add3A_412, %exp3A_390 : vector<16xf32>
        %add3A_414 = arith.constant 0.999997079 : f32
        %add3A_415 = vector.broadcast %add3A_414 : f32 to vector<16xf32>
        %add3A_416 = arith.addf %mul3A_413, %add3A_415 : vector<16xf32>
        %max3A_417 = arith.constant 0.000000e+00 : f32
        %max3A_418 = vector.broadcast %max3A_417 : f32 to vector<16xf32>
        %max3A_419 = arith.maximumf %add3A_385, %max3A_418 : vector<16xf32>
        %mul3A_420 = arith.mulf %add3A_416, %exp3A_390 : vector<16xf32>
        %add3A_421 = arith.addf %max3A_419, %mul3A_420 : vector<16xf32>
        %neg3A_422 = arith.constant 0.000000e+00 : f32
        %neg3A_423 = vector.broadcast %neg3A_422 : f32 to vector<16xf32>
        %neg3A_424 = arith.subf %neg3A_423, %add3A_371 : vector<16xf32>
        %exp3A_425 = math.exp %neg3A_424 : vector<16xf32>
        %add3A_426 = arith.constant 1.000000e+00 : f32
        %add3A_427 = vector.broadcast %add3A_426 : f32 to vector<16xf32>
        %add3A_428 = arith.addf %add3A_427, %exp3A_425 : vector<16xf32>
        %div3A_429 = arith.divf %add3A_421, %add3A_428 : vector<16xf32>
        %swap3A_430 = arith.index_cast %scan3A_132 : i32 to index
        %swap3A_431 = arith.constant 48 : index
        %swap3A_432 = tpu.vector_load %arg14[%swap3A_430, %swap3A_431] {strides = array<i32>} : memref<40x128xf32, #tpu.memory_space<vmem>>, vector<1x16xf32>,
        %swap3A_433 = vector.shape_cast %swap3A_432 : vector<1x16xf32> to vector<16xf32>
        %swap3A_434 = vector.shape_cast %div3A_429 : vector<16xf32> to vector<1x16xf32>
        tpu.vector_store %arg14[%swap3A_430, %swap3A_431], %swap3A_434 {strides = array<i32>} : memref<40x128xf32, #tpu.memory_space<vmem>>, vector<1x16xf32>,
        %get3A_435 = arith.index_cast %scan3A_132 : i32 to index
        %get3A_436 = arith.constant 64 : index
        %get3A_437 = tpu.vector_load %arg11[%get3A_435, %get3A_436] {strides = array<i32>} : memref<40x256xf32, #tpu.memory_space<vmem>>, vector<1x16xf32>,
        %get3A_438 = vector.shape_cast %get3A_437 : vector<1x16xf32> to vector<16xf32>
        %get3A_439 = arith.index_cast %scan3A_132 : i32 to index
        %get3A_440 = arith.constant 64 : index
        %get3A_441 = tpu.vector_load %arg12[%get3A_439, %get3A_440] {strides = array<i32>} : memref<40x256xf32, #tpu.memory_space<vmem>>, vector<1x16xf32>,
        %get3A_442 = vector.shape_cast %get3A_441 : vector<1x16xf32> to vector<16xf32>
        %add3A_443 = arith.addf %get3A_438, %get3A_442 : vector<16xf32>
        %get3A_444 = arith.index_cast %scan3A_132 : i32 to index
        %get3A_445 = arith.constant 64 : index
        %get3A_446 = tpu.vector_load %arg13[%get3A_444, %get3A_445] {strides = array<i32>} : memref<40x256xf32, #tpu.memory_space<vmem>>, vector<1x16xf32>,
        %get3A_447 = vector.shape_cast %get3A_446 : vector<1x16xf32> to vector<16xf32>
        %add3A_448 = arith.addf %add3A_443, %get3A_447 : vector<16xf32>
        %get3A_449 = arith.index_cast %scan3A_132 : i32 to index
        %get3A_450 = arith.constant 192 : index
        %get3A_451 = tpu.vector_load %arg11[%get3A_449, %get3A_450] {strides = array<i32>} : memref<40x256xf32, #tpu.memory_space<vmem>>, vector<1x16xf32>,
        %get3A_452 = vector.shape_cast %get3A_451 : vector<1x16xf32> to vector<16xf32>
        %get3A_453 = arith.index_cast %scan3A_132 : i32 to index
        %get3A_454 = arith.constant 192 : index
        %get3A_455 = tpu.vector_load %arg12[%get3A_453, %get3A_454] {strides = array<i32>} : memref<40x256xf32, #tpu.memory_space<vmem>>, vector<1x16xf32>,
        %get3A_456 = vector.shape_cast %get3A_455 : vector<1x16xf32> to vector<16xf32>
        %add3A_457 = arith.addf %get3A_452, %get3A_456 : vector<16xf32>
        %get3A_458 = arith.index_cast %scan3A_132 : i32 to index
        %get3A_459 = arith.constant 192 : index
        %get3A_460 = tpu.vector_load %arg13[%get3A_458, %get3A_459] {strides = array<i32>} : memref<40x256xf32, #tpu.memory_space<vmem>>, vector<1x16xf32>,
        %get3A_461 = vector.shape_cast %get3A_460 : vector<1x16xf32> to vector<16xf32>
        %add3A_462 = arith.addf %add3A_457, %get3A_461 : vector<16xf32>
        %abs3A_463 = math.absf %add3A_462 : vector<16xf32>
        %neg3A_464 = arith.constant 0.000000e+00 : f32
        %neg3A_465 = vector.broadcast %neg3A_464 : f32 to vector<16xf32>
        %neg3A_466 = arith.subf %neg3A_465, %abs3A_463 : vector<16xf32>
        %exp3A_467 = math.exp %neg3A_466 : vector<16xf32>
        %mul3A_468 = arith.constant 0.0140268197 : f32
        %mul3A_469 = vector.broadcast %mul3A_468 : f32 to vector<16xf32>
        %mul3A_470 = arith.mulf %mul3A_469, %exp3A_467 : vector<16xf32>
        %add3A_471 = arith.constant -0.0657700077 : f32
        %add3A_472 = vector.broadcast %add3A_471 : f32 to vector<16xf32>
        %add3A_473 = arith.addf %mul3A_470, %add3A_472 : vector<16xf32>
        %mul3A_474 = arith.mulf %add3A_473, %exp3A_467 : vector<16xf32>
        %add3A_475 = arith.constant 0.148106635 : f32
        %add3A_476 = vector.broadcast %add3A_475 : f32 to vector<16xf32>
        %add3A_477 = arith.addf %mul3A_474, %add3A_476 : vector<16xf32>
        %mul3A_478 = arith.mulf %add3A_477, %exp3A_467 : vector<16xf32>
        %add3A_479 = arith.constant -0.234173596 : f32
        %add3A_480 = vector.broadcast %add3A_479 : f32 to vector<16xf32>
        %add3A_481 = arith.addf %mul3A_478, %add3A_480 : vector<16xf32>
        %mul3A_482 = arith.mulf %add3A_481, %exp3A_467 : vector<16xf32>
        %add3A_483 = arith.constant 0.330787867 : f32
        %add3A_484 = vector.broadcast %add3A_483 : f32 to vector<16xf32>
        %add3A_485 = arith.addf %mul3A_482, %add3A_484 : vector<16xf32>
        %mul3A_486 = arith.mulf %add3A_485, %exp3A_467 : vector<16xf32>
        %add3A_487 = arith.constant -0.499825478 : f32
        %add3A_488 = vector.broadcast %add3A_487 : f32 to vector<16xf32>
        %add3A_489 = arith.addf %mul3A_486, %add3A_488 : vector<16xf32>
        %mul3A_490 = arith.mulf %add3A_489, %exp3A_467 : vector<16xf32>
        %add3A_491 = arith.constant 0.999997079 : f32
        %add3A_492 = vector.broadcast %add3A_491 : f32 to vector<16xf32>
        %add3A_493 = arith.addf %mul3A_490, %add3A_492 : vector<16xf32>
        %max3A_494 = arith.constant 0.000000e+00 : f32
        %max3A_495 = vector.broadcast %max3A_494 : f32 to vector<16xf32>
        %max3A_496 = arith.maximumf %add3A_462, %max3A_495 : vector<16xf32>
        %mul3A_497 = arith.mulf %add3A_493, %exp3A_467 : vector<16xf32>
        %add3A_498 = arith.addf %max3A_496, %mul3A_497 : vector<16xf32>
        %neg3A_499 = arith.constant 0.000000e+00 : f32
        %neg3A_500 = vector.broadcast %neg3A_499 : f32 to vector<16xf32>
        %neg3A_501 = arith.subf %neg3A_500, %add3A_448 : vector<16xf32>
        %exp3A_502 = math.exp %neg3A_501 : vector<16xf32>
        %add3A_503 = arith.constant 1.000000e+00 : f32
        %add3A_504 = vector.broadcast %add3A_503 : f32 to vector<16xf32>
        %add3A_505 = arith.addf %add3A_504, %exp3A_502 : vector<16xf32>
        %div3A_506 = arith.divf %add3A_498, %add3A_505 : vector<16xf32>
        %swap3A_507 = arith.index_cast %scan3A_132 : i32 to index
        %swap3A_508 = arith.constant 64 : index
        %swap3A_509 = tpu.vector_load %arg14[%swap3A_507, %swap3A_508] {strides = array<i32>} : memref<40x128xf32, #tpu.memory_space<vmem>>, vector<1x16xf32>,
        %swap3A_510 = vector.shape_cast %swap3A_509 : vector<1x16xf32> to vector<16xf32>
        %swap3A_511 = vector.shape_cast %div3A_506 : vector<16xf32> to vector<1x16xf32>
        tpu.vector_store %arg14[%swap3A_507, %swap3A_508], %swap3A_511 {strides = array<i32>} : memref<40x128xf32, #tpu.memory_space<vmem>>, vector<1x16xf32>,
        %get3A_512 = arith.index_cast %scan3A_132 : i32 to index
        %get3A_513 = arith.constant 80 : index
        %get3A_514 = tpu.vector_load %arg11[%get3A_512, %get3A_513] {strides = array<i32>} : memref<40x256xf32, #tpu.memory_space<vmem>>, vector<1x16xf32>,
        %get3A_515 = vector.shape_cast %get3A_514 : vector<1x16xf32> to vector<16xf32>
        %get3A_516 = arith.index_cast %scan3A_132 : i32 to index
        %get3A_517 = arith.constant 80 : index
        %get3A_518 = tpu.vector_load %arg12[%get3A_516, %get3A_517] {strides = array<i32>} : memref<40x256xf32, #tpu.memory_space<vmem>>, vector<1x16xf32>,
        %get3A_519 = vector.shape_cast %get3A_518 : vector<1x16xf32> to vector<16xf32>
        %add3A_520 = arith.addf %get3A_515, %get3A_519 : vector<16xf32>
        %get3A_521 = arith.index_cast %scan3A_132 : i32 to index
        %get3A_522 = arith.constant 80 : index
        %get3A_523 = tpu.vector_load %arg13[%get3A_521, %get3A_522] {strides = array<i32>} : memref<40x256xf32, #tpu.memory_space<vmem>>, vector<1x16xf32>,
        %get3A_524 = vector.shape_cast %get3A_523 : vector<1x16xf32> to vector<16xf32>
        %add3A_525 = arith.addf %add3A_520, %get3A_524 : vector<16xf32>
        %get3A_526 = arith.index_cast %scan3A_132 : i32 to index
        %get3A_527 = arith.constant 208 : index
        %get3A_528 = tpu.vector_load %arg11[%get3A_526, %get3A_527] {strides = array<i32>} : memref<40x256xf32, #tpu.memory_space<vmem>>, vector<1x16xf32>,
        %get3A_529 = vector.shape_cast %get3A_528 : vector<1x16xf32> to vector<16xf32>
        %get3A_530 = arith.index_cast %scan3A_132 : i32 to index
        %get3A_531 = arith.constant 208 : index
        %get3A_532 = tpu.vector_load %arg12[%get3A_530, %get3A_531] {strides = array<i32>} : memref<40x256xf32, #tpu.memory_space<vmem>>, vector<1x16xf32>,
        %get3A_533 = vector.shape_cast %get3A_532 : vector<1x16xf32> to vector<16xf32>
        %add3A_534 = arith.addf %get3A_529, %get3A_533 : vector<16xf32>
        %get3A_535 = arith.index_cast %scan3A_132 : i32 to index
        %get3A_536 = arith.constant 208 : index
        %get3A_537 = tpu.vector_load %arg13[%get3A_535, %get3A_536] {strides = array<i32>} : memref<40x256xf32, #tpu.memory_space<vmem>>, vector<1x16xf32>,
        %get3A_538 = vector.shape_cast %get3A_537 : vector<1x16xf32> to vector<16xf32>
        %add3A_539 = arith.addf %add3A_534, %get3A_538 : vector<16xf32>
        %abs3A_540 = math.absf %add3A_539 : vector<16xf32>
        %neg3A_541 = arith.constant 0.000000e+00 : f32
        %neg3A_542 = vector.broadcast %neg3A_541 : f32 to vector<16xf32>
        %neg3A_543 = arith.subf %neg3A_542, %abs3A_540 : vector<16xf32>
        %exp3A_544 = math.exp %neg3A_543 : vector<16xf32>
        %mul3A_545 = arith.constant 0.0140268197 : f32
        %mul3A_546 = vector.broadcast %mul3A_545 : f32 to vector<16xf32>
        %mul3A_547 = arith.mulf %mul3A_546, %exp3A_544 : vector<16xf32>
        %add3A_548 = arith.constant -0.0657700077 : f32
        %add3A_549 = vector.broadcast %add3A_548 : f32 to vector<16xf32>
        %add3A_550 = arith.addf %mul3A_547, %add3A_549 : vector<16xf32>
        %mul3A_551 = arith.mulf %add3A_550, %exp3A_544 : vector<16xf32>
        %add3A_552 = arith.constant 0.148106635 : f32
        %add3A_553 = vector.broadcast %add3A_552 : f32 to vector<16xf32>
        %add3A_554 = arith.addf %mul3A_551, %add3A_553 : vector<16xf32>
        %mul3A_555 = arith.mulf %add3A_554, %exp3A_544 : vector<16xf32>
        %add3A_556 = arith.constant -0.234173596 : f32
        %add3A_557 = vector.broadcast %add3A_556 : f32 to vector<16xf32>
        %add3A_558 = arith.addf %mul3A_555, %add3A_557 : vector<16xf32>
        %mul3A_559 = arith.mulf %add3A_558, %exp3A_544 : vector<16xf32>
        %add3A_560 = arith.constant 0.330787867 : f32
        %add3A_561 = vector.broadcast %add3A_560 : f32 to vector<16xf32>
        %add3A_562 = arith.addf %mul3A_559, %add3A_561 : vector<16xf32>
        %mul3A_563 = arith.mulf %add3A_562, %exp3A_544 : vector<16xf32>
        %add3A_564 = arith.constant -0.499825478 : f32
        %add3A_565 = vector.broadcast %add3A_564 : f32 to vector<16xf32>
        %add3A_566 = arith.addf %mul3A_563, %add3A_565 : vector<16xf32>
        %mul3A_567 = arith.mulf %add3A_566, %exp3A_544 : vector<16xf32>
        %add3A_568 = arith.constant 0.999997079 : f32
        %add3A_569 = vector.broadcast %add3A_568 : f32 to vector<16xf32>
        %add3A_570 = arith.addf %mul3A_567, %add3A_569 : vector<16xf32>
        %max3A_571 = arith.constant 0.000000e+00 : f32
        %max3A_572 = vector.broadcast %max3A_571 : f32 to vector<16xf32>
        %max3A_573 = arith.maximumf %add3A_539, %max3A_572 : vector<16xf32>
        %mul3A_574 = arith.mulf %add3A_570, %exp3A_544 : vector<16xf32>
        %add3A_575 = arith.addf %max3A_573, %mul3A_574 : vector<16xf32>
        %neg3A_576 = arith.constant 0.000000e+00 : f32
        %neg3A_577 = vector.broadcast %neg3A_576 : f32 to vector<16xf32>
        %neg3A_578 = arith.subf %neg3A_577, %add3A_525 : vector<16xf32>
        %exp3A_579 = math.exp %neg3A_578 : vector<16xf32>
        %add3A_580 = arith.constant 1.000000e+00 : f32
        %add3A_581 = vector.broadcast %add3A_580 : f32 to vector<16xf32>
        %add3A_582 = arith.addf %add3A_581, %exp3A_579 : vector<16xf32>
        %div3A_583 = arith.divf %add3A_575, %add3A_582 : vector<16xf32>
        %swap3A_584 = arith.index_cast %scan3A_132 : i32 to index
        %swap3A_585 = arith.constant 80 : index
        %swap3A_586 = tpu.vector_load %arg14[%swap3A_584, %swap3A_585] {strides = array<i32>} : memref<40x128xf32, #tpu.memory_space<vmem>>, vector<1x16xf32>,
        %swap3A_587 = vector.shape_cast %swap3A_586 : vector<1x16xf32> to vector<16xf32>
        %swap3A_588 = vector.shape_cast %div3A_583 : vector<16xf32> to vector<1x16xf32>
        tpu.vector_store %arg14[%swap3A_584, %swap3A_585], %swap3A_588 {strides = array<i32>} : memref<40x128xf32, #tpu.memory_space<vmem>>, vector<1x16xf32>,
        %get3A_589 = arith.index_cast %scan3A_132 : i32 to index
        %get3A_590 = arith.constant 96 : index
        %get3A_591 = tpu.vector_load %arg11[%get3A_589, %get3A_590] {strides = array<i32>} : memref<40x256xf32, #tpu.memory_space<vmem>>, vector<1x16xf32>,
        %get3A_592 = vector.shape_cast %get3A_591 : vector<1x16xf32> to vector<16xf32>
        %get3A_593 = arith.index_cast %scan3A_132 : i32 to index
        %get3A_594 = arith.constant 96 : index
        %get3A_595 = tpu.vector_load %arg12[%get3A_593, %get3A_594] {strides = array<i32>} : memref<40x256xf32, #tpu.memory_space<vmem>>, vector<1x16xf32>,
        %get3A_596 = vector.shape_cast %get3A_595 : vector<1x16xf32> to vector<16xf32>
        %add3A_597 = arith.addf %get3A_592, %get3A_596 : vector<16xf32>
        %get3A_598 = arith.index_cast %scan3A_132 : i32 to index
        %get3A_599 = arith.constant 96 : index
        %get3A_600 = tpu.vector_load %arg13[%get3A_598, %get3A_599] {strides = array<i32>} : memref<40x256xf32, #tpu.memory_space<vmem>>, vector<1x16xf32>,
        %get3A_601 = vector.shape_cast %get3A_600 : vector<1x16xf32> to vector<16xf32>
        %add3A_602 = arith.addf %add3A_597, %get3A_601 : vector<16xf32>
        %get3A_603 = arith.index_cast %scan3A_132 : i32 to index
        %get3A_604 = arith.constant 224 : index
        %get3A_605 = tpu.vector_load %arg11[%get3A_603, %get3A_604] {strides = array<i32>} : memref<40x256xf32, #tpu.memory_space<vmem>>, vector<1x16xf32>,
        %get3A_606 = vector.shape_cast %get3A_605 : vector<1x16xf32> to vector<16xf32>
        %get3A_607 = arith.index_cast %scan3A_132 : i32 to index
        %get3A_608 = arith.constant 224 : index
        %get3A_609 = tpu.vector_load %arg12[%get3A_607, %get3A_608] {strides = array<i32>} : memref<40x256xf32, #tpu.memory_space<vmem>>, vector<1x16xf32>,
        %get3A_610 = vector.shape_cast %get3A_609 : vector<1x16xf32> to vector<16xf32>
        %add3A_611 = arith.addf %get3A_606, %get3A_610 : vector<16xf32>
        %get3A_612 = arith.index_cast %scan3A_132 : i32 to index
        %get3A_613 = arith.constant 224 : index
        %get3A_614 = tpu.vector_load %arg13[%get3A_612, %get3A_613] {strides = array<i32>} : memref<40x256xf32, #tpu.memory_space<vmem>>, vector<1x16xf32>,
        %get3A_615 = vector.shape_cast %get3A_614 : vector<1x16xf32> to vector<16xf32>
        %add3A_616 = arith.addf %add3A_611, %get3A_615 : vector<16xf32>
        %abs3A_617 = math.absf %add3A_616 : vector<16xf32>
        %neg3A_618 = arith.constant 0.000000e+00 : f32
        %neg3A_619 = vector.broadcast %neg3A_618 : f32 to vector<16xf32>
        %neg3A_620 = arith.subf %neg3A_619, %abs3A_617 : vector<16xf32>
        %exp3A_621 = math.exp %neg3A_620 : vector<16xf32>
        %mul3A_622 = arith.constant 0.0140268197 : f32
        %mul3A_623 = vector.broadcast %mul3A_622 : f32 to vector<16xf32>
        %mul3A_624 = arith.mulf %mul3A_623, %exp3A_621 : vector<16xf32>
        %add3A_625 = arith.constant -0.0657700077 : f32
        %add3A_626 = vector.broadcast %add3A_625 : f32 to vector<16xf32>
        %add3A_627 = arith.addf %mul3A_624, %add3A_626 : vector<16xf32>
        %mul3A_628 = arith.mulf %add3A_627, %exp3A_621 : vector<16xf32>
        %add3A_629 = arith.constant 0.148106635 : f32
        %add3A_630 = vector.broadcast %add3A_629 : f32 to vector<16xf32>
        %add3A_631 = arith.addf %mul3A_628, %add3A_630 : vector<16xf32>
        %mul3A_632 = arith.mulf %add3A_631, %exp3A_621 : vector<16xf32>
        %add3A_633 = arith.constant -0.234173596 : f32
        %add3A_634 = vector.broadcast %add3A_633 : f32 to vector<16xf32>
        %add3A_635 = arith.addf %mul3A_632, %add3A_634 : vector<16xf32>
        %mul3A_636 = arith.mulf %add3A_635, %exp3A_621 : vector<16xf32>
        %add3A_637 = arith.constant 0.330787867 : f32
        %add3A_638 = vector.broadcast %add3A_637 : f32 to vector<16xf32>
        %add3A_639 = arith.addf %mul3A_636, %add3A_638 : vector<16xf32>
        %mul3A_640 = arith.mulf %add3A_639, %exp3A_621 : vector<16xf32>
        %add3A_641 = arith.constant -0.499825478 : f32
        %add3A_642 = vector.broadcast %add3A_641 : f32 to vector<16xf32>
        %add3A_643 = arith.addf %mul3A_640, %add3A_642 : vector<16xf32>
        %mul3A_644 = arith.mulf %add3A_643, %exp3A_621 : vector<16xf32>
        %add3A_645 = arith.constant 0.999997079 : f32
        %add3A_646 = vector.broadcast %add3A_645 : f32 to vector<16xf32>
        %add3A_647 = arith.addf %mul3A_644, %add3A_646 : vector<16xf32>
        %max3A_648 = arith.constant 0.000000e+00 : f32
        %max3A_649 = vector.broadcast %max3A_648 : f32 to vector<16xf32>
        %max3A_650 = arith.maximumf %add3A_616, %max3A_649 : vector<16xf32>
        %mul3A_651 = arith.mulf %add3A_647, %exp3A_621 : vector<16xf32>
        %add3A_652 = arith.addf %max3A_650, %mul3A_651 : vector<16xf32>
        %neg3A_653 = arith.constant 0.000000e+00 : f32
        %neg3A_654 = vector.broadcast %neg3A_653 : f32 to vector<16xf32>
        %neg3A_655 = arith.subf %neg3A_654, %add3A_602 : vector<16xf32>
        %exp3A_656 = math.exp %neg3A_655 : vector<16xf32>
        %add3A_657 = arith.constant 1.000000e+00 : f32
        %add3A_658 = vector.broadcast %add3A_657 : f32 to vector<16xf32>
        %add3A_659 = arith.addf %add3A_658, %exp3A_656 : vector<16xf32>
        %div3A_660 = arith.divf %add3A_652, %add3A_659 : vector<16xf32>
        %swap3A_661 = arith.index_cast %scan3A_132 : i32 to index
        %swap3A_662 = arith.constant 96 : index
        %swap3A_663 = tpu.vector_load %arg14[%swap3A_661, %swap3A_662] {strides = array<i32>} : memref<40x128xf32, #tpu.memory_space<vmem>>, vector<1x16xf32>,
        %swap3A_664 = vector.shape_cast %swap3A_663 : vector<1x16xf32> to vector<16xf32>
        %swap3A_665 = vector.shape_cast %div3A_660 : vector<16xf32> to vector<1x16xf32>
        tpu.vector_store %arg14[%swap3A_661, %swap3A_662], %swap3A_665 {strides = array<i32>} : memref<40x128xf32, #tpu.memory_space<vmem>>, vector<1x16xf32>,
        %get3A_666 = arith.index_cast %scan3A_132 : i32 to index
        %get3A_667 = arith.constant 112 : index
        %get3A_668 = tpu.vector_load %arg11[%get3A_666, %get3A_667] {strides = array<i32>} : memref<40x256xf32, #tpu.memory_space<vmem>>, vector<1x16xf32>,
        %get3A_669 = vector.shape_cast %get3A_668 : vector<1x16xf32> to vector<16xf32>
        %get3A_670 = arith.index_cast %scan3A_132 : i32 to index
        %get3A_671 = arith.constant 112 : index
        %get3A_672 = tpu.vector_load %arg12[%get3A_670, %get3A_671] {strides = array<i32>} : memref<40x256xf32, #tpu.memory_space<vmem>>, vector<1x16xf32>,
        %get3A_673 = vector.shape_cast %get3A_672 : vector<1x16xf32> to vector<16xf32>
        %add3A_674 = arith.addf %get3A_669, %get3A_673 : vector<16xf32>
        %get3A_675 = arith.index_cast %scan3A_132 : i32 to index
        %get3A_676 = arith.constant 112 : index
        %get3A_677 = tpu.vector_load %arg13[%get3A_675, %get3A_676] {strides = array<i32>} : memref<40x256xf32, #tpu.memory_space<vmem>>, vector<1x16xf32>,
        %get3A_678 = vector.shape_cast %get3A_677 : vector<1x16xf32> to vector<16xf32>
        %add3A_679 = arith.addf %add3A_674, %get3A_678 : vector<16xf32>
        %get3A_680 = arith.index_cast %scan3A_132 : i32 to index
        %get3A_681 = arith.constant 240 : index
        %get3A_682 = tpu.vector_load %arg11[%get3A_680, %get3A_681] {strides = array<i32>} : memref<40x256xf32, #tpu.memory_space<vmem>>, vector<1x16xf32>,
        %get3A_683 = vector.shape_cast %get3A_682 : vector<1x16xf32> to vector<16xf32>
        %get3A_684 = arith.index_cast %scan3A_132 : i32 to index
        %get3A_685 = arith.constant 240 : index
        %get3A_686 = tpu.vector_load %arg12[%get3A_684, %get3A_685] {strides = array<i32>} : memref<40x256xf32, #tpu.memory_space<vmem>>, vector<1x16xf32>,
        %get3A_687 = vector.shape_cast %get3A_686 : vector<1x16xf32> to vector<16xf32>
        %add3A_688 = arith.addf %get3A_683, %get3A_687 : vector<16xf32>
        %get3A_689 = arith.index_cast %scan3A_132 : i32 to index
        %get3A_690 = arith.constant 240 : index
        %get3A_691 = tpu.vector_load %arg13[%get3A_689, %get3A_690] {strides = array<i32>} : memref<40x256xf32, #tpu.memory_space<vmem>>, vector<1x16xf32>,
        %get3A_692 = vector.shape_cast %get3A_691 : vector<1x16xf32> to vector<16xf32>
        %add3A_693 = arith.addf %add3A_688, %get3A_692 : vector<16xf32>
        %abs3A_694 = math.absf %add3A_693 : vector<16xf32>
        %neg3A_695 = arith.constant 0.000000e+00 : f32
        %neg3A_696 = vector.broadcast %neg3A_695 : f32 to vector<16xf32>
        %neg3A_697 = arith.subf %neg3A_696, %abs3A_694 : vector<16xf32>
        %exp3A_698 = math.exp %neg3A_697 : vector<16xf32>
        %mul3A_699 = arith.constant 0.0140268197 : f32
        %mul3A_700 = vector.broadcast %mul3A_699 : f32 to vector<16xf32>
        %mul3A_701 = arith.mulf %mul3A_700, %exp3A_698 : vector<16xf32>
        %add3A_702 = arith.constant -0.0657700077 : f32
        %add3A_703 = vector.broadcast %add3A_702 : f32 to vector<16xf32>
        %add3A_704 = arith.addf %mul3A_701, %add3A_703 : vector<16xf32>
        %mul3A_705 = arith.mulf %add3A_704, %exp3A_698 : vector<16xf32>
        %add3A_706 = arith.constant 0.148106635 : f32
        %add3A_707 = vector.broadcast %add3A_706 : f32 to vector<16xf32>
        %add3A_708 = arith.addf %mul3A_705, %add3A_707 : vector<16xf32>
        %mul3A_709 = arith.mulf %add3A_708, %exp3A_698 : vector<16xf32>
        %add3A_710 = arith.constant -0.234173596 : f32
        %add3A_711 = vector.broadcast %add3A_710 : f32 to vector<16xf32>
        %add3A_712 = arith.addf %mul3A_709, %add3A_711 : vector<16xf32>
        %mul3A_713 = arith.mulf %add3A_712, %exp3A_698 : vector<16xf32>
        %add3A_714 = arith.constant 0.330787867 : f32
        %add3A_715 = vector.broadcast %add3A_714 : f32 to vector<16xf32>
        %add3A_716 = arith.addf %mul3A_713, %add3A_715 : vector<16xf32>
        %mul3A_717 = arith.mulf %add3A_716, %exp3A_698 : vector<16xf32>
        %add3A_718 = arith.constant -0.499825478 : f32
        %add3A_719 = vector.broadcast %add3A_718 : f32 to vector<16xf32>
        %add3A_720 = arith.addf %mul3A_717, %add3A_719 : vector<16xf32>
        %mul3A_721 = arith.mulf %add3A_720, %exp3A_698 : vector<16xf32>
        %add3A_722 = arith.constant 0.999997079 : f32
        %add3A_723 = vector.broadcast %add3A_722 : f32 to vector<16xf32>
        %add3A_724 = arith.addf %mul3A_721, %add3A_723 : vector<16xf32>
        %max3A_725 = arith.constant 0.000000e+00 : f32
        %max3A_726 = vector.broadcast %max3A_725 : f32 to vector<16xf32>
        %max3A_727 = arith.maximumf %add3A_693, %max3A_726 : vector<16xf32>
        %mul3A_728 = arith.mulf %add3A_724, %exp3A_698 : vector<16xf32>
        %add3A_729 = arith.addf %max3A_727, %mul3A_728 : vector<16xf32>
        %neg3A_730 = arith.constant 0.000000e+00 : f32
        %neg3A_731 = vector.broadcast %neg3A_730 : f32 to vector<16xf32>
        %neg3A_732 = arith.subf %neg3A_731, %add3A_679 : vector<16xf32>
        %exp3A_733 = math.exp %neg3A_732 : vector<16xf32>
        %add3A_734 = arith.constant 1.000000e+00 : f32
        %add3A_735 = vector.broadcast %add3A_734 : f32 to vector<16xf32>
        %add3A_736 = arith.addf %add3A_735, %exp3A_733 : vector<16xf32>
        %div3A_737 = arith.divf %add3A_729, %add3A_736 : vector<16xf32>
        %swap3A_738 = arith.index_cast %scan3A_132 : i32 to index
        %swap3A_739 = arith.constant 112 : index
        %swap3A_740 = tpu.vector_load %arg14[%swap3A_738, %swap3A_739] {strides = array<i32>} : memref<40x128xf32, #tpu.memory_space<vmem>>, vector<1x16xf32>,
        %swap3A_741 = vector.shape_cast %swap3A_740 : vector<1x16xf32> to vector<16xf32>
        %swap3A_742 = vector.shape_cast %div3A_737 : vector<16xf32> to vector<1x16xf32>
        tpu.vector_store %arg14[%swap3A_738, %swap3A_739], %swap3A_742 {strides = array<i32>} : memref<40x128xf32, #tpu.memory_space<vmem>>, vector<1x16xf32>,
        %scan3A_743 = arith.constant 0 : i32
        scf.yield %scan3A_743 : i32
      }
      %scan3A_130 = arith.constant 40 : i32
      "tpu.region"() ({
        %run_scoped3A = tpu.sem_alloc : memref<!tpu.dma_semaphore, #tpu.memory_space<semaphore_mem>>
        %dma_start3A_132 = arith.constant 0 : i32
        %dma_start3A_133 = arith.constant 0 : i32
        %dma_start3A_134 = tpu.memref_slice %arg16[%dma_start3A_132, %dma_start3A_133] : memref<10000x128xf32, #tpu.memory_space<vmem_shared>> -> memref<10000x128xf32, #tpu.memory_space<vmem_shared>>
        tpu.enqueue_indirect_dma source(%arg14 : memref<40x128xf32, #tpu.memory_space<vmem>>) target(%dma_start3A_134 : memref<10000x128xf32, #tpu.memory_space<vmem_shared>>) offsets(%arg9 : memref<40xi32, #tpu.memory_space<vmem>>) semaphore(%run_scoped3A : memref<!tpu.dma_semaphore, #tpu.memory_space<semaphore_mem>>) {add = true}
        %dma_wait3A_135 = arith.constant 0 : i32
        %dma_wait3A_136 = arith.constant 0 : i32
        %dma_wait3A_137 = tpu.memref_slice %arg16[%dma_wait3A_135, %dma_wait3A_136] : memref<10000x128xf32, #tpu.memory_space<vmem_shared>> -> memref<10000x128xf32, #tpu.memory_space<vmem_shared>>
        tpu.wait_indirect_dma semaphore(%run_scoped3A : memref<!tpu.dma_semaphore, #tpu.memory_space<semaphore_mem>>) src(%arg14 : memref<40x128xf32, #tpu.memory_space<vmem>>) dst(%dma_wait3A_137 : memref<10000x128xf32, #tpu.memory_space<vmem_shared>>)
        tpu.yield
      }) : () -> ()
      %scan3A_131 = arith.constant 0 : i32
      scf.yield %scan3A_131 : i32
    }
    %scan3A_97 = arith.constant 125 : i32
    %barrier3A_98 = arith.constant 0 : index
    tpu.barrier barrier_id(%barrier3A_98)
    %eq3A_99 = arith.constant 0 : i32
    %eq3A_100 = arith.cmpi eq, %arg0, %eq3A_99 : i32
    %convert_element_type3A_101 = arith.extui %eq3A_100 : i1 to i32
    %cond3A_102 = arith.constant 0 : i32
    %cond3A_103 = arith.cmpi ne, %convert_element_type3A_101, %cond3A_102 : i32
    scf.if %cond3A_103 {
      "tpu.region"() ({
        %run_scoped3A = tpu.sem_alloc : memref<!tpu.dma_semaphore, #tpu.memory_space<semaphore_mem>>
        %dma_start3A = arith.constant 0 : i32
        %dma_start3A_114 = tpu.memref_slice %arg7[%mul3A_8, %dma_start3A] : memref<10000x128xf32, #tpu.memory_space<hbm>> -> memref<624x128xf32, #tpu.memory_space<hbm>>
        %dma_start3A_115 = arith.constant 0 : i32
        %dma_start3A_116 = tpu.memref_slice %arg16[%mul3A_8, %dma_start3A_115] : memref<10000x128xf32, #tpu.memory_space<vmem_shared>> -> memref<624x128xf32, #tpu.memory_space<vmem_shared>>
        tpu.enqueue_dma source(%dma_start3A_116 : memref<624x128xf32, #tpu.memory_space<vmem_shared>>) target(%dma_start3A_114 : memref<624x128xf32, #tpu.memory_space<hbm>>) target_semaphore(%run_scoped3A : memref<!tpu.dma_semaphore, #tpu.memory_space<semaphore_mem>>)
        %dma_wait3A = arith.constant 0 : i32
        %dma_wait3A_117 = tpu.memref_slice %arg7[%mul3A_8, %dma_wait3A] : memref<10000x128xf32, #tpu.memory_space<hbm>> -> memref<624x128xf32, #tpu.memory_space<hbm>>
        %dma_wait3A_118 = arith.constant 0 : i32
        %dma_wait3A_119 = tpu.memref_slice %arg16[%mul3A_8, %dma_wait3A_118] : memref<10000x128xf32, #tpu.memory_space<vmem_shared>> -> memref<624x128xf32, #tpu.memory_space<vmem_shared>>
        tpu.wait_dma2 semaphore(%run_scoped3A : memref<!tpu.dma_semaphore, #tpu.memory_space<semaphore_mem>>) src(%dma_wait3A_119 : memref<624x128xf32, #tpu.memory_space<vmem_shared>>) dst(%dma_wait3A_117 : memref<624x128xf32, #tpu.memory_space<hbm>>)
        tpu.yield
      }) : () -> ()
      %eq3A_109 = arith.constant 15 : i32
      %eq3A_110 = arith.cmpi eq, %arg1, %eq3A_109 : i32
      %convert_element_type3A_111 = arith.extui %eq3A_110 : i1 to i32
      %cond3A_112 = arith.constant 0 : i32
      %cond3A_113 = arith.cmpi ne, %convert_element_type3A_111, %cond3A_112 : i32
      scf.if %cond3A_113 {
        "tpu.region"() ({
          %run_scoped3A = tpu.sem_alloc : memref<!tpu.dma_semaphore, #tpu.memory_space<semaphore_mem>>
          %dma_start3A = arith.constant 9984 : i32
          %dma_start3A_114 = arith.constant 0 : i32
          %dma_start3A_115 = tpu.memref_slice %arg7[%dma_start3A, %dma_start3A_114] : memref<10000x128xf32, #tpu.memory_space<hbm>> -> memref<16x128xf32, #tpu.memory_space<hbm>>
          %dma_start3A_116 = arith.constant 9984 : i32
          %dma_start3A_117 = arith.constant 0 : i32
          %dma_start3A_118 = tpu.memref_slice %arg16[%dma_start3A_116, %dma_start3A_117] : memref<10000x128xf32, #tpu.memory_space<vmem_shared>> -> memref<16x128xf32, #tpu.memory_space<vmem_shared>>
          tpu.enqueue_dma source(%dma_start3A_118 : memref<16x128xf32, #tpu.memory_space<vmem_shared>>) target(%dma_start3A_115 : memref<16x128xf32, #tpu.memory_space<hbm>>) target_semaphore(%run_scoped3A : memref<!tpu.dma_semaphore, #tpu.memory_space<semaphore_mem>>)
          %dma_wait3A = arith.constant 9984 : i32
          %dma_wait3A_119 = arith.constant 0 : i32
          %dma_wait3A_120 = tpu.memref_slice %arg7[%dma_wait3A, %dma_wait3A_119] : memref<10000x128xf32, #tpu.memory_space<hbm>> -> memref<16x128xf32, #tpu.memory_space<hbm>>
          %dma_wait3A_121 = arith.constant 9984 : i32
          %dma_wait3A_122 = arith.constant 0 : i32
          %dma_wait3A_123 = tpu.memref_slice %arg16[%dma_wait3A_121, %dma_wait3A_122] : memref<10000x128xf32, #tpu.memory_space<vmem_shared>> -> memref<16x128xf32, #tpu.memory_space<vmem_shared>>
          tpu.wait_dma2 semaphore(%run_scoped3A : memref<!tpu.dma_semaphore, #tpu.memory_space<semaphore_mem>>) src(%dma_wait3A_123 : memref<16x128xf32, #tpu.memory_space<vmem_shared>>) dst(%dma_wait3A_120 : memref<16x128xf32, #tpu.memory_space<hbm>>)
          tpu.yield
        }) : () -> ()
      } else {
      }
    } else {
    }
    %eq3A_104 = arith.constant 1 : i32
    %eq3A_105 = arith.cmpi eq, %arg0, %eq3A_104 : i32
    %convert_element_type3A_106 = arith.extui %eq3A_105 : i1 to i32
    %cond3A_107 = arith.constant 0 : i32
    %cond3A_108 = arith.cmpi ne, %convert_element_type3A_106, %cond3A_107 : i32
    scf.if %cond3A_108 {
      "tpu.region"() ({
        %run_scoped3A = tpu.sem_alloc : memref<!tpu.dma_semaphore, #tpu.memory_space<semaphore_mem>>
        %dma_start3A = arith.constant 0 : i32
        %dma_start3A_114 = tpu.memref_slice %arg8[%mul3A_8, %dma_start3A] : memref<10000x128xf32, #tpu.memory_space<hbm>> -> memref<624x128xf32, #tpu.memory_space<hbm>>
        %dma_start3A_115 = arith.constant 0 : i32
        %dma_start3A_116 = tpu.memref_slice %arg16[%mul3A_8, %dma_start3A_115] : memref<10000x128xf32, #tpu.memory_space<vmem_shared>> -> memref<624x128xf32, #tpu.memory_space<vmem_shared>>
        tpu.enqueue_dma source(%dma_start3A_116 : memref<624x128xf32, #tpu.memory_space<vmem_shared>>) target(%dma_start3A_114 : memref<624x128xf32, #tpu.memory_space<hbm>>) target_semaphore(%run_scoped3A : memref<!tpu.dma_semaphore, #tpu.memory_space<semaphore_mem>>)
        %dma_wait3A = arith.constant 0 : i32
        %dma_wait3A_117 = tpu.memref_slice %arg8[%mul3A_8, %dma_wait3A] : memref<10000x128xf32, #tpu.memory_space<hbm>> -> memref<624x128xf32, #tpu.memory_space<hbm>>
        %dma_wait3A_118 = arith.constant 0 : i32
        %dma_wait3A_119 = tpu.memref_slice %arg16[%mul3A_8, %dma_wait3A_118] : memref<10000x128xf32, #tpu.memory_space<vmem_shared>> -> memref<624x128xf32, #tpu.memory_space<vmem_shared>>
        tpu.wait_dma2 semaphore(%run_scoped3A : memref<!tpu.dma_semaphore, #tpu.memory_space<semaphore_mem>>) src(%dma_wait3A_119 : memref<624x128xf32, #tpu.memory_space<vmem_shared>>) dst(%dma_wait3A_117 : memref<624x128xf32, #tpu.memory_space<hbm>>)
        tpu.yield
      }) : () -> ()
      %eq3A_109 = arith.constant 15 : i32
      %eq3A_110 = arith.cmpi eq, %arg1, %eq3A_109 : i32
      %convert_element_type3A_111 = arith.extui %eq3A_110 : i1 to i32
      %cond3A_112 = arith.constant 0 : i32
      %cond3A_113 = arith.cmpi ne, %convert_element_type3A_111, %cond3A_112 : i32
      scf.if %cond3A_113 {
        "tpu.region"() ({
          %run_scoped3A = tpu.sem_alloc : memref<!tpu.dma_semaphore, #tpu.memory_space<semaphore_mem>>
          %dma_start3A = arith.constant 9984 : i32
          %dma_start3A_114 = arith.constant 0 : i32
          %dma_start3A_115 = tpu.memref_slice %arg8[%dma_start3A, %dma_start3A_114] : memref<10000x128xf32, #tpu.memory_space<hbm>> -> memref<16x128xf32, #tpu.memory_space<hbm>>
          %dma_start3A_116 = arith.constant 9984 : i32
          %dma_start3A_117 = arith.constant 0 : i32
          %dma_start3A_118 = tpu.memref_slice %arg16[%dma_start3A_116, %dma_start3A_117] : memref<10000x128xf32, #tpu.memory_space<vmem_shared>> -> memref<16x128xf32, #tpu.memory_space<vmem_shared>>
          tpu.enqueue_dma source(%dma_start3A_118 : memref<16x128xf32, #tpu.memory_space<vmem_shared>>) target(%dma_start3A_115 : memref<16x128xf32, #tpu.memory_space<hbm>>) target_semaphore(%run_scoped3A : memref<!tpu.dma_semaphore, #tpu.memory_space<semaphore_mem>>)
          %dma_wait3A = arith.constant 9984 : i32
          %dma_wait3A_119 = arith.constant 0 : i32
          %dma_wait3A_120 = tpu.memref_slice %arg8[%dma_wait3A, %dma_wait3A_119] : memref<10000x128xf32, #tpu.memory_space<hbm>> -> memref<16x128xf32, #tpu.memory_space<hbm>>
          %dma_wait3A_121 = arith.constant 9984 : i32
          %dma_wait3A_122 = arith.constant 0 : i32
          %dma_wait3A_123 = tpu.memref_slice %arg16[%dma_wait3A_121, %dma_wait3A_122] : memref<10000x128xf32, #tpu.memory_space<vmem_shared>> -> memref<16x128xf32, #tpu.memory_space<vmem_shared>>
          tpu.wait_dma2 semaphore(%run_scoped3A : memref<!tpu.dma_semaphore, #tpu.memory_space<semaphore_mem>>) src(%dma_wait3A_123 : memref<16x128xf32, #tpu.memory_space<vmem_shared>>) dst(%dma_wait3A_120 : memref<16x128xf32, #tpu.memory_space<hbm>>)
          tpu.yield
        }) : () -> ()
      } else {
      }
    } else {
    }
    return
  }
}

#map = affine_map<(d0, d1) -> (0, 0)>
#map1 = affine_map<(d0, d1) -> (0)>
module attributes {stable_mosaic.version = 14 : i64} {
  func.func @k(%arg0: i32, %arg1: i32, %arg2: memref<10000x256xf32, #tpu.memory_space<hbm>>, %arg3: memref<10000x256xf32, #tpu.memory_space<hbm>>, %arg4: memref<160000x256xf32, #tpu.memory_space<hbm>>, %arg5: memref<160000xi32, #tpu.memory_space<hbm>>, %arg6: memref<160000xi32, #tpu.memory_space<hbm>>, %arg7: memref<10000x128xf32, #tpu.memory_space<hbm>>, %arg8: memref<10000x128xf32, #tpu.memory_space<hbm>>, %arg9: memref<40xi32, #tpu.memory_space<vmem>>, %arg10: memref<40xi32, #tpu.memory_space<vmem>>, %arg11: memref<40x256xf32, #tpu.memory_space<vmem>>, %arg12: memref<40x256xf32, #tpu.memory_space<vmem>>, %arg13: memref<40x256xf32, #tpu.memory_space<vmem>>, %arg14: memref<40x128xf32, #tpu.memory_space<vmem>>, %arg15: memref<16x128xf32, #tpu.memory_space<vmem>>, %arg16: memref<10000x128xf32, #tpu.memory_space<vmem_shared>>, %arg17: memref<!tpu.dma_semaphore, #tpu.memory_space<semaphore_mem>>, %arg18: memref<!tpu.dma_semaphore, #tpu.memory_space<semaphore_mem>>) attributes {dimension_semantics = [#tpu.dimension_semantics<core_parallel>, #tpu.dimension_semantics<subcore_parallel>], iteration_bounds = array<i64: 2, 16>, scalar_prefetch = 0 : i64, scratch_operands = 10 : i64, tpu.core_type = #tpu.core_type<sc_vector_subcore>, window_params = [{transform_indices = #map}, {transform_indices = #map}, {transform_indices = #map}, {transform_indices = #map1}, {transform_indices = #map1}, {transform_indices = #map}, {transform_indices = #map}]} {
    %mul3A = arith.constant 16 : i32
    %mul3A_0 = arith.muli %arg0, %mul3A : i32
    %add3A = arith.addi %mul3A_0, %arg1 : i32
    %scan3A = arith.constant 0 : i32
    %scan3A_1 = arith.constant 0 : i32
    %scan3A_2 = arith.constant 16 : i32
    %scan3A_3 = arith.addi %scan3A_1, %scan3A_2 : i32
    %scan3A_4 = arith.constant 1 : i32
    %scan3A_5 = scf.for %scan3A_109 = %scan3A_1 to %scan3A_3 step %scan3A_4 iter_args(%scan3A_110 = %scan3A) -> (i32)  : i32 {
      %broadcast_in_dim3A = arith.constant 0.000000e+00 : f32
      %broadcast_in_dim3A_111 = vector.broadcast %broadcast_in_dim3A : f32 to vector<16xf32>
      %swap3A = arith.index_cast %scan3A_109 : i32 to index
      %swap3A_112 = arith.constant 0 : index
      %swap3A_113 = tpu.vector_load %arg15[%swap3A, %swap3A_112] {strides = array<i32>} : memref<16x128xf32, #tpu.memory_space<vmem>>, vector<1x16xf32>,
      %swap3A_114 = vector.shape_cast %swap3A_113 : vector<1x16xf32> to vector<16xf32>
      %swap3A_115 = vector.shape_cast %broadcast_in_dim3A_111 : vector<16xf32> to vector<1x16xf32>
      tpu.vector_store %arg15[%swap3A, %swap3A_112], %swap3A_115 {strides = array<i32>} : memref<16x128xf32, #tpu.memory_space<vmem>>, vector<1x16xf32>,
      %broadcast_in_dim3A_116 = arith.constant 0.000000e+00 : f32
      %broadcast_in_dim3A_117 = vector.broadcast %broadcast_in_dim3A_116 : f32 to vector<16xf32>
      %swap3A_118 = arith.index_cast %scan3A_109 : i32 to index
      %swap3A_119 = arith.constant 16 : index
      %swap3A_120 = tpu.vector_load %arg15[%swap3A_118, %swap3A_119] {strides = array<i32>} : memref<16x128xf32, #tpu.memory_space<vmem>>, vector<1x16xf32>,
      %swap3A_121 = vector.shape_cast %swap3A_120 : vector<1x16xf32> to vector<16xf32>
      %swap3A_122 = vector.shape_cast %broadcast_in_dim3A_117 : vector<16xf32> to vector<1x16xf32>
      tpu.vector_store %arg15[%swap3A_118, %swap3A_119], %swap3A_122 {strides = array<i32>} : memref<16x128xf32, #tpu.memory_space<vmem>>, vector<1x16xf32>,
      %broadcast_in_dim3A_123 = arith.constant 0.000000e+00 : f32
      %broadcast_in_dim3A_124 = vector.broadcast %broadcast_in_dim3A_123 : f32 to vector<16xf32>
      %swap3A_125 = arith.index_cast %scan3A_109 : i32 to index
      %swap3A_126 = arith.constant 32 : index
      %swap3A_127 = tpu.vector_load %arg15[%swap3A_125, %swap3A_126] {strides = array<i32>} : memref<16x128xf32, #tpu.memory_space<vmem>>, vector<1x16xf32>,
      %swap3A_128 = vector.shape_cast %swap3A_127 : vector<1x16xf32> to vector<16xf32>
      %swap3A_129 = vector.shape_cast %broadcast_in_dim3A_124 : vector<16xf32> to vector<1x16xf32>
      tpu.vector_store %arg15[%swap3A_125, %swap3A_126], %swap3A_129 {strides = array<i32>} : memref<16x128xf32, #tpu.memory_space<vmem>>, vector<1x16xf32>,
      %broadcast_in_dim3A_130 = arith.constant 0.000000e+00 : f32
      %broadcast_in_dim3A_131 = vector.broadcast %broadcast_in_dim3A_130 : f32 to vector<16xf32>
      %swap3A_132 = arith.index_cast %scan3A_109 : i32 to index
      %swap3A_133 = arith.constant 48 : index
      %swap3A_134 = tpu.vector_load %arg15[%swap3A_132, %swap3A_133] {strides = array<i32>} : memref<16x128xf32, #tpu.memory_space<vmem>>, vector<1x16xf32>,
      %swap3A_135 = vector.shape_cast %swap3A_134 : vector<1x16xf32> to vector<16xf32>
      %swap3A_136 = vector.shape_cast %broadcast_in_dim3A_131 : vector<16xf32> to vector<1x16xf32>
      tpu.vector_store %arg15[%swap3A_132, %swap3A_133], %swap3A_136 {strides = array<i32>} : memref<16x128xf32, #tpu.memory_space<vmem>>, vector<1x16xf32>,
      %broadcast_in_dim3A_137 = arith.constant 0.000000e+00 : f32
      %broadcast_in_dim3A_138 = vector.broadcast %broadcast_in_dim3A_137 : f32 to vector<16xf32>
      %swap3A_139 = arith.index_cast %scan3A_109 : i32 to index
      %swap3A_140 = arith.constant 64 : index
      %swap3A_141 = tpu.vector_load %arg15[%swap3A_139, %swap3A_140] {strides = array<i32>} : memref<16x128xf32, #tpu.memory_space<vmem>>, vector<1x16xf32>,
      %swap3A_142 = vector.shape_cast %swap3A_141 : vector<1x16xf32> to vector<16xf32>
      %swap3A_143 = vector.shape_cast %broadcast_in_dim3A_138 : vector<16xf32> to vector<1x16xf32>
      tpu.vector_store %arg15[%swap3A_139, %swap3A_140], %swap3A_143 {strides = array<i32>} : memref<16x128xf32, #tpu.memory_space<vmem>>, vector<1x16xf32>,
      %broadcast_in_dim3A_144 = arith.constant 0.000000e+00 : f32
      %broadcast_in_dim3A_145 = vector.broadcast %broadcast_in_dim3A_144 : f32 to vector<16xf32>
      %swap3A_146 = arith.index_cast %scan3A_109 : i32 to index
      %swap3A_147 = arith.constant 80 : index
      %swap3A_148 = tpu.vector_load %arg15[%swap3A_146, %swap3A_147] {strides = array<i32>} : memref<16x128xf32, #tpu.memory_space<vmem>>, vector<1x16xf32>,
      %swap3A_149 = vector.shape_cast %swap3A_148 : vector<1x16xf32> to vector<16xf32>
      %swap3A_150 = vector.shape_cast %broadcast_in_dim3A_145 : vector<16xf32> to vector<1x16xf32>
      tpu.vector_store %arg15[%swap3A_146, %swap3A_147], %swap3A_150 {strides = array<i32>} : memref<16x128xf32, #tpu.memory_space<vmem>>, vector<1x16xf32>,
      %broadcast_in_dim3A_151 = arith.constant 0.000000e+00 : f32
      %broadcast_in_dim3A_152 = vector.broadcast %broadcast_in_dim3A_151 : f32 to vector<16xf32>
      %swap3A_153 = arith.index_cast %scan3A_109 : i32 to index
      %swap3A_154 = arith.constant 96 : index
      %swap3A_155 = tpu.vector_load %arg15[%swap3A_153, %swap3A_154] {strides = array<i32>} : memref<16x128xf32, #tpu.memory_space<vmem>>, vector<1x16xf32>,
      %swap3A_156 = vector.shape_cast %swap3A_155 : vector<1x16xf32> to vector<16xf32>
      %swap3A_157 = vector.shape_cast %broadcast_in_dim3A_152 : vector<16xf32> to vector<1x16xf32>
      tpu.vector_store %arg15[%swap3A_153, %swap3A_154], %swap3A_157 {strides = array<i32>} : memref<16x128xf32, #tpu.memory_space<vmem>>, vector<1x16xf32>,
      %broadcast_in_dim3A_158 = arith.constant 0.000000e+00 : f32
      %broadcast_in_dim3A_159 = vector.broadcast %broadcast_in_dim3A_158 : f32 to vector<16xf32>
      %swap3A_160 = arith.index_cast %scan3A_109 : i32 to index
      %swap3A_161 = arith.constant 112 : index
      %swap3A_162 = tpu.vector_load %arg15[%swap3A_160, %swap3A_161] {strides = array<i32>} : memref<16x128xf32, #tpu.memory_space<vmem>>, vector<1x16xf32>,
      %swap3A_163 = vector.shape_cast %swap3A_162 : vector<1x16xf32> to vector<16xf32>
      %swap3A_164 = vector.shape_cast %broadcast_in_dim3A_159 : vector<16xf32> to vector<1x16xf32>
      tpu.vector_store %arg15[%swap3A_160, %swap3A_161], %swap3A_164 {strides = array<i32>} : memref<16x128xf32, #tpu.memory_space<vmem>>, vector<1x16xf32>,
      %scan3A_165 = arith.constant 0 : i32
      scf.yield %scan3A_165 : i32
    }
    %scan3A_6 = arith.constant 16 : i32
    %mul3A_7 = arith.constant 624 : i32
    %mul3A_8 = arith.muli %arg1, %mul3A_7 : i32
    %add3A_9 = arith.constant 0 : i32
    %add3A_10 = arith.addi %mul3A_8, %add3A_9 : i32
    "tpu.region"() ({
      %run_scoped3A = tpu.sem_alloc : memref<!tpu.dma_semaphore, #tpu.memory_space<semaphore_mem>>
      %dma_start3A = arith.constant 0 : i32
      %dma_start3A_109 = tpu.memref_slice %arg16[%add3A_10, %dma_start3A] : memref<10000x128xf32, #tpu.memory_space<vmem_shared>> -> memref<16x128xf32, #tpu.memory_space<vmem_shared>>
      %dma_start3A_110 = arith.constant 0 : i32
      %dma_start3A_111 = tpu.memref_slice %arg16[%add3A_10, %dma_start3A_110] : memref<10000x128xf32, #tpu.memory_space<vmem_shared>> -> memref<16x128xf32, #tpu.memory_space<vmem_shared>>
      tpu.enqueue_dma source(%arg15 : memref<16x128xf32, #tpu.memory_space<vmem>>) target(%dma_start3A_111 : memref<16x128xf32, #tpu.memory_space<vmem_shared>>) target_semaphore(%run_scoped3A : memref<!tpu.dma_semaphore, #tpu.memory_space<semaphore_mem>>)
      %dma_wait3A = arith.constant 0 : i32
      %dma_wait3A_112 = tpu.memref_slice %arg16[%add3A_10, %dma_wait3A] : memref<10000x128xf32, #tpu.memory_space<vmem_shared>> -> memref<16x128xf32, #tpu.memory_space<vmem_shared>>
      %dma_wait3A_113 = arith.constant 0 : i32
      %dma_wait3A_114 = tpu.memref_slice %arg16[%add3A_10, %dma_wait3A_113] : memref<10000x128xf32, #tpu.memory_space<vmem_shared>> -> memref<16x128xf32, #tpu.memory_space<vmem_shared>>
      tpu.wait_dma2 semaphore(%run_scoped3A : memref<!tpu.dma_semaphore, #tpu.memory_space<semaphore_mem>>) src(%arg15 : memref<16x128xf32, #tpu.memory_space<vmem>>) dst(%dma_wait3A_114 : memref<16x128xf32, #tpu.memory_space<vmem_shared>>)
      tpu.yield
    }) : () -> ()
    %add3A_11 = arith.constant 16 : i32
    %add3A_12 = arith.addi %mul3A_8, %add3A_11 : i32
    "tpu.region"() ({
      %run_scoped3A = tpu.sem_alloc : memref<!tpu.dma_semaphore, #tpu.memory_space<semaphore_mem>>
      %dma_start3A = arith.constant 0 : i32
      %dma_start3A_109 = tpu.memref_slice %arg16[%add3A_12, %dma_start3A] : memref<10000x128xf32, #tpu.memory_space<vmem_shared>> -> memref<16x128xf32, #tpu.memory_space<vmem_shared>>
      %dma_start3A_110 = arith.constant 0 : i32
      %dma_start3A_111 = tpu.memref_slice %arg16[%add3A_12, %dma_start3A_110] : memref<10000x128xf32, #tpu.memory_space<vmem_shared>> -> memref<16x128xf32, #tpu.memory_space<vmem_shared>>
      tpu.enqueue_dma source(%arg15 : memref<16x128xf32, #tpu.memory_space<vmem>>) target(%dma_start3A_111 : memref<16x128xf32, #tpu.memory_space<vmem_shared>>) target_semaphore(%run_scoped3A : memref<!tpu.dma_semaphore, #tpu.memory_space<semaphore_mem>>)
      %dma_wait3A = arith.constant 0 : i32
      %dma_wait3A_112 = tpu.memref_slice %arg16[%add3A_12, %dma_wait3A] : memref<10000x128xf32, #tpu.memory_space<vmem_shared>> -> memref<16x128xf32, #tpu.memory_space<vmem_shared>>
      %dma_wait3A_113 = arith.constant 0 : i32
      %dma_wait3A_114 = tpu.memref_slice %arg16[%add3A_12, %dma_wait3A_113] : memref<10000x128xf32, #tpu.memory_space<vmem_shared>> -> memref<16x128xf32, #tpu.memory_space<vmem_shared>>
      tpu.wait_dma2 semaphore(%run_scoped3A : memref<!tpu.dma_semaphore, #tpu.memory_space<semaphore_mem>>) src(%arg15 : memref<16x128xf32, #tpu.memory_space<vmem>>) dst(%dma_wait3A_114 : memref<16x128xf32, #tpu.memory_space<vmem_shared>>)
      tpu.yield
    }) : () -> ()
    %add3A_13 = arith.constant 32 : i32
    %add3A_14 = arith.addi %mul3A_8, %add3A_13 : i32
    "tpu.region"() ({
      %run_scoped3A = tpu.sem_alloc : memref<!tpu.dma_semaphore, #tpu.memory_space<semaphore_mem>>
      %dma_start3A = arith.constant 0 : i32
      %dma_start3A_109 = tpu.memref_slice %arg16[%add3A_14, %dma_start3A] : memref<10000x128xf32, #tpu.memory_space<vmem_shared>> -> memref<16x128xf32, #tpu.memory_space<vmem_shared>>
      %dma_start3A_110 = arith.constant 0 : i32
      %dma_start3A_111 = tpu.memref_slice %arg16[%add3A_14, %dma_start3A_110] : memref<10000x128xf32, #tpu.memory_space<vmem_shared>> -> memref<16x128xf32, #tpu.memory_space<vmem_shared>>
      tpu.enqueue_dma source(%arg15 : memref<16x128xf32, #tpu.memory_space<vmem>>) target(%dma_start3A_111 : memref<16x128xf32, #tpu.memory_space<vmem_shared>>) target_semaphore(%run_scoped3A : memref<!tpu.dma_semaphore, #tpu.memory_space<semaphore_mem>>)
      %dma_wait3A = arith.constant 0 : i32
      %dma_wait3A_112 = tpu.memref_slice %arg16[%add3A_14, %dma_wait3A] : memref<10000x128xf32, #tpu.memory_space<vmem_shared>> -> memref<16x128xf32, #tpu.memory_space<vmem_shared>>
      %dma_wait3A_113 = arith.constant 0 : i32
      %dma_wait3A_114 = tpu.memref_slice %arg16[%add3A_14, %dma_wait3A_113] : memref<10000x128xf32, #tpu.memory_space<vmem_shared>> -> memref<16x128xf32, #tpu.memory_space<vmem_shared>>
      tpu.wait_dma2 semaphore(%run_scoped3A : memref<!tpu.dma_semaphore, #tpu.memory_space<semaphore_mem>>) src(%arg15 : memref<16x128xf32, #tpu.memory_space<vmem>>) dst(%dma_wait3A_114 : memref<16x128xf32, #tpu.memory_space<vmem_shared>>)
      tpu.yield
    }) : () -> ()
    %add3A_15 = arith.constant 48 : i32
    %add3A_16 = arith.addi %mul3A_8, %add3A_15 : i32
    "tpu.region"() ({
      %run_scoped3A = tpu.sem_alloc : memref<!tpu.dma_semaphore, #tpu.memory_space<semaphore_mem>>
      %dma_start3A = arith.constant 0 : i32
      %dma_start3A_109 = tpu.memref_slice %arg16[%add3A_16, %dma_start3A] : memref<10000x128xf32, #tpu.memory_space<vmem_shared>> -> memref<16x128xf32, #tpu.memory_space<vmem_shared>>
      %dma_start3A_110 = arith.constant 0 : i32
      %dma_start3A_111 = tpu.memref_slice %arg16[%add3A_16, %dma_start3A_110] : memref<10000x128xf32, #tpu.memory_space<vmem_shared>> -> memref<16x128xf32, #tpu.memory_space<vmem_shared>>
      tpu.enqueue_dma source(%arg15 : memref<16x128xf32, #tpu.memory_space<vmem>>) target(%dma_start3A_111 : memref<16x128xf32, #tpu.memory_space<vmem_shared>>) target_semaphore(%run_scoped3A : memref<!tpu.dma_semaphore, #tpu.memory_space<semaphore_mem>>)
      %dma_wait3A = arith.constant 0 : i32
      %dma_wait3A_112 = tpu.memref_slice %arg16[%add3A_16, %dma_wait3A] : memref<10000x128xf32, #tpu.memory_space<vmem_shared>> -> memref<16x128xf32, #tpu.memory_space<vmem_shared>>
      %dma_wait3A_113 = arith.constant 0 : i32
      %dma_wait3A_114 = tpu.memref_slice %arg16[%add3A_16, %dma_wait3A_113] : memref<10000x128xf32, #tpu.memory_space<vmem_shared>> -> memref<16x128xf32, #tpu.memory_space<vmem_shared>>
      tpu.wait_dma2 semaphore(%run_scoped3A : memref<!tpu.dma_semaphore, #tpu.memory_space<semaphore_mem>>) src(%arg15 : memref<16x128xf32, #tpu.memory_space<vmem>>) dst(%dma_wait3A_114 : memref<16x128xf32, #tpu.memory_space<vmem_shared>>)
      tpu.yield
    }) : () -> ()
    %add3A_17 = arith.constant 64 : i32
    %add3A_18 = arith.addi %mul3A_8, %add3A_17 : i32
    "tpu.region"() ({
      %run_scoped3A = tpu.sem_alloc : memref<!tpu.dma_semaphore, #tpu.memory_space<semaphore_mem>>
      %dma_start3A = arith.constant 0 : i32
      %dma_start3A_109 = tpu.memref_slice %arg16[%add3A_18, %dma_start3A] : memref<10000x128xf32, #tpu.memory_space<vmem_shared>> -> memref<16x128xf32, #tpu.memory_space<vmem_shared>>
      %dma_start3A_110 = arith.constant 0 : i32
      %dma_start3A_111 = tpu.memref_slice %arg16[%add3A_18, %dma_start3A_110] : memref<10000x128xf32, #tpu.memory_space<vmem_shared>> -> memref<16x128xf32, #tpu.memory_space<vmem_shared>>
      tpu.enqueue_dma source(%arg15 : memref<16x128xf32, #tpu.memory_space<vmem>>) target(%dma_start3A_111 : memref<16x128xf32, #tpu.memory_space<vmem_shared>>) target_semaphore(%run_scoped3A : memref<!tpu.dma_semaphore, #tpu.memory_space<semaphore_mem>>)
      %dma_wait3A = arith.constant 0 : i32
      %dma_wait3A_112 = tpu.memref_slice %arg16[%add3A_18, %dma_wait3A] : memref<10000x128xf32, #tpu.memory_space<vmem_shared>> -> memref<16x128xf32, #tpu.memory_space<vmem_shared>>
      %dma_wait3A_113 = arith.constant 0 : i32
      %dma_wait3A_114 = tpu.memref_slice %arg16[%add3A_18, %dma_wait3A_113] : memref<10000x128xf32, #tpu.memory_space<vmem_shared>> -> memref<16x128xf32, #tpu.memory_space<vmem_shared>>
      tpu.wait_dma2 semaphore(%run_scoped3A : memref<!tpu.dma_semaphore, #tpu.memory_space<semaphore_mem>>) src(%arg15 : memref<16x128xf32, #tpu.memory_space<vmem>>) dst(%dma_wait3A_114 : memref<16x128xf32, #tpu.memory_space<vmem_shared>>)
      tpu.yield
    }) : () -> ()
    %add3A_19 = arith.constant 80 : i32
    %add3A_20 = arith.addi %mul3A_8, %add3A_19 : i32
    "tpu.region"() ({
      %run_scoped3A = tpu.sem_alloc : memref<!tpu.dma_semaphore, #tpu.memory_space<semaphore_mem>>
      %dma_start3A = arith.constant 0 : i32
      %dma_start3A_109 = tpu.memref_slice %arg16[%add3A_20, %dma_start3A] : memref<10000x128xf32, #tpu.memory_space<vmem_shared>> -> memref<16x128xf32, #tpu.memory_space<vmem_shared>>
      %dma_start3A_110 = arith.constant 0 : i32
      %dma_start3A_111 = tpu.memref_slice %arg16[%add3A_20, %dma_start3A_110] : memref<10000x128xf32, #tpu.memory_space<vmem_shared>> -> memref<16x128xf32, #tpu.memory_space<vmem_shared>>
      tpu.enqueue_dma source(%arg15 : memref<16x128xf32, #tpu.memory_space<vmem>>) target(%dma_start3A_111 : memref<16x128xf32, #tpu.memory_space<vmem_shared>>) target_semaphore(%run_scoped3A : memref<!tpu.dma_semaphore, #tpu.memory_space<semaphore_mem>>)
      %dma_wait3A = arith.constant 0 : i32
      %dma_wait3A_112 = tpu.memref_slice %arg16[%add3A_20, %dma_wait3A] : memref<10000x128xf32, #tpu.memory_space<vmem_shared>> -> memref<16x128xf32, #tpu.memory_space<vmem_shared>>
      %dma_wait3A_113 = arith.constant 0 : i32
      %dma_wait3A_114 = tpu.memref_slice %arg16[%add3A_20, %dma_wait3A_113] : memref<10000x128xf32, #tpu.memory_space<vmem_shared>> -> memref<16x128xf32, #tpu.memory_space<vmem_shared>>
      tpu.wait_dma2 semaphore(%run_scoped3A : memref<!tpu.dma_semaphore, #tpu.memory_space<semaphore_mem>>) src(%arg15 : memref<16x128xf32, #tpu.memory_space<vmem>>) dst(%dma_wait3A_114 : memref<16x128xf32, #tpu.memory_space<vmem_shared>>)
      tpu.yield
    }) : () -> ()
    %add3A_21 = arith.constant 96 : i32
    %add3A_22 = arith.addi %mul3A_8, %add3A_21 : i32
    "tpu.region"() ({
      %run_scoped3A = tpu.sem_alloc : memref<!tpu.dma_semaphore, #tpu.memory_space<semaphore_mem>>
      %dma_start3A = arith.constant 0 : i32
      %dma_start3A_109 = tpu.memref_slice %arg16[%add3A_22, %dma_start3A] : memref<10000x128xf32, #tpu.memory_space<vmem_shared>> -> memref<16x128xf32, #tpu.memory_space<vmem_shared>>
      %dma_start3A_110 = arith.constant 0 : i32
      %dma_start3A_111 = tpu.memref_slice %arg16[%add3A_22, %dma_start3A_110] : memref<10000x128xf32, #tpu.memory_space<vmem_shared>> -> memref<16x128xf32, #tpu.memory_space<vmem_shared>>
      tpu.enqueue_dma source(%arg15 : memref<16x128xf32, #tpu.memory_space<vmem>>) target(%dma_start3A_111 : memref<16x128xf32, #tpu.memory_space<vmem_shared>>) target_semaphore(%run_scoped3A : memref<!tpu.dma_semaphore, #tpu.memory_space<semaphore_mem>>)
      %dma_wait3A = arith.constant 0 : i32
      %dma_wait3A_112 = tpu.memref_slice %arg16[%add3A_22, %dma_wait3A] : memref<10000x128xf32, #tpu.memory_space<vmem_shared>> -> memref<16x128xf32, #tpu.memory_space<vmem_shared>>
      %dma_wait3A_113 = arith.constant 0 : i32
      %dma_wait3A_114 = tpu.memref_slice %arg16[%add3A_22, %dma_wait3A_113] : memref<10000x128xf32, #tpu.memory_space<vmem_shared>> -> memref<16x128xf32, #tpu.memory_space<vmem_shared>>
      tpu.wait_dma2 semaphore(%run_scoped3A : memref<!tpu.dma_semaphore, #tpu.memory_space<semaphore_mem>>) src(%arg15 : memref<16x128xf32, #tpu.memory_space<vmem>>) dst(%dma_wait3A_114 : memref<16x128xf32, #tpu.memory_space<vmem_shared>>)
      tpu.yield
    }) : () -> ()
    %add3A_23 = arith.constant 112 : i32
    %add3A_24 = arith.addi %mul3A_8, %add3A_23 : i32
    "tpu.region"() ({
      %run_scoped3A = tpu.sem_alloc : memref<!tpu.dma_semaphore, #tpu.memory_space<semaphore_mem>>
      %dma_start3A = arith.constant 0 : i32
      %dma_start3A_109 = tpu.memref_slice %arg16[%add3A_24, %dma_start3A] : memref<10000x128xf32, #tpu.memory_space<vmem_shared>> -> memref<16x128xf32, #tpu.memory_space<vmem_shared>>
      %dma_start3A_110 = arith.constant 0 : i32
      %dma_start3A_111 = tpu.memref_slice %arg16[%add3A_24, %dma_start3A_110] : memref<10000x128xf32, #tpu.memory_space<vmem_shared>> -> memref<16x128xf32, #tpu.memory_space<vmem_shared>>
      tpu.enqueue_dma source(%arg15 : memref<16x128xf32, #tpu.memory_space<vmem>>) target(%dma_start3A_111 : memref<16x128xf32, #tpu.memory_space<vmem_shared>>) target_semaphore(%run_scoped3A : memref<!tpu.dma_semaphore, #tpu.memory_space<semaphore_mem>>)
      %dma_wait3A = arith.constant 0 : i32
      %dma_wait3A_112 = tpu.memref_slice %arg16[%add3A_24, %dma_wait3A] : memref<10000x128xf32, #tpu.memory_space<vmem_shared>> -> memref<16x128xf32, #tpu.memory_space<vmem_shared>>
      %dma_wait3A_113 = arith.constant 0 : i32
      %dma_wait3A_114 = tpu.memref_slice %arg16[%add3A_24, %dma_wait3A_113] : memref<10000x128xf32, #tpu.memory_space<vmem_shared>> -> memref<16x128xf32, #tpu.memory_space<vmem_shared>>
      tpu.wait_dma2 semaphore(%run_scoped3A : memref<!tpu.dma_semaphore, #tpu.memory_space<semaphore_mem>>) src(%arg15 : memref<16x128xf32, #tpu.memory_space<vmem>>) dst(%dma_wait3A_114 : memref<16x128xf32, #tpu.memory_space<vmem_shared>>)
      tpu.yield
    }) : () -> ()
    %add3A_25 = arith.constant 128 : i32
    %add3A_26 = arith.addi %mul3A_8, %add3A_25 : i32
    "tpu.region"() ({
      %run_scoped3A = tpu.sem_alloc : memref<!tpu.dma_semaphore, #tpu.memory_space<semaphore_mem>>
      %dma_start3A = arith.constant 0 : i32
      %dma_start3A_109 = tpu.memref_slice %arg16[%add3A_26, %dma_start3A] : memref<10000x128xf32, #tpu.memory_space<vmem_shared>> -> memref<16x128xf32, #tpu.memory_space<vmem_shared>>
      %dma_start3A_110 = arith.constant 0 : i32
      %dma_start3A_111 = tpu.memref_slice %arg16[%add3A_26, %dma_start3A_110] : memref<10000x128xf32, #tpu.memory_space<vmem_shared>> -> memref<16x128xf32, #tpu.memory_space<vmem_shared>>
      tpu.enqueue_dma source(%arg15 : memref<16x128xf32, #tpu.memory_space<vmem>>) target(%dma_start3A_111 : memref<16x128xf32, #tpu.memory_space<vmem_shared>>) target_semaphore(%run_scoped3A : memref<!tpu.dma_semaphore, #tpu.memory_space<semaphore_mem>>)
      %dma_wait3A = arith.constant 0 : i32
      %dma_wait3A_112 = tpu.memref_slice %arg16[%add3A_26, %dma_wait3A] : memref<10000x128xf32, #tpu.memory_space<vmem_shared>> -> memref<16x128xf32, #tpu.memory_space<vmem_shared>>
      %dma_wait3A_113 = arith.constant 0 : i32
      %dma_wait3A_114 = tpu.memref_slice %arg16[%add3A_26, %dma_wait3A_113] : memref<10000x128xf32, #tpu.memory_space<vmem_shared>> -> memref<16x128xf32, #tpu.memory_space<vmem_shared>>
      tpu.wait_dma2 semaphore(%run_scoped3A : memref<!tpu.dma_semaphore, #tpu.memory_space<semaphore_mem>>) src(%arg15 : memref<16x128xf32, #tpu.memory_space<vmem>>) dst(%dma_wait3A_114 : memref<16x128xf32, #tpu.memory_space<vmem_shared>>)
      tpu.yield
    }) : () -> ()
    %add3A_27 = arith.constant 144 : i32
    %add3A_28 = arith.addi %mul3A_8, %add3A_27 : i32
    "tpu.region"() ({
      %run_scoped3A = tpu.sem_alloc : memref<!tpu.dma_semaphore, #tpu.memory_space<semaphore_mem>>
      %dma_start3A = arith.constant 0 : i32
      %dma_start3A_109 = tpu.memref_slice %arg16[%add3A_28, %dma_start3A] : memref<10000x128xf32, #tpu.memory_space<vmem_shared>> -> memref<16x128xf32, #tpu.memory_space<vmem_shared>>
      %dma_start3A_110 = arith.constant 0 : i32
      %dma_start3A_111 = tpu.memref_slice %arg16[%add3A_28, %dma_start3A_110] : memref<10000x128xf32, #tpu.memory_space<vmem_shared>> -> memref<16x128xf32, #tpu.memory_space<vmem_shared>>
      tpu.enqueue_dma source(%arg15 : memref<16x128xf32, #tpu.memory_space<vmem>>) target(%dma_start3A_111 : memref<16x128xf32, #tpu.memory_space<vmem_shared>>) target_semaphore(%run_scoped3A : memref<!tpu.dma_semaphore, #tpu.memory_space<semaphore_mem>>)
      %dma_wait3A = arith.constant 0 : i32
      %dma_wait3A_112 = tpu.memref_slice %arg16[%add3A_28, %dma_wait3A] : memref<10000x128xf32, #tpu.memory_space<vmem_shared>> -> memref<16x128xf32, #tpu.memory_space<vmem_shared>>
      %dma_wait3A_113 = arith.constant 0 : i32
      %dma_wait3A_114 = tpu.memref_slice %arg16[%add3A_28, %dma_wait3A_113] : memref<10000x128xf32, #tpu.memory_space<vmem_shared>> -> memref<16x128xf32, #tpu.memory_space<vmem_shared>>
      tpu.wait_dma2 semaphore(%run_scoped3A : memref<!tpu.dma_semaphore, #tpu.memory_space<semaphore_mem>>) src(%arg15 : memref<16x128xf32, #tpu.memory_space<vmem>>) dst(%dma_wait3A_114 : memref<16x128xf32, #tpu.memory_space<vmem_shared>>)
      tpu.yield
    }) : () -> ()
    %add3A_29 = arith.constant 160 : i32
    %add3A_30 = arith.addi %mul3A_8, %add3A_29 : i32
    "tpu.region"() ({
      %run_scoped3A = tpu.sem_alloc : memref<!tpu.dma_semaphore, #tpu.memory_space<semaphore_mem>>
      %dma_start3A = arith.constant 0 : i32
      %dma_start3A_109 = tpu.memref_slice %arg16[%add3A_30, %dma_start3A] : memref<10000x128xf32, #tpu.memory_space<vmem_shared>> -> memref<16x128xf32, #tpu.memory_space<vmem_shared>>
      %dma_start3A_110 = arith.constant 0 : i32
      %dma_start3A_111 = tpu.memref_slice %arg16[%add3A_30, %dma_start3A_110] : memref<10000x128xf32, #tpu.memory_space<vmem_shared>> -> memref<16x128xf32, #tpu.memory_space<vmem_shared>>
      tpu.enqueue_dma source(%arg15 : memref<16x128xf32, #tpu.memory_space<vmem>>) target(%dma_start3A_111 : memref<16x128xf32, #tpu.memory_space<vmem_shared>>) target_semaphore(%run_scoped3A : memref<!tpu.dma_semaphore, #tpu.memory_space<semaphore_mem>>)
      %dma_wait3A = arith.constant 0 : i32
      %dma_wait3A_112 = tpu.memref_slice %arg16[%add3A_30, %dma_wait3A] : memref<10000x128xf32, #tpu.memory_space<vmem_shared>> -> memref<16x128xf32, #tpu.memory_space<vmem_shared>>
      %dma_wait3A_113 = arith.constant 0 : i32
      %dma_wait3A_114 = tpu.memref_slice %arg16[%add3A_30, %dma_wait3A_113] : memref<10000x128xf32, #tpu.memory_space<vmem_shared>> -> memref<16x128xf32, #tpu.memory_space<vmem_shared>>
      tpu.wait_dma2 semaphore(%run_scoped3A : memref<!tpu.dma_semaphore, #tpu.memory_space<semaphore_mem>>) src(%arg15 : memref<16x128xf32, #tpu.memory_space<vmem>>) dst(%dma_wait3A_114 : memref<16x128xf32, #tpu.memory_space<vmem_shared>>)
      tpu.yield
    }) : () -> ()
    %add3A_31 = arith.constant 176 : i32
    %add3A_32 = arith.addi %mul3A_8, %add3A_31 : i32
    "tpu.region"() ({
      %run_scoped3A = tpu.sem_alloc : memref<!tpu.dma_semaphore, #tpu.memory_space<semaphore_mem>>
      %dma_start3A = arith.constant 0 : i32
      %dma_start3A_109 = tpu.memref_slice %arg16[%add3A_32, %dma_start3A] : memref<10000x128xf32, #tpu.memory_space<vmem_shared>> -> memref<16x128xf32, #tpu.memory_space<vmem_shared>>
      %dma_start3A_110 = arith.constant 0 : i32
      %dma_start3A_111 = tpu.memref_slice %arg16[%add3A_32, %dma_start3A_110] : memref<10000x128xf32, #tpu.memory_space<vmem_shared>> -> memref<16x128xf32, #tpu.memory_space<vmem_shared>>
      tpu.enqueue_dma source(%arg15 : memref<16x128xf32, #tpu.memory_space<vmem>>) target(%dma_start3A_111 : memref<16x128xf32, #tpu.memory_space<vmem_shared>>) target_semaphore(%run_scoped3A : memref<!tpu.dma_semaphore, #tpu.memory_space<semaphore_mem>>)
      %dma_wait3A = arith.constant 0 : i32
      %dma_wait3A_112 = tpu.memref_slice %arg16[%add3A_32, %dma_wait3A] : memref<10000x128xf32, #tpu.memory_space<vmem_shared>> -> memref<16x128xf32, #tpu.memory_space<vmem_shared>>
      %dma_wait3A_113 = arith.constant 0 : i32
      %dma_wait3A_114 = tpu.memref_slice %arg16[%add3A_32, %dma_wait3A_113] : memref<10000x128xf32, #tpu.memory_space<vmem_shared>> -> memref<16x128xf32, #tpu.memory_space<vmem_shared>>
      tpu.wait_dma2 semaphore(%run_scoped3A : memref<!tpu.dma_semaphore, #tpu.memory_space<semaphore_mem>>) src(%arg15 : memref<16x128xf32, #tpu.memory_space<vmem>>) dst(%dma_wait3A_114 : memref<16x128xf32, #tpu.memory_space<vmem_shared>>)
      tpu.yield
    }) : () -> ()
    %add3A_33 = arith.constant 192 : i32
    %add3A_34 = arith.addi %mul3A_8, %add3A_33 : i32
    "tpu.region"() ({
      %run_scoped3A = tpu.sem_alloc : memref<!tpu.dma_semaphore, #tpu.memory_space<semaphore_mem>>
      %dma_start3A = arith.constant 0 : i32
      %dma_start3A_109 = tpu.memref_slice %arg16[%add3A_34, %dma_start3A] : memref<10000x128xf32, #tpu.memory_space<vmem_shared>> -> memref<16x128xf32, #tpu.memory_space<vmem_shared>>
      %dma_start3A_110 = arith.constant 0 : i32
      %dma_start3A_111 = tpu.memref_slice %arg16[%add3A_34, %dma_start3A_110] : memref<10000x128xf32, #tpu.memory_space<vmem_shared>> -> memref<16x128xf32, #tpu.memory_space<vmem_shared>>
      tpu.enqueue_dma source(%arg15 : memref<16x128xf32, #tpu.memory_space<vmem>>) target(%dma_start3A_111 : memref<16x128xf32, #tpu.memory_space<vmem_shared>>) target_semaphore(%run_scoped3A : memref<!tpu.dma_semaphore, #tpu.memory_space<semaphore_mem>>)
      %dma_wait3A = arith.constant 0 : i32
      %dma_wait3A_112 = tpu.memref_slice %arg16[%add3A_34, %dma_wait3A] : memref<10000x128xf32, #tpu.memory_space<vmem_shared>> -> memref<16x128xf32, #tpu.memory_space<vmem_shared>>
      %dma_wait3A_113 = arith.constant 0 : i32
      %dma_wait3A_114 = tpu.memref_slice %arg16[%add3A_34, %dma_wait3A_113] : memref<10000x128xf32, #tpu.memory_space<vmem_shared>> -> memref<16x128xf32, #tpu.memory_space<vmem_shared>>
      tpu.wait_dma2 semaphore(%run_scoped3A : memref<!tpu.dma_semaphore, #tpu.memory_space<semaphore_mem>>) src(%arg15 : memref<16x128xf32, #tpu.memory_space<vmem>>) dst(%dma_wait3A_114 : memref<16x128xf32, #tpu.memory_space<vmem_shared>>)
      tpu.yield
    }) : () -> ()
    %add3A_35 = arith.constant 208 : i32
    %add3A_36 = arith.addi %mul3A_8, %add3A_35 : i32
    "tpu.region"() ({
      %run_scoped3A = tpu.sem_alloc : memref<!tpu.dma_semaphore, #tpu.memory_space<semaphore_mem>>
      %dma_start3A = arith.constant 0 : i32
      %dma_start3A_109 = tpu.memref_slice %arg16[%add3A_36, %dma_start3A] : memref<10000x128xf32, #tpu.memory_space<vmem_shared>> -> memref<16x128xf32, #tpu.memory_space<vmem_shared>>
      %dma_start3A_110 = arith.constant 0 : i32
      %dma_start3A_111 = tpu.memref_slice %arg16[%add3A_36, %dma_start3A_110] : memref<10000x128xf32, #tpu.memory_space<vmem_shared>> -> memref<16x128xf32, #tpu.memory_space<vmem_shared>>
      tpu.enqueue_dma source(%arg15 : memref<16x128xf32, #tpu.memory_space<vmem>>) target(%dma_start3A_111 : memref<16x128xf32, #tpu.memory_space<vmem_shared>>) target_semaphore(%run_scoped3A : memref<!tpu.dma_semaphore, #tpu.memory_space<semaphore_mem>>)
      %dma_wait3A = arith.constant 0 : i32
      %dma_wait3A_112 = tpu.memref_slice %arg16[%add3A_36, %dma_wait3A] : memref<10000x128xf32, #tpu.memory_space<vmem_shared>> -> memref<16x128xf32, #tpu.memory_space<vmem_shared>>
      %dma_wait3A_113 = arith.constant 0 : i32
      %dma_wait3A_114 = tpu.memref_slice %arg16[%add3A_36, %dma_wait3A_113] : memref<10000x128xf32, #tpu.memory_space<vmem_shared>> -> memref<16x128xf32, #tpu.memory_space<vmem_shared>>
      tpu.wait_dma2 semaphore(%run_scoped3A : memref<!tpu.dma_semaphore, #tpu.memory_space<semaphore_mem>>) src(%arg15 : memref<16x128xf32, #tpu.memory_space<vmem>>) dst(%dma_wait3A_114 : memref<16x128xf32, #tpu.memory_space<vmem_shared>>)
      tpu.yield
    }) : () -> ()
    %add3A_37 = arith.constant 224 : i32
    %add3A_38 = arith.addi %mul3A_8, %add3A_37 : i32
    "tpu.region"() ({
      %run_scoped3A = tpu.sem_alloc : memref<!tpu.dma_semaphore, #tpu.memory_space<semaphore_mem>>
      %dma_start3A = arith.constant 0 : i32
      %dma_start3A_109 = tpu.memref_slice %arg16[%add3A_38, %dma_start3A] : memref<10000x128xf32, #tpu.memory_space<vmem_shared>> -> memref<16x128xf32, #tpu.memory_space<vmem_shared>>
      %dma_start3A_110 = arith.constant 0 : i32
      %dma_start3A_111 = tpu.memref_slice %arg16[%add3A_38, %dma_start3A_110] : memref<10000x128xf32, #tpu.memory_space<vmem_shared>> -> memref<16x128xf32, #tpu.memory_space<vmem_shared>>
      tpu.enqueue_dma source(%arg15 : memref<16x128xf32, #tpu.memory_space<vmem>>) target(%dma_start3A_111 : memref<16x128xf32, #tpu.memory_space<vmem_shared>>) target_semaphore(%run_scoped3A : memref<!tpu.dma_semaphore, #tpu.memory_space<semaphore_mem>>)
      %dma_wait3A = arith.constant 0 : i32
      %dma_wait3A_112 = tpu.memref_slice %arg16[%add3A_38, %dma_wait3A] : memref<10000x128xf32, #tpu.memory_space<vmem_shared>> -> memref<16x128xf32, #tpu.memory_space<vmem_shared>>
      %dma_wait3A_113 = arith.constant 0 : i32
      %dma_wait3A_114 = tpu.memref_slice %arg16[%add3A_38, %dma_wait3A_113] : memref<10000x128xf32, #tpu.memory_space<vmem_shared>> -> memref<16x128xf32, #tpu.memory_space<vmem_shared>>
      tpu.wait_dma2 semaphore(%run_scoped3A : memref<!tpu.dma_semaphore, #tpu.memory_space<semaphore_mem>>) src(%arg15 : memref<16x128xf32, #tpu.memory_space<vmem>>) dst(%dma_wait3A_114 : memref<16x128xf32, #tpu.memory_space<vmem_shared>>)
      tpu.yield
    }) : () -> ()
    %add3A_39 = arith.constant 240 : i32
    %add3A_40 = arith.addi %mul3A_8, %add3A_39 : i32
    "tpu.region"() ({
      %run_scoped3A = tpu.sem_alloc : memref<!tpu.dma_semaphore, #tpu.memory_space<semaphore_mem>>
      %dma_start3A = arith.constant 0 : i32
      %dma_start3A_109 = tpu.memref_slice %arg16[%add3A_40, %dma_start3A] : memref<10000x128xf32, #tpu.memory_space<vmem_shared>> -> memref<16x128xf32, #tpu.memory_space<vmem_shared>>
      %dma_start3A_110 = arith.constant 0 : i32
      %dma_start3A_111 = tpu.memref_slice %arg16[%add3A_40, %dma_start3A_110] : memref<10000x128xf32, #tpu.memory_space<vmem_shared>> -> memref<16x128xf32, #tpu.memory_space<vmem_shared>>
      tpu.enqueue_dma source(%arg15 : memref<16x128xf32, #tpu.memory_space<vmem>>) target(%dma_start3A_111 : memref<16x128xf32, #tpu.memory_space<vmem_shared>>) target_semaphore(%run_scoped3A : memref<!tpu.dma_semaphore, #tpu.memory_space<semaphore_mem>>)
      %dma_wait3A = arith.constant 0 : i32
      %dma_wait3A_112 = tpu.memref_slice %arg16[%add3A_40, %dma_wait3A] : memref<10000x128xf32, #tpu.memory_space<vmem_shared>> -> memref<16x128xf32, #tpu.memory_space<vmem_shared>>
      %dma_wait3A_113 = arith.constant 0 : i32
      %dma_wait3A_114 = tpu.memref_slice %arg16[%add3A_40, %dma_wait3A_113] : memref<10000x128xf32, #tpu.memory_space<vmem_shared>> -> memref<16x128xf32, #tpu.memory_space<vmem_shared>>
      tpu.wait_dma2 semaphore(%run_scoped3A : memref<!tpu.dma_semaphore, #tpu.memory_space<semaphore_mem>>) src(%arg15 : memref<16x128xf32, #tpu.memory_space<vmem>>) dst(%dma_wait3A_114 : memref<16x128xf32, #tpu.memory_space<vmem_shared>>)
      tpu.yield
    }) : () -> ()
    %add3A_41 = arith.constant 256 : i32
    %add3A_42 = arith.addi %mul3A_8, %add3A_41 : i32
    "tpu.region"() ({
      %run_scoped3A = tpu.sem_alloc : memref<!tpu.dma_semaphore, #tpu.memory_space<semaphore_mem>>
      %dma_start3A = arith.constant 0 : i32
      %dma_start3A_109 = tpu.memref_slice %arg16[%add3A_42, %dma_start3A] : memref<10000x128xf32, #tpu.memory_space<vmem_shared>> -> memref<16x128xf32, #tpu.memory_space<vmem_shared>>
      %dma_start3A_110 = arith.constant 0 : i32
      %dma_start3A_111 = tpu.memref_slice %arg16[%add3A_42, %dma_start3A_110] : memref<10000x128xf32, #tpu.memory_space<vmem_shared>> -> memref<16x128xf32, #tpu.memory_space<vmem_shared>>
      tpu.enqueue_dma source(%arg15 : memref<16x128xf32, #tpu.memory_space<vmem>>) target(%dma_start3A_111 : memref<16x128xf32, #tpu.memory_space<vmem_shared>>) target_semaphore(%run_scoped3A : memref<!tpu.dma_semaphore, #tpu.memory_space<semaphore_mem>>)
      %dma_wait3A = arith.constant 0 : i32
      %dma_wait3A_112 = tpu.memref_slice %arg16[%add3A_42, %dma_wait3A] : memref<10000x128xf32, #tpu.memory_space<vmem_shared>> -> memref<16x128xf32, #tpu.memory_space<vmem_shared>>
      %dma_wait3A_113 = arith.constant 0 : i32
      %dma_wait3A_114 = tpu.memref_slice %arg16[%add3A_42, %dma_wait3A_113] : memref<10000x128xf32, #tpu.memory_space<vmem_shared>> -> memref<16x128xf32, #tpu.memory_space<vmem_shared>>
      tpu.wait_dma2 semaphore(%run_scoped3A : memref<!tpu.dma_semaphore, #tpu.memory_space<semaphore_mem>>) src(%arg15 : memref<16x128xf32, #tpu.memory_space<vmem>>) dst(%dma_wait3A_114 : memref<16x128xf32, #tpu.memory_space<vmem_shared>>)
      tpu.yield
    }) : () -> ()
    %add3A_43 = arith.constant 272 : i32
    %add3A_44 = arith.addi %mul3A_8, %add3A_43 : i32
    "tpu.region"() ({
      %run_scoped3A = tpu.sem_alloc : memref<!tpu.dma_semaphore, #tpu.memory_space<semaphore_mem>>
      %dma_start3A = arith.constant 0 : i32
      %dma_start3A_109 = tpu.memref_slice %arg16[%add3A_44, %dma_start3A] : memref<10000x128xf32, #tpu.memory_space<vmem_shared>> -> memref<16x128xf32, #tpu.memory_space<vmem_shared>>
      %dma_start3A_110 = arith.constant 0 : i32
      %dma_start3A_111 = tpu.memref_slice %arg16[%add3A_44, %dma_start3A_110] : memref<10000x128xf32, #tpu.memory_space<vmem_shared>> -> memref<16x128xf32, #tpu.memory_space<vmem_shared>>
      tpu.enqueue_dma source(%arg15 : memref<16x128xf32, #tpu.memory_space<vmem>>) target(%dma_start3A_111 : memref<16x128xf32, #tpu.memory_space<vmem_shared>>) target_semaphore(%run_scoped3A : memref<!tpu.dma_semaphore, #tpu.memory_space<semaphore_mem>>)
      %dma_wait3A = arith.constant 0 : i32
      %dma_wait3A_112 = tpu.memref_slice %arg16[%add3A_44, %dma_wait3A] : memref<10000x128xf32, #tpu.memory_space<vmem_shared>> -> memref<16x128xf32, #tpu.memory_space<vmem_shared>>
      %dma_wait3A_113 = arith.constant 0 : i32
      %dma_wait3A_114 = tpu.memref_slice %arg16[%add3A_44, %dma_wait3A_113] : memref<10000x128xf32, #tpu.memory_space<vmem_shared>> -> memref<16x128xf32, #tpu.memory_space<vmem_shared>>
      tpu.wait_dma2 semaphore(%run_scoped3A : memref<!tpu.dma_semaphore, #tpu.memory_space<semaphore_mem>>) src(%arg15 : memref<16x128xf32, #tpu.memory_space<vmem>>) dst(%dma_wait3A_114 : memref<16x128xf32, #tpu.memory_space<vmem_shared>>)
      tpu.yield
    }) : () -> ()
    %add3A_45 = arith.constant 288 : i32
    %add3A_46 = arith.addi %mul3A_8, %add3A_45 : i32
    "tpu.region"() ({
      %run_scoped3A = tpu.sem_alloc : memref<!tpu.dma_semaphore, #tpu.memory_space<semaphore_mem>>
      %dma_start3A = arith.constant 0 : i32
      %dma_start3A_109 = tpu.memref_slice %arg16[%add3A_46, %dma_start3A] : memref<10000x128xf32, #tpu.memory_space<vmem_shared>> -> memref<16x128xf32, #tpu.memory_space<vmem_shared>>
      %dma_start3A_110 = arith.constant 0 : i32
      %dma_start3A_111 = tpu.memref_slice %arg16[%add3A_46, %dma_start3A_110] : memref<10000x128xf32, #tpu.memory_space<vmem_shared>> -> memref<16x128xf32, #tpu.memory_space<vmem_shared>>
      tpu.enqueue_dma source(%arg15 : memref<16x128xf32, #tpu.memory_space<vmem>>) target(%dma_start3A_111 : memref<16x128xf32, #tpu.memory_space<vmem_shared>>) target_semaphore(%run_scoped3A : memref<!tpu.dma_semaphore, #tpu.memory_space<semaphore_mem>>)
      %dma_wait3A = arith.constant 0 : i32
      %dma_wait3A_112 = tpu.memref_slice %arg16[%add3A_46, %dma_wait3A] : memref<10000x128xf32, #tpu.memory_space<vmem_shared>> -> memref<16x128xf32, #tpu.memory_space<vmem_shared>>
      %dma_wait3A_113 = arith.constant 0 : i32
      %dma_wait3A_114 = tpu.memref_slice %arg16[%add3A_46, %dma_wait3A_113] : memref<10000x128xf32, #tpu.memory_space<vmem_shared>> -> memref<16x128xf32, #tpu.memory_space<vmem_shared>>
      tpu.wait_dma2 semaphore(%run_scoped3A : memref<!tpu.dma_semaphore, #tpu.memory_space<semaphore_mem>>) src(%arg15 : memref<16x128xf32, #tpu.memory_space<vmem>>) dst(%dma_wait3A_114 : memref<16x128xf32, #tpu.memory_space<vmem_shared>>)
      tpu.yield
    }) : () -> ()
    %add3A_47 = arith.constant 304 : i32
    %add3A_48 = arith.addi %mul3A_8, %add3A_47 : i32
    "tpu.region"() ({
      %run_scoped3A = tpu.sem_alloc : memref<!tpu.dma_semaphore, #tpu.memory_space<semaphore_mem>>
      %dma_start3A = arith.constant 0 : i32
      %dma_start3A_109 = tpu.memref_slice %arg16[%add3A_48, %dma_start3A] : memref<10000x128xf32, #tpu.memory_space<vmem_shared>> -> memref<16x128xf32, #tpu.memory_space<vmem_shared>>
      %dma_start3A_110 = arith.constant 0 : i32
      %dma_start3A_111 = tpu.memref_slice %arg16[%add3A_48, %dma_start3A_110] : memref<10000x128xf32, #tpu.memory_space<vmem_shared>> -> memref<16x128xf32, #tpu.memory_space<vmem_shared>>
      tpu.enqueue_dma source(%arg15 : memref<16x128xf32, #tpu.memory_space<vmem>>) target(%dma_start3A_111 : memref<16x128xf32, #tpu.memory_space<vmem_shared>>) target_semaphore(%run_scoped3A : memref<!tpu.dma_semaphore, #tpu.memory_space<semaphore_mem>>)
      %dma_wait3A = arith.constant 0 : i32
      %dma_wait3A_112 = tpu.memref_slice %arg16[%add3A_48, %dma_wait3A] : memref<10000x128xf32, #tpu.memory_space<vmem_shared>> -> memref<16x128xf32, #tpu.memory_space<vmem_shared>>
      %dma_wait3A_113 = arith.constant 0 : i32
      %dma_wait3A_114 = tpu.memref_slice %arg16[%add3A_48, %dma_wait3A_113] : memref<10000x128xf32, #tpu.memory_space<vmem_shared>> -> memref<16x128xf32, #tpu.memory_space<vmem_shared>>
      tpu.wait_dma2 semaphore(%run_scoped3A : memref<!tpu.dma_semaphore, #tpu.memory_space<semaphore_mem>>) src(%arg15 : memref<16x128xf32, #tpu.memory_space<vmem>>) dst(%dma_wait3A_114 : memref<16x128xf32, #tpu.memory_space<vmem_shared>>)
      tpu.yield
    }) : () -> ()
    %add3A_49 = arith.constant 320 : i32
    %add3A_50 = arith.addi %mul3A_8, %add3A_49 : i32
    "tpu.region"() ({
      %run_scoped3A = tpu.sem_alloc : memref<!tpu.dma_semaphore, #tpu.memory_space<semaphore_mem>>
      %dma_start3A = arith.constant 0 : i32
      %dma_start3A_109 = tpu.memref_slice %arg16[%add3A_50, %dma_start3A] : memref<10000x128xf32, #tpu.memory_space<vmem_shared>> -> memref<16x128xf32, #tpu.memory_space<vmem_shared>>
      %dma_start3A_110 = arith.constant 0 : i32
      %dma_start3A_111 = tpu.memref_slice %arg16[%add3A_50, %dma_start3A_110] : memref<10000x128xf32, #tpu.memory_space<vmem_shared>> -> memref<16x128xf32, #tpu.memory_space<vmem_shared>>
      tpu.enqueue_dma source(%arg15 : memref<16x128xf32, #tpu.memory_space<vmem>>) target(%dma_start3A_111 : memref<16x128xf32, #tpu.memory_space<vmem_shared>>) target_semaphore(%run_scoped3A : memref<!tpu.dma_semaphore, #tpu.memory_space<semaphore_mem>>)
      %dma_wait3A = arith.constant 0 : i32
      %dma_wait3A_112 = tpu.memref_slice %arg16[%add3A_50, %dma_wait3A] : memref<10000x128xf32, #tpu.memory_space<vmem_shared>> -> memref<16x128xf32, #tpu.memory_space<vmem_shared>>
      %dma_wait3A_113 = arith.constant 0 : i32
      %dma_wait3A_114 = tpu.memref_slice %arg16[%add3A_50, %dma_wait3A_113] : memref<10000x128xf32, #tpu.memory_space<vmem_shared>> -> memref<16x128xf32, #tpu.memory_space<vmem_shared>>
      tpu.wait_dma2 semaphore(%run_scoped3A : memref<!tpu.dma_semaphore, #tpu.memory_space<semaphore_mem>>) src(%arg15 : memref<16x128xf32, #tpu.memory_space<vmem>>) dst(%dma_wait3A_114 : memref<16x128xf32, #tpu.memory_space<vmem_shared>>)
      tpu.yield
    }) : () -> ()
    %add3A_51 = arith.constant 336 : i32
    %add3A_52 = arith.addi %mul3A_8, %add3A_51 : i32
    "tpu.region"() ({
      %run_scoped3A = tpu.sem_alloc : memref<!tpu.dma_semaphore, #tpu.memory_space<semaphore_mem>>
      %dma_start3A = arith.constant 0 : i32
      %dma_start3A_109 = tpu.memref_slice %arg16[%add3A_52, %dma_start3A] : memref<10000x128xf32, #tpu.memory_space<vmem_shared>> -> memref<16x128xf32, #tpu.memory_space<vmem_shared>>
      %dma_start3A_110 = arith.constant 0 : i32
      %dma_start3A_111 = tpu.memref_slice %arg16[%add3A_52, %dma_start3A_110] : memref<10000x128xf32, #tpu.memory_space<vmem_shared>> -> memref<16x128xf32, #tpu.memory_space<vmem_shared>>
      tpu.enqueue_dma source(%arg15 : memref<16x128xf32, #tpu.memory_space<vmem>>) target(%dma_start3A_111 : memref<16x128xf32, #tpu.memory_space<vmem_shared>>) target_semaphore(%run_scoped3A : memref<!tpu.dma_semaphore, #tpu.memory_space<semaphore_mem>>)
      %dma_wait3A = arith.constant 0 : i32
      %dma_wait3A_112 = tpu.memref_slice %arg16[%add3A_52, %dma_wait3A] : memref<10000x128xf32, #tpu.memory_space<vmem_shared>> -> memref<16x128xf32, #tpu.memory_space<vmem_shared>>
      %dma_wait3A_113 = arith.constant 0 : i32
      %dma_wait3A_114 = tpu.memref_slice %arg16[%add3A_52, %dma_wait3A_113] : memref<10000x128xf32, #tpu.memory_space<vmem_shared>> -> memref<16x128xf32, #tpu.memory_space<vmem_shared>>
      tpu.wait_dma2 semaphore(%run_scoped3A : memref<!tpu.dma_semaphore, #tpu.memory_space<semaphore_mem>>) src(%arg15 : memref<16x128xf32, #tpu.memory_space<vmem>>) dst(%dma_wait3A_114 : memref<16x128xf32, #tpu.memory_space<vmem_shared>>)
      tpu.yield
    }) : () -> ()
    %add3A_53 = arith.constant 352 : i32
    %add3A_54 = arith.addi %mul3A_8, %add3A_53 : i32
    "tpu.region"() ({
      %run_scoped3A = tpu.sem_alloc : memref<!tpu.dma_semaphore, #tpu.memory_space<semaphore_mem>>
      %dma_start3A = arith.constant 0 : i32
      %dma_start3A_109 = tpu.memref_slice %arg16[%add3A_54, %dma_start3A] : memref<10000x128xf32, #tpu.memory_space<vmem_shared>> -> memref<16x128xf32, #tpu.memory_space<vmem_shared>>
      %dma_start3A_110 = arith.constant 0 : i32
      %dma_start3A_111 = tpu.memref_slice %arg16[%add3A_54, %dma_start3A_110] : memref<10000x128xf32, #tpu.memory_space<vmem_shared>> -> memref<16x128xf32, #tpu.memory_space<vmem_shared>>
      tpu.enqueue_dma source(%arg15 : memref<16x128xf32, #tpu.memory_space<vmem>>) target(%dma_start3A_111 : memref<16x128xf32, #tpu.memory_space<vmem_shared>>) target_semaphore(%run_scoped3A : memref<!tpu.dma_semaphore, #tpu.memory_space<semaphore_mem>>)
      %dma_wait3A = arith.constant 0 : i32
      %dma_wait3A_112 = tpu.memref_slice %arg16[%add3A_54, %dma_wait3A] : memref<10000x128xf32, #tpu.memory_space<vmem_shared>> -> memref<16x128xf32, #tpu.memory_space<vmem_shared>>
      %dma_wait3A_113 = arith.constant 0 : i32
      %dma_wait3A_114 = tpu.memref_slice %arg16[%add3A_54, %dma_wait3A_113] : memref<10000x128xf32, #tpu.memory_space<vmem_shared>> -> memref<16x128xf32, #tpu.memory_space<vmem_shared>>
      tpu.wait_dma2 semaphore(%run_scoped3A : memref<!tpu.dma_semaphore, #tpu.memory_space<semaphore_mem>>) src(%arg15 : memref<16x128xf32, #tpu.memory_space<vmem>>) dst(%dma_wait3A_114 : memref<16x128xf32, #tpu.memory_space<vmem_shared>>)
      tpu.yield
    }) : () -> ()
    %add3A_55 = arith.constant 368 : i32
    %add3A_56 = arith.addi %mul3A_8, %add3A_55 : i32
    "tpu.region"() ({
      %run_scoped3A = tpu.sem_alloc : memref<!tpu.dma_semaphore, #tpu.memory_space<semaphore_mem>>
      %dma_start3A = arith.constant 0 : i32
      %dma_start3A_109 = tpu.memref_slice %arg16[%add3A_56, %dma_start3A] : memref<10000x128xf32, #tpu.memory_space<vmem_shared>> -> memref<16x128xf32, #tpu.memory_space<vmem_shared>>
      %dma_start3A_110 = arith.constant 0 : i32
      %dma_start3A_111 = tpu.memref_slice %arg16[%add3A_56, %dma_start3A_110] : memref<10000x128xf32, #tpu.memory_space<vmem_shared>> -> memref<16x128xf32, #tpu.memory_space<vmem_shared>>
      tpu.enqueue_dma source(%arg15 : memref<16x128xf32, #tpu.memory_space<vmem>>) target(%dma_start3A_111 : memref<16x128xf32, #tpu.memory_space<vmem_shared>>) target_semaphore(%run_scoped3A : memref<!tpu.dma_semaphore, #tpu.memory_space<semaphore_mem>>)
      %dma_wait3A = arith.constant 0 : i32
      %dma_wait3A_112 = tpu.memref_slice %arg16[%add3A_56, %dma_wait3A] : memref<10000x128xf32, #tpu.memory_space<vmem_shared>> -> memref<16x128xf32, #tpu.memory_space<vmem_shared>>
      %dma_wait3A_113 = arith.constant 0 : i32
      %dma_wait3A_114 = tpu.memref_slice %arg16[%add3A_56, %dma_wait3A_113] : memref<10000x128xf32, #tpu.memory_space<vmem_shared>> -> memref<16x128xf32, #tpu.memory_space<vmem_shared>>
      tpu.wait_dma2 semaphore(%run_scoped3A : memref<!tpu.dma_semaphore, #tpu.memory_space<semaphore_mem>>) src(%arg15 : memref<16x128xf32, #tpu.memory_space<vmem>>) dst(%dma_wait3A_114 : memref<16x128xf32, #tpu.memory_space<vmem_shared>>)
      tpu.yield
    }) : () -> ()
    %add3A_57 = arith.constant 384 : i32
    %add3A_58 = arith.addi %mul3A_8, %add3A_57 : i32
    "tpu.region"() ({
      %run_scoped3A = tpu.sem_alloc : memref<!tpu.dma_semaphore, #tpu.memory_space<semaphore_mem>>
      %dma_start3A = arith.constant 0 : i32
      %dma_start3A_109 = tpu.memref_slice %arg16[%add3A_58, %dma_start3A] : memref<10000x128xf32, #tpu.memory_space<vmem_shared>> -> memref<16x128xf32, #tpu.memory_space<vmem_shared>>
      %dma_start3A_110 = arith.constant 0 : i32
      %dma_start3A_111 = tpu.memref_slice %arg16[%add3A_58, %dma_start3A_110] : memref<10000x128xf32, #tpu.memory_space<vmem_shared>> -> memref<16x128xf32, #tpu.memory_space<vmem_shared>>
      tpu.enqueue_dma source(%arg15 : memref<16x128xf32, #tpu.memory_space<vmem>>) target(%dma_start3A_111 : memref<16x128xf32, #tpu.memory_space<vmem_shared>>) target_semaphore(%run_scoped3A : memref<!tpu.dma_semaphore, #tpu.memory_space<semaphore_mem>>)
      %dma_wait3A = arith.constant 0 : i32
      %dma_wait3A_112 = tpu.memref_slice %arg16[%add3A_58, %dma_wait3A] : memref<10000x128xf32, #tpu.memory_space<vmem_shared>> -> memref<16x128xf32, #tpu.memory_space<vmem_shared>>
      %dma_wait3A_113 = arith.constant 0 : i32
      %dma_wait3A_114 = tpu.memref_slice %arg16[%add3A_58, %dma_wait3A_113] : memref<10000x128xf32, #tpu.memory_space<vmem_shared>> -> memref<16x128xf32, #tpu.memory_space<vmem_shared>>
      tpu.wait_dma2 semaphore(%run_scoped3A : memref<!tpu.dma_semaphore, #tpu.memory_space<semaphore_mem>>) src(%arg15 : memref<16x128xf32, #tpu.memory_space<vmem>>) dst(%dma_wait3A_114 : memref<16x128xf32, #tpu.memory_space<vmem_shared>>)
      tpu.yield
    }) : () -> ()
    %add3A_59 = arith.constant 400 : i32
    %add3A_60 = arith.addi %mul3A_8, %add3A_59 : i32
    "tpu.region"() ({
      %run_scoped3A = tpu.sem_alloc : memref<!tpu.dma_semaphore, #tpu.memory_space<semaphore_mem>>
      %dma_start3A = arith.constant 0 : i32
      %dma_start3A_109 = tpu.memref_slice %arg16[%add3A_60, %dma_start3A] : memref<10000x128xf32, #tpu.memory_space<vmem_shared>> -> memref<16x128xf32, #tpu.memory_space<vmem_shared>>
      %dma_start3A_110 = arith.constant 0 : i32
      %dma_start3A_111 = tpu.memref_slice %arg16[%add3A_60, %dma_start3A_110] : memref<10000x128xf32, #tpu.memory_space<vmem_shared>> -> memref<16x128xf32, #tpu.memory_space<vmem_shared>>
      tpu.enqueue_dma source(%arg15 : memref<16x128xf32, #tpu.memory_space<vmem>>) target(%dma_start3A_111 : memref<16x128xf32, #tpu.memory_space<vmem_shared>>) target_semaphore(%run_scoped3A : memref<!tpu.dma_semaphore, #tpu.memory_space<semaphore_mem>>)
      %dma_wait3A = arith.constant 0 : i32
      %dma_wait3A_112 = tpu.memref_slice %arg16[%add3A_60, %dma_wait3A] : memref<10000x128xf32, #tpu.memory_space<vmem_shared>> -> memref<16x128xf32, #tpu.memory_space<vmem_shared>>
      %dma_wait3A_113 = arith.constant 0 : i32
      %dma_wait3A_114 = tpu.memref_slice %arg16[%add3A_60, %dma_wait3A_113] : memref<10000x128xf32, #tpu.memory_space<vmem_shared>> -> memref<16x128xf32, #tpu.memory_space<vmem_shared>>
      tpu.wait_dma2 semaphore(%run_scoped3A : memref<!tpu.dma_semaphore, #tpu.memory_space<semaphore_mem>>) src(%arg15 : memref<16x128xf32, #tpu.memory_space<vmem>>) dst(%dma_wait3A_114 : memref<16x128xf32, #tpu.memory_space<vmem_shared>>)
      tpu.yield
    }) : () -> ()
    %add3A_61 = arith.constant 416 : i32
    %add3A_62 = arith.addi %mul3A_8, %add3A_61 : i32
    "tpu.region"() ({
      %run_scoped3A = tpu.sem_alloc : memref<!tpu.dma_semaphore, #tpu.memory_space<semaphore_mem>>
      %dma_start3A = arith.constant 0 : i32
      %dma_start3A_109 = tpu.memref_slice %arg16[%add3A_62, %dma_start3A] : memref<10000x128xf32, #tpu.memory_space<vmem_shared>> -> memref<16x128xf32, #tpu.memory_space<vmem_shared>>
      %dma_start3A_110 = arith.constant 0 : i32
      %dma_start3A_111 = tpu.memref_slice %arg16[%add3A_62, %dma_start3A_110] : memref<10000x128xf32, #tpu.memory_space<vmem_shared>> -> memref<16x128xf32, #tpu.memory_space<vmem_shared>>
      tpu.enqueue_dma source(%arg15 : memref<16x128xf32, #tpu.memory_space<vmem>>) target(%dma_start3A_111 : memref<16x128xf32, #tpu.memory_space<vmem_shared>>) target_semaphore(%run_scoped3A : memref<!tpu.dma_semaphore, #tpu.memory_space<semaphore_mem>>)
      %dma_wait3A = arith.constant 0 : i32
      %dma_wait3A_112 = tpu.memref_slice %arg16[%add3A_62, %dma_wait3A] : memref<10000x128xf32, #tpu.memory_space<vmem_shared>> -> memref<16x128xf32, #tpu.memory_space<vmem_shared>>
      %dma_wait3A_113 = arith.constant 0 : i32
      %dma_wait3A_114 = tpu.memref_slice %arg16[%add3A_62, %dma_wait3A_113] : memref<10000x128xf32, #tpu.memory_space<vmem_shared>> -> memref<16x128xf32, #tpu.memory_space<vmem_shared>>
      tpu.wait_dma2 semaphore(%run_scoped3A : memref<!tpu.dma_semaphore, #tpu.memory_space<semaphore_mem>>) src(%arg15 : memref<16x128xf32, #tpu.memory_space<vmem>>) dst(%dma_wait3A_114 : memref<16x128xf32, #tpu.memory_space<vmem_shared>>)
      tpu.yield
    }) : () -> ()
    %add3A_63 = arith.constant 432 : i32
    %add3A_64 = arith.addi %mul3A_8, %add3A_63 : i32
    "tpu.region"() ({
      %run_scoped3A = tpu.sem_alloc : memref<!tpu.dma_semaphore, #tpu.memory_space<semaphore_mem>>
      %dma_start3A = arith.constant 0 : i32
      %dma_start3A_109 = tpu.memref_slice %arg16[%add3A_64, %dma_start3A] : memref<10000x128xf32, #tpu.memory_space<vmem_shared>> -> memref<16x128xf32, #tpu.memory_space<vmem_shared>>
      %dma_start3A_110 = arith.constant 0 : i32
      %dma_start3A_111 = tpu.memref_slice %arg16[%add3A_64, %dma_start3A_110] : memref<10000x128xf32, #tpu.memory_space<vmem_shared>> -> memref<16x128xf32, #tpu.memory_space<vmem_shared>>
      tpu.enqueue_dma source(%arg15 : memref<16x128xf32, #tpu.memory_space<vmem>>) target(%dma_start3A_111 : memref<16x128xf32, #tpu.memory_space<vmem_shared>>) target_semaphore(%run_scoped3A : memref<!tpu.dma_semaphore, #tpu.memory_space<semaphore_mem>>)
      %dma_wait3A = arith.constant 0 : i32
      %dma_wait3A_112 = tpu.memref_slice %arg16[%add3A_64, %dma_wait3A] : memref<10000x128xf32, #tpu.memory_space<vmem_shared>> -> memref<16x128xf32, #tpu.memory_space<vmem_shared>>
      %dma_wait3A_113 = arith.constant 0 : i32
      %dma_wait3A_114 = tpu.memref_slice %arg16[%add3A_64, %dma_wait3A_113] : memref<10000x128xf32, #tpu.memory_space<vmem_shared>> -> memref<16x128xf32, #tpu.memory_space<vmem_shared>>
      tpu.wait_dma2 semaphore(%run_scoped3A : memref<!tpu.dma_semaphore, #tpu.memory_space<semaphore_mem>>) src(%arg15 : memref<16x128xf32, #tpu.memory_space<vmem>>) dst(%dma_wait3A_114 : memref<16x128xf32, #tpu.memory_space<vmem_shared>>)
      tpu.yield
    }) : () -> ()
    %add3A_65 = arith.constant 448 : i32
    %add3A_66 = arith.addi %mul3A_8, %add3A_65 : i32
    "tpu.region"() ({
      %run_scoped3A = tpu.sem_alloc : memref<!tpu.dma_semaphore, #tpu.memory_space<semaphore_mem>>
      %dma_start3A = arith.constant 0 : i32
      %dma_start3A_109 = tpu.memref_slice %arg16[%add3A_66, %dma_start3A] : memref<10000x128xf32, #tpu.memory_space<vmem_shared>> -> memref<16x128xf32, #tpu.memory_space<vmem_shared>>
      %dma_start3A_110 = arith.constant 0 : i32
      %dma_start3A_111 = tpu.memref_slice %arg16[%add3A_66, %dma_start3A_110] : memref<10000x128xf32, #tpu.memory_space<vmem_shared>> -> memref<16x128xf32, #tpu.memory_space<vmem_shared>>
      tpu.enqueue_dma source(%arg15 : memref<16x128xf32, #tpu.memory_space<vmem>>) target(%dma_start3A_111 : memref<16x128xf32, #tpu.memory_space<vmem_shared>>) target_semaphore(%run_scoped3A : memref<!tpu.dma_semaphore, #tpu.memory_space<semaphore_mem>>)
      %dma_wait3A = arith.constant 0 : i32
      %dma_wait3A_112 = tpu.memref_slice %arg16[%add3A_66, %dma_wait3A] : memref<10000x128xf32, #tpu.memory_space<vmem_shared>> -> memref<16x128xf32, #tpu.memory_space<vmem_shared>>
      %dma_wait3A_113 = arith.constant 0 : i32
      %dma_wait3A_114 = tpu.memref_slice %arg16[%add3A_66, %dma_wait3A_113] : memref<10000x128xf32, #tpu.memory_space<vmem_shared>> -> memref<16x128xf32, #tpu.memory_space<vmem_shared>>
      tpu.wait_dma2 semaphore(%run_scoped3A : memref<!tpu.dma_semaphore, #tpu.memory_space<semaphore_mem>>) src(%arg15 : memref<16x128xf32, #tpu.memory_space<vmem>>) dst(%dma_wait3A_114 : memref<16x128xf32, #tpu.memory_space<vmem_shared>>)
      tpu.yield
    }) : () -> ()
    %add3A_67 = arith.constant 464 : i32
    %add3A_68 = arith.addi %mul3A_8, %add3A_67 : i32
    "tpu.region"() ({
      %run_scoped3A = tpu.sem_alloc : memref<!tpu.dma_semaphore, #tpu.memory_space<semaphore_mem>>
      %dma_start3A = arith.constant 0 : i32
      %dma_start3A_109 = tpu.memref_slice %arg16[%add3A_68, %dma_start3A] : memref<10000x128xf32, #tpu.memory_space<vmem_shared>> -> memref<16x128xf32, #tpu.memory_space<vmem_shared>>
      %dma_start3A_110 = arith.constant 0 : i32
      %dma_start3A_111 = tpu.memref_slice %arg16[%add3A_68, %dma_start3A_110] : memref<10000x128xf32, #tpu.memory_space<vmem_shared>> -> memref<16x128xf32, #tpu.memory_space<vmem_shared>>
      tpu.enqueue_dma source(%arg15 : memref<16x128xf32, #tpu.memory_space<vmem>>) target(%dma_start3A_111 : memref<16x128xf32, #tpu.memory_space<vmem_shared>>) target_semaphore(%run_scoped3A : memref<!tpu.dma_semaphore, #tpu.memory_space<semaphore_mem>>)
      %dma_wait3A = arith.constant 0 : i32
      %dma_wait3A_112 = tpu.memref_slice %arg16[%add3A_68, %dma_wait3A] : memref<10000x128xf32, #tpu.memory_space<vmem_shared>> -> memref<16x128xf32, #tpu.memory_space<vmem_shared>>
      %dma_wait3A_113 = arith.constant 0 : i32
      %dma_wait3A_114 = tpu.memref_slice %arg16[%add3A_68, %dma_wait3A_113] : memref<10000x128xf32, #tpu.memory_space<vmem_shared>> -> memref<16x128xf32, #tpu.memory_space<vmem_shared>>
      tpu.wait_dma2 semaphore(%run_scoped3A : memref<!tpu.dma_semaphore, #tpu.memory_space<semaphore_mem>>) src(%arg15 : memref<16x128xf32, #tpu.memory_space<vmem>>) dst(%dma_wait3A_114 : memref<16x128xf32, #tpu.memory_space<vmem_shared>>)
      tpu.yield
    }) : () -> ()
    %add3A_69 = arith.constant 480 : i32
    %add3A_70 = arith.addi %mul3A_8, %add3A_69 : i32
    "tpu.region"() ({
      %run_scoped3A = tpu.sem_alloc : memref<!tpu.dma_semaphore, #tpu.memory_space<semaphore_mem>>
      %dma_start3A = arith.constant 0 : i32
      %dma_start3A_109 = tpu.memref_slice %arg16[%add3A_70, %dma_start3A] : memref<10000x128xf32, #tpu.memory_space<vmem_shared>> -> memref<16x128xf32, #tpu.memory_space<vmem_shared>>
      %dma_start3A_110 = arith.constant 0 : i32
      %dma_start3A_111 = tpu.memref_slice %arg16[%add3A_70, %dma_start3A_110] : memref<10000x128xf32, #tpu.memory_space<vmem_shared>> -> memref<16x128xf32, #tpu.memory_space<vmem_shared>>
      tpu.enqueue_dma source(%arg15 : memref<16x128xf32, #tpu.memory_space<vmem>>) target(%dma_start3A_111 : memref<16x128xf32, #tpu.memory_space<vmem_shared>>) target_semaphore(%run_scoped3A : memref<!tpu.dma_semaphore, #tpu.memory_space<semaphore_mem>>)
      %dma_wait3A = arith.constant 0 : i32
      %dma_wait3A_112 = tpu.memref_slice %arg16[%add3A_70, %dma_wait3A] : memref<10000x128xf32, #tpu.memory_space<vmem_shared>> -> memref<16x128xf32, #tpu.memory_space<vmem_shared>>
      %dma_wait3A_113 = arith.constant 0 : i32
      %dma_wait3A_114 = tpu.memref_slice %arg16[%add3A_70, %dma_wait3A_113] : memref<10000x128xf32, #tpu.memory_space<vmem_shared>> -> memref<16x128xf32, #tpu.memory_space<vmem_shared>>
      tpu.wait_dma2 semaphore(%run_scoped3A : memref<!tpu.dma_semaphore, #tpu.memory_space<semaphore_mem>>) src(%arg15 : memref<16x128xf32, #tpu.memory_space<vmem>>) dst(%dma_wait3A_114 : memref<16x128xf32, #tpu.memory_space<vmem_shared>>)
      tpu.yield
    }) : () -> ()
    %add3A_71 = arith.constant 496 : i32
    %add3A_72 = arith.addi %mul3A_8, %add3A_71 : i32
    "tpu.region"() ({
      %run_scoped3A = tpu.sem_alloc : memref<!tpu.dma_semaphore, #tpu.memory_space<semaphore_mem>>
      %dma_start3A = arith.constant 0 : i32
      %dma_start3A_109 = tpu.memref_slice %arg16[%add3A_72, %dma_start3A] : memref<10000x128xf32, #tpu.memory_space<vmem_shared>> -> memref<16x128xf32, #tpu.memory_space<vmem_shared>>
      %dma_start3A_110 = arith.constant 0 : i32
      %dma_start3A_111 = tpu.memref_slice %arg16[%add3A_72, %dma_start3A_110] : memref<10000x128xf32, #tpu.memory_space<vmem_shared>> -> memref<16x128xf32, #tpu.memory_space<vmem_shared>>
      tpu.enqueue_dma source(%arg15 : memref<16x128xf32, #tpu.memory_space<vmem>>) target(%dma_start3A_111 : memref<16x128xf32, #tpu.memory_space<vmem_shared>>) target_semaphore(%run_scoped3A : memref<!tpu.dma_semaphore, #tpu.memory_space<semaphore_mem>>)
      %dma_wait3A = arith.constant 0 : i32
      %dma_wait3A_112 = tpu.memref_slice %arg16[%add3A_72, %dma_wait3A] : memref<10000x128xf32, #tpu.memory_space<vmem_shared>> -> memref<16x128xf32, #tpu.memory_space<vmem_shared>>
      %dma_wait3A_113 = arith.constant 0 : i32
      %dma_wait3A_114 = tpu.memref_slice %arg16[%add3A_72, %dma_wait3A_113] : memref<10000x128xf32, #tpu.memory_space<vmem_shared>> -> memref<16x128xf32, #tpu.memory_space<vmem_shared>>
      tpu.wait_dma2 semaphore(%run_scoped3A : memref<!tpu.dma_semaphore, #tpu.memory_space<semaphore_mem>>) src(%arg15 : memref<16x128xf32, #tpu.memory_space<vmem>>) dst(%dma_wait3A_114 : memref<16x128xf32, #tpu.memory_space<vmem_shared>>)
      tpu.yield
    }) : () -> ()
    %add3A_73 = arith.constant 512 : i32
    %add3A_74 = arith.addi %mul3A_8, %add3A_73 : i32
    "tpu.region"() ({
      %run_scoped3A = tpu.sem_alloc : memref<!tpu.dma_semaphore, #tpu.memory_space<semaphore_mem>>
      %dma_start3A = arith.constant 0 : i32
      %dma_start3A_109 = tpu.memref_slice %arg16[%add3A_74, %dma_start3A] : memref<10000x128xf32, #tpu.memory_space<vmem_shared>> -> memref<16x128xf32, #tpu.memory_space<vmem_shared>>
      %dma_start3A_110 = arith.constant 0 : i32
      %dma_start3A_111 = tpu.memref_slice %arg16[%add3A_74, %dma_start3A_110] : memref<10000x128xf32, #tpu.memory_space<vmem_shared>> -> memref<16x128xf32, #tpu.memory_space<vmem_shared>>
      tpu.enqueue_dma source(%arg15 : memref<16x128xf32, #tpu.memory_space<vmem>>) target(%dma_start3A_111 : memref<16x128xf32, #tpu.memory_space<vmem_shared>>) target_semaphore(%run_scoped3A : memref<!tpu.dma_semaphore, #tpu.memory_space<semaphore_mem>>)
      %dma_wait3A = arith.constant 0 : i32
      %dma_wait3A_112 = tpu.memref_slice %arg16[%add3A_74, %dma_wait3A] : memref<10000x128xf32, #tpu.memory_space<vmem_shared>> -> memref<16x128xf32, #tpu.memory_space<vmem_shared>>
      %dma_wait3A_113 = arith.constant 0 : i32
      %dma_wait3A_114 = tpu.memref_slice %arg16[%add3A_74, %dma_wait3A_113] : memref<10000x128xf32, #tpu.memory_space<vmem_shared>> -> memref<16x128xf32, #tpu.memory_space<vmem_shared>>
      tpu.wait_dma2 semaphore(%run_scoped3A : memref<!tpu.dma_semaphore, #tpu.memory_space<semaphore_mem>>) src(%arg15 : memref<16x128xf32, #tpu.memory_space<vmem>>) dst(%dma_wait3A_114 : memref<16x128xf32, #tpu.memory_space<vmem_shared>>)
      tpu.yield
    }) : () -> ()
    %add3A_75 = arith.constant 528 : i32
    %add3A_76 = arith.addi %mul3A_8, %add3A_75 : i32
    "tpu.region"() ({
      %run_scoped3A = tpu.sem_alloc : memref<!tpu.dma_semaphore, #tpu.memory_space<semaphore_mem>>
      %dma_start3A = arith.constant 0 : i32
      %dma_start3A_109 = tpu.memref_slice %arg16[%add3A_76, %dma_start3A] : memref<10000x128xf32, #tpu.memory_space<vmem_shared>> -> memref<16x128xf32, #tpu.memory_space<vmem_shared>>
      %dma_start3A_110 = arith.constant 0 : i32
      %dma_start3A_111 = tpu.memref_slice %arg16[%add3A_76, %dma_start3A_110] : memref<10000x128xf32, #tpu.memory_space<vmem_shared>> -> memref<16x128xf32, #tpu.memory_space<vmem_shared>>
      tpu.enqueue_dma source(%arg15 : memref<16x128xf32, #tpu.memory_space<vmem>>) target(%dma_start3A_111 : memref<16x128xf32, #tpu.memory_space<vmem_shared>>) target_semaphore(%run_scoped3A : memref<!tpu.dma_semaphore, #tpu.memory_space<semaphore_mem>>)
      %dma_wait3A = arith.constant 0 : i32
      %dma_wait3A_112 = tpu.memref_slice %arg16[%add3A_76, %dma_wait3A] : memref<10000x128xf32, #tpu.memory_space<vmem_shared>> -> memref<16x128xf32, #tpu.memory_space<vmem_shared>>
      %dma_wait3A_113 = arith.constant 0 : i32
      %dma_wait3A_114 = tpu.memref_slice %arg16[%add3A_76, %dma_wait3A_113] : memref<10000x128xf32, #tpu.memory_space<vmem_shared>> -> memref<16x128xf32, #tpu.memory_space<vmem_shared>>
      tpu.wait_dma2 semaphore(%run_scoped3A : memref<!tpu.dma_semaphore, #tpu.memory_space<semaphore_mem>>) src(%arg15 : memref<16x128xf32, #tpu.memory_space<vmem>>) dst(%dma_wait3A_114 : memref<16x128xf32, #tpu.memory_space<vmem_shared>>)
      tpu.yield
    }) : () -> ()
    %add3A_77 = arith.constant 544 : i32
    %add3A_78 = arith.addi %mul3A_8, %add3A_77 : i32
    "tpu.region"() ({
      %run_scoped3A = tpu.sem_alloc : memref<!tpu.dma_semaphore, #tpu.memory_space<semaphore_mem>>
      %dma_start3A = arith.constant 0 : i32
      %dma_start3A_109 = tpu.memref_slice %arg16[%add3A_78, %dma_start3A] : memref<10000x128xf32, #tpu.memory_space<vmem_shared>> -> memref<16x128xf32, #tpu.memory_space<vmem_shared>>
      %dma_start3A_110 = arith.constant 0 : i32
      %dma_start3A_111 = tpu.memref_slice %arg16[%add3A_78, %dma_start3A_110] : memref<10000x128xf32, #tpu.memory_space<vmem_shared>> -> memref<16x128xf32, #tpu.memory_space<vmem_shared>>
      tpu.enqueue_dma source(%arg15 : memref<16x128xf32, #tpu.memory_space<vmem>>) target(%dma_start3A_111 : memref<16x128xf32, #tpu.memory_space<vmem_shared>>) target_semaphore(%run_scoped3A : memref<!tpu.dma_semaphore, #tpu.memory_space<semaphore_mem>>)
      %dma_wait3A = arith.constant 0 : i32
      %dma_wait3A_112 = tpu.memref_slice %arg16[%add3A_78, %dma_wait3A] : memref<10000x128xf32, #tpu.memory_space<vmem_shared>> -> memref<16x128xf32, #tpu.memory_space<vmem_shared>>
      %dma_wait3A_113 = arith.constant 0 : i32
      %dma_wait3A_114 = tpu.memref_slice %arg16[%add3A_78, %dma_wait3A_113] : memref<10000x128xf32, #tpu.memory_space<vmem_shared>> -> memref<16x128xf32, #tpu.memory_space<vmem_shared>>
      tpu.wait_dma2 semaphore(%run_scoped3A : memref<!tpu.dma_semaphore, #tpu.memory_space<semaphore_mem>>) src(%arg15 : memref<16x128xf32, #tpu.memory_space<vmem>>) dst(%dma_wait3A_114 : memref<16x128xf32, #tpu.memory_space<vmem_shared>>)
      tpu.yield
    }) : () -> ()
    %add3A_79 = arith.constant 560 : i32
    %add3A_80 = arith.addi %mul3A_8, %add3A_79 : i32
    "tpu.region"() ({
      %run_scoped3A = tpu.sem_alloc : memref<!tpu.dma_semaphore, #tpu.memory_space<semaphore_mem>>
      %dma_start3A = arith.constant 0 : i32
      %dma_start3A_109 = tpu.memref_slice %arg16[%add3A_80, %dma_start3A] : memref<10000x128xf32, #tpu.memory_space<vmem_shared>> -> memref<16x128xf32, #tpu.memory_space<vmem_shared>>
      %dma_start3A_110 = arith.constant 0 : i32
      %dma_start3A_111 = tpu.memref_slice %arg16[%add3A_80, %dma_start3A_110] : memref<10000x128xf32, #tpu.memory_space<vmem_shared>> -> memref<16x128xf32, #tpu.memory_space<vmem_shared>>
      tpu.enqueue_dma source(%arg15 : memref<16x128xf32, #tpu.memory_space<vmem>>) target(%dma_start3A_111 : memref<16x128xf32, #tpu.memory_space<vmem_shared>>) target_semaphore(%run_scoped3A : memref<!tpu.dma_semaphore, #tpu.memory_space<semaphore_mem>>)
      %dma_wait3A = arith.constant 0 : i32
      %dma_wait3A_112 = tpu.memref_slice %arg16[%add3A_80, %dma_wait3A] : memref<10000x128xf32, #tpu.memory_space<vmem_shared>> -> memref<16x128xf32, #tpu.memory_space<vmem_shared>>
      %dma_wait3A_113 = arith.constant 0 : i32
      %dma_wait3A_114 = tpu.memref_slice %arg16[%add3A_80, %dma_wait3A_113] : memref<10000x128xf32, #tpu.memory_space<vmem_shared>> -> memref<16x128xf32, #tpu.memory_space<vmem_shared>>
      tpu.wait_dma2 semaphore(%run_scoped3A : memref<!tpu.dma_semaphore, #tpu.memory_space<semaphore_mem>>) src(%arg15 : memref<16x128xf32, #tpu.memory_space<vmem>>) dst(%dma_wait3A_114 : memref<16x128xf32, #tpu.memory_space<vmem_shared>>)
      tpu.yield
    }) : () -> ()
    %add3A_81 = arith.constant 576 : i32
    %add3A_82 = arith.addi %mul3A_8, %add3A_81 : i32
    "tpu.region"() ({
      %run_scoped3A = tpu.sem_alloc : memref<!tpu.dma_semaphore, #tpu.memory_space<semaphore_mem>>
      %dma_start3A = arith.constant 0 : i32
      %dma_start3A_109 = tpu.memref_slice %arg16[%add3A_82, %dma_start3A] : memref<10000x128xf32, #tpu.memory_space<vmem_shared>> -> memref<16x128xf32, #tpu.memory_space<vmem_shared>>
      %dma_start3A_110 = arith.constant 0 : i32
      %dma_start3A_111 = tpu.memref_slice %arg16[%add3A_82, %dma_start3A_110] : memref<10000x128xf32, #tpu.memory_space<vmem_shared>> -> memref<16x128xf32, #tpu.memory_space<vmem_shared>>
      tpu.enqueue_dma source(%arg15 : memref<16x128xf32, #tpu.memory_space<vmem>>) target(%dma_start3A_111 : memref<16x128xf32, #tpu.memory_space<vmem_shared>>) target_semaphore(%run_scoped3A : memref<!tpu.dma_semaphore, #tpu.memory_space<semaphore_mem>>)
      %dma_wait3A = arith.constant 0 : i32
      %dma_wait3A_112 = tpu.memref_slice %arg16[%add3A_82, %dma_wait3A] : memref<10000x128xf32, #tpu.memory_space<vmem_shared>> -> memref<16x128xf32, #tpu.memory_space<vmem_shared>>
      %dma_wait3A_113 = arith.constant 0 : i32
      %dma_wait3A_114 = tpu.memref_slice %arg16[%add3A_82, %dma_wait3A_113] : memref<10000x128xf32, #tpu.memory_space<vmem_shared>> -> memref<16x128xf32, #tpu.memory_space<vmem_shared>>
      tpu.wait_dma2 semaphore(%run_scoped3A : memref<!tpu.dma_semaphore, #tpu.memory_space<semaphore_mem>>) src(%arg15 : memref<16x128xf32, #tpu.memory_space<vmem>>) dst(%dma_wait3A_114 : memref<16x128xf32, #tpu.memory_space<vmem_shared>>)
      tpu.yield
    }) : () -> ()
    %add3A_83 = arith.constant 592 : i32
    %add3A_84 = arith.addi %mul3A_8, %add3A_83 : i32
    "tpu.region"() ({
      %run_scoped3A = tpu.sem_alloc : memref<!tpu.dma_semaphore, #tpu.memory_space<semaphore_mem>>
      %dma_start3A = arith.constant 0 : i32
      %dma_start3A_109 = tpu.memref_slice %arg16[%add3A_84, %dma_start3A] : memref<10000x128xf32, #tpu.memory_space<vmem_shared>> -> memref<16x128xf32, #tpu.memory_space<vmem_shared>>
      %dma_start3A_110 = arith.constant 0 : i32
      %dma_start3A_111 = tpu.memref_slice %arg16[%add3A_84, %dma_start3A_110] : memref<10000x128xf32, #tpu.memory_space<vmem_shared>> -> memref<16x128xf32, #tpu.memory_space<vmem_shared>>
      tpu.enqueue_dma source(%arg15 : memref<16x128xf32, #tpu.memory_space<vmem>>) target(%dma_start3A_111 : memref<16x128xf32, #tpu.memory_space<vmem_shared>>) target_semaphore(%run_scoped3A : memref<!tpu.dma_semaphore, #tpu.memory_space<semaphore_mem>>)
      %dma_wait3A = arith.constant 0 : i32
      %dma_wait3A_112 = tpu.memref_slice %arg16[%add3A_84, %dma_wait3A] : memref<10000x128xf32, #tpu.memory_space<vmem_shared>> -> memref<16x128xf32, #tpu.memory_space<vmem_shared>>
      %dma_wait3A_113 = arith.constant 0 : i32
      %dma_wait3A_114 = tpu.memref_slice %arg16[%add3A_84, %dma_wait3A_113] : memref<10000x128xf32, #tpu.memory_space<vmem_shared>> -> memref<16x128xf32, #tpu.memory_space<vmem_shared>>
      tpu.wait_dma2 semaphore(%run_scoped3A : memref<!tpu.dma_semaphore, #tpu.memory_space<semaphore_mem>>) src(%arg15 : memref<16x128xf32, #tpu.memory_space<vmem>>) dst(%dma_wait3A_114 : memref<16x128xf32, #tpu.memory_space<vmem_shared>>)
      tpu.yield
    }) : () -> ()
    %add3A_85 = arith.constant 608 : i32
    %add3A_86 = arith.addi %mul3A_8, %add3A_85 : i32
    "tpu.region"() ({
      %run_scoped3A = tpu.sem_alloc : memref<!tpu.dma_semaphore, #tpu.memory_space<semaphore_mem>>
      %dma_start3A = arith.constant 0 : i32
      %dma_start3A_109 = tpu.memref_slice %arg16[%add3A_86, %dma_start3A] : memref<10000x128xf32, #tpu.memory_space<vmem_shared>> -> memref<16x128xf32, #tpu.memory_space<vmem_shared>>
      %dma_start3A_110 = arith.constant 0 : i32
      %dma_start3A_111 = tpu.memref_slice %arg16[%add3A_86, %dma_start3A_110] : memref<10000x128xf32, #tpu.memory_space<vmem_shared>> -> memref<16x128xf32, #tpu.memory_space<vmem_shared>>
      tpu.enqueue_dma source(%arg15 : memref<16x128xf32, #tpu.memory_space<vmem>>) target(%dma_start3A_111 : memref<16x128xf32, #tpu.memory_space<vmem_shared>>) target_semaphore(%run_scoped3A : memref<!tpu.dma_semaphore, #tpu.memory_space<semaphore_mem>>)
      %dma_wait3A = arith.constant 0 : i32
      %dma_wait3A_112 = tpu.memref_slice %arg16[%add3A_86, %dma_wait3A] : memref<10000x128xf32, #tpu.memory_space<vmem_shared>> -> memref<16x128xf32, #tpu.memory_space<vmem_shared>>
      %dma_wait3A_113 = arith.constant 0 : i32
      %dma_wait3A_114 = tpu.memref_slice %arg16[%add3A_86, %dma_wait3A_113] : memref<10000x128xf32, #tpu.memory_space<vmem_shared>> -> memref<16x128xf32, #tpu.memory_space<vmem_shared>>
      tpu.wait_dma2 semaphore(%run_scoped3A : memref<!tpu.dma_semaphore, #tpu.memory_space<semaphore_mem>>) src(%arg15 : memref<16x128xf32, #tpu.memory_space<vmem>>) dst(%dma_wait3A_114 : memref<16x128xf32, #tpu.memory_space<vmem_shared>>)
      tpu.yield
    }) : () -> ()
    %eq3A = arith.constant 15 : i32
    %eq3A_87 = arith.cmpi eq, %arg1, %eq3A : i32
    %convert_element_type3A = arith.extui %eq3A_87 : i1 to i32
    %cond3A = arith.constant 0 : i32
    %cond3A_88 = arith.cmpi ne, %convert_element_type3A, %cond3A : i32
    scf.if %cond3A_88 {
      "tpu.region"() ({
        %run_scoped3A = tpu.sem_alloc : memref<!tpu.dma_semaphore, #tpu.memory_space<semaphore_mem>>
        %dma_start3A = arith.constant 0 : i32
        %dma_start3A_109 = arith.constant 0 : i32
        %dma_start3A_110 = tpu.memref_slice %arg15[%dma_start3A, %dma_start3A_109] : memref<16x128xf32, #tpu.memory_space<vmem>> -> memref<16x128xf32, #tpu.memory_space<vmem>>
        %dma_start3A_111 = arith.constant 9984 : i32
        %dma_start3A_112 = arith.constant 0 : i32
        %dma_start3A_113 = tpu.memref_slice %arg16[%dma_start3A_111, %dma_start3A_112] : memref<10000x128xf32, #tpu.memory_space<vmem_shared>> -> memref<16x128xf32, #tpu.memory_space<vmem_shared>>
        %dma_start3A_114 = arith.constant 9984 : i32
        %dma_start3A_115 = arith.constant 0 : i32
        %dma_start3A_116 = tpu.memref_slice %arg16[%dma_start3A_114, %dma_start3A_115] : memref<10000x128xf32, #tpu.memory_space<vmem_shared>> -> memref<16x128xf32, #tpu.memory_space<vmem_shared>>
        %dma_start3A_117 = arith.constant 0 : i32
        %dma_start3A_118 = arith.constant 0 : i32
        %dma_start3A_119 = tpu.memref_slice %arg15[%dma_start3A_117, %dma_start3A_118] : memref<16x128xf32, #tpu.memory_space<vmem>> -> memref<16x128xf32, #tpu.memory_space<vmem>>
        tpu.enqueue_dma source(%dma_start3A_119 : memref<16x128xf32, #tpu.memory_space<vmem>>) target(%dma_start3A_116 : memref<16x128xf32, #tpu.memory_space<vmem_shared>>) target_semaphore(%run_scoped3A : memref<!tpu.dma_semaphore, #tpu.memory_space<semaphore_mem>>)
        %dma_wait3A = arith.constant 0 : i32
        %dma_wait3A_120 = arith.constant 0 : i32
        %dma_wait3A_121 = tpu.memref_slice %arg15[%dma_wait3A, %dma_wait3A_120] : memref<16x128xf32, #tpu.memory_space<vmem>> -> memref<16x128xf32, #tpu.memory_space<vmem>>
        %dma_wait3A_122 = arith.constant 9984 : i32
        %dma_wait3A_123 = arith.constant 0 : i32
        %dma_wait3A_124 = tpu.memref_slice %arg16[%dma_wait3A_122, %dma_wait3A_123] : memref<10000x128xf32, #tpu.memory_space<vmem_shared>> -> memref<16x128xf32, #tpu.memory_space<vmem_shared>>
        %dma_wait3A_125 = arith.constant 9984 : i32
        %dma_wait3A_126 = arith.constant 0 : i32
        %dma_wait3A_127 = tpu.memref_slice %arg16[%dma_wait3A_125, %dma_wait3A_126] : memref<10000x128xf32, #tpu.memory_space<vmem_shared>> -> memref<16x128xf32, #tpu.memory_space<vmem_shared>>
        %dma_wait3A_128 = arith.constant 0 : i32
        %dma_wait3A_129 = arith.constant 0 : i32
        %dma_wait3A_130 = tpu.memref_slice %arg15[%dma_wait3A_128, %dma_wait3A_129] : memref<16x128xf32, #tpu.memory_space<vmem>> -> memref<16x128xf32, #tpu.memory_space<vmem>>
        tpu.wait_dma2 semaphore(%run_scoped3A : memref<!tpu.dma_semaphore, #tpu.memory_space<semaphore_mem>>) src(%dma_wait3A_130 : memref<16x128xf32, #tpu.memory_space<vmem>>) dst(%dma_wait3A_127 : memref<16x128xf32, #tpu.memory_space<vmem_shared>>)
        tpu.yield
      }) : () -> ()
    } else {
    }
    %barrier3A = arith.constant 0 : index
    tpu.barrier barrier_id(%barrier3A)
    %mul3A_89 = arith.constant 5000 : i32
    %mul3A_90 = arith.muli %add3A, %mul3A_89 : i32
    %scan3A_91 = arith.constant 0 : i32
    %scan3A_92 = arith.constant 0 : i32
    %scan3A_93 = arith.constant 125 : i32
    %scan3A_94 = arith.addi %scan3A_92, %scan3A_93 : i32
    %scan3A_95 = arith.constant 1 : i32
    %scan3A_96 = scf.for %scan3A_109 = %scan3A_92 to %scan3A_94 step %scan3A_95 iter_args(%scan3A_110 = %scan3A_91) -> (i32)  : i32 {
      %mul3A_111 = arith.constant 40 : i32
      %mul3A_112 = arith.muli %scan3A_109, %mul3A_111 : i32
      %add3A_113 = arith.addi %mul3A_90, %mul3A_112 : i32
      "tpu.region"() ({
        %run_scoped3A = tpu.sem_alloc : memref<!tpu.dma_semaphore, #tpu.memory_space<semaphore_mem>>
        %dma_start3A_132 = tpu.memref_slice %arg6[%add3A_113] : memref<160000xi32, #tpu.memory_space<hbm>> -> memref<40xi32, #tpu.memory_space<hbm>>
        %dma_start3A_133 = tpu.memref_slice %arg6[%add3A_113] : memref<160000xi32, #tpu.memory_space<hbm>> -> memref<40xi32, #tpu.memory_space<hbm>>
        tpu.enqueue_dma source(%dma_start3A_133 : memref<40xi32, #tpu.memory_space<hbm>>) target(%arg9 : memref<40xi32, #tpu.memory_space<vmem>>) target_semaphore(%run_scoped3A : memref<!tpu.dma_semaphore, #tpu.memory_space<semaphore_mem>>)
        %dma_wait3A_134 = tpu.memref_slice %arg6[%add3A_113] : memref<160000xi32, #tpu.memory_space<hbm>> -> memref<40xi32, #tpu.memory_space<hbm>>
        %dma_wait3A_135 = tpu.memref_slice %arg6[%add3A_113] : memref<160000xi32, #tpu.memory_space<hbm>> -> memref<40xi32, #tpu.memory_space<hbm>>
        tpu.wait_dma2 semaphore(%run_scoped3A : memref<!tpu.dma_semaphore, #tpu.memory_space<semaphore_mem>>) src(%dma_wait3A_135 : memref<40xi32, #tpu.memory_space<hbm>>) dst(%arg9 : memref<40xi32, #tpu.memory_space<vmem>>)
        tpu.yield
      }) : () -> ()
      "tpu.region"() ({
        %run_scoped3A = tpu.sem_alloc : memref<!tpu.dma_semaphore, #tpu.memory_space<semaphore_mem>>
        %dma_start3A_132 = tpu.memref_slice %arg5[%add3A_113] : memref<160000xi32, #tpu.memory_space<hbm>> -> memref<40xi32, #tpu.memory_space<hbm>>
        %dma_start3A_133 = tpu.memref_slice %arg5[%add3A_113] : memref<160000xi32, #tpu.memory_space<hbm>> -> memref<40xi32, #tpu.memory_space<hbm>>
        tpu.enqueue_dma source(%dma_start3A_133 : memref<40xi32, #tpu.memory_space<hbm>>) target(%arg10 : memref<40xi32, #tpu.memory_space<vmem>>) target_semaphore(%run_scoped3A : memref<!tpu.dma_semaphore, #tpu.memory_space<semaphore_mem>>)
        %dma_wait3A_134 = tpu.memref_slice %arg5[%add3A_113] : memref<160000xi32, #tpu.memory_space<hbm>> -> memref<40xi32, #tpu.memory_space<hbm>>
        %dma_wait3A_135 = tpu.memref_slice %arg5[%add3A_113] : memref<160000xi32, #tpu.memory_space<hbm>> -> memref<40xi32, #tpu.memory_space<hbm>>
        tpu.wait_dma2 semaphore(%run_scoped3A : memref<!tpu.dma_semaphore, #tpu.memory_space<semaphore_mem>>) src(%dma_wait3A_135 : memref<40xi32, #tpu.memory_space<hbm>>) dst(%arg10 : memref<40xi32, #tpu.memory_space<vmem>>)
        tpu.yield
      }) : () -> ()
      %dma_start3A = arith.constant 0 : i32
      %dma_start3A_114 = arith.constant 0 : i32
      %dma_start3A_115 = tpu.memref_slice %arg2[%dma_start3A, %dma_start3A_114] : memref<10000x256xf32, #tpu.memory_space<hbm>> -> memref<10000x256xf32, #tpu.memory_space<hbm>>
      tpu.enqueue_indirect_dma source(%dma_start3A_115 : memref<10000x256xf32, #tpu.memory_space<hbm>>) target(%arg11 : memref<40x256xf32, #tpu.memory_space<vmem>>) offsets(%arg9 : memref<40xi32, #tpu.memory_space<vmem>>) semaphore(%arg17 : memref<!tpu.dma_semaphore, #tpu.memory_space<semaphore_mem>>)
      %dma_start3A_116 = arith.constant 0 : i32
      %dma_start3A_117 = arith.constant 0 : i32
      %dma_start3A_118 = tpu.memref_slice %arg3[%dma_start3A_116, %dma_start3A_117] : memref<10000x256xf32, #tpu.memory_space<hbm>> -> memref<10000x256xf32, #tpu.memory_space<hbm>>
      tpu.enqueue_indirect_dma source(%dma_start3A_118 : memref<10000x256xf32, #tpu.memory_space<hbm>>) target(%arg12 : memref<40x256xf32, #tpu.memory_space<vmem>>) offsets(%arg10 : memref<40xi32, #tpu.memory_space<vmem>>) semaphore(%arg18 : memref<!tpu.dma_semaphore, #tpu.memory_space<semaphore_mem>>)
      "tpu.region"() ({
        %run_scoped3A = tpu.sem_alloc : memref<!tpu.dma_semaphore, #tpu.memory_space<semaphore_mem>>
        %dma_start3A_132 = arith.constant 0 : i32
        %dma_start3A_133 = tpu.memref_slice %arg4[%add3A_113, %dma_start3A_132] : memref<160000x256xf32, #tpu.memory_space<hbm>> -> memref<40x256xf32, #tpu.memory_space<hbm>>
        %dma_start3A_134 = arith.constant 0 : i32
        %dma_start3A_135 = tpu.memref_slice %arg4[%add3A_113, %dma_start3A_134] : memref<160000x256xf32, #tpu.memory_space<hbm>> -> memref<40x256xf32, #tpu.memory_space<hbm>>
        tpu.enqueue_dma source(%dma_start3A_135 : memref<40x256xf32, #tpu.memory_space<hbm>>) target(%arg13 : memref<40x256xf32, #tpu.memory_space<vmem>>) target_semaphore(%run_scoped3A : memref<!tpu.dma_semaphore, #tpu.memory_space<semaphore_mem>>)
        %dma_wait3A_136 = arith.constant 0 : i32
        %dma_wait3A_137 = tpu.memref_slice %arg4[%add3A_113, %dma_wait3A_136] : memref<160000x256xf32, #tpu.memory_space<hbm>> -> memref<40x256xf32, #tpu.memory_space<hbm>>
        %dma_wait3A_138 = arith.constant 0 : i32
        %dma_wait3A_139 = tpu.memref_slice %arg4[%add3A_113, %dma_wait3A_138] : memref<160000x256xf32, #tpu.memory_space<hbm>> -> memref<40x256xf32, #tpu.memory_space<hbm>>
        tpu.wait_dma2 semaphore(%run_scoped3A : memref<!tpu.dma_semaphore, #tpu.memory_space<semaphore_mem>>) src(%dma_wait3A_139 : memref<40x256xf32, #tpu.memory_space<hbm>>) dst(%arg13 : memref<40x256xf32, #tpu.memory_space<vmem>>)
        tpu.yield
      }) : () -> ()
      %dma_wait3A = arith.constant 0 : i32
      %dma_wait3A_119 = arith.constant 0 : i32
      %dma_wait3A_120 = tpu.memref_slice %arg2[%dma_wait3A, %dma_wait3A_119] : memref<10000x256xf32, #tpu.memory_space<hbm>> -> memref<10000x256xf32, #tpu.memory_space<hbm>>
      tpu.wait_indirect_dma semaphore(%arg17 : memref<!tpu.dma_semaphore, #tpu.memory_space<semaphore_mem>>) src(%dma_wait3A_120 : memref<10000x256xf32, #tpu.memory_space<hbm>>) dst(%arg11 : memref<40x256xf32, #tpu.memory_space<vmem>>)
      %dma_wait3A_121 = arith.constant 0 : i32
      %dma_wait3A_122 = arith.constant 0 : i32
      %dma_wait3A_123 = tpu.memref_slice %arg3[%dma_wait3A_121, %dma_wait3A_122] : memref<10000x256xf32, #tpu.memory_space<hbm>> -> memref<10000x256xf32, #tpu.memory_space<hbm>>
      tpu.wait_indirect_dma semaphore(%arg18 : memref<!tpu.dma_semaphore, #tpu.memory_space<semaphore_mem>>) src(%dma_wait3A_123 : memref<10000x256xf32, #tpu.memory_space<hbm>>) dst(%arg12 : memref<40x256xf32, #tpu.memory_space<vmem>>)
      %scan3A_124 = arith.constant 0 : i32
      %scan3A_125 = arith.constant 0 : i32
      %scan3A_126 = arith.constant 40 : i32
      %scan3A_127 = arith.addi %scan3A_125, %scan3A_126 : i32
      %scan3A_128 = arith.constant 1 : i32
      %scan3A_129 = scf.for %scan3A_132 = %scan3A_125 to %scan3A_127 step %scan3A_128 iter_args(%scan3A_133 = %scan3A_124) -> (i32)  : i32 {
        %get3A = arith.index_cast %scan3A_132 : i32 to index
        %get3A_134 = arith.constant 0 : index
        %get3A_135 = tpu.vector_load %arg11[%get3A, %get3A_134] {strides = array<i32>} : memref<40x256xf32, #tpu.memory_space<vmem>>, vector<1x16xf32>,
        %get3A_136 = vector.shape_cast %get3A_135 : vector<1x16xf32> to vector<16xf32>
        %get3A_137 = arith.index_cast %scan3A_132 : i32 to index
        %get3A_138 = arith.constant 0 : index
        %get3A_139 = tpu.vector_load %arg12[%get3A_137, %get3A_138] {strides = array<i32>} : memref<40x256xf32, #tpu.memory_space<vmem>>, vector<1x16xf32>,
        %get3A_140 = vector.shape_cast %get3A_139 : vector<1x16xf32> to vector<16xf32>
        %add3A_141 = arith.addf %get3A_136, %get3A_140 : vector<16xf32>
        %get3A_142 = arith.index_cast %scan3A_132 : i32 to index
        %get3A_143 = arith.constant 0 : index
        %get3A_144 = tpu.vector_load %arg13[%get3A_142, %get3A_143] {strides = array<i32>} : memref<40x256xf32, #tpu.memory_space<vmem>>, vector<1x16xf32>,
        %get3A_145 = vector.shape_cast %get3A_144 : vector<1x16xf32> to vector<16xf32>
        %add3A_146 = arith.addf %add3A_141, %get3A_145 : vector<16xf32>
        %get3A_147 = arith.index_cast %scan3A_132 : i32 to index
        %get3A_148 = arith.constant 128 : index
        %get3A_149 = tpu.vector_load %arg11[%get3A_147, %get3A_148] {strides = array<i32>} : memref<40x256xf32, #tpu.memory_space<vmem>>, vector<1x16xf32>,
        %get3A_150 = vector.shape_cast %get3A_149 : vector<1x16xf32> to vector<16xf32>
        %get3A_151 = arith.index_cast %scan3A_132 : i32 to index
        %get3A_152 = arith.constant 128 : index
        %get3A_153 = tpu.vector_load %arg12[%get3A_151, %get3A_152] {strides = array<i32>} : memref<40x256xf32, #tpu.memory_space<vmem>>, vector<1x16xf32>,
        %get3A_154 = vector.shape_cast %get3A_153 : vector<1x16xf32> to vector<16xf32>
        %add3A_155 = arith.addf %get3A_150, %get3A_154 : vector<16xf32>
        %get3A_156 = arith.index_cast %scan3A_132 : i32 to index
        %get3A_157 = arith.constant 128 : index
        %get3A_158 = tpu.vector_load %arg13[%get3A_156, %get3A_157] {strides = array<i32>} : memref<40x256xf32, #tpu.memory_space<vmem>>, vector<1x16xf32>,
        %get3A_159 = vector.shape_cast %get3A_158 : vector<1x16xf32> to vector<16xf32>
        %add3A_160 = arith.addf %add3A_155, %get3A_159 : vector<16xf32>
        %abs3A = math.absf %add3A_160 : vector<16xf32>
        %neg3A = arith.constant 0.000000e+00 : f32
        %neg3A_161 = vector.broadcast %neg3A : f32 to vector<16xf32>
        %neg3A_162 = arith.subf %neg3A_161, %abs3A : vector<16xf32>
        %exp3A = math.exp %neg3A_162 : vector<16xf32>
        %mul3A_163 = arith.constant 0.0140268197 : f32
        %mul3A_164 = vector.broadcast %mul3A_163 : f32 to vector<16xf32>
        %mul3A_165 = arith.mulf %mul3A_164, %exp3A : vector<16xf32>
        %add3A_166 = arith.constant -0.0657700077 : f32
        %add3A_167 = vector.broadcast %add3A_166 : f32 to vector<16xf32>
        %add3A_168 = arith.addf %mul3A_165, %add3A_167 : vector<16xf32>
        %mul3A_169 = arith.mulf %add3A_168, %exp3A : vector<16xf32>
        %add3A_170 = arith.constant 0.148106635 : f32
        %add3A_171 = vector.broadcast %add3A_170 : f32 to vector<16xf32>
        %add3A_172 = arith.addf %mul3A_169, %add3A_171 : vector<16xf32>
        %mul3A_173 = arith.mulf %add3A_172, %exp3A : vector<16xf32>
        %add3A_174 = arith.constant -0.234173596 : f32
        %add3A_175 = vector.broadcast %add3A_174 : f32 to vector<16xf32>
        %add3A_176 = arith.addf %mul3A_173, %add3A_175 : vector<16xf32>
        %mul3A_177 = arith.mulf %add3A_176, %exp3A : vector<16xf32>
        %add3A_178 = arith.constant 0.330787867 : f32
        %add3A_179 = vector.broadcast %add3A_178 : f32 to vector<16xf32>
        %add3A_180 = arith.addf %mul3A_177, %add3A_179 : vector<16xf32>
        %mul3A_181 = arith.mulf %add3A_180, %exp3A : vector<16xf32>
        %add3A_182 = arith.constant -0.499825478 : f32
        %add3A_183 = vector.broadcast %add3A_182 : f32 to vector<16xf32>
        %add3A_184 = arith.addf %mul3A_181, %add3A_183 : vector<16xf32>
        %mul3A_185 = arith.mulf %add3A_184, %exp3A : vector<16xf32>
        %add3A_186 = arith.constant 0.999997079 : f32
        %add3A_187 = vector.broadcast %add3A_186 : f32 to vector<16xf32>
        %add3A_188 = arith.addf %mul3A_185, %add3A_187 : vector<16xf32>
        %max3A = arith.constant 0.000000e+00 : f32
        %max3A_189 = vector.broadcast %max3A : f32 to vector<16xf32>
        %max3A_190 = arith.maximumf %add3A_160, %max3A_189 : vector<16xf32>
        %mul3A_191 = arith.mulf %add3A_188, %exp3A : vector<16xf32>
        %add3A_192 = arith.addf %max3A_190, %mul3A_191 : vector<16xf32>
        %neg3A_193 = arith.constant 0.000000e+00 : f32
        %neg3A_194 = vector.broadcast %neg3A_193 : f32 to vector<16xf32>
        %neg3A_195 = arith.subf %neg3A_194, %add3A_146 : vector<16xf32>
        %exp3A_196 = math.exp %neg3A_195 : vector<16xf32>
        %add3A_197 = arith.constant 1.000000e+00 : f32
        %add3A_198 = vector.broadcast %add3A_197 : f32 to vector<16xf32>
        %add3A_199 = arith.addf %add3A_198, %exp3A_196 : vector<16xf32>
        %div3A = arith.divf %add3A_192, %add3A_199 : vector<16xf32>
        %swap3A = arith.index_cast %scan3A_132 : i32 to index
        %swap3A_200 = arith.constant 0 : index
        %swap3A_201 = tpu.vector_load %arg14[%swap3A, %swap3A_200] {strides = array<i32>} : memref<40x128xf32, #tpu.memory_space<vmem>>, vector<1x16xf32>,
        %swap3A_202 = vector.shape_cast %swap3A_201 : vector<1x16xf32> to vector<16xf32>
        %swap3A_203 = vector.shape_cast %div3A : vector<16xf32> to vector<1x16xf32>
        tpu.vector_store %arg14[%swap3A, %swap3A_200], %swap3A_203 {strides = array<i32>} : memref<40x128xf32, #tpu.memory_space<vmem>>, vector<1x16xf32>,
        %get3A_204 = arith.index_cast %scan3A_132 : i32 to index
        %get3A_205 = arith.constant 16 : index
        %get3A_206 = tpu.vector_load %arg11[%get3A_204, %get3A_205] {strides = array<i32>} : memref<40x256xf32, #tpu.memory_space<vmem>>, vector<1x16xf32>,
        %get3A_207 = vector.shape_cast %get3A_206 : vector<1x16xf32> to vector<16xf32>
        %get3A_208 = arith.index_cast %scan3A_132 : i32 to index
        %get3A_209 = arith.constant 16 : index
        %get3A_210 = tpu.vector_load %arg12[%get3A_208, %get3A_209] {strides = array<i32>} : memref<40x256xf32, #tpu.memory_space<vmem>>, vector<1x16xf32>,
        %get3A_211 = vector.shape_cast %get3A_210 : vector<1x16xf32> to vector<16xf32>
        %add3A_212 = arith.addf %get3A_207, %get3A_211 : vector<16xf32>
        %get3A_213 = arith.index_cast %scan3A_132 : i32 to index
        %get3A_214 = arith.constant 16 : index
        %get3A_215 = tpu.vector_load %arg13[%get3A_213, %get3A_214] {strides = array<i32>} : memref<40x256xf32, #tpu.memory_space<vmem>>, vector<1x16xf32>,
        %get3A_216 = vector.shape_cast %get3A_215 : vector<1x16xf32> to vector<16xf32>
        %add3A_217 = arith.addf %add3A_212, %get3A_216 : vector<16xf32>
        %get3A_218 = arith.index_cast %scan3A_132 : i32 to index
        %get3A_219 = arith.constant 144 : index
        %get3A_220 = tpu.vector_load %arg11[%get3A_218, %get3A_219] {strides = array<i32>} : memref<40x256xf32, #tpu.memory_space<vmem>>, vector<1x16xf32>,
        %get3A_221 = vector.shape_cast %get3A_220 : vector<1x16xf32> to vector<16xf32>
        %get3A_222 = arith.index_cast %scan3A_132 : i32 to index
        %get3A_223 = arith.constant 144 : index
        %get3A_224 = tpu.vector_load %arg12[%get3A_222, %get3A_223] {strides = array<i32>} : memref<40x256xf32, #tpu.memory_space<vmem>>, vector<1x16xf32>,
        %get3A_225 = vector.shape_cast %get3A_224 : vector<1x16xf32> to vector<16xf32>
        %add3A_226 = arith.addf %get3A_221, %get3A_225 : vector<16xf32>
        %get3A_227 = arith.index_cast %scan3A_132 : i32 to index
        %get3A_228 = arith.constant 144 : index
        %get3A_229 = tpu.vector_load %arg13[%get3A_227, %get3A_228] {strides = array<i32>} : memref<40x256xf32, #tpu.memory_space<vmem>>, vector<1x16xf32>,
        %get3A_230 = vector.shape_cast %get3A_229 : vector<1x16xf32> to vector<16xf32>
        %add3A_231 = arith.addf %add3A_226, %get3A_230 : vector<16xf32>
        %abs3A_232 = math.absf %add3A_231 : vector<16xf32>
        %neg3A_233 = arith.constant 0.000000e+00 : f32
        %neg3A_234 = vector.broadcast %neg3A_233 : f32 to vector<16xf32>
        %neg3A_235 = arith.subf %neg3A_234, %abs3A_232 : vector<16xf32>
        %exp3A_236 = math.exp %neg3A_235 : vector<16xf32>
        %mul3A_237 = arith.constant 0.0140268197 : f32
        %mul3A_238 = vector.broadcast %mul3A_237 : f32 to vector<16xf32>
        %mul3A_239 = arith.mulf %mul3A_238, %exp3A_236 : vector<16xf32>
        %add3A_240 = arith.constant -0.0657700077 : f32
        %add3A_241 = vector.broadcast %add3A_240 : f32 to vector<16xf32>
        %add3A_242 = arith.addf %mul3A_239, %add3A_241 : vector<16xf32>
        %mul3A_243 = arith.mulf %add3A_242, %exp3A_236 : vector<16xf32>
        %add3A_244 = arith.constant 0.148106635 : f32
        %add3A_245 = vector.broadcast %add3A_244 : f32 to vector<16xf32>
        %add3A_246 = arith.addf %mul3A_243, %add3A_245 : vector<16xf32>
        %mul3A_247 = arith.mulf %add3A_246, %exp3A_236 : vector<16xf32>
        %add3A_248 = arith.constant -0.234173596 : f32
        %add3A_249 = vector.broadcast %add3A_248 : f32 to vector<16xf32>
        %add3A_250 = arith.addf %mul3A_247, %add3A_249 : vector<16xf32>
        %mul3A_251 = arith.mulf %add3A_250, %exp3A_236 : vector<16xf32>
        %add3A_252 = arith.constant 0.330787867 : f32
        %add3A_253 = vector.broadcast %add3A_252 : f32 to vector<16xf32>
        %add3A_254 = arith.addf %mul3A_251, %add3A_253 : vector<16xf32>
        %mul3A_255 = arith.mulf %add3A_254, %exp3A_236 : vector<16xf32>
        %add3A_256 = arith.constant -0.499825478 : f32
        %add3A_257 = vector.broadcast %add3A_256 : f32 to vector<16xf32>
        %add3A_258 = arith.addf %mul3A_255, %add3A_257 : vector<16xf32>
        %mul3A_259 = arith.mulf %add3A_258, %exp3A_236 : vector<16xf32>
        %add3A_260 = arith.constant 0.999997079 : f32
        %add3A_261 = vector.broadcast %add3A_260 : f32 to vector<16xf32>
        %add3A_262 = arith.addf %mul3A_259, %add3A_261 : vector<16xf32>
        %max3A_263 = arith.constant 0.000000e+00 : f32
        %max3A_264 = vector.broadcast %max3A_263 : f32 to vector<16xf32>
        %max3A_265 = arith.maximumf %add3A_231, %max3A_264 : vector<16xf32>
        %mul3A_266 = arith.mulf %add3A_262, %exp3A_236 : vector<16xf32>
        %add3A_267 = arith.addf %max3A_265, %mul3A_266 : vector<16xf32>
        %neg3A_268 = arith.constant 0.000000e+00 : f32
        %neg3A_269 = vector.broadcast %neg3A_268 : f32 to vector<16xf32>
        %neg3A_270 = arith.subf %neg3A_269, %add3A_217 : vector<16xf32>
        %exp3A_271 = math.exp %neg3A_270 : vector<16xf32>
        %add3A_272 = arith.constant 1.000000e+00 : f32
        %add3A_273 = vector.broadcast %add3A_272 : f32 to vector<16xf32>
        %add3A_274 = arith.addf %add3A_273, %exp3A_271 : vector<16xf32>
        %div3A_275 = arith.divf %add3A_267, %add3A_274 : vector<16xf32>
        %swap3A_276 = arith.index_cast %scan3A_132 : i32 to index
        %swap3A_277 = arith.constant 16 : index
        %swap3A_278 = tpu.vector_load %arg14[%swap3A_276, %swap3A_277] {strides = array<i32>} : memref<40x128xf32, #tpu.memory_space<vmem>>, vector<1x16xf32>,
        %swap3A_279 = vector.shape_cast %swap3A_278 : vector<1x16xf32> to vector<16xf32>
        %swap3A_280 = vector.shape_cast %div3A_275 : vector<16xf32> to vector<1x16xf32>
        tpu.vector_store %arg14[%swap3A_276, %swap3A_277], %swap3A_280 {strides = array<i32>} : memref<40x128xf32, #tpu.memory_space<vmem>>, vector<1x16xf32>,
        %get3A_281 = arith.index_cast %scan3A_132 : i32 to index
        %get3A_282 = arith.constant 32 : index
        %get3A_283 = tpu.vector_load %arg11[%get3A_281, %get3A_282] {strides = array<i32>} : memref<40x256xf32, #tpu.memory_space<vmem>>, vector<1x16xf32>,
        %get3A_284 = vector.shape_cast %get3A_283 : vector<1x16xf32> to vector<16xf32>
        %get3A_285 = arith.index_cast %scan3A_132 : i32 to index
        %get3A_286 = arith.constant 32 : index
        %get3A_287 = tpu.vector_load %arg12[%get3A_285, %get3A_286] {strides = array<i32>} : memref<40x256xf32, #tpu.memory_space<vmem>>, vector<1x16xf32>,
        %get3A_288 = vector.shape_cast %get3A_287 : vector<1x16xf32> to vector<16xf32>
        %add3A_289 = arith.addf %get3A_284, %get3A_288 : vector<16xf32>
        %get3A_290 = arith.index_cast %scan3A_132 : i32 to index
        %get3A_291 = arith.constant 32 : index
        %get3A_292 = tpu.vector_load %arg13[%get3A_290, %get3A_291] {strides = array<i32>} : memref<40x256xf32, #tpu.memory_space<vmem>>, vector<1x16xf32>,
        %get3A_293 = vector.shape_cast %get3A_292 : vector<1x16xf32> to vector<16xf32>
        %add3A_294 = arith.addf %add3A_289, %get3A_293 : vector<16xf32>
        %get3A_295 = arith.index_cast %scan3A_132 : i32 to index
        %get3A_296 = arith.constant 160 : index
        %get3A_297 = tpu.vector_load %arg11[%get3A_295, %get3A_296] {strides = array<i32>} : memref<40x256xf32, #tpu.memory_space<vmem>>, vector<1x16xf32>,
        %get3A_298 = vector.shape_cast %get3A_297 : vector<1x16xf32> to vector<16xf32>
        %get3A_299 = arith.index_cast %scan3A_132 : i32 to index
        %get3A_300 = arith.constant 160 : index
        %get3A_301 = tpu.vector_load %arg12[%get3A_299, %get3A_300] {strides = array<i32>} : memref<40x256xf32, #tpu.memory_space<vmem>>, vector<1x16xf32>,
        %get3A_302 = vector.shape_cast %get3A_301 : vector<1x16xf32> to vector<16xf32>
        %add3A_303 = arith.addf %get3A_298, %get3A_302 : vector<16xf32>
        %get3A_304 = arith.index_cast %scan3A_132 : i32 to index
        %get3A_305 = arith.constant 160 : index
        %get3A_306 = tpu.vector_load %arg13[%get3A_304, %get3A_305] {strides = array<i32>} : memref<40x256xf32, #tpu.memory_space<vmem>>, vector<1x16xf32>,
        %get3A_307 = vector.shape_cast %get3A_306 : vector<1x16xf32> to vector<16xf32>
        %add3A_308 = arith.addf %add3A_303, %get3A_307 : vector<16xf32>
        %abs3A_309 = math.absf %add3A_308 : vector<16xf32>
        %neg3A_310 = arith.constant 0.000000e+00 : f32
        %neg3A_311 = vector.broadcast %neg3A_310 : f32 to vector<16xf32>
        %neg3A_312 = arith.subf %neg3A_311, %abs3A_309 : vector<16xf32>
        %exp3A_313 = math.exp %neg3A_312 : vector<16xf32>
        %mul3A_314 = arith.constant 0.0140268197 : f32
        %mul3A_315 = vector.broadcast %mul3A_314 : f32 to vector<16xf32>
        %mul3A_316 = arith.mulf %mul3A_315, %exp3A_313 : vector<16xf32>
        %add3A_317 = arith.constant -0.0657700077 : f32
        %add3A_318 = vector.broadcast %add3A_317 : f32 to vector<16xf32>
        %add3A_319 = arith.addf %mul3A_316, %add3A_318 : vector<16xf32>
        %mul3A_320 = arith.mulf %add3A_319, %exp3A_313 : vector<16xf32>
        %add3A_321 = arith.constant 0.148106635 : f32
        %add3A_322 = vector.broadcast %add3A_321 : f32 to vector<16xf32>
        %add3A_323 = arith.addf %mul3A_320, %add3A_322 : vector<16xf32>
        %mul3A_324 = arith.mulf %add3A_323, %exp3A_313 : vector<16xf32>
        %add3A_325 = arith.constant -0.234173596 : f32
        %add3A_326 = vector.broadcast %add3A_325 : f32 to vector<16xf32>
        %add3A_327 = arith.addf %mul3A_324, %add3A_326 : vector<16xf32>
        %mul3A_328 = arith.mulf %add3A_327, %exp3A_313 : vector<16xf32>
        %add3A_329 = arith.constant 0.330787867 : f32
        %add3A_330 = vector.broadcast %add3A_329 : f32 to vector<16xf32>
        %add3A_331 = arith.addf %mul3A_328, %add3A_330 : vector<16xf32>
        %mul3A_332 = arith.mulf %add3A_331, %exp3A_313 : vector<16xf32>
        %add3A_333 = arith.constant -0.499825478 : f32
        %add3A_334 = vector.broadcast %add3A_333 : f32 to vector<16xf32>
        %add3A_335 = arith.addf %mul3A_332, %add3A_334 : vector<16xf32>
        %mul3A_336 = arith.mulf %add3A_335, %exp3A_313 : vector<16xf32>
        %add3A_337 = arith.constant 0.999997079 : f32
        %add3A_338 = vector.broadcast %add3A_337 : f32 to vector<16xf32>
        %add3A_339 = arith.addf %mul3A_336, %add3A_338 : vector<16xf32>
        %max3A_340 = arith.constant 0.000000e+00 : f32
        %max3A_341 = vector.broadcast %max3A_340 : f32 to vector<16xf32>
        %max3A_342 = arith.maximumf %add3A_308, %max3A_341 : vector<16xf32>
        %mul3A_343 = arith.mulf %add3A_339, %exp3A_313 : vector<16xf32>
        %add3A_344 = arith.addf %max3A_342, %mul3A_343 : vector<16xf32>
        %neg3A_345 = arith.constant 0.000000e+00 : f32
        %neg3A_346 = vector.broadcast %neg3A_345 : f32 to vector<16xf32>
        %neg3A_347 = arith.subf %neg3A_346, %add3A_294 : vector<16xf32>
        %exp3A_348 = math.exp %neg3A_347 : vector<16xf32>
        %add3A_349 = arith.constant 1.000000e+00 : f32
        %add3A_350 = vector.broadcast %add3A_349 : f32 to vector<16xf32>
        %add3A_351 = arith.addf %add3A_350, %exp3A_348 : vector<16xf32>
        %div3A_352 = arith.divf %add3A_344, %add3A_351 : vector<16xf32>
        %swap3A_353 = arith.index_cast %scan3A_132 : i32 to index
        %swap3A_354 = arith.constant 32 : index
        %swap3A_355 = tpu.vector_load %arg14[%swap3A_353, %swap3A_354] {strides = array<i32>} : memref<40x128xf32, #tpu.memory_space<vmem>>, vector<1x16xf32>,
        %swap3A_356 = vector.shape_cast %swap3A_355 : vector<1x16xf32> to vector<16xf32>
        %swap3A_357 = vector.shape_cast %div3A_352 : vector<16xf32> to vector<1x16xf32>
        tpu.vector_store %arg14[%swap3A_353, %swap3A_354], %swap3A_357 {strides = array<i32>} : memref<40x128xf32, #tpu.memory_space<vmem>>, vector<1x16xf32>,
        %get3A_358 = arith.index_cast %scan3A_132 : i32 to index
        %get3A_359 = arith.constant 48 : index
        %get3A_360 = tpu.vector_load %arg11[%get3A_358, %get3A_359] {strides = array<i32>} : memref<40x256xf32, #tpu.memory_space<vmem>>, vector<1x16xf32>,
        %get3A_361 = vector.shape_cast %get3A_360 : vector<1x16xf32> to vector<16xf32>
        %get3A_362 = arith.index_cast %scan3A_132 : i32 to index
        %get3A_363 = arith.constant 48 : index
        %get3A_364 = tpu.vector_load %arg12[%get3A_362, %get3A_363] {strides = array<i32>} : memref<40x256xf32, #tpu.memory_space<vmem>>, vector<1x16xf32>,
        %get3A_365 = vector.shape_cast %get3A_364 : vector<1x16xf32> to vector<16xf32>
        %add3A_366 = arith.addf %get3A_361, %get3A_365 : vector<16xf32>
        %get3A_367 = arith.index_cast %scan3A_132 : i32 to index
        %get3A_368 = arith.constant 48 : index
        %get3A_369 = tpu.vector_load %arg13[%get3A_367, %get3A_368] {strides = array<i32>} : memref<40x256xf32, #tpu.memory_space<vmem>>, vector<1x16xf32>,
        %get3A_370 = vector.shape_cast %get3A_369 : vector<1x16xf32> to vector<16xf32>
        %add3A_371 = arith.addf %add3A_366, %get3A_370 : vector<16xf32>
        %get3A_372 = arith.index_cast %scan3A_132 : i32 to index
        %get3A_373 = arith.constant 176 : index
        %get3A_374 = tpu.vector_load %arg11[%get3A_372, %get3A_373] {strides = array<i32>} : memref<40x256xf32, #tpu.memory_space<vmem>>, vector<1x16xf32>,
        %get3A_375 = vector.shape_cast %get3A_374 : vector<1x16xf32> to vector<16xf32>
        %get3A_376 = arith.index_cast %scan3A_132 : i32 to index
        %get3A_377 = arith.constant 176 : index
        %get3A_378 = tpu.vector_load %arg12[%get3A_376, %get3A_377] {strides = array<i32>} : memref<40x256xf32, #tpu.memory_space<vmem>>, vector<1x16xf32>,
        %get3A_379 = vector.shape_cast %get3A_378 : vector<1x16xf32> to vector<16xf32>
        %add3A_380 = arith.addf %get3A_375, %get3A_379 : vector<16xf32>
        %get3A_381 = arith.index_cast %scan3A_132 : i32 to index
        %get3A_382 = arith.constant 176 : index
        %get3A_383 = tpu.vector_load %arg13[%get3A_381, %get3A_382] {strides = array<i32>} : memref<40x256xf32, #tpu.memory_space<vmem>>, vector<1x16xf32>,
        %get3A_384 = vector.shape_cast %get3A_383 : vector<1x16xf32> to vector<16xf32>
        %add3A_385 = arith.addf %add3A_380, %get3A_384 : vector<16xf32>
        %abs3A_386 = math.absf %add3A_385 : vector<16xf32>
        %neg3A_387 = arith.constant 0.000000e+00 : f32
        %neg3A_388 = vector.broadcast %neg3A_387 : f32 to vector<16xf32>
        %neg3A_389 = arith.subf %neg3A_388, %abs3A_386 : vector<16xf32>
        %exp3A_390 = math.exp %neg3A_389 : vector<16xf32>
        %mul3A_391 = arith.constant 0.0140268197 : f32
        %mul3A_392 = vector.broadcast %mul3A_391 : f32 to vector<16xf32>
        %mul3A_393 = arith.mulf %mul3A_392, %exp3A_390 : vector<16xf32>
        %add3A_394 = arith.constant -0.0657700077 : f32
        %add3A_395 = vector.broadcast %add3A_394 : f32 to vector<16xf32>
        %add3A_396 = arith.addf %mul3A_393, %add3A_395 : vector<16xf32>
        %mul3A_397 = arith.mulf %add3A_396, %exp3A_390 : vector<16xf32>
        %add3A_398 = arith.constant 0.148106635 : f32
        %add3A_399 = vector.broadcast %add3A_398 : f32 to vector<16xf32>
        %add3A_400 = arith.addf %mul3A_397, %add3A_399 : vector<16xf32>
        %mul3A_401 = arith.mulf %add3A_400, %exp3A_390 : vector<16xf32>
        %add3A_402 = arith.constant -0.234173596 : f32
        %add3A_403 = vector.broadcast %add3A_402 : f32 to vector<16xf32>
        %add3A_404 = arith.addf %mul3A_401, %add3A_403 : vector<16xf32>
        %mul3A_405 = arith.mulf %add3A_404, %exp3A_390 : vector<16xf32>
        %add3A_406 = arith.constant 0.330787867 : f32
        %add3A_407 = vector.broadcast %add3A_406 : f32 to vector<16xf32>
        %add3A_408 = arith.addf %mul3A_405, %add3A_407 : vector<16xf32>
        %mul3A_409 = arith.mulf %add3A_408, %exp3A_390 : vector<16xf32>
        %add3A_410 = arith.constant -0.499825478 : f32
        %add3A_411 = vector.broadcast %add3A_410 : f32 to vector<16xf32>
        %add3A_412 = arith.addf %mul3A_409, %add3A_411 : vector<16xf32>
        %mul3A_413 = arith.mulf %add3A_412, %exp3A_390 : vector<16xf32>
        %add3A_414 = arith.constant 0.999997079 : f32
        %add3A_415 = vector.broadcast %add3A_414 : f32 to vector<16xf32>
        %add3A_416 = arith.addf %mul3A_413, %add3A_415 : vector<16xf32>
        %max3A_417 = arith.constant 0.000000e+00 : f32
        %max3A_418 = vector.broadcast %max3A_417 : f32 to vector<16xf32>
        %max3A_419 = arith.maximumf %add3A_385, %max3A_418 : vector<16xf32>
        %mul3A_420 = arith.mulf %add3A_416, %exp3A_390 : vector<16xf32>
        %add3A_421 = arith.addf %max3A_419, %mul3A_420 : vector<16xf32>
        %neg3A_422 = arith.constant 0.000000e+00 : f32
        %neg3A_423 = vector.broadcast %neg3A_422 : f32 to vector<16xf32>
        %neg3A_424 = arith.subf %neg3A_423, %add3A_371 : vector<16xf32>
        %exp3A_425 = math.exp %neg3A_424 : vector<16xf32>
        %add3A_426 = arith.constant 1.000000e+00 : f32
        %add3A_427 = vector.broadcast %add3A_426 : f32 to vector<16xf32>
        %add3A_428 = arith.addf %add3A_427, %exp3A_425 : vector<16xf32>
        %div3A_429 = arith.divf %add3A_421, %add3A_428 : vector<16xf32>
        %swap3A_430 = arith.index_cast %scan3A_132 : i32 to index
        %swap3A_431 = arith.constant 48 : index
        %swap3A_432 = tpu.vector_load %arg14[%swap3A_430, %swap3A_431] {strides = array<i32>} : memref<40x128xf32, #tpu.memory_space<vmem>>, vector<1x16xf32>,
        %swap3A_433 = vector.shape_cast %swap3A_432 : vector<1x16xf32> to vector<16xf32>
        %swap3A_434 = vector.shape_cast %div3A_429 : vector<16xf32> to vector<1x16xf32>
        tpu.vector_store %arg14[%swap3A_430, %swap3A_431], %swap3A_434 {strides = array<i32>} : memref<40x128xf32, #tpu.memory_space<vmem>>, vector<1x16xf32>,
        %get3A_435 = arith.index_cast %scan3A_132 : i32 to index
        %get3A_436 = arith.constant 64 : index
        %get3A_437 = tpu.vector_load %arg11[%get3A_435, %get3A_436] {strides = array<i32>} : memref<40x256xf32, #tpu.memory_space<vmem>>, vector<1x16xf32>,
        %get3A_438 = vector.shape_cast %get3A_437 : vector<1x16xf32> to vector<16xf32>
        %get3A_439 = arith.index_cast %scan3A_132 : i32 to index
        %get3A_440 = arith.constant 64 : index
        %get3A_441 = tpu.vector_load %arg12[%get3A_439, %get3A_440] {strides = array<i32>} : memref<40x256xf32, #tpu.memory_space<vmem>>, vector<1x16xf32>,
        %get3A_442 = vector.shape_cast %get3A_441 : vector<1x16xf32> to vector<16xf32>
        %add3A_443 = arith.addf %get3A_438, %get3A_442 : vector<16xf32>
        %get3A_444 = arith.index_cast %scan3A_132 : i32 to index
        %get3A_445 = arith.constant 64 : index
        %get3A_446 = tpu.vector_load %arg13[%get3A_444, %get3A_445] {strides = array<i32>} : memref<40x256xf32, #tpu.memory_space<vmem>>, vector<1x16xf32>,
        %get3A_447 = vector.shape_cast %get3A_446 : vector<1x16xf32> to vector<16xf32>
        %add3A_448 = arith.addf %add3A_443, %get3A_447 : vector<16xf32>
        %get3A_449 = arith.index_cast %scan3A_132 : i32 to index
        %get3A_450 = arith.constant 192 : index
        %get3A_451 = tpu.vector_load %arg11[%get3A_449, %get3A_450] {strides = array<i32>} : memref<40x256xf32, #tpu.memory_space<vmem>>, vector<1x16xf32>,
        %get3A_452 = vector.shape_cast %get3A_451 : vector<1x16xf32> to vector<16xf32>
        %get3A_453 = arith.index_cast %scan3A_132 : i32 to index
        %get3A_454 = arith.constant 192 : index
        %get3A_455 = tpu.vector_load %arg12[%get3A_453, %get3A_454] {strides = array<i32>} : memref<40x256xf32, #tpu.memory_space<vmem>>, vector<1x16xf32>,
        %get3A_456 = vector.shape_cast %get3A_455 : vector<1x16xf32> to vector<16xf32>
        %add3A_457 = arith.addf %get3A_452, %get3A_456 : vector<16xf32>
        %get3A_458 = arith.index_cast %scan3A_132 : i32 to index
        %get3A_459 = arith.constant 192 : index
        %get3A_460 = tpu.vector_load %arg13[%get3A_458, %get3A_459] {strides = array<i32>} : memref<40x256xf32, #tpu.memory_space<vmem>>, vector<1x16xf32>,
        %get3A_461 = vector.shape_cast %get3A_460 : vector<1x16xf32> to vector<16xf32>
        %add3A_462 = arith.addf %add3A_457, %get3A_461 : vector<16xf32>
        %abs3A_463 = math.absf %add3A_462 : vector<16xf32>
        %neg3A_464 = arith.constant 0.000000e+00 : f32
        %neg3A_465 = vector.broadcast %neg3A_464 : f32 to vector<16xf32>
        %neg3A_466 = arith.subf %neg3A_465, %abs3A_463 : vector<16xf32>
        %exp3A_467 = math.exp %neg3A_466 : vector<16xf32>
        %mul3A_468 = arith.constant 0.0140268197 : f32
        %mul3A_469 = vector.broadcast %mul3A_468 : f32 to vector<16xf32>
        %mul3A_470 = arith.mulf %mul3A_469, %exp3A_467 : vector<16xf32>
        %add3A_471 = arith.constant -0.0657700077 : f32
        %add3A_472 = vector.broadcast %add3A_471 : f32 to vector<16xf32>
        %add3A_473 = arith.addf %mul3A_470, %add3A_472 : vector<16xf32>
        %mul3A_474 = arith.mulf %add3A_473, %exp3A_467 : vector<16xf32>
        %add3A_475 = arith.constant 0.148106635 : f32
        %add3A_476 = vector.broadcast %add3A_475 : f32 to vector<16xf32>
        %add3A_477 = arith.addf %mul3A_474, %add3A_476 : vector<16xf32>
        %mul3A_478 = arith.mulf %add3A_477, %exp3A_467 : vector<16xf32>
        %add3A_479 = arith.constant -0.234173596 : f32
        %add3A_480 = vector.broadcast %add3A_479 : f32 to vector<16xf32>
        %add3A_481 = arith.addf %mul3A_478, %add3A_480 : vector<16xf32>
        %mul3A_482 = arith.mulf %add3A_481, %exp3A_467 : vector<16xf32>
        %add3A_483 = arith.constant 0.330787867 : f32
        %add3A_484 = vector.broadcast %add3A_483 : f32 to vector<16xf32>
        %add3A_485 = arith.addf %mul3A_482, %add3A_484 : vector<16xf32>
        %mul3A_486 = arith.mulf %add3A_485, %exp3A_467 : vector<16xf32>
        %add3A_487 = arith.constant -0.499825478 : f32
        %add3A_488 = vector.broadcast %add3A_487 : f32 to vector<16xf32>
        %add3A_489 = arith.addf %mul3A_486, %add3A_488 : vector<16xf32>
        %mul3A_490 = arith.mulf %add3A_489, %exp3A_467 : vector<16xf32>
        %add3A_491 = arith.constant 0.999997079 : f32
        %add3A_492 = vector.broadcast %add3A_491 : f32 to vector<16xf32>
        %add3A_493 = arith.addf %mul3A_490, %add3A_492 : vector<16xf32>
        %max3A_494 = arith.constant 0.000000e+00 : f32
        %max3A_495 = vector.broadcast %max3A_494 : f32 to vector<16xf32>
        %max3A_496 = arith.maximumf %add3A_462, %max3A_495 : vector<16xf32>
        %mul3A_497 = arith.mulf %add3A_493, %exp3A_467 : vector<16xf32>
        %add3A_498 = arith.addf %max3A_496, %mul3A_497 : vector<16xf32>
        %neg3A_499 = arith.constant 0.000000e+00 : f32
        %neg3A_500 = vector.broadcast %neg3A_499 : f32 to vector<16xf32>
        %neg3A_501 = arith.subf %neg3A_500, %add3A_448 : vector<16xf32>
        %exp3A_502 = math.exp %neg3A_501 : vector<16xf32>
        %add3A_503 = arith.constant 1.000000e+00 : f32
        %add3A_504 = vector.broadcast %add3A_503 : f32 to vector<16xf32>
        %add3A_505 = arith.addf %add3A_504, %exp3A_502 : vector<16xf32>
        %div3A_506 = arith.divf %add3A_498, %add3A_505 : vector<16xf32>
        %swap3A_507 = arith.index_cast %scan3A_132 : i32 to index
        %swap3A_508 = arith.constant 64 : index
        %swap3A_509 = tpu.vector_load %arg14[%swap3A_507, %swap3A_508] {strides = array<i32>} : memref<40x128xf32, #tpu.memory_space<vmem>>, vector<1x16xf32>,
        %swap3A_510 = vector.shape_cast %swap3A_509 : vector<1x16xf32> to vector<16xf32>
        %swap3A_511 = vector.shape_cast %div3A_506 : vector<16xf32> to vector<1x16xf32>
        tpu.vector_store %arg14[%swap3A_507, %swap3A_508], %swap3A_511 {strides = array<i32>} : memref<40x128xf32, #tpu.memory_space<vmem>>, vector<1x16xf32>,
        %get3A_512 = arith.index_cast %scan3A_132 : i32 to index
        %get3A_513 = arith.constant 80 : index
        %get3A_514 = tpu.vector_load %arg11[%get3A_512, %get3A_513] {strides = array<i32>} : memref<40x256xf32, #tpu.memory_space<vmem>>, vector<1x16xf32>,
        %get3A_515 = vector.shape_cast %get3A_514 : vector<1x16xf32> to vector<16xf32>
        %get3A_516 = arith.index_cast %scan3A_132 : i32 to index
        %get3A_517 = arith.constant 80 : index
        %get3A_518 = tpu.vector_load %arg12[%get3A_516, %get3A_517] {strides = array<i32>} : memref<40x256xf32, #tpu.memory_space<vmem>>, vector<1x16xf32>,
        %get3A_519 = vector.shape_cast %get3A_518 : vector<1x16xf32> to vector<16xf32>
        %add3A_520 = arith.addf %get3A_515, %get3A_519 : vector<16xf32>
        %get3A_521 = arith.index_cast %scan3A_132 : i32 to index
        %get3A_522 = arith.constant 80 : index
        %get3A_523 = tpu.vector_load %arg13[%get3A_521, %get3A_522] {strides = array<i32>} : memref<40x256xf32, #tpu.memory_space<vmem>>, vector<1x16xf32>,
        %get3A_524 = vector.shape_cast %get3A_523 : vector<1x16xf32> to vector<16xf32>
        %add3A_525 = arith.addf %add3A_520, %get3A_524 : vector<16xf32>
        %get3A_526 = arith.index_cast %scan3A_132 : i32 to index
        %get3A_527 = arith.constant 208 : index
        %get3A_528 = tpu.vector_load %arg11[%get3A_526, %get3A_527] {strides = array<i32>} : memref<40x256xf32, #tpu.memory_space<vmem>>, vector<1x16xf32>,
        %get3A_529 = vector.shape_cast %get3A_528 : vector<1x16xf32> to vector<16xf32>
        %get3A_530 = arith.index_cast %scan3A_132 : i32 to index
        %get3A_531 = arith.constant 208 : index
        %get3A_532 = tpu.vector_load %arg12[%get3A_530, %get3A_531] {strides = array<i32>} : memref<40x256xf32, #tpu.memory_space<vmem>>, vector<1x16xf32>,
        %get3A_533 = vector.shape_cast %get3A_532 : vector<1x16xf32> to vector<16xf32>
        %add3A_534 = arith.addf %get3A_529, %get3A_533 : vector<16xf32>
        %get3A_535 = arith.index_cast %scan3A_132 : i32 to index
        %get3A_536 = arith.constant 208 : index
        %get3A_537 = tpu.vector_load %arg13[%get3A_535, %get3A_536] {strides = array<i32>} : memref<40x256xf32, #tpu.memory_space<vmem>>, vector<1x16xf32>,
        %get3A_538 = vector.shape_cast %get3A_537 : vector<1x16xf32> to vector<16xf32>
        %add3A_539 = arith.addf %add3A_534, %get3A_538 : vector<16xf32>
        %abs3A_540 = math.absf %add3A_539 : vector<16xf32>
        %neg3A_541 = arith.constant 0.000000e+00 : f32
        %neg3A_542 = vector.broadcast %neg3A_541 : f32 to vector<16xf32>
        %neg3A_543 = arith.subf %neg3A_542, %abs3A_540 : vector<16xf32>
        %exp3A_544 = math.exp %neg3A_543 : vector<16xf32>
        %mul3A_545 = arith.constant 0.0140268197 : f32
        %mul3A_546 = vector.broadcast %mul3A_545 : f32 to vector<16xf32>
        %mul3A_547 = arith.mulf %mul3A_546, %exp3A_544 : vector<16xf32>
        %add3A_548 = arith.constant -0.0657700077 : f32
        %add3A_549 = vector.broadcast %add3A_548 : f32 to vector<16xf32>
        %add3A_550 = arith.addf %mul3A_547, %add3A_549 : vector<16xf32>
        %mul3A_551 = arith.mulf %add3A_550, %exp3A_544 : vector<16xf32>
        %add3A_552 = arith.constant 0.148106635 : f32
        %add3A_553 = vector.broadcast %add3A_552 : f32 to vector<16xf32>
        %add3A_554 = arith.addf %mul3A_551, %add3A_553 : vector<16xf32>
        %mul3A_555 = arith.mulf %add3A_554, %exp3A_544 : vector<16xf32>
        %add3A_556 = arith.constant -0.234173596 : f32
        %add3A_557 = vector.broadcast %add3A_556 : f32 to vector<16xf32>
        %add3A_558 = arith.addf %mul3A_555, %add3A_557 : vector<16xf32>
        %mul3A_559 = arith.mulf %add3A_558, %exp3A_544 : vector<16xf32>
        %add3A_560 = arith.constant 0.330787867 : f32
        %add3A_561 = vector.broadcast %add3A_560 : f32 to vector<16xf32>
        %add3A_562 = arith.addf %mul3A_559, %add3A_561 : vector<16xf32>
        %mul3A_563 = arith.mulf %add3A_562, %exp3A_544 : vector<16xf32>
        %add3A_564 = arith.constant -0.499825478 : f32
        %add3A_565 = vector.broadcast %add3A_564 : f32 to vector<16xf32>
        %add3A_566 = arith.addf %mul3A_563, %add3A_565 : vector<16xf32>
        %mul3A_567 = arith.mulf %add3A_566, %exp3A_544 : vector<16xf32>
        %add3A_568 = arith.constant 0.999997079 : f32
        %add3A_569 = vector.broadcast %add3A_568 : f32 to vector<16xf32>
        %add3A_570 = arith.addf %mul3A_567, %add3A_569 : vector<16xf32>
        %max3A_571 = arith.constant 0.000000e+00 : f32
        %max3A_572 = vector.broadcast %max3A_571 : f32 to vector<16xf32>
        %max3A_573 = arith.maximumf %add3A_539, %max3A_572 : vector<16xf32>
        %mul3A_574 = arith.mulf %add3A_570, %exp3A_544 : vector<16xf32>
        %add3A_575 = arith.addf %max3A_573, %mul3A_574 : vector<16xf32>
        %neg3A_576 = arith.constant 0.000000e+00 : f32
        %neg3A_577 = vector.broadcast %neg3A_576 : f32 to vector<16xf32>
        %neg3A_578 = arith.subf %neg3A_577, %add3A_525 : vector<16xf32>
        %exp3A_579 = math.exp %neg3A_578 : vector<16xf32>
        %add3A_580 = arith.constant 1.000000e+00 : f32
        %add3A_581 = vector.broadcast %add3A_580 : f32 to vector<16xf32>
        %add3A_582 = arith.addf %add3A_581, %exp3A_579 : vector<16xf32>
        %div3A_583 = arith.divf %add3A_575, %add3A_582 : vector<16xf32>
        %swap3A_584 = arith.index_cast %scan3A_132 : i32 to index
        %swap3A_585 = arith.constant 80 : index
        %swap3A_586 = tpu.vector_load %arg14[%swap3A_584, %swap3A_585] {strides = array<i32>} : memref<40x128xf32, #tpu.memory_space<vmem>>, vector<1x16xf32>,
        %swap3A_587 = vector.shape_cast %swap3A_586 : vector<1x16xf32> to vector<16xf32>
        %swap3A_588 = vector.shape_cast %div3A_583 : vector<16xf32> to vector<1x16xf32>
        tpu.vector_store %arg14[%swap3A_584, %swap3A_585], %swap3A_588 {strides = array<i32>} : memref<40x128xf32, #tpu.memory_space<vmem>>, vector<1x16xf32>,
        %get3A_589 = arith.index_cast %scan3A_132 : i32 to index
        %get3A_590 = arith.constant 96 : index
        %get3A_591 = tpu.vector_load %arg11[%get3A_589, %get3A_590] {strides = array<i32>} : memref<40x256xf32, #tpu.memory_space<vmem>>, vector<1x16xf32>,
        %get3A_592 = vector.shape_cast %get3A_591 : vector<1x16xf32> to vector<16xf32>
        %get3A_593 = arith.index_cast %scan3A_132 : i32 to index
        %get3A_594 = arith.constant 96 : index
        %get3A_595 = tpu.vector_load %arg12[%get3A_593, %get3A_594] {strides = array<i32>} : memref<40x256xf32, #tpu.memory_space<vmem>>, vector<1x16xf32>,
        %get3A_596 = vector.shape_cast %get3A_595 : vector<1x16xf32> to vector<16xf32>
        %add3A_597 = arith.addf %get3A_592, %get3A_596 : vector<16xf32>
        %get3A_598 = arith.index_cast %scan3A_132 : i32 to index
        %get3A_599 = arith.constant 96 : index
        %get3A_600 = tpu.vector_load %arg13[%get3A_598, %get3A_599] {strides = array<i32>} : memref<40x256xf32, #tpu.memory_space<vmem>>, vector<1x16xf32>,
        %get3A_601 = vector.shape_cast %get3A_600 : vector<1x16xf32> to vector<16xf32>
        %add3A_602 = arith.addf %add3A_597, %get3A_601 : vector<16xf32>
        %get3A_603 = arith.index_cast %scan3A_132 : i32 to index
        %get3A_604 = arith.constant 224 : index
        %get3A_605 = tpu.vector_load %arg11[%get3A_603, %get3A_604] {strides = array<i32>} : memref<40x256xf32, #tpu.memory_space<vmem>>, vector<1x16xf32>,
        %get3A_606 = vector.shape_cast %get3A_605 : vector<1x16xf32> to vector<16xf32>
        %get3A_607 = arith.index_cast %scan3A_132 : i32 to index
        %get3A_608 = arith.constant 224 : index
        %get3A_609 = tpu.vector_load %arg12[%get3A_607, %get3A_608] {strides = array<i32>} : memref<40x256xf32, #tpu.memory_space<vmem>>, vector<1x16xf32>,
        %get3A_610 = vector.shape_cast %get3A_609 : vector<1x16xf32> to vector<16xf32>
        %add3A_611 = arith.addf %get3A_606, %get3A_610 : vector<16xf32>
        %get3A_612 = arith.index_cast %scan3A_132 : i32 to index
        %get3A_613 = arith.constant 224 : index
        %get3A_614 = tpu.vector_load %arg13[%get3A_612, %get3A_613] {strides = array<i32>} : memref<40x256xf32, #tpu.memory_space<vmem>>, vector<1x16xf32>,
        %get3A_615 = vector.shape_cast %get3A_614 : vector<1x16xf32> to vector<16xf32>
        %add3A_616 = arith.addf %add3A_611, %get3A_615 : vector<16xf32>
        %abs3A_617 = math.absf %add3A_616 : vector<16xf32>
        %neg3A_618 = arith.constant 0.000000e+00 : f32
        %neg3A_619 = vector.broadcast %neg3A_618 : f32 to vector<16xf32>
        %neg3A_620 = arith.subf %neg3A_619, %abs3A_617 : vector<16xf32>
        %exp3A_621 = math.exp %neg3A_620 : vector<16xf32>
        %mul3A_622 = arith.constant 0.0140268197 : f32
        %mul3A_623 = vector.broadcast %mul3A_622 : f32 to vector<16xf32>
        %mul3A_624 = arith.mulf %mul3A_623, %exp3A_621 : vector<16xf32>
        %add3A_625 = arith.constant -0.0657700077 : f32
        %add3A_626 = vector.broadcast %add3A_625 : f32 to vector<16xf32>
        %add3A_627 = arith.addf %mul3A_624, %add3A_626 : vector<16xf32>
        %mul3A_628 = arith.mulf %add3A_627, %exp3A_621 : vector<16xf32>
        %add3A_629 = arith.constant 0.148106635 : f32
        %add3A_630 = vector.broadcast %add3A_629 : f32 to vector<16xf32>
        %add3A_631 = arith.addf %mul3A_628, %add3A_630 : vector<16xf32>
        %mul3A_632 = arith.mulf %add3A_631, %exp3A_621 : vector<16xf32>
        %add3A_633 = arith.constant -0.234173596 : f32
        %add3A_634 = vector.broadcast %add3A_633 : f32 to vector<16xf32>
        %add3A_635 = arith.addf %mul3A_632, %add3A_634 : vector<16xf32>
        %mul3A_636 = arith.mulf %add3A_635, %exp3A_621 : vector<16xf32>
        %add3A_637 = arith.constant 0.330787867 : f32
        %add3A_638 = vector.broadcast %add3A_637 : f32 to vector<16xf32>
        %add3A_639 = arith.addf %mul3A_636, %add3A_638 : vector<16xf32>
        %mul3A_640 = arith.mulf %add3A_639, %exp3A_621 : vector<16xf32>
        %add3A_641 = arith.constant -0.499825478 : f32
        %add3A_642 = vector.broadcast %add3A_641 : f32 to vector<16xf32>
        %add3A_643 = arith.addf %mul3A_640, %add3A_642 : vector<16xf32>
        %mul3A_644 = arith.mulf %add3A_643, %exp3A_621 : vector<16xf32>
        %add3A_645 = arith.constant 0.999997079 : f32
        %add3A_646 = vector.broadcast %add3A_645 : f32 to vector<16xf32>
        %add3A_647 = arith.addf %mul3A_644, %add3A_646 : vector<16xf32>
        %max3A_648 = arith.constant 0.000000e+00 : f32
        %max3A_649 = vector.broadcast %max3A_648 : f32 to vector<16xf32>
        %max3A_650 = arith.maximumf %add3A_616, %max3A_649 : vector<16xf32>
        %mul3A_651 = arith.mulf %add3A_647, %exp3A_621 : vector<16xf32>
        %add3A_652 = arith.addf %max3A_650, %mul3A_651 : vector<16xf32>
        %neg3A_653 = arith.constant 0.000000e+00 : f32
        %neg3A_654 = vector.broadcast %neg3A_653 : f32 to vector<16xf32>
        %neg3A_655 = arith.subf %neg3A_654, %add3A_602 : vector<16xf32>
        %exp3A_656 = math.exp %neg3A_655 : vector<16xf32>
        %add3A_657 = arith.constant 1.000000e+00 : f32
        %add3A_658 = vector.broadcast %add3A_657 : f32 to vector<16xf32>
        %add3A_659 = arith.addf %add3A_658, %exp3A_656 : vector<16xf32>
        %div3A_660 = arith.divf %add3A_652, %add3A_659 : vector<16xf32>
        %swap3A_661 = arith.index_cast %scan3A_132 : i32 to index
        %swap3A_662 = arith.constant 96 : index
        %swap3A_663 = tpu.vector_load %arg14[%swap3A_661, %swap3A_662] {strides = array<i32>} : memref<40x128xf32, #tpu.memory_space<vmem>>, vector<1x16xf32>,
        %swap3A_664 = vector.shape_cast %swap3A_663 : vector<1x16xf32> to vector<16xf32>
        %swap3A_665 = vector.shape_cast %div3A_660 : vector<16xf32> to vector<1x16xf32>
        tpu.vector_store %arg14[%swap3A_661, %swap3A_662], %swap3A_665 {strides = array<i32>} : memref<40x128xf32, #tpu.memory_space<vmem>>, vector<1x16xf32>,
        %get3A_666 = arith.index_cast %scan3A_132 : i32 to index
        %get3A_667 = arith.constant 112 : index
        %get3A_668 = tpu.vector_load %arg11[%get3A_666, %get3A_667] {strides = array<i32>} : memref<40x256xf32, #tpu.memory_space<vmem>>, vector<1x16xf32>,
        %get3A_669 = vector.shape_cast %get3A_668 : vector<1x16xf32> to vector<16xf32>
        %get3A_670 = arith.index_cast %scan3A_132 : i32 to index
        %get3A_671 = arith.constant 112 : index
        %get3A_672 = tpu.vector_load %arg12[%get3A_670, %get3A_671] {strides = array<i32>} : memref<40x256xf32, #tpu.memory_space<vmem>>, vector<1x16xf32>,
        %get3A_673 = vector.shape_cast %get3A_672 : vector<1x16xf32> to vector<16xf32>
        %add3A_674 = arith.addf %get3A_669, %get3A_673 : vector<16xf32>
        %get3A_675 = arith.index_cast %scan3A_132 : i32 to index
        %get3A_676 = arith.constant 112 : index
        %get3A_677 = tpu.vector_load %arg13[%get3A_675, %get3A_676] {strides = array<i32>} : memref<40x256xf32, #tpu.memory_space<vmem>>, vector<1x16xf32>,
        %get3A_678 = vector.shape_cast %get3A_677 : vector<1x16xf32> to vector<16xf32>
        %add3A_679 = arith.addf %add3A_674, %get3A_678 : vector<16xf32>
        %get3A_680 = arith.index_cast %scan3A_132 : i32 to index
        %get3A_681 = arith.constant 240 : index
        %get3A_682 = tpu.vector_load %arg11[%get3A_680, %get3A_681] {strides = array<i32>} : memref<40x256xf32, #tpu.memory_space<vmem>>, vector<1x16xf32>,
        %get3A_683 = vector.shape_cast %get3A_682 : vector<1x16xf32> to vector<16xf32>
        %get3A_684 = arith.index_cast %scan3A_132 : i32 to index
        %get3A_685 = arith.constant 240 : index
        %get3A_686 = tpu.vector_load %arg12[%get3A_684, %get3A_685] {strides = array<i32>} : memref<40x256xf32, #tpu.memory_space<vmem>>, vector<1x16xf32>,
        %get3A_687 = vector.shape_cast %get3A_686 : vector<1x16xf32> to vector<16xf32>
        %add3A_688 = arith.addf %get3A_683, %get3A_687 : vector<16xf32>
        %get3A_689 = arith.index_cast %scan3A_132 : i32 to index
        %get3A_690 = arith.constant 240 : index
        %get3A_691 = tpu.vector_load %arg13[%get3A_689, %get3A_690] {strides = array<i32>} : memref<40x256xf32, #tpu.memory_space<vmem>>, vector<1x16xf32>,
        %get3A_692 = vector.shape_cast %get3A_691 : vector<1x16xf32> to vector<16xf32>
        %add3A_693 = arith.addf %add3A_688, %get3A_692 : vector<16xf32>
        %abs3A_694 = math.absf %add3A_693 : vector<16xf32>
        %neg3A_695 = arith.constant 0.000000e+00 : f32
        %neg3A_696 = vector.broadcast %neg3A_695 : f32 to vector<16xf32>
        %neg3A_697 = arith.subf %neg3A_696, %abs3A_694 : vector<16xf32>
        %exp3A_698 = math.exp %neg3A_697 : vector<16xf32>
        %mul3A_699 = arith.constant 0.0140268197 : f32
        %mul3A_700 = vector.broadcast %mul3A_699 : f32 to vector<16xf32>
        %mul3A_701 = arith.mulf %mul3A_700, %exp3A_698 : vector<16xf32>
        %add3A_702 = arith.constant -0.0657700077 : f32
        %add3A_703 = vector.broadcast %add3A_702 : f32 to vector<16xf32>
        %add3A_704 = arith.addf %mul3A_701, %add3A_703 : vector<16xf32>
        %mul3A_705 = arith.mulf %add3A_704, %exp3A_698 : vector<16xf32>
        %add3A_706 = arith.constant 0.148106635 : f32
        %add3A_707 = vector.broadcast %add3A_706 : f32 to vector<16xf32>
        %add3A_708 = arith.addf %mul3A_705, %add3A_707 : vector<16xf32>
        %mul3A_709 = arith.mulf %add3A_708, %exp3A_698 : vector<16xf32>
        %add3A_710 = arith.constant -0.234173596 : f32
        %add3A_711 = vector.broadcast %add3A_710 : f32 to vector<16xf32>
        %add3A_712 = arith.addf %mul3A_709, %add3A_711 : vector<16xf32>
        %mul3A_713 = arith.mulf %add3A_712, %exp3A_698 : vector<16xf32>
        %add3A_714 = arith.constant 0.330787867 : f32
        %add3A_715 = vector.broadcast %add3A_714 : f32 to vector<16xf32>
        %add3A_716 = arith.addf %mul3A_713, %add3A_715 : vector<16xf32>
        %mul3A_717 = arith.mulf %add3A_716, %exp3A_698 : vector<16xf32>
        %add3A_718 = arith.constant -0.499825478 : f32
        %add3A_719 = vector.broadcast %add3A_718 : f32 to vector<16xf32>
        %add3A_720 = arith.addf %mul3A_717, %add3A_719 : vector<16xf32>
        %mul3A_721 = arith.mulf %add3A_720, %exp3A_698 : vector<16xf32>
        %add3A_722 = arith.constant 0.999997079 : f32
        %add3A_723 = vector.broadcast %add3A_722 : f32 to vector<16xf32>
        %add3A_724 = arith.addf %mul3A_721, %add3A_723 : vector<16xf32>
        %max3A_725 = arith.constant 0.000000e+00 : f32
        %max3A_726 = vector.broadcast %max3A_725 : f32 to vector<16xf32>
        %max3A_727 = arith.maximumf %add3A_693, %max3A_726 : vector<16xf32>
        %mul3A_728 = arith.mulf %add3A_724, %exp3A_698 : vector<16xf32>
        %add3A_729 = arith.addf %max3A_727, %mul3A_728 : vector<16xf32>
        %neg3A_730 = arith.constant 0.000000e+00 : f32
        %neg3A_731 = vector.broadcast %neg3A_730 : f32 to vector<16xf32>
        %neg3A_732 = arith.subf %neg3A_731, %add3A_679 : vector<16xf32>
        %exp3A_733 = math.exp %neg3A_732 : vector<16xf32>
        %add3A_734 = arith.constant 1.000000e+00 : f32
        %add3A_735 = vector.broadcast %add3A_734 : f32 to vector<16xf32>
        %add3A_736 = arith.addf %add3A_735, %exp3A_733 : vector<16xf32>
        %div3A_737 = arith.divf %add3A_729, %add3A_736 : vector<16xf32>
        %swap3A_738 = arith.index_cast %scan3A_132 : i32 to index
        %swap3A_739 = arith.constant 112 : index
        %swap3A_740 = tpu.vector_load %arg14[%swap3A_738, %swap3A_739] {strides = array<i32>} : memref<40x128xf32, #tpu.memory_space<vmem>>, vector<1x16xf32>,
        %swap3A_741 = vector.shape_cast %swap3A_740 : vector<1x16xf32> to vector<16xf32>
        %swap3A_742 = vector.shape_cast %div3A_737 : vector<16xf32> to vector<1x16xf32>
        tpu.vector_store %arg14[%swap3A_738, %swap3A_739], %swap3A_742 {strides = array<i32>} : memref<40x128xf32, #tpu.memory_space<vmem>>, vector<1x16xf32>,
        %scan3A_743 = arith.constant 0 : i32
        scf.yield %scan3A_743 : i32
      }
      %scan3A_130 = arith.constant 40 : i32
      "tpu.region"() ({
        %run_scoped3A = tpu.sem_alloc : memref<!tpu.dma_semaphore, #tpu.memory_space<semaphore_mem>>
        %dma_start3A_132 = arith.constant 0 : i32
        %dma_start3A_133 = arith.constant 0 : i32
        %dma_start3A_134 = tpu.memref_slice %arg16[%dma_start3A_132, %dma_start3A_133] : memref<10000x128xf32, #tpu.memory_space<vmem_shared>> -> memref<10000x128xf32, #tpu.memory_space<vmem_shared>>
        tpu.enqueue_indirect_dma source(%arg14 : memref<40x128xf32, #tpu.memory_space<vmem>>) target(%dma_start3A_134 : memref<10000x128xf32, #tpu.memory_space<vmem_shared>>) offsets(%arg9 : memref<40xi32, #tpu.memory_space<vmem>>) semaphore(%run_scoped3A : memref<!tpu.dma_semaphore, #tpu.memory_space<semaphore_mem>>) {add = true}
        %dma_wait3A_135 = arith.constant 0 : i32
        %dma_wait3A_136 = arith.constant 0 : i32
        %dma_wait3A_137 = tpu.memref_slice %arg16[%dma_wait3A_135, %dma_wait3A_136] : memref<10000x128xf32, #tpu.memory_space<vmem_shared>> -> memref<10000x128xf32, #tpu.memory_space<vmem_shared>>
        tpu.wait_indirect_dma semaphore(%run_scoped3A : memref<!tpu.dma_semaphore, #tpu.memory_space<semaphore_mem>>) src(%arg14 : memref<40x128xf32, #tpu.memory_space<vmem>>) dst(%dma_wait3A_137 : memref<10000x128xf32, #tpu.memory_space<vmem_shared>>)
        tpu.yield
      }) : () -> ()
      %scan3A_131 = arith.constant 0 : i32
      scf.yield %scan3A_131 : i32
    }
    %scan3A_97 = arith.constant 125 : i32
    %barrier3A_98 = arith.constant 0 : index
    tpu.barrier barrier_id(%barrier3A_98)
    %eq3A_99 = arith.constant 0 : i32
    %eq3A_100 = arith.cmpi eq, %arg0, %eq3A_99 : i32
    %convert_element_type3A_101 = arith.extui %eq3A_100 : i1 to i32
    %cond3A_102 = arith.constant 0 : i32
    %cond3A_103 = arith.cmpi ne, %convert_element_type3A_101, %cond3A_102 : i32
    scf.if %cond3A_103 {
      "tpu.region"() ({
        %run_scoped3A = tpu.sem_alloc : memref<!tpu.dma_semaphore, #tpu.memory_space<semaphore_mem>>
        %dma_start3A = arith.constant 0 : i32
        %dma_start3A_114 = tpu.memref_slice %arg7[%mul3A_8, %dma_start3A] : memref<10000x128xf32, #tpu.memory_space<hbm>> -> memref<624x128xf32, #tpu.memory_space<hbm>>
        %dma_start3A_115 = arith.constant 0 : i32
        %dma_start3A_116 = tpu.memref_slice %arg16[%mul3A_8, %dma_start3A_115] : memref<10000x128xf32, #tpu.memory_space<vmem_shared>> -> memref<624x128xf32, #tpu.memory_space<vmem_shared>>
        tpu.enqueue_dma source(%dma_start3A_116 : memref<624x128xf32, #tpu.memory_space<vmem_shared>>) target(%dma_start3A_114 : memref<624x128xf32, #tpu.memory_space<hbm>>) target_semaphore(%run_scoped3A : memref<!tpu.dma_semaphore, #tpu.memory_space<semaphore_mem>>)
        %dma_wait3A = arith.constant 0 : i32
        %dma_wait3A_117 = tpu.memref_slice %arg7[%mul3A_8, %dma_wait3A] : memref<10000x128xf32, #tpu.memory_space<hbm>> -> memref<624x128xf32, #tpu.memory_space<hbm>>
        %dma_wait3A_118 = arith.constant 0 : i32
        %dma_wait3A_119 = tpu.memref_slice %arg16[%mul3A_8, %dma_wait3A_118] : memref<10000x128xf32, #tpu.memory_space<vmem_shared>> -> memref<624x128xf32, #tpu.memory_space<vmem_shared>>
        tpu.wait_dma2 semaphore(%run_scoped3A : memref<!tpu.dma_semaphore, #tpu.memory_space<semaphore_mem>>) src(%dma_wait3A_119 : memref<624x128xf32, #tpu.memory_space<vmem_shared>>) dst(%dma_wait3A_117 : memref<624x128xf32, #tpu.memory_space<hbm>>)
        tpu.yield
      }) : () -> ()
      %eq3A_109 = arith.constant 15 : i32
      %eq3A_110 = arith.cmpi eq, %arg1, %eq3A_109 : i32
      %convert_element_type3A_111 = arith.extui %eq3A_110 : i1 to i32
      %cond3A_112 = arith.constant 0 : i32
      %cond3A_113 = arith.cmpi ne, %convert_element_type3A_111, %cond3A_112 : i32
      scf.if %cond3A_113 {
        "tpu.region"() ({
          %run_scoped3A = tpu.sem_alloc : memref<!tpu.dma_semaphore, #tpu.memory_space<semaphore_mem>>
          %dma_start3A = arith.constant 9984 : i32
          %dma_start3A_114 = arith.constant 0 : i32
          %dma_start3A_115 = tpu.memref_slice %arg7[%dma_start3A, %dma_start3A_114] : memref<10000x128xf32, #tpu.memory_space<hbm>> -> memref<16x128xf32, #tpu.memory_space<hbm>>
          %dma_start3A_116 = arith.constant 9984 : i32
          %dma_start3A_117 = arith.constant 0 : i32
          %dma_start3A_118 = tpu.memref_slice %arg16[%dma_start3A_116, %dma_start3A_117] : memref<10000x128xf32, #tpu.memory_space<vmem_shared>> -> memref<16x128xf32, #tpu.memory_space<vmem_shared>>
          tpu.enqueue_dma source(%dma_start3A_118 : memref<16x128xf32, #tpu.memory_space<vmem_shared>>) target(%dma_start3A_115 : memref<16x128xf32, #tpu.memory_space<hbm>>) target_semaphore(%run_scoped3A : memref<!tpu.dma_semaphore, #tpu.memory_space<semaphore_mem>>)
          %dma_wait3A = arith.constant 9984 : i32
          %dma_wait3A_119 = arith.constant 0 : i32
          %dma_wait3A_120 = tpu.memref_slice %arg7[%dma_wait3A, %dma_wait3A_119] : memref<10000x128xf32, #tpu.memory_space<hbm>> -> memref<16x128xf32, #tpu.memory_space<hbm>>
          %dma_wait3A_121 = arith.constant 9984 : i32
          %dma_wait3A_122 = arith.constant 0 : i32
          %dma_wait3A_123 = tpu.memref_slice %arg16[%dma_wait3A_121, %dma_wait3A_122] : memref<10000x128xf32, #tpu.memory_space<vmem_shared>> -> memref<16x128xf32, #tpu.memory_space<vmem_shared>>
          tpu.wait_dma2 semaphore(%run_scoped3A : memref<!tpu.dma_semaphore, #tpu.memory_space<semaphore_mem>>) src(%dma_wait3A_123 : memref<16x128xf32, #tpu.memory_space<vmem_shared>>) dst(%dma_wait3A_120 : memref<16x128xf32, #tpu.memory_space<hbm>>)
          tpu.yield
        }) : () -> ()
      } else {
      }
    } else {
    }
    %eq3A_104 = arith.constant 1 : i32
    %eq3A_105 = arith.cmpi eq, %arg0, %eq3A_104 : i32
    %convert_element_type3A_106 = arith.extui %eq3A_105 : i1 to i32
    %cond3A_107 = arith.constant 0 : i32
    %cond3A_108 = arith.cmpi ne, %convert_element_type3A_106, %cond3A_107 : i32
    scf.if %cond3A_108 {
      "tpu.region"() ({
        %run_scoped3A = tpu.sem_alloc : memref<!tpu.dma_semaphore, #tpu.memory_space<semaphore_mem>>
        %dma_start3A = arith.constant 0 : i32
        %dma_start3A_114 = tpu.memref_slice %arg8[%mul3A_8, %dma_start3A] : memref<10000x128xf32, #tpu.memory_space<hbm>> -> memref<624x128xf32, #tpu.memory_space<hbm>>
        %dma_start3A_115 = arith.constant 0 : i32
        %dma_start3A_116 = tpu.memref_slice %arg16[%mul3A_8, %dma_start3A_115] : memref<10000x128xf32, #tpu.memory_space<vmem_shared>> -> memref<624x128xf32, #tpu.memory_space<vmem_shared>>
        tpu.enqueue_dma source(%dma_start3A_116 : memref<624x128xf32, #tpu.memory_space<vmem_shared>>) target(%dma_start3A_114 : memref<624x128xf32, #tpu.memory_space<hbm>>) target_semaphore(%run_scoped3A : memref<!tpu.dma_semaphore, #tpu.memory_space<semaphore_mem>>)
        %dma_wait3A = arith.constant 0 : i32
        %dma_wait3A_117 = tpu.memref_slice %arg8[%mul3A_8, %dma_wait3A] : memref<10000x128xf32, #tpu.memory_space<hbm>> -> memref<624x128xf32, #tpu.memory_space<hbm>>
        %dma_wait3A_118 = arith.constant 0 : i32
        %dma_wait3A_119 = tpu.memref_slice %arg16[%mul3A_8, %dma_wait3A_118] : memref<10000x128xf32, #tpu.memory_space<vmem_shared>> -> memref<624x128xf32, #tpu.memory_space<vmem_shared>>
        tpu.wait_dma2 semaphore(%run_scoped3A : memref<!tpu.dma_semaphore, #tpu.memory_space<semaphore_mem>>) src(%dma_wait3A_119 : memref<624x128xf32, #tpu.memory_space<vmem_shared>>) dst(%dma_wait3A_117 : memref<624x128xf32, #tpu.memory_space<hbm>>)
        tpu.yield
      }) : () -> ()
      %eq3A_109 = arith.constant 15 : i32
      %eq3A_110 = arith.cmpi eq, %arg1, %eq3A_109 : i32
      %convert_element_type3A_111 = arith.extui %eq3A_110 : i1 to i32
      %cond3A_112 = arith.constant 0 : i32
      %cond3A_113 = arith.cmpi ne, %convert_element_type3A_111, %cond3A_112 : i32
      scf.if %cond3A_113 {
        "tpu.region"() ({
          %run_scoped3A = tpu.sem_alloc : memref<!tpu.dma_semaphore, #tpu.memory_space<semaphore_mem>>
          %dma_start3A = arith.constant 9984 : i32
          %dma_start3A_114 = arith.constant 0 : i32
          %dma_start3A_115 = tpu.memref_slice %arg8[%dma_start3A, %dma_start3A_114] : memref<10000x128xf32, #tpu.memory_space<hbm>> -> memref<16x128xf32, #tpu.memory_space<hbm>>
          %dma_start3A_116 = arith.constant 9984 : i32
          %dma_start3A_117 = arith.constant 0 : i32
          %dma_start3A_118 = tpu.memref_slice %arg16[%dma_start3A_116, %dma_start3A_117] : memref<10000x128xf32, #tpu.memory_space<vmem_shared>> -> memref<16x128xf32, #tpu.memory_space<vmem_shared>>
          tpu.enqueue_dma source(%dma_start3A_118 : memref<16x128xf32, #tpu.memory_space<vmem_shared>>) target(%dma_start3A_115 : memref<16x128xf32, #tpu.memory_space<hbm>>) target_semaphore(%run_scoped3A : memref<!tpu.dma_semaphore, #tpu.memory_space<semaphore_mem>>)
          %dma_wait3A = arith.constant 9984 : i32
          %dma_wait3A_119 = arith.constant 0 : i32
          %dma_wait3A_120 = tpu.memref_slice %arg8[%dma_wait3A, %dma_wait3A_119] : memref<10000x128xf32, #tpu.memory_space<hbm>> -> memref<16x128xf32, #tpu.memory_space<hbm>>
          %dma_wait3A_121 = arith.constant 9984 : i32
          %dma_wait3A_122 = arith.constant 0 : i32
          %dma_wait3A_123 = tpu.memref_slice %arg16[%dma_wait3A_121, %dma_wait3A_122] : memref<10000x128xf32, #tpu.memory_space<vmem_shared>> -> memref<16x128xf32, #tpu.memory_space<vmem_shared>>
          tpu.wait_dma2 semaphore(%run_scoped3A : memref<!tpu.dma_semaphore, #tpu.memory_space<semaphore_mem>>) src(%dma_wait3A_123 : memref<16x128xf32, #tpu.memory_space<vmem_shared>>) dst(%dma_wait3A_120 : memref<16x128xf32, #tpu.memory_space<hbm>>)
          tpu.yield
        }) : () -> ()
      } else {
      }
    } else {
    }
    return
  }
}

module attributes {stable_mosaic.version = 14 : i64} {
  func.func @_fold_body(%arg0: memref<16x128xf32, #tpu.memory_space<vmem>>, %arg1: memref<1x128xf32, #tpu.memory_space<vmem>>, %arg2: memref<384x128xf32, #tpu.memory_space<vmem>>, %arg3: memref<1x128xf32, #tpu.memory_space<vmem>>, %arg4: memref<384x128xf32, #tpu.memory_space<vmem>>, %arg5: memref<1x128xf32, #tpu.memory_space<vmem>>, %arg6: memref<384x128xf32, #tpu.memory_space<vmem>>, %arg7: memref<1x128xf32, #tpu.memory_space<vmem>>, %arg8: memref<384x128xf32, #tpu.memory_space<vmem>>, %arg9: memref<1x128xf32, #tpu.memory_space<vmem>>, %arg10: memref<16x512xf32, #tpu.memory_space<vmem>>, %arg11: memref<1x512xf32, #tpu.memory_space<vmem>>) attributes {dimension_semantics = [], scalar_prefetch = 0 : i64, scratch_operands = 0 : i64, tpu.core_type = #tpu.core_type<tc>} {
    %get3A = arith.constant 0 : index
    %get3A_0 = arith.constant 0 : index
    %get3A_1 = vector.load %arg0[%get3A, %get3A_0] : memref<16x128xf32, #tpu.memory_space<vmem>>, vector<16x128xf32>
    %get3A_2 = arith.constant 0 : index
    %get3A_3 = arith.constant 0 : index
    %get3A_4 = vector.load %arg1[%get3A_2, %get3A_3] : memref<1x128xf32, #tpu.memory_space<vmem>>, vector<1x128xf32>
    %get3A_5 = arith.constant 256 : index
    %get3A_6 = arith.constant 0 : index
    %get3A_7 = vector.load %arg2[%get3A_5, %get3A_6] : memref<384x128xf32, #tpu.memory_space<vmem>>, vector<128x128xf32>
    %dot_general3A = arith.constant dense<0.000000e+00> : vector<16x128xf32>
    %dot_general3A_8 = tpu.matmul %get3A_1, %get3A_7, %dot_general3A {dimension_numbers = #tpu.dot_dimension_numbers<[1], [0], [0], [1], [0, 0, 1, 1], [], []>, transpose_lhs_hint = false} : vector<16x128xf32>, vector<128x128xf32>, vector<16x128xf32> -> vector<16x128xf32>
    %dot_general3A_9 = arith.constant dense<0.000000e+00> : vector<1x128xf32>
    %dot_general3A_10 = tpu.matmul %get3A_4, %get3A_7, %dot_general3A_9 {dimension_numbers = #tpu.dot_dimension_numbers<[1], [0], [0], [1], [0, 0, 1, 1], [], []>, transpose_lhs_hint = false} : vector<1x128xf32>, vector<128x128xf32>, vector<1x128xf32> -> vector<1x128xf32>
    %get3A_11 = arith.constant 0 : index
    %get3A_12 = arith.constant 0 : index
    %get3A_13 = vector.load %arg3[%get3A_11, %get3A_12] : memref<1x128xf32, #tpu.memory_space<vmem>>, vector<1x128xf32>
    %add3A = arith.addf %dot_general3A_10, %get3A_13 : vector<1x128xf32>
    %get3A_14 = arith.constant 256 : index
    %get3A_15 = arith.constant 0 : index
    %get3A_16 = vector.load %arg4[%get3A_14, %get3A_15] : memref<384x128xf32, #tpu.memory_space<vmem>>, vector<128x128xf32>
    %dot_general3A_17 = arith.constant dense<0.000000e+00> : vector<16x128xf32>
    %dot_general3A_18 = tpu.matmul %get3A_1, %get3A_16, %dot_general3A_17 {dimension_numbers = #tpu.dot_dimension_numbers<[1], [0], [0], [1], [0, 0, 1, 1], [], []>, transpose_lhs_hint = false} : vector<16x128xf32>, vector<128x128xf32>, vector<16x128xf32> -> vector<16x128xf32>
    %dot_general3A_19 = arith.constant dense<0.000000e+00> : vector<1x128xf32>
    %dot_general3A_20 = tpu.matmul %get3A_4, %get3A_16, %dot_general3A_19 {dimension_numbers = #tpu.dot_dimension_numbers<[1], [0], [0], [1], [0, 0, 1, 1], [], []>, transpose_lhs_hint = false} : vector<1x128xf32>, vector<128x128xf32>, vector<1x128xf32> -> vector<1x128xf32>
    %get3A_21 = arith.constant 0 : index
    %get3A_22 = arith.constant 0 : index
    %get3A_23 = vector.load %arg5[%get3A_21, %get3A_22] : memref<1x128xf32, #tpu.memory_space<vmem>>, vector<1x128xf32>
    %add3A_24 = arith.addf %dot_general3A_20, %get3A_23 : vector<1x128xf32>
    %get3A_25 = arith.constant 256 : index
    %get3A_26 = arith.constant 0 : index
    %get3A_27 = vector.load %arg6[%get3A_25, %get3A_26] : memref<384x128xf32, #tpu.memory_space<vmem>>, vector<128x128xf32>
    %dot_general3A_28 = arith.constant dense<0.000000e+00> : vector<16x128xf32>
    %dot_general3A_29 = tpu.matmul %get3A_1, %get3A_27, %dot_general3A_28 {dimension_numbers = #tpu.dot_dimension_numbers<[1], [0], [0], [1], [0, 0, 1, 1], [], []>, transpose_lhs_hint = false} : vector<16x128xf32>, vector<128x128xf32>, vector<16x128xf32> -> vector<16x128xf32>
    %dot_general3A_30 = arith.constant dense<0.000000e+00> : vector<1x128xf32>
    %dot_general3A_31 = tpu.matmul %get3A_4, %get3A_27, %dot_general3A_30 {dimension_numbers = #tpu.dot_dimension_numbers<[1], [0], [0], [1], [0, 0, 1, 1], [], []>, transpose_lhs_hint = false} : vector<1x128xf32>, vector<128x128xf32>, vector<1x128xf32> -> vector<1x128xf32>
    %get3A_32 = arith.constant 0 : index
    %get3A_33 = arith.constant 0 : index
    %get3A_34 = vector.load %arg7[%get3A_32, %get3A_33] : memref<1x128xf32, #tpu.memory_space<vmem>>, vector<1x128xf32>
    %add3A_35 = arith.addf %dot_general3A_31, %get3A_34 : vector<1x128xf32>
    %get3A_36 = arith.constant 256 : index
    %get3A_37 = arith.constant 0 : index
    %get3A_38 = vector.load %arg8[%get3A_36, %get3A_37] : memref<384x128xf32, #tpu.memory_space<vmem>>, vector<128x128xf32>
    %dot_general3A_39 = arith.constant dense<0.000000e+00> : vector<16x128xf32>
    %dot_general3A_40 = tpu.matmul %get3A_1, %get3A_38, %dot_general3A_39 {dimension_numbers = #tpu.dot_dimension_numbers<[1], [0], [0], [1], [0, 0, 1, 1], [], []>, transpose_lhs_hint = false} : vector<16x128xf32>, vector<128x128xf32>, vector<16x128xf32> -> vector<16x128xf32>
    %dot_general3A_41 = arith.constant dense<0.000000e+00> : vector<1x128xf32>
    %dot_general3A_42 = tpu.matmul %get3A_4, %get3A_38, %dot_general3A_41 {dimension_numbers = #tpu.dot_dimension_numbers<[1], [0], [0], [1], [0, 0, 1, 1], [], []>, transpose_lhs_hint = false} : vector<1x128xf32>, vector<128x128xf32>, vector<1x128xf32> -> vector<1x128xf32>
    %get3A_43 = arith.constant 0 : index
    %get3A_44 = arith.constant 0 : index
    %get3A_45 = vector.load %arg9[%get3A_43, %get3A_44] : memref<1x128xf32, #tpu.memory_space<vmem>>, vector<1x128xf32>
    %add3A_46 = arith.addf %dot_general3A_42, %get3A_45 : vector<1x128xf32>
    %concatenate3A = tpu.concatenate %dot_general3A_8, %dot_general3A_18, %dot_general3A_29, %dot_general3A_40 in 1 : vector<16x128xf32>, vector<16x128xf32>, vector<16x128xf32>, vector<16x128xf32> -> vector<16x512xf32>
    %swap3A = arith.constant 0 : index
    %swap3A_47 = arith.constant 0 : index
    %swap3A_48 = vector.load %arg10[%swap3A, %swap3A_47] : memref<16x512xf32, #tpu.memory_space<vmem>>, vector<16x512xf32>
    tpu.vector_store %arg10[%swap3A, %swap3A_47], %concatenate3A {strides = array<i32>} : memref<16x512xf32, #tpu.memory_space<vmem>>, vector<16x512xf32>,
    %concatenate3A_49 = tpu.concatenate %add3A, %add3A_24, %add3A_35, %add3A_46 in 1 : vector<1x128xf32>, vector<1x128xf32>, vector<1x128xf32>, vector<1x128xf32> -> vector<1x512xf32>
    %swap3A_50 = arith.constant 0 : index
    %swap3A_51 = arith.constant 0 : index
    %swap3A_52 = vector.load %arg11[%swap3A_50, %swap3A_51] : memref<1x512xf32, #tpu.memory_space<vmem>>, vector<1x512xf32>
    tpu.vector_store %arg11[%swap3A_50, %swap3A_51], %concatenate3A_49 {strides = array<i32>} : memref<1x512xf32, #tpu.memory_space<vmem>>, vector<1x512xf32>,
    return
  }
}

module attributes {stable_mosaic.version = 14 : i64} {
  func.func @_edge_body(%arg0: i32, %arg1: memref<2000x16xf32, #tpu.memory_space<vmem>>, %arg2: memref<16x512xf32, #tpu.memory_space<vmem>>, %arg3: memref<1x512xf32, #tpu.memory_space<vmem>>, %arg4: memref<2000x256xf32, #tpu.memory_space<vmem>>, %arg5: memref<2000x256xf32, #tpu.memory_space<vmem>>) attributes {dimension_semantics = [#tpu.dimension_semantics<arbitrary>], iteration_bounds = array<i64: 80>, scalar_prefetch = 0 : i64, scratch_operands = 0 : i64, tpu.core_type = #tpu.core_type<tc>, window_params = [{transform_indices = @transform_0, window_bounds = array<i64: 2000, 16>}, {pipeline_mode = #tpu.pipeline_mode<synchronous>, transform_indices = @transform_1, window_bounds = array<i64: 16, 512>}, {pipeline_mode = #tpu.pipeline_mode<synchronous>, transform_indices = @transform_2, window_bounds = array<i64: 1, 512>}, {transform_indices = @transform_3, window_bounds = array<i64: 2000, 256>}, {transform_indices = @transform_4, window_bounds = array<i64: 2000, 256>}]} {
    %get3A = arith.constant 0 : index
    %get3A_0 = arith.constant 0 : index
    %get3A_1 = vector.load %arg1[%get3A, %get3A_0] : memref<2000x16xf32, #tpu.memory_space<vmem>>, vector<2000x16xf32>
    %get3A_2 = arith.constant 0 : index
    %get3A_3 = arith.constant 0 : index
    %get3A_4 = vector.load %arg2[%get3A_2, %get3A_3] : memref<16x512xf32, #tpu.memory_space<vmem>>, vector<16x512xf32>
    %dot_general3A = arith.constant dense<0.000000e+00> : vector<2000x512xf32>
    %dot_general3A_5 = tpu.matmul %get3A_1, %get3A_4, %dot_general3A {dimension_numbers = #tpu.dot_dimension_numbers<[1], [0], [0], [1], [0, 0, 1, 1], [], []>, transpose_lhs_hint = false} : vector<2000x16xf32>, vector<16x512xf32>, vector<2000x512xf32> -> vector<2000x512xf32>
    %get3A_6 = arith.constant 0 : index
    %get3A_7 = arith.constant 0 : index
    %get3A_8 = vector.load %arg3[%get3A_6, %get3A_7] : memref<1x512xf32, #tpu.memory_space<vmem>>, vector<1x512xf32>
    %add3A = vector.broadcast %get3A_8 : vector<1x512xf32> to vector<2000x512xf32>
    %add3A_9 = arith.addf %dot_general3A_5, %add3A : vector<2000x512xf32>
    %slice3A = vector.extract_strided_slice %add3A_9 {offsets = [0, 0], sizes = [2000, 256], strides = [1, 1]} : vector<2000x512xf32> to vector<2000x256xf32>
    %swap3A = arith.constant 0 : index
    %swap3A_10 = arith.constant 0 : index
    %swap3A_11 = vector.load %arg4[%swap3A, %swap3A_10] : memref<2000x256xf32, #tpu.memory_space<vmem>>, vector<2000x256xf32>
    tpu.vector_store %arg4[%swap3A, %swap3A_10], %slice3A {strides = array<i32>} : memref<2000x256xf32, #tpu.memory_space<vmem>>, vector<2000x256xf32>,
    %slice3A_12 = vector.extract_strided_slice %add3A_9 {offsets = [0, 256], sizes = [2000, 256], strides = [1, 1]} : vector<2000x512xf32> to vector<2000x256xf32>
    %swap3A_13 = arith.constant 0 : index
    %swap3A_14 = arith.constant 0 : index
    %swap3A_15 = vector.load %arg5[%swap3A_13, %swap3A_14] : memref<2000x256xf32, #tpu.memory_space<vmem>>, vector<2000x256xf32>
    tpu.vector_store %arg5[%swap3A_13, %swap3A_14], %slice3A_12 {strides = array<i32>} : memref<2000x256xf32, #tpu.memory_space<vmem>>, vector<2000x256xf32>,
    return
  }
  func.func @transform_0(%arg0: i32) -> (i32, i32) {
    %c0_i32 = arith.constant 0 : i32
    %c0_i32_0 = arith.constant 0 : i32
    return %arg0, %c0_i32 : i32, i32
  }
  func.func @transform_1(%arg0: i32) -> (i32, i32) {
    %c0_i32 = arith.constant 0 : i32
    %c0_i32_0 = arith.constant 0 : i32
    %c0_i32_1 = arith.constant 0 : i32
    return %c0_i32, %c0_i32_0 : i32, i32
  }
  func.func @transform_2(%arg0: i32) -> (i32, i32) {
    %c0_i32 = arith.constant 0 : i32
    %c0_i32_0 = arith.constant 0 : i32
    %c0_i32_1 = arith.constant 0 : i32
    return %c0_i32, %c0_i32_0 : i32, i32
  }
  func.func @transform_3(%arg0: i32) -> (i32, i32) {
    %c0_i32 = arith.constant 0 : i32
    %c0_i32_0 = arith.constant 0 : i32
    return %arg0, %c0_i32 : i32, i32
  }
  func.func @transform_4(%arg0: i32) -> (i32, i32) {
    %c0_i32 = arith.constant 0 : i32
    %c0_i32_0 = arith.constant 0 : i32
    return %arg0, %c0_i32 : i32, i32
  }
}

module attributes {stable_mosaic.version = 14 : i64} {
  func.func @_node1_body(%arg0: i32, %arg1: memref<2000x128xf32, #tpu.memory_space<vmem>>, %arg2: memref<128x128xf32, #tpu.memory_space<vmem>>, %arg3: memref<1x128xf32, #tpu.memory_space<vmem>>, %arg4: memref<128x256xf32, #tpu.memory_space<vmem>>, %arg5: memref<128x256xf32, #tpu.memory_space<vmem>>, %arg6: memref<2000x128xf32, #tpu.memory_space<vmem>>, %arg7: memref<2000x256xf32, #tpu.memory_space<vmem>>, %arg8: memref<2000x256xf32, #tpu.memory_space<vmem>>) attributes {dimension_semantics = [#tpu.dimension_semantics<arbitrary>], iteration_bounds = array<i64: 5>, scalar_prefetch = 0 : i64, scratch_operands = 0 : i64, tpu.core_type = #tpu.core_type<tc>, window_params = [{transform_indices = @transform_0, window_bounds = array<i64: 2000, 128>}, {pipeline_mode = #tpu.pipeline_mode<synchronous>, transform_indices = @transform_1, window_bounds = array<i64: 128, 128>}, {pipeline_mode = #tpu.pipeline_mode<synchronous>, transform_indices = @transform_2, window_bounds = array<i64: 1, 128>}, {pipeline_mode = #tpu.pipeline_mode<synchronous>, transform_indices = @transform_3, window_bounds = array<i64: 128, 256>}, {pipeline_mode = #tpu.pipeline_mode<synchronous>, transform_indices = @transform_4, window_bounds = array<i64: 128, 256>}, {transform_indices = @transform_5, window_bounds = array<i64: 2000, 128>}, {transform_indices = @transform_6, window_bounds = array<i64: 2000, 256>}, {transform_indices = @transform_7, window_bounds = array<i64: 2000, 256>}]} {
    %get3A = arith.constant 0 : index
    %get3A_0 = arith.constant 0 : index
    %get3A_1 = vector.load %arg1[%get3A, %get3A_0] : memref<2000x128xf32, #tpu.memory_space<vmem>>, vector<2000x128xf32>
    %get3A_2 = arith.constant 0 : index
    %get3A_3 = arith.constant 0 : index
    %get3A_4 = vector.load %arg2[%get3A_2, %get3A_3] : memref<128x128xf32, #tpu.memory_space<vmem>>, vector<128x128xf32>
    %dot_general3A = arith.constant dense<0.000000e+00> : vector<2000x128xf32>
    %dot_general3A_5 = tpu.matmul %get3A_1, %get3A_4, %dot_general3A {dimension_numbers = #tpu.dot_dimension_numbers<[1], [0], [0], [1], [0, 0, 1, 1], [], []>, transpose_lhs_hint = false} : vector<2000x128xf32>, vector<128x128xf32>, vector<2000x128xf32> -> vector<2000x128xf32>
    %get3A_6 = arith.constant 0 : index
    %get3A_7 = arith.constant 0 : index
    %get3A_8 = vector.load %arg3[%get3A_6, %get3A_7] : memref<1x128xf32, #tpu.memory_space<vmem>>, vector<1x128xf32>
    %add3A = vector.broadcast %get3A_8 : vector<1x128xf32> to vector<2000x128xf32>
    %add3A_9 = arith.addf %dot_general3A_5, %add3A : vector<2000x128xf32>
    %swap3A = arith.constant 0 : index
    %swap3A_10 = arith.constant 0 : index
    %swap3A_11 = vector.load %arg6[%swap3A, %swap3A_10] : memref<2000x128xf32, #tpu.memory_space<vmem>>, vector<2000x128xf32>
    tpu.vector_store %arg6[%swap3A, %swap3A_10], %add3A_9 {strides = array<i32>} : memref<2000x128xf32, #tpu.memory_space<vmem>>, vector<2000x128xf32>,
    %get3A_12 = arith.constant 0 : index
    %get3A_13 = arith.constant 0 : index
    %get3A_14 = vector.load %arg4[%get3A_12, %get3A_13] : memref<128x256xf32, #tpu.memory_space<vmem>>, vector<128x256xf32>
    %dot_general3A_15 = arith.constant dense<0.000000e+00> : vector<2000x256xf32>
    %dot_general3A_16 = tpu.matmul %add3A_9, %get3A_14, %dot_general3A_15 {dimension_numbers = #tpu.dot_dimension_numbers<[1], [0], [0], [1], [0, 0, 1, 1], [], []>, transpose_lhs_hint = false} : vector<2000x128xf32>, vector<128x256xf32>, vector<2000x256xf32> -> vector<2000x256xf32>
    %swap3A_17 = arith.constant 0 : index
    %swap3A_18 = arith.constant 0 : index
    %swap3A_19 = vector.load %arg7[%swap3A_17, %swap3A_18] : memref<2000x256xf32, #tpu.memory_space<vmem>>, vector<2000x256xf32>
    tpu.vector_store %arg7[%swap3A_17, %swap3A_18], %dot_general3A_16 {strides = array<i32>} : memref<2000x256xf32, #tpu.memory_space<vmem>>, vector<2000x256xf32>,
    %get3A_20 = arith.constant 0 : index
    %get3A_21 = arith.constant 0 : index
    %get3A_22 = vector.load %arg5[%get3A_20, %get3A_21] : memref<128x256xf32, #tpu.memory_space<vmem>>, vector<128x256xf32>
    %dot_general3A_23 = arith.constant dense<0.000000e+00> : vector<2000x256xf32>
    %dot_general3A_24 = tpu.matmul %add3A_9, %get3A_22, %dot_general3A_23 {dimension_numbers = #tpu.dot_dimension_numbers<[1], [0], [0], [1], [0, 0, 1, 1], [], []>, transpose_lhs_hint = false} : vector<2000x128xf32>, vector<128x256xf32>, vector<2000x256xf32> -> vector<2000x256xf32>
    %swap3A_25 = arith.constant 0 : index
    %swap3A_26 = arith.constant 0 : index
    %swap3A_27 = vector.load %arg8[%swap3A_25, %swap3A_26] : memref<2000x256xf32, #tpu.memory_space<vmem>>, vector<2000x256xf32>
    tpu.vector_store %arg8[%swap3A_25, %swap3A_26], %dot_general3A_24 {strides = array<i32>} : memref<2000x256xf32, #tpu.memory_space<vmem>>, vector<2000x256xf32>,
    return
  }
  func.func @transform_0(%arg0: i32) -> (i32, i32) {
    %c0_i32 = arith.constant 0 : i32
    %c0_i32_0 = arith.constant 0 : i32
    return %arg0, %c0_i32 : i32, i32
  }
  func.func @transform_1(%arg0: i32) -> (i32, i32) {
    %c0_i32 = arith.constant 0 : i32
    %c0_i32_0 = arith.constant 0 : i32
    %c0_i32_1 = arith.constant 0 : i32
    return %c0_i32, %c0_i32_0 : i32, i32
  }
  func.func @transform_2(%arg0: i32) -> (i32, i32) {
    %c0_i32 = arith.constant 0 : i32
    %c0_i32_0 = arith.constant 0 : i32
    %c0_i32_1 = arith.constant 0 : i32
    return %c0_i32, %c0_i32_0 : i32, i32
  }
  func.func @transform_3(%arg0: i32) -> (i32, i32) {
    %c0_i32 = arith.constant 0 : i32
    %c0_i32_0 = arith.constant 0 : i32
    %c0_i32_1 = arith.constant 0 : i32
    return %c0_i32, %c0_i32_0 : i32, i32
  }
  func.func @transform_4(%arg0: i32) -> (i32, i32) {
    %c0_i32 = arith.constant 0 : i32
    %c0_i32_0 = arith.constant 0 : i32
    %c0_i32_1 = arith.constant 0 : i32
    return %c0_i32, %c0_i32_0 : i32, i32
  }
  func.func @transform_5(%arg0: i32) -> (i32, i32) {
    %c0_i32 = arith.constant 0 : i32
    %c0_i32_0 = arith.constant 0 : i32
    return %arg0, %c0_i32 : i32, i32
  }
  func.func @transform_6(%arg0: i32) -> (i32, i32) {
    %c0_i32 = arith.constant 0 : i32
    %c0_i32_0 = arith.constant 0 : i32
    return %arg0, %c0_i32 : i32, i32
  }
  func.func @transform_7(%arg0: i32) -> (i32, i32) {
    %c0_i32 = arith.constant 0 : i32
    %c0_i32_0 = arith.constant 0 : i32
    return %arg0, %c0_i32 : i32, i32
  }
}

module attributes {stable_mosaic.version = 14 : i64} {
  func.func @_node2_body(%arg0: i32, %arg1: memref<2000x128xf32, #tpu.memory_space<vmem>>, %arg2: memref<2000x128xf32, #tpu.memory_space<vmem>>, %arg3: memref<2000x128xf32, #tpu.memory_space<vmem>>, %arg4: memref<128x256xf32, #tpu.memory_space<vmem>>, %arg5: memref<128x256xf32, #tpu.memory_space<vmem>>, %arg6: memref<2000x128xf32, #tpu.memory_space<vmem>>, %arg7: memref<2000x256xf32, #tpu.memory_space<vmem>>, %arg8: memref<2000x256xf32, #tpu.memory_space<vmem>>) attributes {dimension_semantics = [#tpu.dimension_semantics<arbitrary>], iteration_bounds = array<i64: 5>, scalar_prefetch = 0 : i64, scratch_operands = 0 : i64, tpu.core_type = #tpu.core_type<tc>, window_params = [{transform_indices = @transform_0, window_bounds = array<i64: 2000, 128>}, {transform_indices = @transform_1, window_bounds = array<i64: 2000, 128>}, {transform_indices = @transform_2, window_bounds = array<i64: 2000, 128>}, {pipeline_mode = #tpu.pipeline_mode<synchronous>, transform_indices = @transform_3, window_bounds = array<i64: 128, 256>}, {pipeline_mode = #tpu.pipeline_mode<synchronous>, transform_indices = @transform_4, window_bounds = array<i64: 128, 256>}, {transform_indices = @transform_5, window_bounds = array<i64: 2000, 128>}, {transform_indices = @transform_6, window_bounds = array<i64: 2000, 256>}, {transform_indices = @transform_7, window_bounds = array<i64: 2000, 256>}]} {
    %get3A = arith.constant 0 : index
    %get3A_0 = arith.constant 0 : index
    %get3A_1 = vector.load %arg1[%get3A, %get3A_0] : memref<2000x128xf32, #tpu.memory_space<vmem>>, vector<2000x128xf32>
    %get3A_2 = arith.constant 0 : index
    %get3A_3 = arith.constant 0 : index
    %get3A_4 = vector.load %arg2[%get3A_2, %get3A_3] : memref<2000x128xf32, #tpu.memory_space<vmem>>, vector<2000x128xf32>
    %add3A = arith.addf %get3A_1, %get3A_4 : vector<2000x128xf32>
    %get3A_5 = arith.constant 0 : index
    %get3A_6 = arith.constant 0 : index
    %get3A_7 = vector.load %arg3[%get3A_5, %get3A_6] : memref<2000x128xf32, #tpu.memory_space<vmem>>, vector<2000x128xf32>
    %add3A_8 = arith.addf %add3A, %get3A_7 : vector<2000x128xf32>
    %max3A = arith.constant 0.000000e+00 : f32
    %max3A_9 = vector.broadcast %max3A : f32 to vector<2000x128xf32>
    %max3A_10 = arith.maximumf %add3A_8, %max3A_9 : vector<2000x128xf32>
    %swap3A = arith.constant 0 : index
    %swap3A_11 = arith.constant 0 : index
    %swap3A_12 = vector.load %arg6[%swap3A, %swap3A_11] : memref<2000x128xf32, #tpu.memory_space<vmem>>, vector<2000x128xf32>
    tpu.vector_store %arg6[%swap3A, %swap3A_11], %max3A_10 {strides = array<i32>} : memref<2000x128xf32, #tpu.memory_space<vmem>>, vector<2000x128xf32>,
    %get3A_13 = arith.constant 0 : index
    %get3A_14 = arith.constant 0 : index
    %get3A_15 = vector.load %arg4[%get3A_13, %get3A_14] : memref<128x256xf32, #tpu.memory_space<vmem>>, vector<128x256xf32>
    %dot_general3A = arith.constant dense<0.000000e+00> : vector<2000x256xf32>
    %dot_general3A_16 = tpu.matmul %max3A_10, %get3A_15, %dot_general3A {dimension_numbers = #tpu.dot_dimension_numbers<[1], [0], [0], [1], [0, 0, 1, 1], [], []>, transpose_lhs_hint = false} : vector<2000x128xf32>, vector<128x256xf32>, vector<2000x256xf32> -> vector<2000x256xf32>
    %swap3A_17 = arith.constant 0 : index
    %swap3A_18 = arith.constant 0 : index
    %swap3A_19 = vector.load %arg7[%swap3A_17, %swap3A_18] : memref<2000x256xf32, #tpu.memory_space<vmem>>, vector<2000x256xf32>
    tpu.vector_store %arg7[%swap3A_17, %swap3A_18], %dot_general3A_16 {strides = array<i32>} : memref<2000x256xf32, #tpu.memory_space<vmem>>, vector<2000x256xf32>,
    %get3A_20 = arith.constant 0 : index
    %get3A_21 = arith.constant 0 : index
    %get3A_22 = vector.load %arg5[%get3A_20, %get3A_21] : memref<128x256xf32, #tpu.memory_space<vmem>>, vector<128x256xf32>
    %dot_general3A_23 = arith.constant dense<0.000000e+00> : vector<2000x256xf32>
    %dot_general3A_24 = tpu.matmul %max3A_10, %get3A_22, %dot_general3A_23 {dimension_numbers = #tpu.dot_dimension_numbers<[1], [0], [0], [1], [0, 0, 1, 1], [], []>, transpose_lhs_hint = false} : vector<2000x128xf32>, vector<128x256xf32>, vector<2000x256xf32> -> vector<2000x256xf32>
    %swap3A_25 = arith.constant 0 : index
    %swap3A_26 = arith.constant 0 : index
    %swap3A_27 = vector.load %arg8[%swap3A_25, %swap3A_26] : memref<2000x256xf32, #tpu.memory_space<vmem>>, vector<2000x256xf32>
    tpu.vector_store %arg8[%swap3A_25, %swap3A_26], %dot_general3A_24 {strides = array<i32>} : memref<2000x256xf32, #tpu.memory_space<vmem>>, vector<2000x256xf32>,
    return
  }
  func.func @transform_0(%arg0: i32) -> (i32, i32) {
    %c0_i32 = arith.constant 0 : i32
    %c0_i32_0 = arith.constant 0 : i32
    return %arg0, %c0_i32 : i32, i32
  }
  func.func @transform_1(%arg0: i32) -> (i32, i32) {
    %c0_i32 = arith.constant 0 : i32
    %c0_i32_0 = arith.constant 0 : i32
    return %arg0, %c0_i32 : i32, i32
  }
  func.func @transform_2(%arg0: i32) -> (i32, i32) {
    %c0_i32 = arith.constant 0 : i32
    %c0_i32_0 = arith.constant 0 : i32
    return %arg0, %c0_i32 : i32, i32
  }
  func.func @transform_3(%arg0: i32) -> (i32, i32) {
    %c0_i32 = arith.constant 0 : i32
    %c0_i32_0 = arith.constant 0 : i32
    %c0_i32_1 = arith.constant 0 : i32
    return %c0_i32, %c0_i32_0 : i32, i32
  }
  func.func @transform_4(%arg0: i32) -> (i32, i32) {
    %c0_i32 = arith.constant 0 : i32
    %c0_i32_0 = arith.constant 0 : i32
    %c0_i32_1 = arith.constant 0 : i32
    return %c0_i32, %c0_i32_0 : i32, i32
  }
  func.func @transform_5(%arg0: i32) -> (i32, i32) {
    %c0_i32 = arith.constant 0 : i32
    %c0_i32_0 = arith.constant 0 : i32
    return %arg0, %c0_i32 : i32, i32
  }
  func.func @transform_6(%arg0: i32) -> (i32, i32) {
    %c0_i32 = arith.constant 0 : i32
    %c0_i32_0 = arith.constant 0 : i32
    return %arg0, %c0_i32 : i32, i32
  }
  func.func @transform_7(%arg0: i32) -> (i32, i32) {
    %c0_i32 = arith.constant 0 : i32
    %c0_i32_0 = arith.constant 0 : i32
    return %arg0, %c0_i32 : i32, i32
  }
}

module attributes {stable_mosaic.version = 14 : i64} {
  func.func @_out_body(%arg0: i32, %arg1: memref<2000x128xf32, #tpu.memory_space<vmem>>, %arg2: memref<2000x128xf32, #tpu.memory_space<vmem>>, %arg3: memref<2000x128xf32, #tpu.memory_space<vmem>>, %arg4: memref<128x128xf32, #tpu.memory_space<vmem>>, %arg5: memref<1x128xf32, #tpu.memory_space<vmem>>, %arg6: memref<2000x128xf32, #tpu.memory_space<vmem>>) attributes {dimension_semantics = [#tpu.dimension_semantics<arbitrary>], iteration_bounds = array<i64: 5>, scalar_prefetch = 0 : i64, scratch_operands = 0 : i64, tpu.core_type = #tpu.core_type<tc>, window_params = [{transform_indices = @transform_0, window_bounds = array<i64: 2000, 128>}, {transform_indices = @transform_1, window_bounds = array<i64: 2000, 128>}, {transform_indices = @transform_2, window_bounds = array<i64: 2000, 128>}, {pipeline_mode = #tpu.pipeline_mode<synchronous>, transform_indices = @transform_3, window_bounds = array<i64: 128, 128>}, {pipeline_mode = #tpu.pipeline_mode<synchronous>, transform_indices = @transform_4, window_bounds = array<i64: 1, 128>}, {transform_indices = @transform_5, window_bounds = array<i64: 2000, 128>}]} {
    %get3A = arith.constant 0 : index
    %get3A_0 = arith.constant 0 : index
    %get3A_1 = vector.load %arg1[%get3A, %get3A_0] : memref<2000x128xf32, #tpu.memory_space<vmem>>, vector<2000x128xf32>
    %get3A_2 = arith.constant 0 : index
    %get3A_3 = arith.constant 0 : index
    %get3A_4 = vector.load %arg2[%get3A_2, %get3A_3] : memref<2000x128xf32, #tpu.memory_space<vmem>>, vector<2000x128xf32>
    %add3A = arith.addf %get3A_1, %get3A_4 : vector<2000x128xf32>
    %get3A_5 = arith.constant 0 : index
    %get3A_6 = arith.constant 0 : index
    %get3A_7 = vector.load %arg3[%get3A_5, %get3A_6] : memref<2000x128xf32, #tpu.memory_space<vmem>>, vector<2000x128xf32>
    %add3A_8 = arith.addf %add3A, %get3A_7 : vector<2000x128xf32>
    %max3A = arith.constant 0.000000e+00 : f32
    %max3A_9 = vector.broadcast %max3A : f32 to vector<2000x128xf32>
    %max3A_10 = arith.maximumf %add3A_8, %max3A_9 : vector<2000x128xf32>
    %get3A_11 = arith.constant 0 : index
    %get3A_12 = arith.constant 0 : index
    %get3A_13 = vector.load %arg4[%get3A_11, %get3A_12] : memref<128x128xf32, #tpu.memory_space<vmem>>, vector<128x128xf32>
    %dot_general3A = arith.constant dense<0.000000e+00> : vector<2000x128xf32>
    %dot_general3A_14 = tpu.matmul %max3A_10, %get3A_13, %dot_general3A {dimension_numbers = #tpu.dot_dimension_numbers<[1], [0], [0], [1], [0, 0, 1, 1], [], []>, transpose_lhs_hint = false} : vector<2000x128xf32>, vector<128x128xf32>, vector<2000x128xf32> -> vector<2000x128xf32>
    %get3A_15 = arith.constant 0 : index
    %get3A_16 = arith.constant 0 : index
    %get3A_17 = vector.load %arg5[%get3A_15, %get3A_16] : memref<1x128xf32, #tpu.memory_space<vmem>>, vector<1x128xf32>
    %add3A_18 = vector.broadcast %get3A_17 : vector<1x128xf32> to vector<2000x128xf32>
    %add3A_19 = arith.addf %dot_general3A_14, %add3A_18 : vector<2000x128xf32>
    %swap3A = arith.constant 0 : index
    %swap3A_20 = arith.constant 0 : index
    %swap3A_21 = vector.load %arg6[%swap3A, %swap3A_20] : memref<2000x128xf32, #tpu.memory_space<vmem>>, vector<2000x128xf32>
    tpu.vector_store %arg6[%swap3A, %swap3A_20], %add3A_19 {strides = array<i32>} : memref<2000x128xf32, #tpu.memory_space<vmem>>, vector<2000x128xf32>,
    return
  }
  func.func @transform_0(%arg0: i32) -> (i32, i32) {
    %c0_i32 = arith.constant 0 : i32
    %c0_i32_0 = arith.constant 0 : i32
    return %arg0, %c0_i32 : i32, i32
  }
  func.func @transform_1(%arg0: i32) -> (i32, i32) {
    %c0_i32 = arith.constant 0 : i32
    %c0_i32_0 = arith.constant 0 : i32
    return %arg0, %c0_i32 : i32, i32
  }
  func.func @transform_2(%arg0: i32) -> (i32, i32) {
    %c0_i32 = arith.constant 0 : i32
    %c0_i32_0 = arith.constant 0 : i32
    return %arg0, %c0_i32 : i32, i32
  }
  func.func @transform_3(%arg0: i32) -> (i32, i32) {
    %c0_i32 = arith.constant 0 : i32
    %c0_i32_0 = arith.constant 0 : i32
    %c0_i32_1 = arith.constant 0 : i32
    return %c0_i32, %c0_i32_0 : i32, i32
  }
  func.func @transform_4(%arg0: i32) -> (i32, i32) {
    %c0_i32 = arith.constant 0 : i32
    %c0_i32_0 = arith.constant 0 : i32
    %c0_i32_1 = arith.constant 0 : i32
    return %c0_i32, %c0_i32_0 : i32, i32
  }
  func.func @transform_5(%arg0: i32) -> (i32, i32) {
    %c0_i32 = arith.constant 0 : i32
    %c0_i32_0 = arith.constant 0 : i32
    return %arg0, %c0_i32 : i32, i32
  }
}

</mosaic_0001>

<sc_bundles>
// kernel: kernel.12.cloned.1.call-start
scs
__scs_entry_jumppad:
0x0: {  	(pc) =	sbr.rel $0x88, $3  }
0x1: {  	(tag) =	ssettag $0x0;
	lr =	simm.s32 $0x1  }
0x2: {  	[smem:$0x3F90] =	sst lr;
	_ =	strace $0xD0000000  }
0x3: {  	_ = 	snop  }
0x4: {  	_ = 	snop  }
0x5: {  	_ = 	snop  }
0x6: {  	_ = 	snop  }
0x7: {  	_ = 	snop  }
__scs_overlays_trampoline_lowered:
0x8: {  	[smem:$0x3F9F] =	sst s0  }
0x9: {  	[smem:$0x3FA0] =	sst s1  }
0xa: {  	[smem:$0x3FA1] =	sst s2  }
0xb: {  	[smem:$0x3FA2] =	sst s3  }
0xc: {  	[smem:$0x3FA3] =	sst s4  }
0xd: {  	[smem:$0x3FA4] =	sst s5  }
0xe: {  	[smem:$0x3FA5] =	sst s6  }
0xf: {  	[smem:$0x3FA6] =	sst s7  }
0x10: {  	[smem:$0x3FA7] =	sst s8  }
0x11: {  	[smem:$0x3FA8] =	sst s9;
	s0 =	simm.s32 @!p0 $0x0  }
0x12: {  	s1 =	sld [smem:$0x3F8E];
	s0 =	simm.s32 @p0 $0x1  }
0x13: {  	[smem:$0x3FA9] =	sst s0;
	s0 =	simm.s32 @!p1 $0x0  }
0x14: {  	s2 =	sld [smem:$0x3F8D];
	s0 =	simm.s32 @p1 $0x1  }
0x15: {  	[smem:$0x3FAA] =	sst s0;
	s0 =	simm.s32 @!p2 $0x0  }
0x16: {  	s3 =	sld [smem:$0x3FDB];
	s0 =	simm.s32 @p2 $0x1  }
0x17: {  	s4 =	simm.s32 $0x1BF5;
	[smem:$0x3FAC] =	sst s0  }
0x18: {  	s0 =	sld [smem:$0x3F8F];
	_ =	swait.ge [sflag:s4], $0x0  }
0x19: {  	s7 =	sld [smem:$0x3F90]  }
0x1a: {  	s8 =	sadd.s32 $0xFFFFE003, lr  }
0x1b: {  	s9 =	sadd.s32 $0xFFFFFEF7, lr;
	s5 =	simm.s32 $0xFFFFFFFF;
	p2 =	slt.u32 s8, $0xFFFFF086  }
0x1c: {  	p1 =	slt.u32 s9, $0xF7A;
	s5 =	simm.s32 @!p2 $0x0  }
0x1d: {  	s5 =	simm.s32 @p1 $0x1;
	p0 =	seq.s32 s7, s2  }
0x1e: {  	s7 =	smul.u32 @!p0 $0xF7A, s2;
	p2 =	seq.s32 @!p0 s5, $0x0  }
0x1f: {  	s9 =	smul.u32 $0xF7A, s1;
	s8 =	simm.s32 @!p0 $0x1BF5;
	p2 =	por !p2, p0  }
0x20: {  	[sflag:s8] =	ssyncset.s32 @!p0 $0xFFFFF086;
	s6 =	sadd.s32 @!p0 s3, s7;
	s7 =	simm.s32 @!p0 $0x108  }
0x21: {  	s3 =	sadd.s32 s3, s9;
	s6 =	sadd.s32 @!p0 $0x88, s6;
	s7 =	simm.s32 @p2 $0x1082  }
0x22: {  	[simem:s7], [sflag:s8] =	dma.local @!p0 [hbm:s6], $0xF7A  }
0x23: {  	s9 =	sor.u32 $0xD0000000, s2;
	s6 =	simm.s32 $0x108;
	_ =	swait.ge @!p0 [sflag:s8], $0x0  }
0x24: {  	s3 =	sadd.s32 $0x88, s3;
	s6 =	simm.s32 @!p1 $0x1082;
	[sflag:s4] =	ssyncset.s32 $0xFFFFF086  }
0x25: {  	[simem:s6], [sflag:s4] =	dma.local [hbm:s3], $0xF7A  }
0x26: {  	[smem:$0x3F90] =	sst s1;
	(tag) =	ssettag s2;
	_ =	strace s9  }
0x27: {  	s1 =	sld [smem:$0x3FA0]  }
0x28: {  	s2 =	sld [smem:$0x3FA1]  }
0x29: {  	s4 =	sld [smem:$0x3FA3]  }
0x2a: {  	p0 =	seq.s32 s5, $0x0;
	s5 =	sld [smem:$0x3FA4]  }
0x2b: {  	s6 =	sld [smem:$0x3FA5]  }
0x2c: {  	s7 =	sld [smem:$0x3FA6]  }
0x2d: {  	s3 =	simm.s32 $0x108;
	s8 =	sld [smem:$0x3FA7]  }
0x2e: {  	s3 =	simm.s32 @!p0 $0x1082;
	s9 =	sld [smem:$0x3FA8]  }
0x2f: {  	lr =	sadd.s32 s0, s3;
	s0 =	sld [smem:$0x3F9F]  }
0x30: {  	s3 =	sld [smem:$0x3FA2]  }
0x31: {  	[smem:$0x3FAB] =	sst s10  }
0x32: {  	s10 =	sld [smem:$0x3FA9];
	_ =	sdelay $0x3  }
0x33: {  	p0 =	seq.s32 s10, $0x1;
	s10 =	sld [smem:$0x3FAB];
	_ =	sdelay $0x3  }
0x34: {  	[smem:$0x3FAB] =	sst s10  }
0x35: {  	s10 =	sld [smem:$0x3FAA];
	_ =	sdelay $0x3  }
0x36: {  	p1 =	seq.s32 s10, $0x1;
	s10 =	sld [smem:$0x3FAB];
	_ =	sdelay $0x3  }
0x37: {  	[smem:$0x3FAB] =	sst s10  }
0x38: {  	s10 =	sld [smem:$0x3FAC]  }
0x39: {  	_ = 	snop;
	(pc) =	sbr.ind lr, $3  }
0x3a: {  	_ = 	snop  }
0x3b: {  	_ = 	snop  }
0x3c: {  	p2 =	seq.s32 s10, $0x1;
	s10 =	sld [smem:$0x3FAB]  }
0x3d: {  	_ =	shalt  }
0x3e: {  	_ =	shalt  }
0x3f: {  	_ =	shalt  }
0x40: {  	_ =	shalt  }
0x41: {  	_ =	shalt  }
0x42: {  	_ =	shalt  }
0x43: {  	_ =	shalt  }
0x44: {  	_ =	shalt  }
0x45: {  	_ =	shalt  }
0x46: {  	_ =	shalt  }
0x47: {  	_ =	shalt  }
0x48: {  	_ =	shalt  }
0x49: {  	_ =	shalt  }
0x4a: {  	_ =	shalt  }
0x4b: {  	_ =	shalt  }
0x4c: {  	_ =	shalt  }
0x4d: {  	_ =	shalt  }
0x4e: {  	_ =	shalt  }
0x4f: {  	_ =	shalt  }
0x50: {  	_ =	shalt  }
0x51: {  	_ =	shalt  }
0x52: {  	_ =	shalt  }
0x53: {  	_ =	shalt  }
0x54: {  	_ =	shalt  }
0x55: {  	_ =	shalt  }
0x56: {  	_ =	shalt  }
0x57: {  	_ =	shalt  }
0x58: {  	_ =	shalt  }
0x59: {  	_ =	shalt  }
0x5a: {  	_ =	shalt  }
0x5b: {  	_ =	shalt  }
0x5c: {  	_ =	shalt  }
0x5d: {  	_ =	shalt  }
0x5e: {  	_ =	shalt  }
0x5f: {  	_ =	shalt  }
0x60: {  	_ =	shalt  }
0x61: {  	_ =	shalt  }
0x62: {  	_ =	shalt  }
0x63: {  	_ =	shalt  }
0x64: {  	_ =	shalt  }
0x65: {  	_ =	shalt  }
0x66: {  	_ =	shalt  }
0x67: {  	_ =	shalt  }
0x68: {  	_ =	shalt  }
0x69: {  	_ =	shalt  }
0x6a: {  	_ =	shalt  }
0x6b: {  	_ =	shalt  }
0x6c: {  	_ =	shalt  }
0x6d: {  	_ =	shalt  }
0x6e: {  	_ =	shalt  }
0x6f: {  	_ =	shalt  }
0x70: {  	_ =	shalt  }
0x71: {  	_ =	shalt  }
0x72: {  	_ =	shalt  }
0x73: {  	_ =	shalt  }
0x74: {  	_ =	shalt  }
0x75: {  	_ =	shalt  }
0x76: {  	_ =	shalt  }
0x77: {  	_ =	shalt  }
0x78: {  	_ =	shalt  }
0x79: {  	_ =	shalt  }
0x7a: {  	_ =	shalt  }
0x7b: {  	_ =	shalt  }
0x7c: {  	_ =	shalt  }
0x7d: {  	_ =	shalt  }
0x7e: {  	_ =	shalt  }
0x7f: {  	_ =	shalt  }
0x80: {  	_ =	shalt  }
0x81: {  	_ =	shalt  }
0x82: {  	_ =	shalt  }
0x83: {  	_ =	shalt  }
0x84: {  	_ =	shalt  }
0x85: {  	_ =	shalt  }
0x86: {  	_ =	shalt  }
0x87: {  	_ =	shalt  }
.Lfunc_end0:
.L_simem_size_0:
called_computation.1_lowered:
.L_overlay_start_0:
0x88: {  	s2 =	sld [smem:$0x3FD9]  }
0x89: {  	s3 =	sld [smem:$0x3FFE];
	_ =	sdelay $0x1  }
0x8a: {  	s1 =	srdreg.scid  }
0x8b: {  	s0 =	sand.u32 $0x1, s1  }
0x8c: {  	s16 =	sshll.u32 s0, $0xA;
	s2 =	sadd.s32 s3, s2  }
0x8d: {  	s2 =	sadd.s32 s2, s16  }
0x8e: {  	[smem:$0x3FB7] =	sst s2  }
0x8f: {  	_ = 	snop  }
0x90: {  	(tm) =	ssettm $0x1  }
0x91: {  	s17 =	sld [smem:$0x3FFB];
	_ =	sdelay $0x3  }
0x92: {  	_ =	strace s17  }
0x93: {  	s2 =	sld [smem:$0x3FFC];
	_ =	sdelay $0x3  }
0x94: {  	_ =	strace s2  }
0x95: {  	s2 =	sld [smem:$0x3FFD];
	_ =	sdelay $0x3  }
0x96: {  	_ =	strace s2  }
0x97: {  	_ =	strace $0x8FFFFFFF  }
0x98: {  	s18 =	sld [smem:$0x3FDB];
	_ =	sdelay $0x1  }
0x99: {  	s19 =	simm.s32 $_scs_section_size  }
0x9a: {  	s4 =	simm.s32 $_size__tile_overlayer_lowered;
	s5 =	simm.s32 $_tile_overlayer_lowered  }
0x9b: {  	s22 =	simm.s32 $0x1BFF;
	s21 =	sshll.u32 s5, $0x1;
	s2 =	sadd.s32 s19, s18  }
0x9c: {  	s6 =	simm.s32 $0x0;
	s20 =	sshll.u32 s4, $0x1;
	s4 =	sadd.s32 s21, s2  }
0x9d: {  	[timem:s6], [sflag:s22] =	dma.local [hbm:s4], s20  }
0x9e: {  	_ =	swait.ge [sflag:s22], s20  }
0x9f: {  	s3 =	ssub.s32 $0x0, s20;
	[sflag:s22] =	ssyncset.done $0x0  }
0xa0: {  	[sflag:s22] =	ssyncadd.s32 s3;
	_ =	sdelay $0x1  }
0xa1: {  	s23 =	simm.s32 $0x1B8B  }
0xa2: {  	_ =	swait.ge [sflag:s23], $0x1  }
0xa3: {  	[sflag:s23] =	ssyncset.done $0x0  }
0xa4: {  	s25 =	simm.s32 $0x1B8E;
	s24 =	sld [smem:$0x3FFE];
	[sflag:s23] =	ssyncadd.s32 $0xFFFFFFFF  }
0xa5: {  	s26 =	simm.s32 $execute0_lowered;
	[smem:$0x3FD2] =	sst s25  }
0xa6: {  	s4 =	sshll.u32 s26, $0x1;
	_ =	strace $0x80000049;
	[dreg:$0x1] =	wrdreg $0xFFFFFFFF  }
0xa7: {  	s28 =	simm.s32 $_size_execute0_lowered;
	s2 =	sadd.s32 s2, s4;
	[dreg:$0x0] =	wrdreg $0x0  }
0xa8: {  	s4 =	sshll.u32 s28, $0x1;
	[dreg:$0x2] =	wrdreg s2  }
0xa9: {  	[dreg:$0x3] =	wrdreg s4  }
0xaa: {  	[dreg:$0x4] =	wrdreg $0xC0  }
0xab: {  	_ =	task [dreg:s6], $0x5FFFF  }
0xac: {  	[dreg:$0x1] =	wrdreg $0xFFFFFFFF  }
0xad: {  	[dreg:$0x0] =	wrdreg $0x60  }
0xae: {  	[dreg:$0x2] =	wrdreg s24  }
0xaf: {  	[dreg:$0x3] =	wrdreg $0x95000  }
0xb0: {  	[dreg:$0x4] =	wrdreg $0x9  }
0xb1: {  	_ =	task.clear_ibuf [dreg:s6], $0x5FFFF;
	_ =	strace $0x90000049  }
0xb2: {  	s29 =	simm.s32 $0x9;
	_ =	strace $0x8000004B  }
0xb3: {  	_ =	swait.ge [sflag:s29], $0x1  }
0xb4: {  	[sflag:s29] =	ssyncadd.s32 $0xFFFFFFFF  }
0xb5: {  	_ =	strace $0x9000004B  }
0xb6: {  	_ =	sfence  }
0xb7: {  	s30 =	sld [smem:$0x0];
	_ =	sdelay $0x2  }
0xb8: {  	s31 =	sshll.u32 s1, $0xD;
	s1 =	sshrl.u32 s1, $0x2  }
0xb9: {  	s3 =	sand.u32 $0x4000, s31;
	s1 =	sadd.s32 s1, s30  }
0xba: {  	s0 =	sor.u32 s3, s0;
	s1 =	sshll.u32 s1, $0x11  }
0xbb: {  	s0 =	sor.u32 s1, s0  }
0xbc: {  	s0 =	sadd.s32 $0x8F2B, s0  }
0xbd: {  	[sflag:s0] =	ssyncadd.remote.s32 $0x1  }
0xbe: {  	_ =	sfence.sel $0xFFFF  }
0xbf: {  	[dreg:$0x0] =	wrdreg $0xFFFFFFFF;
	(pc) =	sbr.abs _section_cstart, $3  }
0xc0: {  	[dreg:$0x1] =	wrdreg $0xFFFFFFFF  }
0xc1: {  	_ =	task.clear_ibuf [dreg:s6], $0x2FFFF;
	_ =	strace $0x9FFFFFFF  }
0xc2: {  	(tm) =	ssettm $0x7FFFFFFF  }
0xc3: {  	_ =	shalt  }
tec
execute0_lowered:
.L_overlay_start_1:
0x0: {  	(tag) =	ssettag $0x1  }
0x1: {  	s0 =	rddreg [dreg:$0x0]  }
0x2: {  	s2 =	rddreg [dreg:$0x1]  }
0x3: {  	s1 =	simm.s32 $0x0;
	s14 =	srdreg.scid;
	s11 =	stileid.u32  }
0x4: {  	[smem:$0x7FF] =	sst s1;
	s3 =	sadd.s32 $0x5800, s0;
	s5 =	sadd.s32 $0x53A00, s0  }
0x5: {  	s6 =	sadd.s32 $0x762800, s0;
	s7 =	sadd.s32 $0x27B800, s0;
	s1 =	sand.u32 $0x1, s14  }
0x6: {  	s4 =	smul.u32 $0x4E000, s11;
	s12 =	sadd.s32 $0xA1C00, s0;
	s13 =	sadd.s32 $0xC8E00, s0  }
0x7: {  	s25 =	smul.u32 $0x2700, s11;
	_ =	strace $0x8000004A;
	[dreg:$0x3] =	wrdreg s12  }
0x8: {  	s8 =	sadd.s32 $0x276800, s0;
	s15 =	ssub.s32 $0x2, s1;
	[dreg:$0x4] =	wrdreg s13  }
0x9: {  	s9 =	sshrl.u32 s15, $0x1;
	s4 =	sshrl.u32 s4, $0x2;
	s14 =	sadd.s32 s12, s25  }
0xa: {  	s0 =	ssub.s32 s15, s9;
	[dreg:$0x10] =	wrdreg s14;
	s15 =	sadd.s32 s13, s25  }
0xb: {  	s23 =	sadd.s32 s4, s2;
	[dreg:$0x11] =	wrdreg s15  }
0xc: {  	s4 =	sadd.s32 $0x800, s23;
	[dreg:$0x5] =	wrdreg s23  }
0xd: {  	s17 =	sadd.s32 $0x1000, s23;
	[dreg:$0x6] =	wrdreg s4  }
0xe: {  	s18 =	sadd.s32 $0x1800, s23;
	[dreg:$0x7] =	wrdreg s17  }
0xf: {  	s19 =	sadd.s32 $0x2000, s23;
	[dreg:$0x8] =	wrdreg s18  }
0x10: {  	s20 =	sadd.s32 $0x2800, s23;
	[dreg:$0x9] =	wrdreg s19  }
0x11: {  	s21 =	sadd.s32 $0x3000, s23;
	[dreg:$0xa] =	wrdreg s20  }
0x12: {  	s22 =	sadd.s32 $0x3800, s23;
	[dreg:$0xb] =	wrdreg s21  }
0x13: {  	s24 =	sadd.s32 $0x4000, s23;
	[dreg:$0xc] =	wrdreg s22  }
0x14: {  	s26 =	sadd.s32 $0x4800, s23;
	[dreg:$0xd] =	wrdreg s24  }
0x15: {  	s30 =	sadd.s32 $0x5000, s23;
	[dreg:$0xe] =	wrdreg s26  }
0x16: {  	s0 =	smax.u32 s0, $0x1;
	[dreg:$0xf] =	wrdreg s30  }
0x17: {  	s10 =	sshll.u32 s1, $0x4;
	s25 =	sadd.s32 $0x9000, s23;
	[dreg:$0x12] =	wrdreg s0  }
0x18: {  	p0 =	seq.s32 s1, $0x1;
	s1 =	sadd.s32 $0xA800, s23;
	[dreg:$0x1a] =	wrdreg s25  }
0x19: {  	p1 =	sne.s32 s11, $0xF;
	s9 =	sadd.s32 $0xB800, s23;
	[dreg:$0x1d] =	wrdreg s1  }
0x1a: {  	s16 =	sor.u32 s11, s10;
	s10 =	sadd.s32 $0xC000, s23;
	[dreg:$0x1f] =	wrdreg s9  }
0x1b: {  	p2 =	seq.s32 s11, $0xF;
	s11 =	sadd.s32 $0xC800, s23;
	[smem:$0x7EE] =	sst s10  }
0x1c: {  	s12 =	sadd.s32 $0xD000, s23;
	[smem:$0x7EF] =	sst s11  }
0x1d: {  	s13 =	sadd.s32 $0xD800, s23;
	[smem:$0x7F0] =	sst s12  }
0x1e: {  	s14 =	sadd.s32 $0xE000, s23;
	[smem:$0x7F1] =	sst s13  }
0x1f: {  	s15 =	sadd.s32 $0xE800, s23;
	[smem:$0x7F2] =	sst s14  }
0x20: {  	s22 =	smul.u32 $0x1388, s16;
	s16 =	sadd.s32 $0x5800, s23;
	[smem:$0x7F3] =	sst s15  }
0x21: {  	s17 =	sadd.s32 $0x6000, s23;
	[dreg:$0x13] =	wrdreg s16  }
0x22: {  	s18 =	sadd.s32 $0x6800, s23;
	[dreg:$0x14] =	wrdreg s17  }
0x23: {  	s19 =	sadd.s32 $0x7000, s23;
	[dreg:$0x15] =	wrdreg s18  }
0x24: {  	s20 =	sadd.s32 $0x7800, s23;
	[dreg:$0x16] =	wrdreg s19  }
0x25: {  	s21 =	sadd.s32 $0x8000, s23;
	[dreg:$0x17] =	wrdreg s20  }
0x26: {  	s24 =	sadd.s32 $0x8800, s23;
	[dreg:$0x18] =	wrdreg s21  }
0x27: {  	s28 =	simm.s32 $0x28;
	s26 =	sadd.s32 $0x9800, s23;
	[dreg:$0x19] =	wrdreg s24  }
0x28: {  	s29 =	simm.s32 $0x7900;
	s30 =	sadd.s32 $0xA000, s23;
	[dreg:$0x1b] =	wrdreg s26  }
0x29: {  	s31 =	simm.s32 $0x0;
	s4 =	sadd.s32 $0xB000, s23;
	[dreg:$0x1c] =	wrdreg s30  }
0x2a: {  	s25 =	sadd.s32 $0x12800, s23;
	s10 =	smov.u32 s2;
	[dreg:$0x1e] =	wrdreg s4  }
0x2b: {  	s9 =	simm.s32 $0x3;
	s16 =	sadd.s32 $0xF000, s23;
	[smem:$0x7FB] =	sst s25  }
0x2c: {  	s12 =	simm.s32 $0x900;
	s17 =	sadd.s32 $0xF800, s23;
	[smem:$0x7F4] =	sst s16  }
0x2d: {  	s13 =	simm.s32 $0x1100;
	s18 =	sadd.s32 $0x10000, s23;
	[smem:$0x7F5] =	sst s17  }
0x2e: {  	s14 =	simm.s32 $0x1900;
	s19 =	sadd.s32 $0x10800, s23;
	[smem:$0x7F6] =	sst s18  }
0x2f: {  	s15 =	simm.s32 $0x2100;
	s20 =	sadd.s32 $0x11000, s23;
	[smem:$0x7F7] =	sst s19  }
0x30: {  	s11 =	simm.s32 $0x0;
	s21 =	sadd.s32 $0x11800, s23;
	[smem:$0x7F8] =	sst s20  }
0x31: {  	s24 =	sadd.s32 $0x12000, s23;
	s26 =	sadd.s32 $0x13000, s23;
	[smem:$0x7F9] =	sst s21  }
.Ltmp0:
0x32: {  	s30 =	sadd.s32 $0x138000, s2;
	[smem:$0x7FA] =	sst s24;
	(pc) =	sbr.rel .LBB2_1-.Ltmp0, $4  }
0x33: {  	s4 =	simm.s32 $0x100;
	s25 =	simm.s32 $0x1;
	[smem:$0x7FC] =	sst s26  }
0x34: {  	v3 =	vlaneseq.u32;
	[smem:$0x7FD] =	sst s30;
	s24 =	simm.s32 $0x8D00;
	s16 =	simm.s32 $0x2900  }
0x35: {  	v0 =	vimm.f32 $0.0e+00;
	vm0 =	vmmov $0xffff;
	v2 =	vshrl.u32 v3, $0x3;
	s17 =	simm.s32 $0x3100;
	s18 =	simm.s32 $0x3900;
	s19 =	simm.s32 $0x4100  }
0x36: {  	v1 =	vand.u32 $0x7, v3;
	v3 =	vor.u32 $0x8, v3;
	v2 =	vmul.u32 $0x8, v2;
	s20 =	simm.s32 $0x4900;
	s21 =	simm.s32 $0x5100;
	s26 =	simm.s32 $0x2  }
.LBB2_10:
0x37: {  	s2 =	sld [smem:$0x7FD];
	_ =	sdelay $0x2  }
0x38: {  	s1 =	sadd.s32 $0x27000, s1;
	s2 =	sshrl.u32 s2, $0x3  }
0x39: {  	[hbm:s1], [sflag:s0] =	dma.local [spmem:s2], $0x100  }
0x3a: {  	_ =	swait.ge [sflag:s9], $0x100  }
0x3b: {  	[sflag:s9] =	ssyncset.done $0x0  }
0x3c: {  	[sflag:s9] =	ssyncadd.s32 $0xFFFFFF00  }
.LBB2_11:
0x3d: {  	s11 =	sadd.s32 $0x1, s11;
	s0 =	rddreg [dreg:$0x12]  }
0x3e: {  	p3 =	sne.s32 s11, s0  }
.Ltmp1:
0x3f: {  	_ = 	snop;
	(pc) =	sbr.rel @!p3 .LBB2_12-.Ltmp1, $1  }
0x40: {  	_ =	sdelay $0x3  }
.LBB2_1:
0x41: {  	[smem:$0x7ED] =	sst s11;
	s0 =	simm.s32 $0x0;
	s1 =	simm.s32 $0x200  }
.LBB2_2:
0x42: {  	p3 =	sne.s32 s1, $0x1E00;
	[tilespmem:s0+$0x8D70] =	vst v0  }
0x43: {  	[tilespmem:s0+$0x8D00] =	vst v0  }
0x44: {  	[tilespmem:s0+$0x8D10] =	vst v0  }
.Ltmp2:
0x45: {  	[tilespmem:s0+$0x8D20] =	vst v0;
	(pc) =	sbr.rel @p3 .LBB2_2-.Ltmp2, $4  }
0x46: {  	[tilespmem:s0+$0x8D30] =	vst v0  }
0x47: {  	[tilespmem:s0+$0x8D40] =	vst v0  }
0x48: {  	[tilespmem:s0+$0x8D50] =	vst v0  }
0x49: {  	[tilespmem:s0+$0x8D60] =	vst v0;
	s0 =	sshra.s32 s1, $0x2;
	s1 =	sadd.s32 $0x200, s1  }
0x4a: {  	[tilespmem:s0+$0x8D70] =	vst v0  }
0x4b: {  	[tilespmem:s0+$0x8D00] =	vst v0  }
0x4c: {  	[tilespmem:s0+$0x8D10] =	vst v0  }
0x4d: {  	[tilespmem:s0+$0x8D20] =	vst v0  }
0x4e: {  	[tilespmem:s0+$0x8D30] =	vst v0  }
0x4f: {  	[tilespmem:s0+$0x8D40] =	vst v0  }
0x50: {  	[tilespmem:s0+$0x8D50] =	vst v0  }
0x51: {  	[tilespmem:s0+$0x8D60] =	vst v0  }
0x52: {  	[spmem:s23] =	stream.linear.scatter [tilespmem:s24], [sflag:$0x3], $0x800, $0x38;
	[tilespmem:$0x1CD80] =	vst v63  }
0x53: {  	_ =	swait.ge [sflag:s9], $0x800  }
0x54: {  	[sflag:s9] =	ssyncset.done $0x0  }
0x55: {  	s11 =	rddreg [dreg:$0x6];
	[sflag:s9] =	ssyncadd.s32 $0xFFFFF800  }
0x56: {  	[spmem:s11] =	stream.linear.scatter [tilespmem:s24], [sflag:$0x3], $0x800, $0x38;
	[tilespmem:$0x1CD80] =	vst v63  }
0x57: {  	_ =	swait.ge [sflag:s9], $0x800  }
0x58: {  	[sflag:s9] =	ssyncset.done $0x0  }
0x59: {  	s23 =	rddreg [dreg:$0x7];
	[sflag:s9] =	ssyncadd.s32 $0xFFFFF800  }
0x5a: {  	[spmem:s23] =	stream.linear.scatter [tilespmem:s24], [sflag:$0x3], $0x800, $0x38;
	[tilespmem:$0x1CD80] =	vst v63  }
0x5b: {  	_ =	swait.ge [sflag:s9], $0x800  }
0x5c: {  	[sflag:s9] =	ssyncset.done $0x0  }
0x5d: {  	s30 =	rddreg [dreg:$0x8];
	[sflag:s9] =	ssyncadd.s32 $0xFFFFF800  }
0x5e: {  	[spmem:s30] =	stream.linear.scatter [tilespmem:s24], [sflag:$0x3], $0x800, $0x38;
	[tilespmem:$0x1CD80] =	vst v63  }
0x5f: {  	_ =	swait.ge [sflag:s9], $0x800  }
0x60: {  	[sflag:s9] =	ssyncset.done $0x0  }
0x61: {  	s1 =	rddreg [dreg:$0x9];
	[sflag:s9] =	ssyncadd.s32 $0xFFFFF800  }
0x62: {  	[spmem:s1] =	stream.linear.scatter [tilespmem:s24], [sflag:$0x3], $0x800, $0x38;
	[tilespmem:$0x1CD80] =	vst v63  }
0x63: {  	_ =	swait.ge [sflag:s9], $0x800  }
0x64: {  	[sflag:s9] =	ssyncset.done $0x0  }
0x65: {  	s2 =	rddreg [dreg:$0xa];
	[sflag:s9] =	ssyncadd.s32 $0xFFFFF800  }
0x66: {  	[spmem:s2] =	stream.linear.scatter [tilespmem:s24], [sflag:$0x3], $0x800, $0x38;
	[tilespmem:$0x1CD80] =	vst v63  }
0x67: {  	_ =	swait.ge [sflag:s9], $0x800  }
0x68: {  	[sflag:s9] =	ssyncset.done $0x0  }
0x69: {  	s11 =	rddreg [dreg:$0xb];
	[sflag:s9] =	ssyncadd.s32 $0xFFFFF800  }
0x6a: {  	[spmem:s11] =	stream.linear.scatter [tilespmem:s24], [sflag:$0x3], $0x800, $0x38;
	[tilespmem:$0x1CD80] =	vst v63  }
0x6b: {  	_ =	swait.ge [sflag:s9], $0x800  }
0x6c: {  	[sflag:s9] =	ssyncset.done $0x0  }
0x6d: {  	s23 =	rddreg [dreg:$0xc];
	[sflag:s9] =	ssyncadd.s32 $0xFFFFF800  }
0x6e: {  	[spmem:s23] =	stream.linear.scatter [tilespmem:s24], [sflag:$0x3], $0x800, $0x38;
	[tilespmem:$0x1CD80] =	vst v63  }
0x6f: {  	_ =	swait.ge [sflag:s9], $0x800  }
0x70: {  	[sflag:s9] =	ssyncset.done $0x0  }
0x71: {  	s30 =	rddreg [dreg:$0xd];
	[sflag:s9] =	ssyncadd.s32 $0xFFFFF800  }
0x72: {  	[spmem:s30] =	stream.linear.scatter [tilespmem:s24], [sflag:$0x3], $0x800, $0x38;
	[tilespmem:$0x1CD80] =	vst v63  }
0x73: {  	_ =	swait.ge [sflag:s9], $0x800  }
0x74: {  	[sflag:s9] =	ssyncset.done $0x0  }
0x75: {  	s1 =	rddreg [dreg:$0xe];
	[sflag:s9] =	ssyncadd.s32 $0xFFFFF800  }
0x76: {  	[spmem:s1] =	stream.linear.scatter [tilespmem:s24], [sflag:$0x3], $0x800, $0x38;
	[tilespmem:$0x1CD80] =	vst v63  }
0x77: {  	_ =	swait.ge [sflag:s9], $0x800  }
0x78: {  	[sflag:s9] =	ssyncset.done $0x0  }
0x79: {  	s2 =	rddreg [dreg:$0xf];
	[sflag:s9] =	ssyncadd.s32 $0xFFFFF800  }
0x7a: {  	[spmem:s2] =	stream.linear.scatter [tilespmem:s24], [sflag:$0x3], $0x800, $0x38;
	[tilespmem:$0x1CD80] =	vst v63  }
0x7b: {  	_ =	swait.ge [sflag:s9], $0x800  }
0x7c: {  	[sflag:s9] =	ssyncset.done $0x0  }
0x7d: {  	s11 =	rddreg [dreg:$0x13];
	[sflag:s9] =	ssyncadd.s32 $0xFFFFF800  }
0x7e: {  	[spmem:s11] =	stream.linear.scatter [tilespmem:s24], [sflag:$0x3], $0x800, $0x38;
	[tilespmem:$0x1CD80] =	vst v63  }
0x7f: {  	_ =	swait.ge [sflag:s9], $0x800  }
0x80: {  	[sflag:s9] =	ssyncset.done $0x0  }
0x81: {  	s23 =	rddreg [dreg:$0x14];
	[sflag:s9] =	ssyncadd.s32 $0xFFFFF800  }
0x82: {  	[spmem:s23] =	stream.linear.scatter [tilespmem:s24], [sflag:$0x3], $0x800, $0x38;
	[tilespmem:$0x1CD80] =	vst v63  }
0x83: {  	_ =	swait.ge [sflag:s9], $0x800  }
0x84: {  	[sflag:s9] =	ssyncset.done $0x0  }
0x85: {  	s30 =	rddreg [dreg:$0x15];
	[sflag:s9] =	ssyncadd.s32 $0xFFFFF800  }
0x86: {  	[spmem:s30] =	stream.linear.scatter [tilespmem:s24], [sflag:$0x3], $0x800, $0x38;
	[tilespmem:$0x1CD80] =	vst v63  }
0x87: {  	_ =	swait.ge [sflag:s9], $0x800  }
0x88: {  	[sflag:s9] =	ssyncset.done $0x0  }
0x89: {  	s1 =	rddreg [dreg:$0x16];
	[sflag:s9] =	ssyncadd.s32 $0xFFFFF800  }
0x8a: {  	[spmem:s1] =	stream.linear.scatter [tilespmem:s24], [sflag:$0x3], $0x800, $0x38;
	[tilespmem:$0x1CD80] =	vst v63  }
0x8b: {  	_ =	swait.ge [sflag:s9], $0x800  }
0x8c: {  	[sflag:s9] =	ssyncset.done $0x0  }
0x8d: {  	s2 =	rddreg [dreg:$0x17];
	[sflag:s9] =	ssyncadd.s32 $0xFFFFF800  }
0x8e: {  	[spmem:s2] =	stream.linear.scatter [tilespmem:s24], [sflag:$0x3], $0x800, $0x38;
	[tilespmem:$0x1CD80] =	vst v63  }
0x8f: {  	_ =	swait.ge [sflag:s9], $0x800  }
0x90: {  	[sflag:s9] =	ssyncset.done $0x0  }
0x91: {  	s11 =	rddreg [dreg:$0x18];
	[sflag:s9] =	ssyncadd.s32 $0xFFFFF800  }
0x92: {  	[spmem:s11] =	stream.linear.scatter [tilespmem:s24], [sflag:$0x3], $0x800, $0x38;
	[tilespmem:$0x1CD80] =	vst v63  }
0x93: {  	_ =	swait.ge [sflag:s9], $0x800  }
0x94: {  	[sflag:s9] =	ssyncset.done $0x0  }
0x95: {  	s23 =	rddreg [dreg:$0x19];
	[sflag:s9] =	ssyncadd.s32 $0xFFFFF800  }
0x96: {  	[spmem:s23] =	stream.linear.scatter [tilespmem:s24], [sflag:$0x3], $0x800, $0x38;
	[tilespmem:$0x1CD80] =	vst v63  }
0x97: {  	_ =	swait.ge [sflag:s9], $0x800  }
0x98: {  	[sflag:s9] =	ssyncset.done $0x0  }
0x99: {  	s30 =	rddreg [dreg:$0x1a];
	[sflag:s9] =	ssyncadd.s32 $0xFFFFF800  }
0x9a: {  	[spmem:s30] =	stream.linear.scatter [tilespmem:s24], [sflag:$0x3], $0x800, $0x38;
	[tilespmem:$0x1CD80] =	vst v63  }
0x9b: {  	_ =	swait.ge [sflag:s9], $0x800  }
0x9c: {  	[sflag:s9] =	ssyncset.done $0x0  }
0x9d: {  	s1 =	rddreg [dreg:$0x1b];
	[sflag:s9] =	ssyncadd.s32 $0xFFFFF800  }
0x9e: {  	[spmem:s1] =	stream.linear.scatter [tilespmem:s24], [sflag:$0x3], $0x800, $0x38;
	[tilespmem:$0x1CD80] =	vst v63  }
0x9f: {  	_ =	swait.ge [sflag:s9], $0x800  }
0xa0: {  	[sflag:s9] =	ssyncset.done $0x0  }
0xa1: {  	s2 =	rddreg [dreg:$0x1c];
	[sflag:s9] =	ssyncadd.s32 $0xFFFFF800  }
0xa2: {  	[spmem:s2] =	stream.linear.scatter [tilespmem:s24], [sflag:$0x3], $0x800, $0x38;
	[tilespmem:$0x1CD80] =	vst v63  }
0xa3: {  	_ =	swait.ge [sflag:s9], $0x800  }
0xa4: {  	[sflag:s9] =	ssyncset.done $0x0  }
0xa5: {  	s11 =	rddreg [dreg:$0x1d];
	[sflag:s9] =	ssyncadd.s32 $0xFFFFF800  }
0xa6: {  	[spmem:s11] =	stream.linear.scatter [tilespmem:s24], [sflag:$0x3], $0x800, $0x38;
	[tilespmem:$0x1CD80] =	vst v63  }
0xa7: {  	_ =	swait.ge [sflag:s9], $0x800  }
0xa8: {  	[sflag:s9] =	ssyncset.done $0x0  }
0xa9: {  	s23 =	rddreg [dreg:$0x1e];
	[sflag:s9] =	ssyncadd.s32 $0xFFFFF800  }
0xaa: {  	[spmem:s23] =	stream.linear.scatter [tilespmem:s24], [sflag:$0x3], $0x800, $0x38;
	[tilespmem:$0x1CD80] =	vst v63  }
0xab: {  	_ =	swait.ge [sflag:s9], $0x800  }
0xac: {  	[sflag:s9] =	ssyncset.done $0x0  }
0xad: {  	s30 =	rddreg [dreg:$0x1f];
	[sflag:s9] =	ssyncadd.s32 $0xFFFFF800  }
0xae: {  	[spmem:s30] =	stream.linear.scatter [tilespmem:s24], [sflag:$0x3], $0x800, $0x38;
	[tilespmem:$0x1CD80] =	vst v63  }
0xaf: {  	_ =	swait.ge [sflag:s9], $0x800  }
0xb0: {  	s1 =	sld [smem:$0x7EE]  }
0xb1: {  	[sflag:s9] =	ssyncset.done $0x0  }
0xb2: {  	[sflag:s9] =	ssyncadd.s32 $0xFFFFF800  }
0xb3: {  	[spmem:s1] =	stream.linear.scatter [tilespmem:s24], [sflag:$0x3], $0x800, $0x38;
	[tilespmem:$0x1CD80] =	vst v63  }
0xb4: {  	_ =	swait.ge [sflag:s9], $0x800  }
0xb5: {  	s2 =	sld [smem:$0x7EF]  }
0xb6: {  	[sflag:s9] =	ssyncset.done $0x0  }
0xb7: {  	[sflag:s9] =	ssyncadd.s32 $0xFFFFF800  }
0xb8: {  	[spmem:s2] =	stream.linear.scatter [tilespmem:s24], [sflag:$0x3], $0x800, $0x38;
	[tilespmem:$0x1CD80] =	vst v63  }
0xb9: {  	_ =	swait.ge [sflag:s9], $0x800  }
0xba: {  	s11 =	sld [smem:$0x7F0]  }
0xbb: {  	[sflag:s9] =	ssyncset.done $0x0  }
0xbc: {  	[sflag:s9] =	ssyncadd.s32 $0xFFFFF800  }
0xbd: {  	[spmem:s11] =	stream.linear.scatter [tilespmem:s24], [sflag:$0x3], $0x800, $0x38;
	[tilespmem:$0x1CD80] =	vst v63  }
0xbe: {  	_ =	swait.ge [sflag:s9], $0x800  }
0xbf: {  	s23 =	sld [smem:$0x7F1]  }
0xc0: {  	[sflag:s9] =	ssyncset.done $0x0  }
0xc1: {  	[sflag:s9] =	ssyncadd.s32 $0xFFFFF800  }
0xc2: {  	[spmem:s23] =	stream.linear.scatter [tilespmem:s24], [sflag:$0x3], $0x800, $0x38;
	[tilespmem:$0x1CD80] =	vst v63  }
0xc3: {  	_ =	swait.ge [sflag:s9], $0x800  }
0xc4: {  	s30 =	sld [smem:$0x7F2]  }
0xc5: {  	[sflag:s9] =	ssyncset.done $0x0  }
0xc6: {  	[sflag:s9] =	ssyncadd.s32 $0xFFFFF800  }
0xc7: {  	[spmem:s30] =	stream.linear.scatter [tilespmem:s24], [sflag:$0x3], $0x800, $0x38;
	[tilespmem:$0x1CD80] =	vst v63  }
0xc8: {  	_ =	swait.ge [sflag:s9], $0x800  }
0xc9: {  	s1 =	sld [smem:$0x7F3]  }
0xca: {  	[sflag:s9] =	ssyncset.done $0x0  }
0xcb: {  	[sflag:s9] =	ssyncadd.s32 $0xFFFFF800  }
0xcc: {  	[spmem:s1] =	stream.linear.scatter [tilespmem:s24], [sflag:$0x3], $0x800, $0x38;
	[tilespmem:$0x1CD80] =	vst v63  }
0xcd: {  	_ =	swait.ge [sflag:s9], $0x800  }
0xce: {  	s2 =	sld [smem:$0x7F4]  }
0xcf: {  	[sflag:s9] =	ssyncset.done $0x0  }
0xd0: {  	[sflag:s9] =	ssyncadd.s32 $0xFFFFF800  }
0xd1: {  	[spmem:s2] =	stream.linear.scatter [tilespmem:s24], [sflag:$0x3], $0x800, $0x38;
	[tilespmem:$0x1CD80] =	vst v63  }
0xd2: {  	_ =	swait.ge [sflag:s9], $0x800  }
0xd3: {  	s11 =	sld [smem:$0x7F5]  }
0xd4: {  	[sflag:s9] =	ssyncset.done $0x0  }
0xd5: {  	[sflag:s9] =	ssyncadd.s32 $0xFFFFF800  }
0xd6: {  	[spmem:s11] =	stream.linear.scatter [tilespmem:s24], [sflag:$0x3], $0x800, $0x38;
	[tilespmem:$0x1CD80] =	vst v63  }
0xd7: {  	_ =	swait.ge [sflag:s9], $0x800  }
0xd8: {  	s23 =	sld [smem:$0x7F6]  }
0xd9: {  	[sflag:s9] =	ssyncset.done $0x0  }
0xda: {  	[sflag:s9] =	ssyncadd.s32 $0xFFFFF800  }
0xdb: {  	[spmem:s23] =	stream.linear.scatter [tilespmem:s24], [sflag:$0x3], $0x800, $0x38;
	[tilespmem:$0x1CD80] =	vst v63  }
0xdc: {  	_ =	swait.ge [sflag:s9], $0x800  }
0xdd: {  	s30 =	sld [smem:$0x7F7]  }
0xde: {  	[sflag:s9] =	ssyncset.done $0x0  }
0xdf: {  	[sflag:s9] =	ssyncadd.s32 $0xFFFFF800  }
0xe0: {  	[spmem:s30] =	stream.linear.scatter [tilespmem:s24], [sflag:$0x3], $0x800, $0x38;
	[tilespmem:$0x1CD80] =	vst v63  }
0xe1: {  	_ =	swait.ge [sflag:s9], $0x800  }
0xe2: {  	s1 =	sld [smem:$0x7F8]  }
0xe3: {  	[sflag:s9] =	ssyncset.done $0x0  }
0xe4: {  	[sflag:s9] =	ssyncadd.s32 $0xFFFFF800  }
0xe5: {  	[spmem:s1] =	stream.linear.scatter [tilespmem:s24], [sflag:$0x3], $0x800, $0x38;
	[tilespmem:$0x1CD80] =	vst v63  }
0xe6: {  	_ =	swait.ge [sflag:s9], $0x800  }
0xe7: {  	s2 =	sld [smem:$0x7F9]  }
0xe8: {  	[sflag:s9] =	ssyncset.done $0x0  }
0xe9: {  	[sflag:s9] =	ssyncadd.s32 $0xFFFFF800  }
0xea: {  	[spmem:s2] =	stream.linear.scatter [tilespmem:s24], [sflag:$0x3], $0x800, $0x38;
	[tilespmem:$0x1CD80] =	vst v63  }
0xeb: {  	_ =	swait.ge [sflag:s9], $0x800  }
0xec: {  	s11 =	sld [smem:$0x7FA]  }
0xed: {  	[sflag:s9] =	ssyncset.done $0x0  }
0xee: {  	[sflag:s9] =	ssyncadd.s32 $0xFFFFF800  }
0xef: {  	[spmem:s11] =	stream.linear.scatter [tilespmem:s24], [sflag:$0x3], $0x800, $0x38;
	[tilespmem:$0x1CD80] =	vst v63  }
0xf0: {  	_ =	swait.ge [sflag:s9], $0x800  }
0xf1: {  	s23 =	sld [smem:$0x7FB]  }
0xf2: {  	[sflag:s9] =	ssyncset.done $0x0  }
0xf3: {  	[sflag:s9] =	ssyncadd.s32 $0xFFFFF800  }
0xf4: {  	[spmem:s23] =	stream.linear.scatter [tilespmem:s24], [sflag:$0x3], $0x800, $0x38;
	[tilespmem:$0x1CD80] =	vst v63  }
0xf5: {  	_ =	swait.ge [sflag:s9], $0x800  }
0xf6: {  	s30 =	sld [smem:$0x7FC]  }
0xf7: {  	[sflag:s9] =	ssyncset.done $0x0  }
0xf8: {  	[sflag:s9] =	ssyncadd.s32 $0xFFFFF800  }
0xf9: {  	[spmem:s30] =	stream.linear.scatter [tilespmem:s24], [sflag:$0x3], $0x800, $0x38;
	[tilespmem:$0x1CD80] =	vst v63  }
0xfa: {  	_ =	swait.ge [sflag:s9], $0x800  }
0xfb: {  	s1 =	sld [smem:$0x7FD]  }
0xfc: {  	[sflag:s9] =	ssyncset.done $0x0  }
0xfd: {  	s0 =	simm.s32 @!p1 $0x8D00;
	[sflag:s9] =	ssyncadd.s32 $0xFFFFF800  }
0xfe: {  	[spmem:s1] =	stream.linear.scatter @!p1 [tilespmem:s0], [sflag:$0x3], $0x800, $0x38;
	[tilespmem:$0x1CD80] =	vst v63  }
0xff: {  	s0 =	simm.s32 @!p1 $0x3  }
0x100: {  	_ =	swait.ge @!p1 [sflag:s0], $0x800  }
0x101: {  	[sflag:s0] =	ssyncset.done @!p1 $0x0  }
0x102: {  	[sflag:s0] =	ssyncadd.s32 @!p1 $0xFFFFF800  }
0x103: {  	s0 =	simm.s32 $0x0;
	[bflag:$0x0] =	sbarrier.arrive $0xFFFF  }
.LBB2_4:
0x104: {  	s1 =	smul.u32 $0x28, s0;
	_ =	sdelay $0x1  }
0x105: {  	s1 =	sadd.s32 s22, s1  }
0x106: {  	s11 =	sshrl.u32 s1, $0x3  }
0x107: {  	s23 =	sadd.s32 s8, s11  }
0x108: {  	[tilespmem:s31], [sflag:$0x3] =	stream.linear.gather [hbm4b:s23+s31], $0x28, $0x38;
	[tilespmem:$0x1CD80] =	vst v63  }
0x109: {  	_ =	swait.ge [sflag:s9], $0x28  }
0x10a: {  	[sflag:s9] =	ssyncset.done $0x0  }
0x10b: {  	s2 =	simm.s32 $0x80;
	s11 =	sadd.s32 s7, s11;
	[sflag:s9] =	ssyncadd.s32 $0xFFFFFFD8  }
0x10c: {  	[tilespmem:s2], [sflag:$0x3] =	stream.linear.gather [hbm4b:s11+s31], $0x28, $0x38;
	[tilespmem:$0x1CD80] =	vst v63  }
0x10d: {  	_ =	swait.ge [sflag:s9], $0x28  }
0x10e: {  	[sflag:s9] =	ssyncset.done $0x0  }
0x10f: {  	[sflag:s9] =	ssyncadd.s32 $0xFFFFFFD8  }
0x110: {  	v4 =	vld [tilespmem:$0x0];
	_ =	sdelay $0x4  }
0x111: {  	v5 =	vshll.u32 v4, $0x1  }
0x112: {  	v4 =	vand.u32 $0x7, v4;
	v5 =	vand.u32 $0xFFFFFFF0, v5  }
0x113: {  	v4 =	vor.u32 v4, v5  }
0x114: {  	v5 =	vperm.xlane v4, v1;
	_ =	sdelay $0x1  }
0x115: {  	v4 =	vperm.xlane v4, v3;
	v5 =	vadd.s32 v2, v5;
	_ =	sdelay $0x1  }
0x116: {  	v4 =	vadd.s32 v2, v4;
	_ =	sdelay $0x2  }
0x117: {  	[tilespmem:s4], [sflag:$0x1] =	stream.indirect_vreg.gather [hbm4b:s3+s31], $0x80, v5, vm0, $0xb8;
	[tilespmem:$0x1CD80] =	vst v63  }
0x118: {  	_ = 	snop  }
0x119: {  	[tilespmem:s12], [sflag:$0x1] =	stream.indirect_vreg.gather [hbm4b:s3+s31], $0x80, v4, vm0, $0xb8;
	[tilespmem:$0x1CD80] =	vst v63  }
0x11a: {  	v4 =	vld [tilespmem:$0x10];
	_ =	sdelay $0x4  }
0x11b: {  	v5 =	vshll.u32 v4, $0x1  }
0x11c: {  	v4 =	vand.u32 $0x7, v4;
	v5 =	vand.u32 $0xFFFFFFF0, v5  }
0x11d: {  	v4 =	vor.u32 v4, v5  }
0x11e: {  	v5 =	vperm.xlane v4, v1;
	_ =	sdelay $0x1  }
0x11f: {  	v4 =	vperm.xlane v4, v3;
	v5 =	vadd.s32 v2, v5;
	_ =	sdelay $0x1  }
0x120: {  	v4 =	vadd.s32 v2, v4;
	_ =	sdelay $0x2  }
0x121: {  	[tilespmem:s13], [sflag:$0x1] =	stream.indirect_vreg.gather [hbm4b:s3+s31], $0x80, v5, vm0, $0xb8;
	[tilespmem:$0x1CD80] =	vst v63  }
0x122: {  	_ = 	snop  }
0x123: {  	[tilespmem:s14], [sflag:$0x1] =	stream.indirect_vreg.gather [hbm4b:s3+s31], $0x80, v4, vm0, $0xb8;
	[tilespmem:$0x1CD80] =	vst v63  }
0x124: {  	v4 =	vld.msk [tilespmem:$0x20], $0xff;
	_ =	sdelay $0x4  }
0x125: {  	v5 =	vshll.u32 v4, $0x1  }
0x126: {  	v4 =	vand.u32 $0x7, v4;
	v5 =	vand.u32 $0xFFFFFFF0, v5  }
0x127: {  	v4 =	vor.u32 v4, v5  }
0x128: {  	v4 =	vperm.xlane v4, v1;
	_ =	sdelay $0x1  }
0x129: {  	v4 =	vadd.s32 v2, v4;
	_ =	sdelay $0x4  }
0x12a: {  	[tilespmem:s15], [sflag:$0x1] =	stream.indirect_vreg.gather [hbm4b:s3+s31], $0x80, v4, vm0, $0xb8;
	[tilespmem:$0x1CD80] =	vst v63  }
0x12b: {  	v4 =	vld [tilespmem:$0x80];
	_ =	sdelay $0x4  }
0x12c: {  	v5 =	vshll.u32 v4, $0x1  }
0x12d: {  	v4 =	vand.u32 $0x7, v4;
	v5 =	vand.u32 $0xFFFFFFF0, v5  }
0x12e: {  	v4 =	vor.u32 v4, v5  }
0x12f: {  	v5 =	vperm.xlane v4, v1;
	_ =	sdelay $0x1  }
0x130: {  	v4 =	vperm.xlane v4, v3;
	v5 =	vadd.s32 v2, v5;
	_ =	sdelay $0x1  }
0x131: {  	v4 =	vadd.s32 v2, v4;
	_ =	sdelay $0x2  }
0x132: {  	[tilespmem:s16], [sflag:$0x2] =	stream.indirect_vreg.gather [hbm4b:s5+s31], $0x80, v5, vm0, $0xb8;
	[tilespmem:$0x1CD80] =	vst v63  }
0x133: {  	_ = 	snop  }
0x134: {  	[tilespmem:s17], [sflag:$0x2] =	stream.indirect_vreg.gather [hbm4b:s5+s31], $0x80, v4, vm0, $0xb8;
	[tilespmem:$0x1CD80] =	vst v63  }
0x135: {  	v4 =	vld [tilespmem:$0x90];
	_ =	sdelay $0x4  }
0x136: {  	v5 =	vshll.u32 v4, $0x1  }
0x137: {  	v4 =	vand.u32 $0x7, v4;
	v5 =	vand.u32 $0xFFFFFFF0, v5  }
0x138: {  	v4 =	vor.u32 v4, v5  }
0x139: {  	v5 =	vperm.xlane v4, v1;
	_ =	sdelay $0x1  }
0x13a: {  	v4 =	vperm.xlane v4, v3;
	v5 =	vadd.s32 v2, v5;
	_ =	sdelay $0x1  }
0x13b: {  	v4 =	vadd.s32 v2, v4;
	_ =	sdelay $0x2  }
0x13c: {  	[tilespmem:s18], [sflag:$0x2] =	stream.indirect_vreg.gather [hbm4b:s5+s31], $0x80, v5, vm0, $0xb8;
	[tilespmem:$0x1CD80] =	vst v63  }
0x13d: {  	_ = 	snop  }
0x13e: {  	[tilespmem:s19], [sflag:$0x2] =	stream.indirect_vreg.gather [hbm4b:s5+s31], $0x80, v4, vm0, $0xb8;
	[tilespmem:$0x1CD80] =	vst v63  }
0x13f: {  	v4 =	vld.msk [tilespmem:$0xA0], $0xff;
	_ =	sdelay $0x4  }
0x140: {  	v5 =	vshll.u32 v4, $0x1  }
0x141: {  	v4 =	vand.u32 $0x7, v4;
	v5 =	vand.u32 $0xFFFFFFF0, v5  }
0x142: {  	v4 =	vor.u32 v4, v5  }
0x143: {  	v4 =	vperm.xlane v4, v1;
	_ =	sdelay $0x1  }
0x144: {  	v4 =	vadd.s32 v2, v4;
	_ =	sdelay $0x3  }
0x145: {  	s1 =	sshll.u32 s1, $0x5  }
0x146: {  	[tilespmem:s20], [sflag:$0x2] =	stream.indirect_vreg.gather [hbm4b:s5+s31], $0x80, v4, vm0, $0xb8;
	[tilespmem:$0x1CD80] =	vst v63  }
0x147: {  	s1 =	sadd.s32 s6, s1  }
0x148: {  	[tilespmem:s21], [sflag:$0x3] =	stream.linear.gather [hbm4b:s1+s31], $0x2800, $0x38;
	[tilespmem:$0x1CD80] =	vst v63  }
0x149: {  	_ =	swait.ge [sflag:s9], $0x2800  }
0x14a: {  	[sflag:s9] =	ssyncset.done $0x0  }
0x14b: {  	[sflag:s9] =	ssyncadd.s32 $0xFFFFD800  }
0x14c: {  	_ =	swait.ge [sflag:s25], $0x2800  }
0x14d: {  	[sflag:s25] =	ssyncset.done $0x0  }
0x14e: {  	[sflag:s25] =	ssyncadd.s32 $0xFFFFD800  }
0x14f: {  	_ =	swait.ge [sflag:s26], $0x2800  }
0x150: {  	s30 =	simm.s32 $0x0;
	[sflag:s26] =	ssyncset.done $0x0  }
0x151: {  	s23 =	simm.s32 $0x7940;
	s11 =	simm.s32 $0x0;
	[sflag:s26] =	ssyncadd.s32 $0xFFFFD800  }
.LBB2_5:
0x152: {  	s1 =	sand.u32 $0x3800, s30;
	s2 =	sand.u32 $0x380, s11  }
0x153: {  	s1 =	sor.u32 s2, s1  }
0x154: {  	v4 =	vld [tilespmem:s1+$0x500]  }
0x155: {  	v5 =	vld [tilespmem:s1+$0x2D00];
	_ =	sdelay $0x1  }
0x156: {  	v6 =	vld [tilespmem:s1+$0x5500];
	_ =	sdelay $0x2  }
0x157: {  	v4 =	vadd.f32 v5, v4;
	_ =	sdelay $0x1  }
0x158: {  	v4 =	vadd.f32 v6, v4;
	_ =	sdelay $0x1  }
0x159: {  	v5 =	vand.u32 $0x7FFFFFFF, v4  }
0x15a: {  	v5 =	vsub.f32 $0.0e+00, v5;
	_ =	sdelay $0x1  }
0x15b: {  	v5 =	vmul.f32 $1.442695020e+00, v5;
	_ =	sdelay $0x1  }
0x15c: {  	(erf) = vpow2.f32 v5;
	_ =	sdelay $0x2  }
0x15d: {  	v18 =	vld [tilespmem:s1+$0x2900]  }
0x15e: {  	v5 =	vld [tilespmem:s1+$0x100];
	_ =	sdelay $0x1  }
0x15f: {  	v7 =	vld [tilespmem:s1+$0x5100];
	_ =	sdelay $0x2  }
0x160: {  	v5 =	vadd.f32 v18, v5;
	v19 =	vpop (erf)  }
0x161: {  	v20 =	vmul.f32 $1.402681970e-02, v19  }
0x162: {  	v5 =	vadd.f32 v7, v5  }
0x163: {  	v7 =	vadd.f32 $-6.577000770e-02, v20  }
0x164: {  	v5 =	vsub.f32 $0.0e+00, v5  }
0x165: {  	v7 =	vmul.f32 v7, v19  }
0x166: {  	v5 =	vmul.f32 $1.442695020e+00, v5  }
0x167: {  	v7 =	vadd.f32 $1.481066350e-01, v7  }
0x168: {  	(erf) = vpow2.f32 v5  }
0x169: {  	v5 =	vmul.f32 v7, v19;
	_ =	sdelay $0x1  }
0x16a: {  	v5 =	vadd.f32 $-2.341735960e-01, v5;
	_ =	sdelay $0x1  }
0x16b: {  	v5 =	vmul.f32 v5, v19;
	_ =	sdelay $0x1  }
0x16c: {  	v5 =	vadd.f32 $3.307878670e-01, v5;
	_ =	sdelay $0x1  }
0x16d: {  	v21 =	vpop (erf);
	v5 =	vmul.f32 v5, v19  }
0x16e: {  	v7 =	vadd.f32 $1.000000000e+00, v21  }
0x16f: {  	v5 =	vadd.f32 $-4.998254780e-01, v5  }
0x170: {  	(erf) = vrcp.f32 v7  }
0x171: {  	v5 =	vmul.f32 v5, v19;
	_ =	sdelay $0x1  }
0x172: {  	v5 =	vadd.f32 $9.999970790e-01, v5;
	_ =	sdelay $0x1  }
0x173: {  	v5 =	vmul.f32 v5, v19;
	_ =	sdelay $0x1  }
0x174: {  	v4 =	vmax.f32 v4, $0.0e+00  }
0x175: {  	v4 =	vadd.f32 v5, v4  }
0x176: {  	v5 =	vpop (erf)  }
0x177: {  	v4 =	vmul.f32 v4, v5;
	_ =	sdelay $0x1  }
0x178: {  	[tilespmem:s23+$0xFFFFFFC0] =	vst v4  }
0x179: {  	v4 =	vld [tilespmem:s1+$0x510]  }
0x17a: {  	v5 =	vld [tilespmem:s1+$0x2D10];
	_ =	sdelay $0x1  }
0x17b: {  	v22 =	vld [tilespmem:s1+$0x5510];
	_ =	sdelay $0x2  }
0x17c: {  	v4 =	vadd.f32 v5, v4;
	_ =	sdelay $0x1  }
0x17d: {  	v4 =	vadd.f32 v22, v4;
	_ =	sdelay $0x1  }
0x17e: {  	v5 =	vand.u32 $0x7FFFFFFF, v4  }
0x17f: {  	v5 =	vsub.f32 $0.0e+00, v5;
	_ =	sdelay $0x1  }
0x180: {  	v5 =	vmul.f32 $1.442695020e+00, v5;
	_ =	sdelay $0x1  }
0x181: {  	(erf) = vpow2.f32 v5;
	_ =	sdelay $0x2  }
0x182: {  	v23 =	vld [tilespmem:s1+$0x2910]  }
0x183: {  	v5 =	vld [tilespmem:s1+$0x110];
	_ =	sdelay $0x1  }
0x184: {  	v24 =	vld [tilespmem:s1+$0x5110];
	_ =	sdelay $0x2  }
0x185: {  	v5 =	vadd.f32 v23, v5;
	v25 =	vpop (erf)  }
0x186: {  	v26 =	vmul.f32 $1.402681970e-02, v25  }
0x187: {  	v5 =	vadd.f32 v24, v5  }
0x188: {  	v7 =	vadd.f32 $-6.577000770e-02, v26  }
0x189: {  	v5 =	vsub.f32 $0.0e+00, v5  }
0x18a: {  	v7 =	vmul.f32 v7, v25  }
0x18b: {  	v5 =	vmul.f32 $1.442695020e+00, v5  }
0x18c: {  	v7 =	vadd.f32 $1.481066350e-01, v7  }
0x18d: {  	(erf) = vpow2.f32 v5  }
0x18e: {  	v5 =	vmul.f32 v7, v25;
	_ =	sdelay $0x1  }
0x18f: {  	v5 =	vadd.f32 $-2.341735960e-01, v5;
	_ =	sdelay $0x1  }
0x190: {  	v5 =	vmul.f32 v5, v25;
	_ =	sdelay $0x1  }
0x191: {  	v5 =	vadd.f32 $3.307878670e-01, v5;
	_ =	sdelay $0x1  }
0x192: {  	v27 =	vpop (erf);
	v5 =	vmul.f32 v5, v25  }
0x193: {  	v7 =	vadd.f32 $1.000000000e+00, v27  }
0x194: {  	v5 =	vadd.f32 $-4.998254780e-01, v5  }
0x195: {  	(erf) = vrcp.f32 v7  }
0x196: {  	v5 =	vmul.f32 v5, v25;
	_ =	sdelay $0x1  }
0x197: {  	v5 =	vadd.f32 $9.999970790e-01, v5;
	_ =	sdelay $0x1  }
0x198: {  	v5 =	vmul.f32 v5, v25;
	_ =	sdelay $0x1  }
0x199: {  	v4 =	vmax.f32 v4, $0.0e+00  }
0x19a: {  	v4 =	vadd.f32 v5, v4  }
0x19b: {  	v5 =	vpop (erf)  }
0x19c: {  	v4 =	vmul.f32 v4, v5;
	_ =	sdelay $0x1  }
0x19d: {  	[tilespmem:s23+$0xFFFFFFD0] =	vst v4  }
0x19e: {  	v4 =	vld [tilespmem:s1+$0x520]  }
0x19f: {  	v5 =	vld [tilespmem:s1+$0x2D20];
	_ =	sdelay $0x1  }
0x1a0: {  	v28 =	vld [tilespmem:s1+$0x5520];
	_ =	sdelay $0x2  }
0x1a1: {  	v4 =	vadd.f32 v5, v4;
	_ =	sdelay $0x1  }
0x1a2: {  	v4 =	vadd.f32 v28, v4;
	_ =	sdelay $0x1  }
0x1a3: {  	v5 =	vand.u32 $0x7FFFFFFF, v4  }
0x1a4: {  	v5 =	vsub.f32 $0.0e+00, v5;
	_ =	sdelay $0x1  }
0x1a5: {  	v5 =	vmul.f32 $1.442695020e+00, v5;
	_ =	sdelay $0x1  }
0x1a6: {  	(erf) = vpow2.f32 v5;
	_ =	sdelay $0x2  }
0x1a7: {  	v29 =	vld [tilespmem:s1+$0x2920]  }
0x1a8: {  	v5 =	vld [tilespmem:s1+$0x120];
	_ =	sdelay $0x1  }
0x1a9: {  	v30 =	vld [tilespmem:s1+$0x5120];
	_ =	sdelay $0x2  }
0x1aa: {  	v5 =	vadd.f32 v29, v5;
	v31 =	vpop (erf)  }
0x1ab: {  	v32 =	vmul.f32 $1.402681970e-02, v31  }
0x1ac: {  	v5 =	vadd.f32 v30, v5  }
0x1ad: {  	v7 =	vadd.f32 $-6.577000770e-02, v32  }
0x1ae: {  	v5 =	vsub.f32 $0.0e+00, v5  }
0x1af: {  	v7 =	vmul.f32 v7, v31  }
0x1b0: {  	v5 =	vmul.f32 $1.442695020e+00, v5  }
0x1b1: {  	v7 =	vadd.f32 $1.481066350e-01, v7  }
0x1b2: {  	(erf) = vpow2.f32 v5  }
0x1b3: {  	v5 =	vmul.f32 v7, v31;
	_ =	sdelay $0x1  }
0x1b4: {  	v5 =	vadd.f32 $-2.341735960e-01, v5;
	_ =	sdelay $0x1  }
0x1b5: {  	v5 =	vmul.f32 v5, v31;
	_ =	sdelay $0x1  }
0x1b6: {  	v5 =	vadd.f32 $3.307878670e-01, v5;
	_ =	sdelay $0x1  }
0x1b7: {  	v33 =	vpop (erf);
	v5 =	vmul.f32 v5, v31  }
0x1b8: {  	v7 =	vadd.f32 $1.000000000e+00, v33  }
0x1b9: {  	v5 =	vadd.f32 $-4.998254780e-01, v5  }
0x1ba: {  	(erf) = vrcp.f32 v7  }
0x1bb: {  	v5 =	vmul.f32 v5, v31;
	_ =	sdelay $0x1  }
0x1bc: {  	v5 =	vadd.f32 $9.999970790e-01, v5;
	_ =	sdelay $0x1  }
0x1bd: {  	v5 =	vmul.f32 v5, v31;
	_ =	sdelay $0x1  }
0x1be: {  	v4 =	vmax.f32 v4, $0.0e+00  }
0x1bf: {  	v4 =	vadd.f32 v5, v4  }
0x1c0: {  	v5 =	vpop (erf)  }
0x1c1: {  	v4 =	vmul.f32 v4, v5;
	_ =	sdelay $0x1  }
0x1c2: {  	[tilespmem:s23+$0xFFFFFFE0] =	vst v4  }
0x1c3: {  	v4 =	vld [tilespmem:s1+$0x530]  }
0x1c4: {  	v5 =	vld [tilespmem:s1+$0x2D30];
	_ =	sdelay $0x1  }
0x1c5: {  	v34 =	vld [tilespmem:s1+$0x5530];
	_ =	sdelay $0x2  }
0x1c6: {  	v4 =	vadd.f32 v5, v4;
	_ =	sdelay $0x1  }
0x1c7: {  	v4 =	vadd.f32 v34, v4;
	_ =	sdelay $0x1  }
0x1c8: {  	v5 =	vand.u32 $0x7FFFFFFF, v4  }
0x1c9: {  	v5 =	vsub.f32 $0.0e+00, v5;
	_ =	sdelay $0x1  }
0x1ca: {  	v5 =	vmul.f32 $1.442695020e+00, v5;
	_ =	sdelay $0x1  }
0x1cb: {  	(erf) = vpow2.f32 v5;
	_ =	sdelay $0x2  }
0x1cc: {  	v35 =	vld [tilespmem:s1+$0x2930]  }
0x1cd: {  	v5 =	vld [tilespmem:s1+$0x130];
	_ =	sdelay $0x1  }
0x1ce: {  	v36 =	vld [tilespmem:s1+$0x5130];
	_ =	sdelay $0x2  }
0x1cf: {  	v5 =	vadd.f32 v35, v5;
	v37 =	vpop (erf)  }
0x1d0: {  	v38 =	vmul.f32 $1.402681970e-02, v37  }
0x1d1: {  	v5 =	vadd.f32 v36, v5  }
0x1d2: {  	v7 =	vadd.f32 $-6.577000770e-02, v38  }
0x1d3: {  	v5 =	vsub.f32 $0.0e+00, v5  }
0x1d4: {  	v7 =	vmul.f32 v7, v37  }
0x1d5: {  	v5 =	vmul.f32 $1.442695020e+00, v5  }
0x1d6: {  	v7 =	vadd.f32 $1.481066350e-01, v7  }
0x1d7: {  	(erf) = vpow2.f32 v5  }
0x1d8: {  	v5 =	vmul.f32 v7, v37;
	_ =	sdelay $0x1  }
0x1d9: {  	v5 =	vadd.f32 $-2.341735960e-01, v5;
	_ =	sdelay $0x1  }
0x1da: {  	v5 =	vmul.f32 v5, v37;
	_ =	sdelay $0x1  }
0x1db: {  	v5 =	vadd.f32 $3.307878670e-01, v5;
	_ =	sdelay $0x1  }
0x1dc: {  	v39 =	vpop (erf);
	v5 =	vmul.f32 v5, v37  }
0x1dd: {  	v7 =	vadd.f32 $1.000000000e+00, v39  }
0x1de: {  	v5 =	vadd.f32 $-4.998254780e-01, v5  }
0x1df: {  	(erf) = vrcp.f32 v7  }
0x1e0: {  	v5 =	vmul.f32 v5, v37;
	_ =	sdelay $0x1  }
0x1e1: {  	v5 =	vadd.f32 $9.999970790e-01, v5;
	_ =	sdelay $0x1  }
0x1e2: {  	v5 =	vmul.f32 v5, v37;
	_ =	sdelay $0x1  }
0x1e3: {  	v4 =	vmax.f32 v4, $0.0e+00  }
0x1e4: {  	v4 =	vadd.f32 v5, v4  }
0x1e5: {  	v5 =	vpop (erf)  }
0x1e6: {  	v4 =	vmul.f32 v4, v5;
	_ =	sdelay $0x1  }
0x1e7: {  	[tilespmem:s23+$0xFFFFFFF0] =	vst v4  }
0x1e8: {  	v4 =	vld [tilespmem:s1+$0x540]  }
0x1e9: {  	v5 =	vld [tilespmem:s1+$0x2D40];
	_ =	sdelay $0x1  }
0x1ea: {  	v40 =	vld [tilespmem:s1+$0x5540];
	_ =	sdelay $0x2  }
0x1eb: {  	v4 =	vadd.f32 v5, v4;
	_ =	sdelay $0x1  }
0x1ec: {  	v4 =	vadd.f32 v40, v4;
	_ =	sdelay $0x1  }
0x1ed: {  	v5 =	vand.u32 $0x7FFFFFFF, v4  }
0x1ee: {  	v5 =	vsub.f32 $0.0e+00, v5;
	_ =	sdelay $0x1  }
0x1ef: {  	v5 =	vmul.f32 $1.442695020e+00, v5;
	_ =	sdelay $0x1  }
0x1f0: {  	(erf) = vpow2.f32 v5;
	_ =	sdelay $0x2  }
0x1f1: {  	v41 =	vld [tilespmem:s1+$0x2940]  }
0x1f2: {  	v5 =	vld [tilespmem:s1+$0x140];
	_ =	sdelay $0x1  }
0x1f3: {  	v42 =	vld [tilespmem:s1+$0x5140];
	_ =	sdelay $0x2  }
0x1f4: {  	v5 =	vadd.f32 v41, v5;
	v43 =	vpop (erf)  }
0x1f5: {  	v44 =	vmul.f32 $1.402681970e-02, v43  }
0x1f6: {  	v5 =	vadd.f32 v42, v5  }
0x1f7: {  	v7 =	vadd.f32 $-6.577000770e-02, v44  }
0x1f8: {  	v5 =	vsub.f32 $0.0e+00, v5  }
0x1f9: {  	v7 =	vmul.f32 v7, v43  }
0x1fa: {  	v5 =	vmul.f32 $1.442695020e+00, v5  }
0x1fb: {  	v7 =	vadd.f32 $1.481066350e-01, v7  }
0x1fc: {  	(erf) = vpow2.f32 v5  }
0x1fd: {  	v5 =	vmul.f32 v7, v43;
	_ =	sdelay $0x1  }
0x1fe: {  	v5 =	vadd.f32 $-2.341735960e-01, v5;
	_ =	sdelay $0x1  }
0x1ff: {  	v5 =	vmul.f32 v5, v43;
	_ =	sdelay $0x1  }
0x200: {  	v5 =	vadd.f32 $3.307878670e-01, v5;
	_ =	sdelay $0x1  }
0x201: {  	v45 =	vpop (erf);
	v5 =	vmul.f32 v5, v43  }
0x202: {  	v7 =	vadd.f32 $1.000000000e+00, v45  }
0x203: {  	v5 =	vadd.f32 $-4.998254780e-01, v5  }
0x204: {  	(erf) = vrcp.f32 v7  }
0x205: {  	v5 =	vmul.f32 v5, v43;
	_ =	sdelay $0x1  }
0x206: {  	v5 =	vadd.f32 $9.999970790e-01, v5;
	_ =	sdelay $0x1  }
0x207: {  	v5 =	vmul.f32 v5, v43;
	_ =	sdelay $0x1  }
0x208: {  	v4 =	vmax.f32 v4, $0.0e+00  }
0x209: {  	v4 =	vadd.f32 v5, v4  }
0x20a: {  	v5 =	vpop (erf)  }
0x20b: {  	v4 =	vmul.f32 v4, v5;
	_ =	sdelay $0x1  }
0x20c: {  	[tilespmem:s23+$0x0] =	vst v4  }
0x20d: {  	v4 =	vld [tilespmem:s1+$0x550]  }
0x20e: {  	v5 =	vld [tilespmem:s1+$0x2D50];
	_ =	sdelay $0x1  }
0x20f: {  	v46 =	vld [tilespmem:s1+$0x5550];
	_ =	sdelay $0x2  }
0x210: {  	v4 =	vadd.f32 v5, v4;
	_ =	sdelay $0x1  }
0x211: {  	v4 =	vadd.f32 v46, v4;
	_ =	sdelay $0x1  }
0x212: {  	v5 =	vand.u32 $0x7FFFFFFF, v4  }
0x213: {  	v5 =	vsub.f32 $0.0e+00, v5;
	_ =	sdelay $0x1  }
0x214: {  	v5 =	vmul.f32 $1.442695020e+00, v5;
	_ =	sdelay $0x1  }
0x215: {  	(erf) = vpow2.f32 v5;
	_ =	sdelay $0x2  }
0x216: {  	v47 =	vld [tilespmem:s1+$0x2950]  }
0x217: {  	v5 =	vld [tilespmem:s1+$0x150];
	_ =	sdelay $0x1  }
0x218: {  	v48 =	vld [tilespmem:s1+$0x5150];
	_ =	sdelay $0x2  }
0x219: {  	v5 =	vadd.f32 v47, v5;
	v49 =	vpop (erf)  }
0x21a: {  	v50 =	vmul.f32 $1.402681970e-02, v49  }
0x21b: {  	v5 =	vadd.f32 v48, v5  }
0x21c: {  	v7 =	vadd.f32 $-6.577000770e-02, v50  }
0x21d: {  	v5 =	vsub.f32 $0.0e+00, v5  }
0x21e: {  	v7 =	vmul.f32 v7, v49  }
0x21f: {  	v5 =	vmul.f32 $1.442695020e+00, v5  }
0x220: {  	v7 =	vadd.f32 $1.481066350e-01, v7  }
0x221: {  	(erf) = vpow2.f32 v5  }
0x222: {  	v5 =	vmul.f32 v7, v49;
	_ =	sdelay $0x1  }
0x223: {  	v5 =	vadd.f32 $-2.341735960e-01, v5;
	_ =	sdelay $0x1  }
0x224: {  	v5 =	vmul.f32 v5, v49;
	_ =	sdelay $0x1  }
0x225: {  	v5 =	vadd.f32 $3.307878670e-01, v5;
	_ =	sdelay $0x1  }
0x226: {  	v51 =	vpop (erf);
	v5 =	vmul.f32 v5, v49  }
0x227: {  	v7 =	vadd.f32 $1.000000000e+00, v51  }
0x228: {  	v5 =	vadd.f32 $-4.998254780e-01, v5  }
0x229: {  	(erf) = vrcp.f32 v7  }
0x22a: {  	v5 =	vmul.f32 v5, v49;
	_ =	sdelay $0x1  }
0x22b: {  	v5 =	vadd.f32 $9.999970790e-01, v5;
	_ =	sdelay $0x1  }
0x22c: {  	v5 =	vmul.f32 v5, v49;
	_ =	sdelay $0x1  }
0x22d: {  	v4 =	vmax.f32 v4, $0.0e+00  }
0x22e: {  	v4 =	vadd.f32 v5, v4  }
0x22f: {  	v5 =	vpop (erf)  }
0x230: {  	v4 =	vmul.f32 v4, v5;
	_ =	sdelay $0x1  }
0x231: {  	[tilespmem:s23+$0x10] =	vst v4  }
0x232: {  	v4 =	vld [tilespmem:s1+$0x560]  }
0x233: {  	v5 =	vld [tilespmem:s1+$0x2D60];
	_ =	sdelay $0x1  }
0x234: {  	v52 =	vld [tilespmem:s1+$0x5560];
	_ =	sdelay $0x2  }
0x235: {  	v4 =	vadd.f32 v5, v4;
	_ =	sdelay $0x1  }
0x236: {  	v4 =	vadd.f32 v52, v4;
	_ =	sdelay $0x1  }
0x237: {  	v5 =	vand.u32 $0x7FFFFFFF, v4  }
0x238: {  	v5 =	vsub.f32 $0.0e+00, v5;
	_ =	sdelay $0x1  }
0x239: {  	v5 =	vmul.f32 $1.442695020e+00, v5;
	_ =	sdelay $0x1  }
0x23a: {  	(erf) = vpow2.f32 v5;
	_ =	sdelay $0x2  }
0x23b: {  	v53 =	vld [tilespmem:s1+$0x2960]  }
0x23c: {  	v5 =	vld [tilespmem:s1+$0x160];
	_ =	sdelay $0x1  }
0x23d: {  	v54 =	vld [tilespmem:s1+$0x5160];
	_ =	sdelay $0x2  }
0x23e: {  	v5 =	vadd.f32 v53, v5;
	v55 =	vpop (erf)  }
0x23f: {  	v56 =	vmul.f32 $1.402681970e-02, v55  }
0x240: {  	v5 =	vadd.f32 v54, v5  }
0x241: {  	v7 =	vadd.f32 $-6.577000770e-02, v56  }
0x242: {  	v5 =	vsub.f32 $0.0e+00, v5  }
0x243: {  	v7 =	vmul.f32 v7, v55  }
0x244: {  	v5 =	vmul.f32 $1.442695020e+00, v5  }
0x245: {  	v7 =	vadd.f32 $1.481066350e-01, v7  }
0x246: {  	(erf) = vpow2.f32 v5  }
0x247: {  	v5 =	vmul.f32 v7, v55;
	_ =	sdelay $0x1  }
0x248: {  	v5 =	vadd.f32 $-2.341735960e-01, v5;
	_ =	sdelay $0x1  }
0x249: {  	v5 =	vmul.f32 v5, v55;
	_ =	sdelay $0x1  }
0x24a: {  	v5 =	vadd.f32 $3.307878670e-01, v5;
	_ =	sdelay $0x1  }
0x24b: {  	v57 =	vpop (erf);
	v5 =	vmul.f32 v5, v55  }
0x24c: {  	v7 =	vadd.f32 $1.000000000e+00, v57  }
0x24d: {  	v5 =	vadd.f32 $-4.998254780e-01, v5  }
0x24e: {  	(erf) = vrcp.f32 v7  }
0x24f: {  	v5 =	vmul.f32 v5, v55;
	_ =	sdelay $0x1  }
0x250: {  	v5 =	vadd.f32 $9.999970790e-01, v5;
	_ =	sdelay $0x1  }
0x251: {  	v5 =	vmul.f32 v5, v55;
	_ =	sdelay $0x1  }
0x252: {  	v4 =	vmax.f32 v4, $0.0e+00  }
0x253: {  	v4 =	vadd.f32 v5, v4  }
0x254: {  	v5 =	vpop (erf)  }
0x255: {  	v4 =	vmul.f32 v4, v5;
	_ =	sdelay $0x1  }
0x256: {  	[tilespmem:s23+$0x20] =	vst v4  }
0x257: {  	v4 =	vld [tilespmem:s1+$0x570]  }
0x258: {  	v5 =	vld [tilespmem:s1+$0x2D70];
	_ =	sdelay $0x1  }
0x259: {  	v58 =	vld [tilespmem:s1+$0x5570];
	_ =	sdelay $0x2  }
0x25a: {  	v4 =	vadd.f32 v5, v4;
	_ =	sdelay $0x1  }
0x25b: {  	v4 =	vadd.f32 v58, v4;
	_ =	sdelay $0x1  }
0x25c: {  	v5 =	vand.u32 $0x7FFFFFFF, v4  }
0x25d: {  	v5 =	vsub.f32 $0.0e+00, v5;
	_ =	sdelay $0x1  }
0x25e: {  	v5 =	vmul.f32 $1.442695020e+00, v5;
	_ =	sdelay $0x1  }
0x25f: {  	(erf) = vpow2.f32 v5;
	_ =	sdelay $0x2  }
0x260: {  	v59 =	vld [tilespmem:s1+$0x2970]  }
0x261: {  	v5 =	vld [tilespmem:s1+$0x170];
	_ =	sdelay $0x1  }
0x262: {  	v60 =	vld [tilespmem:s1+$0x5170];
	_ =	sdelay $0x2  }
0x263: {  	v5 =	vadd.f32 v59, v5;
	v61 =	vpop (erf)  }
0x264: {  	v62 =	vmul.f32 $1.402681970e-02, v61  }
0x265: {  	v5 =	vadd.f32 v60, v5  }
0x266: {  	v7 =	vadd.f32 $-6.577000770e-02, v62  }
0x267: {  	v5 =	vsub.f32 $0.0e+00, v5  }
0x268: {  	v7 =	vmul.f32 v7, v61  }
0x269: {  	v5 =	vmul.f32 $1.442695020e+00, v5  }
0x26a: {  	v7 =	vadd.f32 $1.481066350e-01, v7  }
0x26b: {  	(erf) = vpow2.f32 v5  }
0x26c: {  	v5 =	vmul.f32 v7, v61;
	_ =	sdelay $0x1  }
0x26d: {  	v5 =	vadd.f32 $-2.341735960e-01, v5;
	_ =	sdelay $0x1  }
0x26e: {  	v5 =	vmul.f32 v5, v61;
	_ =	sdelay $0x1  }
0x26f: {  	v5 =	vadd.f32 $3.307878670e-01, v5;
	_ =	sdelay $0x1  }
0x270: {  	v63 =	vpop (erf);
	v5 =	vmul.f32 v5, v61  }
0x271: {  	v7 =	vadd.f32 $1.000000000e+00, v63  }
0x272: {  	v5 =	vadd.f32 $-4.998254780e-01, v5  }
0x273: {  	(erf) = vrcp.f32 v7  }
0x274: {  	v5 =	vmul.f32 v5, v61;
	_ =	sdelay $0x1  }
0x275: {  	v5 =	vadd.f32 $9.999970790e-01, v5;
	_ =	sdelay $0x1  }
0x276: {  	v5 =	vmul.f32 v5, v61;
	_ =	sdelay $0x1  }
0x277: {  	p3 =	sne.s32 s30, $0x2700;
	v4 =	vmax.f32 v4, $0.0e+00  }
.Ltmp3:
0x278: {  	v4 =	vadd.f32 v5, v4;
	(pc) =	sbr.rel @p3 .LBB2_5-.Ltmp3, $3  }
0x279: {  	v5 =	vpop (erf)  }
0x27a: {  	v4 =	vmul.f32 v4, v5;
	_ =	sdelay $0x1  }
0x27b: {  	s11 =	sadd.s32 $0x80, s11;
	s30 =	sadd.s32 $0x100, s30;
	[tilespmem:s23+$0x30] =	vst v4;
	s23 =	sadd.s32 $0x80, s23  }
0x27c: {  	s0 =	sadd.s32 $0x1, s0  }
0x27d: {  	p3 =	sne.s32 s0, $0x7D  }
.Ltmp4:
0x27e: {  	s1 =	simm.s32 $0x0;
	(pc) =	sbr.rel @p3 .LBB2_4-.Ltmp4, $4  }
0x27f: {  	[spmem:s10] =	stream.indirect.scatter.add.f32 [tilespmem:s29], [sflag:$0x3], $0x80, s1, s28, $0xb8;
	[tilespmem:$0x1CD80] =	vst v63  }
0x280: {  	_ =	swait.ge [sflag:s9], $0x1400  }
0x281: {  	[sflag:s9] =	ssyncset.done $0x0  }
0x282: {  	[sflag:s9] =	ssyncadd.s32 $0xFFFFEC00  }
.Ltmp5:
0x283: {  	(pc) =	sbr.rel @!p0 .LBB2_8-.Ltmp5, $4  }
0x284: {  	_ = 	snop  }
0x285: {  	s0 =	stileid.u32;
	[bflag:$0x0] =	sbarrier.arrive $0xFFFF  }
0x286: {  	s11 =	sshll.u32 s0, $0x6;
	s23 =	rddreg [dreg:$0x5]  }
0x287: {  	s1 =	sshrl.u32 s23, $0x3;
	s0 =	sor.u32 $0x1C03, s11  }
0x288: {  	s0 =	sor.u32 $0x1C03, s11;
	s2 =	rddreg [dreg:$0x11]  }
0x289: {  	[hbm:s2], [sflag:s0] =	dma.local [spmem:s1], $0x2700  }
.Ltmp6:
0x28a: {  	_ = 	snop;
	(pc) =	sbr.rel @p1 .LBB2_11-.Ltmp6, $4  }
.Ltmp7:
0x28b: {  	_ = 	snop;
	(pc) =	sbr.rel @!p1 .LBB2_10-.Ltmp7, $4  }
0x28c: {  	_ =	swait.ge [sflag:s9], $0x2700  }
0x28d: {  	[sflag:s9] =	ssyncset.done $0x0;
	s11 =	sld [smem:$0x7ED]  }
0x28e: {  	s1 =	rddreg [dreg:$0x4];
	[sflag:s9] =	ssyncadd.s32 $0xFFFFD900  }
0x28f: {  	_ = 	snop  }
.LBB2_8:
0x290: {  	s2 =	rddreg [dreg:$0x10]  }
0x291: {  	[hbm:s2], [sflag:s0] =	dma.local [spmem:s1], $0x2700  }
.Ltmp8:
0x292: {  	_ = 	snop;
	(pc) =	sbr.rel @p2 .LBB2_10-.Ltmp8, $4  }
.Ltmp9:
0x293: {  	_ = 	snop;
	(pc) =	sbr.rel @!p2 .LBB2_11-.Ltmp9, $4  }
0x294: {  	_ =	swait.ge [sflag:s9], $0x2700  }
0x295: {  	[sflag:s9] =	ssyncset.done $0x0;
	s11 =	sld [smem:$0x7ED]  }
0x296: {  	s1 =	rddreg [dreg:$0x3];
	[sflag:s9] =	ssyncadd.s32 $0xFFFFD900  }
0x297: {  	_ = 	snop  }
.LBB2_12:
0x298: {  	_ =	sfence.sel $0x180000  }
0x299: {  	[bflag:$0x0] =	sbarrier.arrive $0xFFFF  }
0x29a: {  	_ =	strace $0x9000004A  }
0x29b: {  	s0 =	stileid.u32;
	[bflag:$0x2] =	sbarrier.arrive $0xFFFF  }
0x29c: {  	p0 =	sne.s32 s0, $0x0;
	s0 =	rddreg [dreg:$0x2]  }
0x29d: {  	s0 =	sadd.s32 @!p0 $0x100000, s0  }
0x29e: {  	[sflag:s0] =	ssyncadd.tile.s32 @!p0 $0x1;
	_ =	shalt  }
.Lfunc_end2:
_tile_overlayer_lowered:
.L_overlay_start_2:
0x29f: {  	(tag) =	ssettag $0x2  }
0x2a0: {  	s0 =	rddreg [dreg:$0x0];
	s2 =	stileid.u32  }
0x2a1: {  	s1 =	rddreg [dreg:$0x1];
	p0 =	sne.s32 s2, $0x0  }
0x2a2: {  	s3 =	rddreg [dreg:$0x2];
	[bflag:$0x3] =	sbarrier.arrive $0xFFFF;
	s2 =	simm.s32 @!p0 $0x1C03  }
0x2a3: {  	[timem:s3], [sflag:s2] =	dma.local @!p0 [hbm:s0], s1  }
0x2a4: {  	s0 =	simm.s32 @!p0 $0x3  }
0x2a5: {  	_ =	swait.ge @!p0 [sflag:s0], s1  }
0x2a6: {  	s1 =	ssub.s32 @!p0 $0x0, s1;
	[sflag:s0] =	ssyncset.done @!p0 $0x0  }
0x2a7: {  	[sflag:s0] =	ssyncadd.s32 @!p0 s1  }
0x2a8: {  	[bflag:$0x3] =	sbarrier.arrive $0xFFFF  }
0x2a9: {  	_ =	shalt  }

// kernel: kernel.9.cloned.1.call-start
scs
__scs_entry_jumppad:
0x0: {  	(pc) =	sbr.rel $0x88, $3  }
0x1: {  	(tag) =	ssettag $0x0;
	lr =	simm.s32 $0x1  }
0x2: {  	[smem:$0x3F90] =	sst lr;
	_ =	strace $0xD0000000  }
0x3: {  	_ = 	snop  }
0x4: {  	_ = 	snop  }
0x5: {  	_ = 	snop  }
0x6: {  	_ = 	snop  }
0x7: {  	_ = 	snop  }
__scs_overlays_trampoline_lowered:
0x8: {  	[smem:$0x3F9F] =	sst s0  }
0x9: {  	[smem:$0x3FA0] =	sst s1  }
0xa: {  	[smem:$0x3FA1] =	sst s2  }
0xb: {  	[smem:$0x3FA2] =	sst s3  }
0xc: {  	[smem:$0x3FA3] =	sst s4  }
0xd: {  	[smem:$0x3FA4] =	sst s5  }
0xe: {  	[smem:$0x3FA5] =	sst s6  }
0xf: {  	[smem:$0x3FA6] =	sst s7  }
0x10: {  	[smem:$0x3FA7] =	sst s8  }
0x11: {  	[smem:$0x3FA8] =	sst s9;
	s0 =	simm.s32 @!p0 $0x0  }
0x12: {  	s1 =	sld [smem:$0x3F8E];
	s0 =	simm.s32 @p0 $0x1  }
0x13: {  	[smem:$0x3FA9] =	sst s0;
	s0 =	simm.s32 @!p1 $0x0  }
0x14: {  	s2 =	sld [smem:$0x3F8D];
	s0 =	simm.s32 @p1 $0x1  }
0x15: {  	[smem:$0x3FAA] =	sst s0;
	s0 =	simm.s32 @!p2 $0x0  }
0x16: {  	s3 =	sld [smem:$0x3FDB];
	s0 =	simm.s32 @p2 $0x1  }
0x17: {  	s4 =	simm.s32 $0x1BF5;
	[smem:$0x3FAC] =	sst s0  }
0x18: {  	s0 =	sld [smem:$0x3F8F];
	_ =	swait.ge [sflag:s4], $0x0  }
0x19: {  	s7 =	sld [smem:$0x3F90]  }
0x1a: {  	s8 =	sadd.s32 $0xFFFFE003, lr  }
0x1b: {  	s9 =	sadd.s32 $0xFFFFFEF7, lr;
	s5 =	simm.s32 $0xFFFFFFFF;
	p2 =	slt.u32 s8, $0xFFFFF086  }
0x1c: {  	p1 =	slt.u32 s9, $0xF7A;
	s5 =	simm.s32 @!p2 $0x0  }
0x1d: {  	s5 =	simm.s32 @p1 $0x1;
	p0 =	seq.s32 s7, s2  }
0x1e: {  	s7 =	smul.u32 @!p0 $0xF7A, s2;
	p2 =	seq.s32 @!p0 s5, $0x0  }
0x1f: {  	s9 =	smul.u32 $0xF7A, s1;
	s8 =	simm.s32 @!p0 $0x1BF5;
	p2 =	por !p2, p0  }
0x20: {  	[sflag:s8] =	ssyncset.s32 @!p0 $0xFFFFF086;
	s6 =	sadd.s32 @!p0 s3, s7;
	s7 =	simm.s32 @!p0 $0x108  }
0x21: {  	s3 =	sadd.s32 s3, s9;
	s6 =	sadd.s32 @!p0 $0x88, s6;
	s7 =	simm.s32 @p2 $0x1082  }
0x22: {  	[simem:s7], [sflag:s8] =	dma.local @!p0 [hbm:s6], $0xF7A  }
0x23: {  	s9 =	sor.u32 $0xD0000000, s2;
	s6 =	simm.s32 $0x108;
	_ =	swait.ge @!p0 [sflag:s8], $0x0  }
0x24: {  	s3 =	sadd.s32 $0x88, s3;
	s6 =	simm.s32 @!p1 $0x1082;
	[sflag:s4] =	ssyncset.s32 $0xFFFFF086  }
0x25: {  	[simem:s6], [sflag:s4] =	dma.local [hbm:s3], $0xF7A  }
0x26: {  	[smem:$0x3F90] =	sst s1;
	(tag) =	ssettag s2;
	_ =	strace s9  }
0x27: {  	s1 =	sld [smem:$0x3FA0]  }
0x28: {  	s2 =	sld [smem:$0x3FA1]  }
0x29: {  	s4 =	sld [smem:$0x3FA3]  }
0x2a: {  	p0 =	seq.s32 s5, $0x0;
	s5 =	sld [smem:$0x3FA4]  }
0x2b: {  	s6 =	sld [smem:$0x3FA5]  }
0x2c: {  	s7 =	sld [smem:$0x3FA6]  }
0x2d: {  	s3 =	simm.s32 $0x108;
	s8 =	sld [smem:$0x3FA7]  }
0x2e: {  	s3 =	simm.s32 @!p0 $0x1082;
	s9 =	sld [smem:$0x3FA8]  }
0x2f: {  	lr =	sadd.s32 s0, s3;
	s0 =	sld [smem:$0x3F9F]  }
0x30: {  	s3 =	sld [smem:$0x3FA2]  }
0x31: {  	[smem:$0x3FAB] =	sst s10  }
0x32: {  	s10 =	sld [smem:$0x3FA9];
	_ =	sdelay $0x3  }
0x33: {  	p0 =	seq.s32 s10, $0x1;
	s10 =	sld [smem:$0x3FAB];
	_ =	sdelay $0x3  }
0x34: {  	[smem:$0x3FAB] =	sst s10  }
0x35: {  	s10 =	sld [smem:$0x3FAA];
	_ =	sdelay $0x3  }
0x36: {  	p1 =	seq.s32 s10, $0x1;
	s10 =	sld [smem:$0x3FAB];
	_ =	sdelay $0x3  }
0x37: {  	[smem:$0x3FAB] =	sst s10  }
0x38: {  	s10 =	sld [smem:$0x3FAC]  }
0x39: {  	_ = 	snop;
	(pc) =	sbr.ind lr, $3  }
0x3a: {  	_ = 	snop  }
0x3b: {  	_ = 	snop  }
0x3c: {  	p2 =	seq.s32 s10, $0x1;
	s10 =	sld [smem:$0x3FAB]  }
0x3d: {  	_ =	shalt  }
0x3e: {  	_ =	shalt  }
0x3f: {  	_ =	shalt  }
0x40: {  	_ =	shalt  }
0x41: {  	_ =	shalt  }
0x42: {  	_ =	shalt  }
0x43: {  	_ =	shalt  }
0x44: {  	_ =	shalt  }
0x45: {  	_ =	shalt  }
0x46: {  	_ =	shalt  }
0x47: {  	_ =	shalt  }
0x48: {  	_ =	shalt  }
0x49: {  	_ =	shalt  }
0x4a: {  	_ =	shalt  }
0x4b: {  	_ =	shalt  }
0x4c: {  	_ =	shalt  }
0x4d: {  	_ =	shalt  }
0x4e: {  	_ =	shalt  }
0x4f: {  	_ =	shalt  }
0x50: {  	_ =	shalt  }
0x51: {  	_ =	shalt  }
0x52: {  	_ =	shalt  }
0x53: {  	_ =	shalt  }
0x54: {  	_ =	shalt  }
0x55: {  	_ =	shalt  }
0x56: {  	_ =	shalt  }
0x57: {  	_ =	shalt  }
0x58: {  	_ =	shalt  }
0x59: {  	_ =	shalt  }
0x5a: {  	_ =	shalt  }
0x5b: {  	_ =	shalt  }
0x5c: {  	_ =	shalt  }
0x5d: {  	_ =	shalt  }
0x5e: {  	_ =	shalt  }
0x5f: {  	_ =	shalt  }
0x60: {  	_ =	shalt  }
0x61: {  	_ =	shalt  }
0x62: {  	_ =	shalt  }
0x63: {  	_ =	shalt  }
0x64: {  	_ =	shalt  }
0x65: {  	_ =	shalt  }
0x66: {  	_ =	shalt  }
0x67: {  	_ =	shalt  }
0x68: {  	_ =	shalt  }
0x69: {  	_ =	shalt  }
0x6a: {  	_ =	shalt  }
0x6b: {  	_ =	shalt  }
0x6c: {  	_ =	shalt  }
0x6d: {  	_ =	shalt  }
0x6e: {  	_ =	shalt  }
0x6f: {  	_ =	shalt  }
0x70: {  	_ =	shalt  }
0x71: {  	_ =	shalt  }
0x72: {  	_ =	shalt  }
0x73: {  	_ =	shalt  }
0x74: {  	_ =	shalt  }
0x75: {  	_ =	shalt  }
0x76: {  	_ =	shalt  }
0x77: {  	_ =	shalt  }
0x78: {  	_ =	shalt  }
0x79: {  	_ =	shalt  }
0x7a: {  	_ =	shalt  }
0x7b: {  	_ =	shalt  }
0x7c: {  	_ =	shalt  }
0x7d: {  	_ =	shalt  }
0x7e: {  	_ =	shalt  }
0x7f: {  	_ =	shalt  }
0x80: {  	_ =	shalt  }
0x81: {  	_ =	shalt  }
0x82: {  	_ =	shalt  }
0x83: {  	_ =	shalt  }
0x84: {  	_ =	shalt  }
0x85: {  	_ =	shalt  }
0x86: {  	_ =	shalt  }
0x87: {  	_ =	shalt  }
.Lfunc_end0:
.L_simem_size_0:
called_computation_lowered:
.L_overlay_start_0:
0x88: {  	s2 =	sld [smem:$0x3FD9]  }
0x89: {  	s3 =	sld [smem:$0x3FFE];
	_ =	sdelay $0x1  }
0x8a: {  	s1 =	srdreg.scid  }
0x8b: {  	s0 =	sand.u32 $0x1, s1  }
0x8c: {  	s16 =	sshll.u32 s0, $0xA;
	s2 =	sadd.s32 s3, s2  }
0x8d: {  	s2 =	sadd.s32 s2, s16  }
0x8e: {  	[smem:$0x3FB7] =	sst s2  }
0x8f: {  	_ = 	snop  }
0x90: {  	(tm) =	ssettm $0x1  }
0x91: {  	s17 =	sld [smem:$0x3FFB];
	_ =	sdelay $0x3  }
0x92: {  	_ =	strace s17  }
0x93: {  	s2 =	sld [smem:$0x3FFC];
	_ =	sdelay $0x3  }
0x94: {  	_ =	strace s2  }
0x95: {  	s2 =	sld [smem:$0x3FFD];
	_ =	sdelay $0x3  }
0x96: {  	_ =	strace s2  }
0x97: {  	_ =	strace $0x8FFFFFFF  }
0x98: {  	s18 =	sld [smem:$0x3FDB];
	_ =	sdelay $0x1  }
0x99: {  	s19 =	simm.s32 $_scs_section_size  }
0x9a: {  	s4 =	simm.s32 $_size__tile_overlayer_lowered;
	s5 =	simm.s32 $_tile_overlayer_lowered  }
0x9b: {  	s22 =	simm.s32 $0x1BFF;
	s21 =	sshll.u32 s5, $0x1;
	s2 =	sadd.s32 s19, s18  }
0x9c: {  	s6 =	simm.s32 $0x0;
	s20 =	sshll.u32 s4, $0x1;
	s4 =	sadd.s32 s21, s2  }
0x9d: {  	[timem:s6], [sflag:s22] =	dma.local [hbm:s4], s20  }
0x9e: {  	_ =	swait.ge [sflag:s22], s20  }
0x9f: {  	s3 =	ssub.s32 $0x0, s20;
	[sflag:s22] =	ssyncset.done $0x0  }
0xa0: {  	[sflag:s22] =	ssyncadd.s32 s3;
	_ =	sdelay $0x1  }
0xa1: {  	s23 =	simm.s32 $0x1B8B  }
0xa2: {  	_ =	swait.ge [sflag:s23], $0x1  }
0xa3: {  	[sflag:s23] =	ssyncset.done $0x0  }
0xa4: {  	s25 =	simm.s32 $0x1B8E;
	s24 =	sld [smem:$0x3FFE];
	[sflag:s23] =	ssyncadd.s32 $0xFFFFFFFF  }
0xa5: {  	s26 =	simm.s32 $execute0_lowered;
	[smem:$0x3FD2] =	sst s25  }
0xa6: {  	s4 =	sshll.u32 s26, $0x1;
	_ =	strace $0x80000046;
	[dreg:$0x1] =	wrdreg $0xFFFFFFFF  }
0xa7: {  	s28 =	simm.s32 $_size_execute0_lowered;
	s2 =	sadd.s32 s2, s4;
	[dreg:$0x0] =	wrdreg $0x0  }
0xa8: {  	s4 =	sshll.u32 s28, $0x1;
	[dreg:$0x2] =	wrdreg s2  }
0xa9: {  	[dreg:$0x3] =	wrdreg s4  }
0xaa: {  	[dreg:$0x4] =	wrdreg $0xC0  }
0xab: {  	_ =	task [dreg:s6], $0x5FFFF  }
0xac: {  	[dreg:$0x1] =	wrdreg $0xFFFFFFFF  }
0xad: {  	[dreg:$0x0] =	wrdreg $0x60  }
0xae: {  	[dreg:$0x2] =	wrdreg s24  }
0xaf: {  	[dreg:$0x3] =	wrdreg $0x95000  }
0xb0: {  	[dreg:$0x4] =	wrdreg $0x9  }
0xb1: {  	_ =	task.clear_ibuf [dreg:s6], $0x5FFFF;
	_ =	strace $0x90000046  }
0xb2: {  	s29 =	simm.s32 $0x9;
	_ =	strace $0x80000048  }
0xb3: {  	_ =	swait.ge [sflag:s29], $0x1  }
0xb4: {  	[sflag:s29] =	ssyncadd.s32 $0xFFFFFFFF  }
0xb5: {  	_ =	strace $0x90000048  }
0xb6: {  	_ =	sfence  }
0xb7: {  	s30 =	sld [smem:$0x0];
	_ =	sdelay $0x2  }
0xb8: {  	s31 =	sshll.u32 s1, $0xD;
	s1 =	sshrl.u32 s1, $0x2  }
0xb9: {  	s3 =	sand.u32 $0x4000, s31;
	s1 =	sadd.s32 s1, s30  }
0xba: {  	s0 =	sor.u32 s3, s0;
	s1 =	sshll.u32 s1, $0x11  }
0xbb: {  	s0 =	sor.u32 s1, s0  }
0xbc: {  	s0 =	sadd.s32 $0x8F2B, s0  }
0xbd: {  	[sflag:s0] =	ssyncadd.remote.s32 $0x1  }
0xbe: {  	_ =	sfence.sel $0xFFFF  }
0xbf: {  	[dreg:$0x0] =	wrdreg $0xFFFFFFFF;
	(pc) =	sbr.abs _section_cstart, $3  }
0xc0: {  	[dreg:$0x1] =	wrdreg $0xFFFFFFFF  }
0xc1: {  	_ =	task.clear_ibuf [dreg:s6], $0x2FFFF;
	_ =	strace $0x9FFFFFFF  }
0xc2: {  	(tm) =	ssettm $0x7FFFFFFF  }
0xc3: {  	_ =	shalt  }
tec
execute0_lowered:
.L_overlay_start_1:
0x0: {  	(tag) =	ssettag $0x1  }
0x1: {  	s0 =	rddreg [dreg:$0x0]  }
0x2: {  	s2 =	rddreg [dreg:$0x1]  }
0x3: {  	s1 =	simm.s32 $0x0;
	s14 =	srdreg.scid;
	s11 =	stileid.u32  }
0x4: {  	[smem:$0x7FF] =	sst s1;
	s3 =	sadd.s32 $0x53A00, s0;
	s5 =	sadd.s32 $0x5800, s0  }
0x5: {  	s6 =	sadd.s32 $0x280800, s0;
	s7 =	sadd.s32 $0x27B800, s0;
	s1 =	sand.u32 $0x1, s14  }
0x6: {  	s4 =	smul.u32 $0x4E000, s11;
	s12 =	sadd.s32 $0xA1C00, s0;
	s13 =	sadd.s32 $0xC8E00, s0  }
0x7: {  	s25 =	smul.u32 $0x2700, s11;
	_ =	strace $0x80000047;
	[dreg:$0x3] =	wrdreg s12  }
0x8: {  	s8 =	sadd.s32 $0x276800, s0;
	s15 =	ssub.s32 $0x2, s1;
	[dreg:$0x4] =	wrdreg s13  }
0x9: {  	s9 =	sshrl.u32 s15, $0x1;
	s4 =	sshrl.u32 s4, $0x2;
	s14 =	sadd.s32 s12, s25  }
0xa: {  	s0 =	ssub.s32 s15, s9;
	[dreg:$0x10] =	wrdreg s14;
	s15 =	sadd.s32 s13, s25  }
0xb: {  	s23 =	sadd.s32 s4, s2;
	[dreg:$0x11] =	wrdreg s15  }
0xc: {  	s4 =	sadd.s32 $0x800, s23;
	[dreg:$0x5] =	wrdreg s23  }
0xd: {  	s17 =	sadd.s32 $0x1000, s23;
	[dreg:$0x6] =	wrdreg s4  }
0xe: {  	s18 =	sadd.s32 $0x1800, s23;
	[dreg:$0x7] =	wrdreg s17  }
0xf: {  	s19 =	sadd.s32 $0x2000, s23;
	[dreg:$0x8] =	wrdreg s18  }
0x10: {  	s20 =	sadd.s32 $0x2800, s23;
	[dreg:$0x9] =	wrdreg s19  }
0x11: {  	s21 =	sadd.s32 $0x3000, s23;
	[dreg:$0xa] =	wrdreg s20  }
0x12: {  	s22 =	sadd.s32 $0x3800, s23;
	[dreg:$0xb] =	wrdreg s21  }
0x13: {  	s24 =	sadd.s32 $0x4000, s23;
	[dreg:$0xc] =	wrdreg s22  }
0x14: {  	s26 =	sadd.s32 $0x4800, s23;
	[dreg:$0xd] =	wrdreg s24  }
0x15: {  	s30 =	sadd.s32 $0x5000, s23;
	[dreg:$0xe] =	wrdreg s26  }
0x16: {  	s0 =	smax.u32 s0, $0x1;
	[dreg:$0xf] =	wrdreg s30  }
0x17: {  	s10 =	sshll.u32 s1, $0x4;
	s25 =	sadd.s32 $0x9000, s23;
	[dreg:$0x12] =	wrdreg s0  }
0x18: {  	p0 =	seq.s32 s1, $0x1;
	s1 =	sadd.s32 $0xA800, s23;
	[dreg:$0x1a] =	wrdreg s25  }
0x19: {  	p1 =	sne.s32 s11, $0xF;
	s9 =	sadd.s32 $0xB800, s23;
	[dreg:$0x1d] =	wrdreg s1  }
0x1a: {  	s16 =	sor.u32 s11, s10;
	s10 =	sadd.s32 $0xC000, s23;
	[dreg:$0x1f] =	wrdreg s9  }
0x1b: {  	p2 =	seq.s32 s11, $0xF;
	s11 =	sadd.s32 $0xC800, s23;
	[smem:$0x7EE] =	sst s10  }
0x1c: {  	s12 =	sadd.s32 $0xD000, s23;
	[smem:$0x7EF] =	sst s11  }
0x1d: {  	s13 =	sadd.s32 $0xD800, s23;
	[smem:$0x7F0] =	sst s12  }
0x1e: {  	s14 =	sadd.s32 $0xE000, s23;
	[smem:$0x7F1] =	sst s13  }
0x1f: {  	s15 =	sadd.s32 $0xE800, s23;
	[smem:$0x7F2] =	sst s14  }
0x20: {  	s22 =	smul.u32 $0x1388, s16;
	s16 =	sadd.s32 $0x5800, s23;
	[smem:$0x7F3] =	sst s15  }
0x21: {  	s17 =	sadd.s32 $0x6000, s23;
	[dreg:$0x13] =	wrdreg s16  }
0x22: {  	s18 =	sadd.s32 $0x6800, s23;
	[dreg:$0x14] =	wrdreg s17  }
0x23: {  	s19 =	sadd.s32 $0x7000, s23;
	[dreg:$0x15] =	wrdreg s18  }
0x24: {  	s20 =	sadd.s32 $0x7800, s23;
	[dreg:$0x16] =	wrdreg s19  }
0x25: {  	s21 =	sadd.s32 $0x8000, s23;
	[dreg:$0x17] =	wrdreg s20  }
0x26: {  	s24 =	sadd.s32 $0x8800, s23;
	[dreg:$0x18] =	wrdreg s21  }
0x27: {  	s28 =	simm.s32 $0x28;
	s26 =	sadd.s32 $0x9800, s23;
	[dreg:$0x19] =	wrdreg s24  }
0x28: {  	s29 =	simm.s32 $0x7900;
	s30 =	sadd.s32 $0xA000, s23;
	[dreg:$0x1b] =	wrdreg s26  }
0x29: {  	s31 =	simm.s32 $0x0;
	s4 =	sadd.s32 $0xB000, s23;
	[dreg:$0x1c] =	wrdreg s30  }
0x2a: {  	s25 =	sadd.s32 $0x12800, s23;
	s10 =	smov.u32 s2;
	[dreg:$0x1e] =	wrdreg s4  }
0x2b: {  	s9 =	simm.s32 $0x3;
	s16 =	sadd.s32 $0xF000, s23;
	[smem:$0x7FB] =	sst s25  }
0x2c: {  	s12 =	simm.s32 $0x900;
	s17 =	sadd.s32 $0xF800, s23;
	[smem:$0x7F4] =	sst s16  }
0x2d: {  	s13 =	simm.s32 $0x1100;
	s18 =	sadd.s32 $0x10000, s23;
	[smem:$0x7F5] =	sst s17  }
0x2e: {  	s14 =	simm.s32 $0x1900;
	s19 =	sadd.s32 $0x10800, s23;
	[smem:$0x7F6] =	sst s18  }
0x2f: {  	s15 =	simm.s32 $0x2100;
	s20 =	sadd.s32 $0x11000, s23;
	[smem:$0x7F7] =	sst s19  }
0x30: {  	s11 =	simm.s32 $0x0;
	s21 =	sadd.s32 $0x11800, s23;
	[smem:$0x7F8] =	sst s20  }
0x31: {  	s24 =	sadd.s32 $0x12000, s23;
	s26 =	sadd.s32 $0x13000, s23;
	[smem:$0x7F9] =	sst s21  }
.Ltmp0:
0x32: {  	s30 =	sadd.s32 $0x138000, s2;
	[smem:$0x7FA] =	sst s24;
	(pc) =	sbr.rel .LBB2_1-.Ltmp0, $4  }
0x33: {  	s4 =	simm.s32 $0x100;
	s25 =	simm.s32 $0x1;
	[smem:$0x7FC] =	sst s26  }
0x34: {  	v3 =	vlaneseq.u32;
	[smem:$0x7FD] =	sst s30;
	s24 =	simm.s32 $0x8D00;
	s16 =	simm.s32 $0x2900  }
0x35: {  	v0 =	vimm.f32 $0.0e+00;
	vm0 =	vmmov $0xffff;
	v2 =	vshrl.u32 v3, $0x3;
	s17 =	simm.s32 $0x3100;
	s18 =	simm.s32 $0x3900;
	s19 =	simm.s32 $0x4100  }
0x36: {  	v1 =	vand.u32 $0x7, v3;
	v3 =	vor.u32 $0x8, v3;
	v2 =	vmul.u32 $0x8, v2;
	s20 =	simm.s32 $0x4900;
	s21 =	simm.s32 $0x5100;
	s26 =	simm.s32 $0x2  }
.LBB2_10:
0x37: {  	s2 =	sld [smem:$0x7FD];
	_ =	sdelay $0x2  }
0x38: {  	s1 =	sadd.s32 $0x27000, s1;
	s2 =	sshrl.u32 s2, $0x3  }
0x39: {  	[hbm:s1], [sflag:s0] =	dma.local [spmem:s2], $0x100  }
0x3a: {  	_ =	swait.ge [sflag:s9], $0x100  }
0x3b: {  	[sflag:s9] =	ssyncset.done $0x0  }
0x3c: {  	[sflag:s9] =	ssyncadd.s32 $0xFFFFFF00  }
.LBB2_11:
0x3d: {  	s11 =	sadd.s32 $0x1, s11;
	s0 =	rddreg [dreg:$0x12]  }
0x3e: {  	p3 =	sne.s32 s11, s0  }
.Ltmp1:
0x3f: {  	_ = 	snop;
	(pc) =	sbr.rel @!p3 .LBB2_12-.Ltmp1, $1  }
0x40: {  	_ =	sdelay $0x3  }
.LBB2_1:
0x41: {  	[smem:$0x7ED] =	sst s11;
	s0 =	simm.s32 $0x0;
	s1 =	simm.s32 $0x200  }
.LBB2_2:
0x42: {  	p3 =	sne.s32 s1, $0x1E00;
	[tilespmem:s0+$0x8D70] =	vst v0  }
0x43: {  	[tilespmem:s0+$0x8D00] =	vst v0  }
0x44: {  	[tilespmem:s0+$0x8D10] =	vst v0  }
.Ltmp2:
0x45: {  	[tilespmem:s0+$0x8D20] =	vst v0;
	(pc) =	sbr.rel @p3 .LBB2_2-.Ltmp2, $4  }
0x46: {  	[tilespmem:s0+$0x8D30] =	vst v0  }
0x47: {  	[tilespmem:s0+$0x8D40] =	vst v0  }
0x48: {  	[tilespmem:s0+$0x8D50] =	vst v0  }
0x49: {  	[tilespmem:s0+$0x8D60] =	vst v0;
	s0 =	sshra.s32 s1, $0x2;
	s1 =	sadd.s32 $0x200, s1  }
0x4a: {  	[tilespmem:s0+$0x8D70] =	vst v0  }
0x4b: {  	[tilespmem:s0+$0x8D00] =	vst v0  }
0x4c: {  	[tilespmem:s0+$0x8D10] =	vst v0  }
0x4d: {  	[tilespmem:s0+$0x8D20] =	vst v0  }
0x4e: {  	[tilespmem:s0+$0x8D30] =	vst v0  }
0x4f: {  	[tilespmem:s0+$0x8D40] =	vst v0  }
0x50: {  	[tilespmem:s0+$0x8D50] =	vst v0  }
0x51: {  	[tilespmem:s0+$0x8D60] =	vst v0  }
0x52: {  	[spmem:s23] =	stream.linear.scatter [tilespmem:s24], [sflag:$0x3], $0x800, $0x38;
	[tilespmem:$0x1CD80] =	vst v63  }
0x53: {  	_ =	swait.ge [sflag:s9], $0x800  }
0x54: {  	[sflag:s9] =	ssyncset.done $0x0  }
0x55: {  	s11 =	rddreg [dreg:$0x6];
	[sflag:s9] =	ssyncadd.s32 $0xFFFFF800  }
0x56: {  	[spmem:s11] =	stream.linear.scatter [tilespmem:s24], [sflag:$0x3], $0x800, $0x38;
	[tilespmem:$0x1CD80] =	vst v63  }
0x57: {  	_ =	swait.ge [sflag:s9], $0x800  }
0x58: {  	[sflag:s9] =	ssyncset.done $0x0  }
0x59: {  	s23 =	rddreg [dreg:$0x7];
	[sflag:s9] =	ssyncadd.s32 $0xFFFFF800  }
0x5a: {  	[spmem:s23] =	stream.linear.scatter [tilespmem:s24], [sflag:$0x3], $0x800, $0x38;
	[tilespmem:$0x1CD80] =	vst v63  }
0x5b: {  	_ =	swait.ge [sflag:s9], $0x800  }
0x5c: {  	[sflag:s9] =	ssyncset.done $0x0  }
0x5d: {  	s30 =	rddreg [dreg:$0x8];
	[sflag:s9] =	ssyncadd.s32 $0xFFFFF800  }
0x5e: {  	[spmem:s30] =	stream.linear.scatter [tilespmem:s24], [sflag:$0x3], $0x800, $0x38;
	[tilespmem:$0x1CD80] =	vst v63  }
0x5f: {  	_ =	swait.ge [sflag:s9], $0x800  }
0x60: {  	[sflag:s9] =	ssyncset.done $0x0  }
0x61: {  	s1 =	rddreg [dreg:$0x9];
	[sflag:s9] =	ssyncadd.s32 $0xFFFFF800  }
0x62: {  	[spmem:s1] =	stream.linear.scatter [tilespmem:s24], [sflag:$0x3], $0x800, $0x38;
	[tilespmem:$0x1CD80] =	vst v63  }
0x63: {  	_ =	swait.ge [sflag:s9], $0x800  }
0x64: {  	[sflag:s9] =	ssyncset.done $0x0  }
0x65: {  	s2 =	rddreg [dreg:$0xa];
	[sflag:s9] =	ssyncadd.s32 $0xFFFFF800  }
0x66: {  	[spmem:s2] =	stream.linear.scatter [tilespmem:s24], [sflag:$0x3], $0x800, $0x38;
	[tilespmem:$0x1CD80] =	vst v63  }
0x67: {  	_ =	swait.ge [sflag:s9], $0x800  }
0x68: {  	[sflag:s9] =	ssyncset.done $0x0  }
0x69: {  	s11 =	rddreg [dreg:$0xb];
	[sflag:s9] =	ssyncadd.s32 $0xFFFFF800  }
0x6a: {  	[spmem:s11] =	stream.linear.scatter [tilespmem:s24], [sflag:$0x3], $0x800, $0x38;
	[tilespmem:$0x1CD80] =	vst v63  }
0x6b: {  	_ =	swait.ge [sflag:s9], $0x800  }
0x6c: {  	[sflag:s9] =	ssyncset.done $0x0  }
0x6d: {  	s23 =	rddreg [dreg:$0xc];
	[sflag:s9] =	ssyncadd.s32 $0xFFFFF800  }
0x6e: {  	[spmem:s23] =	stream.linear.scatter [tilespmem:s24], [sflag:$0x3], $0x800, $0x38;
	[tilespmem:$0x1CD80] =	vst v63  }
0x6f: {  	_ =	swait.ge [sflag:s9], $0x800  }
0x70: {  	[sflag:s9] =	ssyncset.done $0x0  }
0x71: {  	s30 =	rddreg [dreg:$0xd];
	[sflag:s9] =	ssyncadd.s32 $0xFFFFF800  }
0x72: {  	[spmem:s30] =	stream.linear.scatter [tilespmem:s24], [sflag:$0x3], $0x800, $0x38;
	[tilespmem:$0x1CD80] =	vst v63  }
0x73: {  	_ =	swait.ge [sflag:s9], $0x800  }
0x74: {  	[sflag:s9] =	ssyncset.done $0x0  }
0x75: {  	s1 =	rddreg [dreg:$0xe];
	[sflag:s9] =	ssyncadd.s32 $0xFFFFF800  }
0x76: {  	[spmem:s1] =	stream.linear.scatter [tilespmem:s24], [sflag:$0x3], $0x800, $0x38;
	[tilespmem:$0x1CD80] =	vst v63  }
0x77: {  	_ =	swait.ge [sflag:s9], $0x800  }
0x78: {  	[sflag:s9] =	ssyncset.done $0x0  }
0x79: {  	s2 =	rddreg [dreg:$0xf];
	[sflag:s9] =	ssyncadd.s32 $0xFFFFF800  }
0x7a: {  	[spmem:s2] =	stream.linear.scatter [tilespmem:s24], [sflag:$0x3], $0x800, $0x38;
	[tilespmem:$0x1CD80] =	vst v63  }
0x7b: {  	_ =	swait.ge [sflag:s9], $0x800  }
0x7c: {  	[sflag:s9] =	ssyncset.done $0x0  }
0x7d: {  	s11 =	rddreg [dreg:$0x13];
	[sflag:s9] =	ssyncadd.s32 $0xFFFFF800  }
0x7e: {  	[spmem:s11] =	stream.linear.scatter [tilespmem:s24], [sflag:$0x3], $0x800, $0x38;
	[tilespmem:$0x1CD80] =	vst v63  }
0x7f: {  	_ =	swait.ge [sflag:s9], $0x800  }
0x80: {  	[sflag:s9] =	ssyncset.done $0x0  }
0x81: {  	s23 =	rddreg [dreg:$0x14];
	[sflag:s9] =	ssyncadd.s32 $0xFFFFF800  }
0x82: {  	[spmem:s23] =	stream.linear.scatter [tilespmem:s24], [sflag:$0x3], $0x800, $0x38;
	[tilespmem:$0x1CD80] =	vst v63  }
0x83: {  	_ =	swait.ge [sflag:s9], $0x800  }
0x84: {  	[sflag:s9] =	ssyncset.done $0x0  }
0x85: {  	s30 =	rddreg [dreg:$0x15];
	[sflag:s9] =	ssyncadd.s32 $0xFFFFF800  }
0x86: {  	[spmem:s30] =	stream.linear.scatter [tilespmem:s24], [sflag:$0x3], $0x800, $0x38;
	[tilespmem:$0x1CD80] =	vst v63  }
0x87: {  	_ =	swait.ge [sflag:s9], $0x800  }
0x88: {  	[sflag:s9] =	ssyncset.done $0x0  }
0x89: {  	s1 =	rddreg [dreg:$0x16];
	[sflag:s9] =	ssyncadd.s32 $0xFFFFF800  }
0x8a: {  	[spmem:s1] =	stream.linear.scatter [tilespmem:s24], [sflag:$0x3], $0x800, $0x38;
	[tilespmem:$0x1CD80] =	vst v63  }
0x8b: {  	_ =	swait.ge [sflag:s9], $0x800  }
0x8c: {  	[sflag:s9] =	ssyncset.done $0x0  }
0x8d: {  	s2 =	rddreg [dreg:$0x17];
	[sflag:s9] =	ssyncadd.s32 $0xFFFFF800  }
0x8e: {  	[spmem:s2] =	stream.linear.scatter [tilespmem:s24], [sflag:$0x3], $0x800, $0x38;
	[tilespmem:$0x1CD80] =	vst v63  }
0x8f: {  	_ =	swait.ge [sflag:s9], $0x800  }
0x90: {  	[sflag:s9] =	ssyncset.done $0x0  }
0x91: {  	s11 =	rddreg [dreg:$0x18];
	[sflag:s9] =	ssyncadd.s32 $0xFFFFF800  }
0x92: {  	[spmem:s11] =	stream.linear.scatter [tilespmem:s24], [sflag:$0x3], $0x800, $0x38;
	[tilespmem:$0x1CD80] =	vst v63  }
0x93: {  	_ =	swait.ge [sflag:s9], $0x800  }
0x94: {  	[sflag:s9] =	ssyncset.done $0x0  }
0x95: {  	s23 =	rddreg [dreg:$0x19];
	[sflag:s9] =	ssyncadd.s32 $0xFFFFF800  }
0x96: {  	[spmem:s23] =	stream.linear.scatter [tilespmem:s24], [sflag:$0x3], $0x800, $0x38;
	[tilespmem:$0x1CD80] =	vst v63  }
0x97: {  	_ =	swait.ge [sflag:s9], $0x800  }
0x98: {  	[sflag:s9] =	ssyncset.done $0x0  }
0x99: {  	s30 =	rddreg [dreg:$0x1a];
	[sflag:s9] =	ssyncadd.s32 $0xFFFFF800  }
0x9a: {  	[spmem:s30] =	stream.linear.scatter [tilespmem:s24], [sflag:$0x3], $0x800, $0x38;
	[tilespmem:$0x1CD80] =	vst v63  }
0x9b: {  	_ =	swait.ge [sflag:s9], $0x800  }
0x9c: {  	[sflag:s9] =	ssyncset.done $0x0  }
0x9d: {  	s1 =	rddreg [dreg:$0x1b];
	[sflag:s9] =	ssyncadd.s32 $0xFFFFF800  }
0x9e: {  	[spmem:s1] =	stream.linear.scatter [tilespmem:s24], [sflag:$0x3], $0x800, $0x38;
	[tilespmem:$0x1CD80] =	vst v63  }
0x9f: {  	_ =	swait.ge [sflag:s9], $0x800  }
0xa0: {  	[sflag:s9] =	ssyncset.done $0x0  }
0xa1: {  	s2 =	rddreg [dreg:$0x1c];
	[sflag:s9] =	ssyncadd.s32 $0xFFFFF800  }
0xa2: {  	[spmem:s2] =	stream.linear.scatter [tilespmem:s24], [sflag:$0x3], $0x800, $0x38;
	[tilespmem:$0x1CD80] =	vst v63  }
0xa3: {  	_ =	swait.ge [sflag:s9], $0x800  }
0xa4: {  	[sflag:s9] =	ssyncset.done $0x0  }
0xa5: {  	s11 =	rddreg [dreg:$0x1d];
	[sflag:s9] =	ssyncadd.s32 $0xFFFFF800  }
0xa6: {  	[spmem:s11] =	stream.linear.scatter [tilespmem:s24], [sflag:$0x3], $0x800, $0x38;
	[tilespmem:$0x1CD80] =	vst v63  }
0xa7: {  	_ =	swait.ge [sflag:s9], $0x800  }
0xa8: {  	[sflag:s9] =	ssyncset.done $0x0  }
0xa9: {  	s23 =	rddreg [dreg:$0x1e];
	[sflag:s9] =	ssyncadd.s32 $0xFFFFF800  }
0xaa: {  	[spmem:s23] =	stream.linear.scatter [tilespmem:s24], [sflag:$0x3], $0x800, $0x38;
	[tilespmem:$0x1CD80] =	vst v63  }
0xab: {  	_ =	swait.ge [sflag:s9], $0x800  }
0xac: {  	[sflag:s9] =	ssyncset.done $0x0  }
0xad: {  	s30 =	rddreg [dreg:$0x1f];
	[sflag:s9] =	ssyncadd.s32 $0xFFFFF800  }
0xae: {  	[spmem:s30] =	stream.linear.scatter [tilespmem:s24], [sflag:$0x3], $0x800, $0x38;
	[tilespmem:$0x1CD80] =	vst v63  }
0xaf: {  	_ =	swait.ge [sflag:s9], $0x800  }
0xb0: {  	s1 =	sld [smem:$0x7EE]  }
0xb1: {  	[sflag:s9] =	ssyncset.done $0x0  }
0xb2: {  	[sflag:s9] =	ssyncadd.s32 $0xFFFFF800  }
0xb3: {  	[spmem:s1] =	stream.linear.scatter [tilespmem:s24], [sflag:$0x3], $0x800, $0x38;
	[tilespmem:$0x1CD80] =	vst v63  }
0xb4: {  	_ =	swait.ge [sflag:s9], $0x800  }
0xb5: {  	s2 =	sld [smem:$0x7EF]  }
0xb6: {  	[sflag:s9] =	ssyncset.done $0x0  }
0xb7: {  	[sflag:s9] =	ssyncadd.s32 $0xFFFFF800  }
0xb8: {  	[spmem:s2] =	stream.linear.scatter [tilespmem:s24], [sflag:$0x3], $0x800, $0x38;
	[tilespmem:$0x1CD80] =	vst v63  }
0xb9: {  	_ =	swait.ge [sflag:s9], $0x800  }
0xba: {  	s11 =	sld [smem:$0x7F0]  }
0xbb: {  	[sflag:s9] =	ssyncset.done $0x0  }
0xbc: {  	[sflag:s9] =	ssyncadd.s32 $0xFFFFF800  }
0xbd: {  	[spmem:s11] =	stream.linear.scatter [tilespmem:s24], [sflag:$0x3], $0x800, $0x38;
	[tilespmem:$0x1CD80] =	vst v63  }
0xbe: {  	_ =	swait.ge [sflag:s9], $0x800  }
0xbf: {  	s23 =	sld [smem:$0x7F1]  }
0xc0: {  	[sflag:s9] =	ssyncset.done $0x0  }
0xc1: {  	[sflag:s9] =	ssyncadd.s32 $0xFFFFF800  }
0xc2: {  	[spmem:s23] =	stream.linear.scatter [tilespmem:s24], [sflag:$0x3], $0x800, $0x38;
	[tilespmem:$0x1CD80] =	vst v63  }
0xc3: {  	_ =	swait.ge [sflag:s9], $0x800  }
0xc4: {  	s30 =	sld [smem:$0x7F2]  }
0xc5: {  	[sflag:s9] =	ssyncset.done $0x0  }
0xc6: {  	[sflag:s9] =	ssyncadd.s32 $0xFFFFF800  }
0xc7: {  	[spmem:s30] =	stream.linear.scatter [tilespmem:s24], [sflag:$0x3], $0x800, $0x38;
	[tilespmem:$0x1CD80] =	vst v63  }
0xc8: {  	_ =	swait.ge [sflag:s9], $0x800  }
0xc9: {  	s1 =	sld [smem:$0x7F3]  }
0xca: {  	[sflag:s9] =	ssyncset.done $0x0  }
0xcb: {  	[sflag:s9] =	ssyncadd.s32 $0xFFFFF800  }
0xcc: {  	[spmem:s1] =	stream.linear.scatter [tilespmem:s24], [sflag:$0x3], $0x800, $0x38;
	[tilespmem:$0x1CD80] =	vst v63  }
0xcd: {  	_ =	swait.ge [sflag:s9], $0x800  }
0xce: {  	s2 =	sld [smem:$0x7F4]  }
0xcf: {  	[sflag:s9] =	ssyncset.done $0x0  }
0xd0: {  	[sflag:s9] =	ssyncadd.s32 $0xFFFFF800  }
0xd1: {  	[spmem:s2] =	stream.linear.scatter [tilespmem:s24], [sflag:$0x3], $0x800, $0x38;
	[tilespmem:$0x1CD80] =	vst v63  }
0xd2: {  	_ =	swait.ge [sflag:s9], $0x800  }
0xd3: {  	s11 =	sld [smem:$0x7F5]  }
0xd4: {  	[sflag:s9] =	ssyncset.done $0x0  }
0xd5: {  	[sflag:s9] =	ssyncadd.s32 $0xFFFFF800  }
0xd6: {  	[spmem:s11] =	stream.linear.scatter [tilespmem:s24], [sflag:$0x3], $0x800, $0x38;
	[tilespmem:$0x1CD80] =	vst v63  }
0xd7: {  	_ =	swait.ge [sflag:s9], $0x800  }
0xd8: {  	s23 =	sld [smem:$0x7F6]  }
0xd9: {  	[sflag:s9] =	ssyncset.done $0x0  }
0xda: {  	[sflag:s9] =	ssyncadd.s32 $0xFFFFF800  }
0xdb: {  	[spmem:s23] =	stream.linear.scatter [tilespmem:s24], [sflag:$0x3], $0x800, $0x38;
	[tilespmem:$0x1CD80] =	vst v63  }
0xdc: {  	_ =	swait.ge [sflag:s9], $0x800  }
0xdd: {  	s30 =	sld [smem:$0x7F7]  }
0xde: {  	[sflag:s9] =	ssyncset.done $0x0  }
0xdf: {  	[sflag:s9] =	ssyncadd.s32 $0xFFFFF800  }
0xe0: {  	[spmem:s30] =	stream.linear.scatter [tilespmem:s24], [sflag:$0x3], $0x800, $0x38;
	[tilespmem:$0x1CD80] =	vst v63  }
0xe1: {  	_ =	swait.ge [sflag:s9], $0x800  }
0xe2: {  	s1 =	sld [smem:$0x7F8]  }
0xe3: {  	[sflag:s9] =	ssyncset.done $0x0  }
0xe4: {  	[sflag:s9] =	ssyncadd.s32 $0xFFFFF800  }
0xe5: {  	[spmem:s1] =	stream.linear.scatter [tilespmem:s24], [sflag:$0x3], $0x800, $0x38;
	[tilespmem:$0x1CD80] =	vst v63  }
0xe6: {  	_ =	swait.ge [sflag:s9], $0x800  }
0xe7: {  	s2 =	sld [smem:$0x7F9]  }
0xe8: {  	[sflag:s9] =	ssyncset.done $0x0  }
0xe9: {  	[sflag:s9] =	ssyncadd.s32 $0xFFFFF800  }
0xea: {  	[spmem:s2] =	stream.linear.scatter [tilespmem:s24], [sflag:$0x3], $0x800, $0x38;
	[tilespmem:$0x1CD80] =	vst v63  }
0xeb: {  	_ =	swait.ge [sflag:s9], $0x800  }
0xec: {  	s11 =	sld [smem:$0x7FA]  }
0xed: {  	[sflag:s9] =	ssyncset.done $0x0  }
0xee: {  	[sflag:s9] =	ssyncadd.s32 $0xFFFFF800  }
0xef: {  	[spmem:s11] =	stream.linear.scatter [tilespmem:s24], [sflag:$0x3], $0x800, $0x38;
	[tilespmem:$0x1CD80] =	vst v63  }
0xf0: {  	_ =	swait.ge [sflag:s9], $0x800  }
0xf1: {  	s23 =	sld [smem:$0x7FB]  }
0xf2: {  	[sflag:s9] =	ssyncset.done $0x0  }
0xf3: {  	[sflag:s9] =	ssyncadd.s32 $0xFFFFF800  }
0xf4: {  	[spmem:s23] =	stream.linear.scatter [tilespmem:s24], [sflag:$0x3], $0x800, $0x38;
	[tilespmem:$0x1CD80] =	vst v63  }
0xf5: {  	_ =	swait.ge [sflag:s9], $0x800  }
0xf6: {  	s30 =	sld [smem:$0x7FC]  }
0xf7: {  	[sflag:s9] =	ssyncset.done $0x0  }
0xf8: {  	[sflag:s9] =	ssyncadd.s32 $0xFFFFF800  }
0xf9: {  	[spmem:s30] =	stream.linear.scatter [tilespmem:s24], [sflag:$0x3], $0x800, $0x38;
	[tilespmem:$0x1CD80] =	vst v63  }
0xfa: {  	_ =	swait.ge [sflag:s9], $0x800  }
0xfb: {  	s1 =	sld [smem:$0x7FD]  }
0xfc: {  	[sflag:s9] =	ssyncset.done $0x0  }
0xfd: {  	s0 =	simm.s32 @!p1 $0x8D00;
	[sflag:s9] =	ssyncadd.s32 $0xFFFFF800  }
0xfe: {  	[spmem:s1] =	stream.linear.scatter @!p1 [tilespmem:s0], [sflag:$0x3], $0x800, $0x38;
	[tilespmem:$0x1CD80] =	vst v63  }
0xff: {  	s0 =	simm.s32 @!p1 $0x3  }
0x100: {  	_ =	swait.ge @!p1 [sflag:s0], $0x800  }
0x101: {  	[sflag:s0] =	ssyncset.done @!p1 $0x0  }
0x102: {  	[sflag:s0] =	ssyncadd.s32 @!p1 $0xFFFFF800  }
0x103: {  	s0 =	simm.s32 $0x0;
	[bflag:$0x0] =	sbarrier.arrive $0xFFFF  }
.LBB2_4:
0x104: {  	s1 =	smul.u32 $0x28, s0;
	_ =	sdelay $0x1  }
0x105: {  	s1 =	sadd.s32 s22, s1  }
0x106: {  	s11 =	sshrl.u32 s1, $0x3  }
0x107: {  	s23 =	sadd.s32 s8, s11  }
0x108: {  	[tilespmem:s31], [sflag:$0x3] =	stream.linear.gather [hbm4b:s23+s31], $0x28, $0x38;
	[tilespmem:$0x1CD80] =	vst v63  }
0x109: {  	_ =	swait.ge [sflag:s9], $0x28  }
0x10a: {  	[sflag:s9] =	ssyncset.done $0x0  }
0x10b: {  	s2 =	simm.s32 $0x80;
	s11 =	sadd.s32 s7, s11;
	[sflag:s9] =	ssyncadd.s32 $0xFFFFFFD8  }
0x10c: {  	[tilespmem:s2], [sflag:$0x3] =	stream.linear.gather [hbm4b:s11+s31], $0x28, $0x38;
	[tilespmem:$0x1CD80] =	vst v63  }
0x10d: {  	_ =	swait.ge [sflag:s9], $0x28  }
0x10e: {  	[sflag:s9] =	ssyncset.done $0x0  }
0x10f: {  	[sflag:s9] =	ssyncadd.s32 $0xFFFFFFD8  }
0x110: {  	v4 =	vld [tilespmem:$0x0];
	_ =	sdelay $0x4  }
0x111: {  	v5 =	vshll.u32 v4, $0x1  }
0x112: {  	v4 =	vand.u32 $0x7, v4;
	v5 =	vand.u32 $0xFFFFFFF0, v5  }
0x113: {  	v4 =	vor.u32 v4, v5  }
0x114: {  	v5 =	vperm.xlane v4, v1;
	_ =	sdelay $0x1  }
0x115: {  	v4 =	vperm.xlane v4, v3;
	v5 =	vadd.s32 v2, v5;
	_ =	sdelay $0x1  }
0x116: {  	v4 =	vadd.s32 v2, v4;
	_ =	sdelay $0x2  }
0x117: {  	[tilespmem:s4], [sflag:$0x1] =	stream.indirect_vreg.gather [hbm4b:s3+s31], $0x80, v5, vm0, $0xb8;
	[tilespmem:$0x1CD80] =	vst v63  }
0x118: {  	_ = 	snop  }
0x119: {  	[tilespmem:s12], [sflag:$0x1] =	stream.indirect_vreg.gather [hbm4b:s3+s31], $0x80, v4, vm0, $0xb8;
	[tilespmem:$0x1CD80] =	vst v63  }
0x11a: {  	v4 =	vld [tilespmem:$0x10];
	_ =	sdelay $0x4  }
0x11b: {  	v5 =	vshll.u32 v4, $0x1  }
0x11c: {  	v4 =	vand.u32 $0x7, v4;
	v5 =	vand.u32 $0xFFFFFFF0, v5  }
0x11d: {  	v4 =	vor.u32 v4, v5  }
0x11e: {  	v5 =	vperm.xlane v4, v1;
	_ =	sdelay $0x1  }
0x11f: {  	v4 =	vperm.xlane v4, v3;
	v5 =	vadd.s32 v2, v5;
	_ =	sdelay $0x1  }
0x120: {  	v4 =	vadd.s32 v2, v4;
	_ =	sdelay $0x2  }
0x121: {  	[tilespmem:s13], [sflag:$0x1] =	stream.indirect_vreg.gather [hbm4b:s3+s31], $0x80, v5, vm0, $0xb8;
	[tilespmem:$0x1CD80] =	vst v63  }
0x122: {  	_ = 	snop  }
0x123: {  	[tilespmem:s14], [sflag:$0x1] =	stream.indirect_vreg.gather [hbm4b:s3+s31], $0x80, v4, vm0, $0xb8;
	[tilespmem:$0x1CD80] =	vst v63  }
0x124: {  	v4 =	vld.msk [tilespmem:$0x20], $0xff;
	_ =	sdelay $0x4  }
0x125: {  	v5 =	vshll.u32 v4, $0x1  }
0x126: {  	v4 =	vand.u32 $0x7, v4;
	v5 =	vand.u32 $0xFFFFFFF0, v5  }
0x127: {  	v4 =	vor.u32 v4, v5  }
0x128: {  	v4 =	vperm.xlane v4, v1;
	_ =	sdelay $0x1  }
0x129: {  	v4 =	vadd.s32 v2, v4;
	_ =	sdelay $0x4  }
0x12a: {  	[tilespmem:s15], [sflag:$0x1] =	stream.indirect_vreg.gather [hbm4b:s3+s31], $0x80, v4, vm0, $0xb8;
	[tilespmem:$0x1CD80] =	vst v63  }
0x12b: {  	v4 =	vld [tilespmem:$0x80];
	_ =	sdelay $0x4  }
0x12c: {  	v5 =	vshll.u32 v4, $0x1  }
0x12d: {  	v4 =	vand.u32 $0x7, v4;
	v5 =	vand.u32 $0xFFFFFFF0, v5  }
0x12e: {  	v4 =	vor.u32 v4, v5  }
0x12f: {  	v5 =	vperm.xlane v4, v1;
	_ =	sdelay $0x1  }
0x130: {  	v4 =	vperm.xlane v4, v3;
	v5 =	vadd.s32 v2, v5;
	_ =	sdelay $0x1  }
0x131: {  	v4 =	vadd.s32 v2, v4;
	_ =	sdelay $0x2  }
0x132: {  	[tilespmem:s16], [sflag:$0x2] =	stream.indirect_vreg.gather [hbm4b:s5+s31], $0x80, v5, vm0, $0xb8;
	[tilespmem:$0x1CD80] =	vst v63  }
0x133: {  	_ = 	snop  }
0x134: {  	[tilespmem:s17], [sflag:$0x2] =	stream.indirect_vreg.gather [hbm4b:s5+s31], $0x80, v4, vm0, $0xb8;
	[tilespmem:$0x1CD80] =	vst v63  }
0x135: {  	v4 =	vld [tilespmem:$0x90];
	_ =	sdelay $0x4  }
0x136: {  	v5 =	vshll.u32 v4, $0x1  }
0x137: {  	v4 =	vand.u32 $0x7, v4;
	v5 =	vand.u32 $0xFFFFFFF0, v5  }
0x138: {  	v4 =	vor.u32 v4, v5  }
0x139: {  	v5 =	vperm.xlane v4, v1;
	_ =	sdelay $0x1  }
0x13a: {  	v4 =	vperm.xlane v4, v3;
	v5 =	vadd.s32 v2, v5;
	_ =	sdelay $0x1  }
0x13b: {  	v4 =	vadd.s32 v2, v4;
	_ =	sdelay $0x2  }
0x13c: {  	[tilespmem:s18], [sflag:$0x2] =	stream.indirect_vreg.gather [hbm4b:s5+s31], $0x80, v5, vm0, $0xb8;
	[tilespmem:$0x1CD80] =	vst v63  }
0x13d: {  	_ = 	snop  }
0x13e: {  	[tilespmem:s19], [sflag:$0x2] =	stream.indirect_vreg.gather [hbm4b:s5+s31], $0x80, v4, vm0, $0xb8;
	[tilespmem:$0x1CD80] =	vst v63  }
0x13f: {  	v4 =	vld.msk [tilespmem:$0xA0], $0xff;
	_ =	sdelay $0x4  }
0x140: {  	v5 =	vshll.u32 v4, $0x1  }
0x141: {  	v4 =	vand.u32 $0x7, v4;
	v5 =	vand.u32 $0xFFFFFFF0, v5  }
0x142: {  	v4 =	vor.u32 v4, v5  }
0x143: {  	v4 =	vperm.xlane v4, v1;
	_ =	sdelay $0x1  }
0x144: {  	v4 =	vadd.s32 v2, v4;
	_ =	sdelay $0x3  }
0x145: {  	s1 =	sshll.u32 s1, $0x5  }
0x146: {  	[tilespmem:s20], [sflag:$0x2] =	stream.indirect_vreg.gather [hbm4b:s5+s31], $0x80, v4, vm0, $0xb8;
	[tilespmem:$0x1CD80] =	vst v63  }
0x147: {  	s1 =	sadd.s32 s6, s1  }
0x148: {  	[tilespmem:s21], [sflag:$0x3] =	stream.linear.gather [hbm4b:s1+s31], $0x2800, $0x38;
	[tilespmem:$0x1CD80] =	vst v63  }
0x149: {  	_ =	swait.ge [sflag:s9], $0x2800  }
0x14a: {  	[sflag:s9] =	ssyncset.done $0x0  }
0x14b: {  	[sflag:s9] =	ssyncadd.s32 $0xFFFFD800  }
0x14c: {  	_ =	swait.ge [sflag:s25], $0x2800  }
0x14d: {  	[sflag:s25] =	ssyncset.done $0x0  }
0x14e: {  	[sflag:s25] =	ssyncadd.s32 $0xFFFFD800  }
0x14f: {  	_ =	swait.ge [sflag:s26], $0x2800  }
0x150: {  	s30 =	simm.s32 $0x0;
	[sflag:s26] =	ssyncset.done $0x0  }
0x151: {  	s23 =	simm.s32 $0x7940;
	s11 =	simm.s32 $0x0;
	[sflag:s26] =	ssyncadd.s32 $0xFFFFD800  }
.LBB2_5:
0x152: {  	s1 =	sand.u32 $0x3800, s30;
	s2 =	sand.u32 $0x380, s11  }
0x153: {  	s1 =	sor.u32 s2, s1  }
0x154: {  	v4 =	vld [tilespmem:s1+$0x500]  }
0x155: {  	v5 =	vld [tilespmem:s1+$0x2D00];
	_ =	sdelay $0x1  }
0x156: {  	v6 =	vld [tilespmem:s1+$0x5500];
	_ =	sdelay $0x2  }
0x157: {  	v4 =	vadd.f32 v5, v4;
	_ =	sdelay $0x1  }
0x158: {  	v4 =	vadd.f32 v6, v4;
	_ =	sdelay $0x1  }
0x159: {  	v5 =	vand.u32 $0x7FFFFFFF, v4  }
0x15a: {  	v5 =	vsub.f32 $0.0e+00, v5;
	_ =	sdelay $0x1  }
0x15b: {  	v5 =	vmul.f32 $1.442695020e+00, v5;
	_ =	sdelay $0x1  }
0x15c: {  	(erf) = vpow2.f32 v5;
	_ =	sdelay $0x2  }
0x15d: {  	v18 =	vld [tilespmem:s1+$0x2900]  }
0x15e: {  	v5 =	vld [tilespmem:s1+$0x100];
	_ =	sdelay $0x1  }
0x15f: {  	v7 =	vld [tilespmem:s1+$0x5100];
	_ =	sdelay $0x2  }
0x160: {  	v5 =	vadd.f32 v18, v5;
	v19 =	vpop (erf)  }
0x161: {  	v20 =	vmul.f32 $1.402681970e-02, v19  }
0x162: {  	v5 =	vadd.f32 v7, v5  }
0x163: {  	v7 =	vadd.f32 $-6.577000770e-02, v20  }
0x164: {  	v5 =	vsub.f32 $0.0e+00, v5  }
0x165: {  	v7 =	vmul.f32 v7, v19  }
0x166: {  	v5 =	vmul.f32 $1.442695020e+00, v5  }
0x167: {  	v7 =	vadd.f32 $1.481066350e-01, v7  }
0x168: {  	(erf) = vpow2.f32 v5  }
0x169: {  	v5 =	vmul.f32 v7, v19;
	_ =	sdelay $0x1  }
0x16a: {  	v5 =	vadd.f32 $-2.341735960e-01, v5;
	_ =	sdelay $0x1  }
0x16b: {  	v5 =	vmul.f32 v5, v19;
	_ =	sdelay $0x1  }
0x16c: {  	v5 =	vadd.f32 $3.307878670e-01, v5;
	_ =	sdelay $0x1  }
0x16d: {  	v21 =	vpop (erf);
	v5 =	vmul.f32 v5, v19  }
0x16e: {  	v7 =	vadd.f32 $1.000000000e+00, v21  }
0x16f: {  	v5 =	vadd.f32 $-4.998254780e-01, v5  }
0x170: {  	(erf) = vrcp.f32 v7  }
0x171: {  	v5 =	vmul.f32 v5, v19;
	_ =	sdelay $0x1  }
0x172: {  	v5 =	vadd.f32 $9.999970790e-01, v5;
	_ =	sdelay $0x1  }
0x173: {  	v5 =	vmul.f32 v5, v19;
	_ =	sdelay $0x1  }
0x174: {  	v4 =	vmax.f32 v4, $0.0e+00  }
0x175: {  	v4 =	vadd.f32 v5, v4  }
0x176: {  	v5 =	vpop (erf)  }
0x177: {  	v4 =	vmul.f32 v4, v5;
	_ =	sdelay $0x1  }
0x178: {  	[tilespmem:s23+$0xFFFFFFC0] =	vst v4  }
0x179: {  	v4 =	vld [tilespmem:s1+$0x510]  }
0x17a: {  	v5 =	vld [tilespmem:s1+$0x2D10];
	_ =	sdelay $0x1  }
0x17b: {  	v22 =	vld [tilespmem:s1+$0x5510];
	_ =	sdelay $0x2  }
0x17c: {  	v4 =	vadd.f32 v5, v4;
	_ =	sdelay $0x1  }
0x17d: {  	v4 =	vadd.f32 v22, v4;
	_ =	sdelay $0x1  }
0x17e: {  	v5 =	vand.u32 $0x7FFFFFFF, v4  }
0x17f: {  	v5 =	vsub.f32 $0.0e+00, v5;
	_ =	sdelay $0x1  }
0x180: {  	v5 =	vmul.f32 $1.442695020e+00, v5;
	_ =	sdelay $0x1  }
0x181: {  	(erf) = vpow2.f32 v5;
	_ =	sdelay $0x2  }
0x182: {  	v23 =	vld [tilespmem:s1+$0x2910]  }
0x183: {  	v5 =	vld [tilespmem:s1+$0x110];
	_ =	sdelay $0x1  }
0x184: {  	v24 =	vld [tilespmem:s1+$0x5110];
	_ =	sdelay $0x2  }
0x185: {  	v5 =	vadd.f32 v23, v5;
	v25 =	vpop (erf)  }
0x186: {  	v26 =	vmul.f32 $1.402681970e-02, v25  }
0x187: {  	v5 =	vadd.f32 v24, v5  }
0x188: {  	v7 =	vadd.f32 $-6.577000770e-02, v26  }
0x189: {  	v5 =	vsub.f32 $0.0e+00, v5  }
0x18a: {  	v7 =	vmul.f32 v7, v25  }
0x18b: {  	v5 =	vmul.f32 $1.442695020e+00, v5  }
0x18c: {  	v7 =	vadd.f32 $1.481066350e-01, v7  }
0x18d: {  	(erf) = vpow2.f32 v5  }
0x18e: {  	v5 =	vmul.f32 v7, v25;
	_ =	sdelay $0x1  }
0x18f: {  	v5 =	vadd.f32 $-2.341735960e-01, v5;
	_ =	sdelay $0x1  }
0x190: {  	v5 =	vmul.f32 v5, v25;
	_ =	sdelay $0x1  }
0x191: {  	v5 =	vadd.f32 $3.307878670e-01, v5;
	_ =	sdelay $0x1  }
0x192: {  	v27 =	vpop (erf);
	v5 =	vmul.f32 v5, v25  }
0x193: {  	v7 =	vadd.f32 $1.000000000e+00, v27  }
0x194: {  	v5 =	vadd.f32 $-4.998254780e-01, v5  }
0x195: {  	(erf) = vrcp.f32 v7  }
0x196: {  	v5 =	vmul.f32 v5, v25;
	_ =	sdelay $0x1  }
0x197: {  	v5 =	vadd.f32 $9.999970790e-01, v5;
	_ =	sdelay $0x1  }
0x198: {  	v5 =	vmul.f32 v5, v25;
	_ =	sdelay $0x1  }
0x199: {  	v4 =	vmax.f32 v4, $0.0e+00  }
0x19a: {  	v4 =	vadd.f32 v5, v4  }
0x19b: {  	v5 =	vpop (erf)  }
0x19c: {  	v4 =	vmul.f32 v4, v5;
	_ =	sdelay $0x1  }
0x19d: {  	[tilespmem:s23+$0xFFFFFFD0] =	vst v4  }
0x19e: {  	v4 =	vld [tilespmem:s1+$0x520]  }
0x19f: {  	v5 =	vld [tilespmem:s1+$0x2D20];
	_ =	sdelay $0x1  }
0x1a0: {  	v28 =	vld [tilespmem:s1+$0x5520];
	_ =	sdelay $0x2  }
0x1a1: {  	v4 =	vadd.f32 v5, v4;
	_ =	sdelay $0x1  }
0x1a2: {  	v4 =	vadd.f32 v28, v4;
	_ =	sdelay $0x1  }
0x1a3: {  	v5 =	vand.u32 $0x7FFFFFFF, v4  }
0x1a4: {  	v5 =	vsub.f32 $0.0e+00, v5;
	_ =	sdelay $0x1  }
0x1a5: {  	v5 =	vmul.f32 $1.442695020e+00, v5;
	_ =	sdelay $0x1  }
0x1a6: {  	(erf) = vpow2.f32 v5;
	_ =	sdelay $0x2  }
0x1a7: {  	v29 =	vld [tilespmem:s1+$0x2920]  }
0x1a8: {  	v5 =	vld [tilespmem:s1+$0x120];
	_ =	sdelay $0x1  }
0x1a9: {  	v30 =	vld [tilespmem:s1+$0x5120];
	_ =	sdelay $0x2  }
0x1aa: {  	v5 =	vadd.f32 v29, v5;
	v31 =	vpop (erf)  }
0x1ab: {  	v32 =	vmul.f32 $1.402681970e-02, v31  }
0x1ac: {  	v5 =	vadd.f32 v30, v5  }
0x1ad: {  	v7 =	vadd.f32 $-6.577000770e-02, v32  }
0x1ae: {  	v5 =	vsub.f32 $0.0e+00, v5  }
0x1af: {  	v7 =	vmul.f32 v7, v31  }
0x1b0: {  	v5 =	vmul.f32 $1.442695020e+00, v5  }
0x1b1: {  	v7 =	vadd.f32 $1.481066350e-01, v7  }
0x1b2: {  	(erf) = vpow2.f32 v5  }
0x1b3: {  	v5 =	vmul.f32 v7, v31;
	_ =	sdelay $0x1  }
0x1b4: {  	v5 =	vadd.f32 $-2.341735960e-01, v5;
	_ =	sdelay $0x1  }
0x1b5: {  	v5 =	vmul.f32 v5, v31;
	_ =	sdelay $0x1  }
0x1b6: {  	v5 =	vadd.f32 $3.307878670e-01, v5;
	_ =	sdelay $0x1  }
0x1b7: {  	v33 =	vpop (erf);
	v5 =	vmul.f32 v5, v31  }
0x1b8: {  	v7 =	vadd.f32 $1.000000000e+00, v33  }
0x1b9: {  	v5 =	vadd.f32 $-4.998254780e-01, v5  }
0x1ba: {  	(erf) = vrcp.f32 v7  }
0x1bb: {  	v5 =	vmul.f32 v5, v31;
	_ =	sdelay $0x1  }
0x1bc: {  	v5 =	vadd.f32 $9.999970790e-01, v5;
	_ =	sdelay $0x1  }
0x1bd: {  	v5 =	vmul.f32 v5, v31;
	_ =	sdelay $0x1  }
0x1be: {  	v4 =	vmax.f32 v4, $0.0e+00  }
0x1bf: {  	v4 =	vadd.f32 v5, v4  }
0x1c0: {  	v5 =	vpop (erf)  }
0x1c1: {  	v4 =	vmul.f32 v4, v5;
	_ =	sdelay $0x1  }
0x1c2: {  	[tilespmem:s23+$0xFFFFFFE0] =	vst v4  }
0x1c3: {  	v4 =	vld [tilespmem:s1+$0x530]  }
0x1c4: {  	v5 =	vld [tilespmem:s1+$0x2D30];
	_ =	sdelay $0x1  }
0x1c5: {  	v34 =	vld [tilespmem:s1+$0x5530];
	_ =	sdelay $0x2  }
0x1c6: {  	v4 =	vadd.f32 v5, v4;
	_ =	sdelay $0x1  }
0x1c7: {  	v4 =	vadd.f32 v34, v4;
	_ =	sdelay $0x1  }
0x1c8: {  	v5 =	vand.u32 $0x7FFFFFFF, v4  }
0x1c9: {  	v5 =	vsub.f32 $0.0e+00, v5;
	_ =	sdelay $0x1  }
0x1ca: {  	v5 =	vmul.f32 $1.442695020e+00, v5;
	_ =	sdelay $0x1  }
0x1cb: {  	(erf) = vpow2.f32 v5;
	_ =	sdelay $0x2  }
0x1cc: {  	v35 =	vld [tilespmem:s1+$0x2930]  }
0x1cd: {  	v5 =	vld [tilespmem:s1+$0x130];
	_ =	sdelay $0x1  }
0x1ce: {  	v36 =	vld [tilespmem:s1+$0x5130];
	_ =	sdelay $0x2  }
0x1cf: {  	v5 =	vadd.f32 v35, v5;
	v37 =	vpop (erf)  }
0x1d0: {  	v38 =	vmul.f32 $1.402681970e-02, v37  }
0x1d1: {  	v5 =	vadd.f32 v36, v5  }
0x1d2: {  	v7 =	vadd.f32 $-6.577000770e-02, v38  }
0x1d3: {  	v5 =	vsub.f32 $0.0e+00, v5  }
0x1d4: {  	v7 =	vmul.f32 v7, v37  }
0x1d5: {  	v5 =	vmul.f32 $1.442695020e+00, v5  }
0x1d6: {  	v7 =	vadd.f32 $1.481066350e-01, v7  }
0x1d7: {  	(erf) = vpow2.f32 v5  }
0x1d8: {  	v5 =	vmul.f32 v7, v37;
	_ =	sdelay $0x1  }
0x1d9: {  	v5 =	vadd.f32 $-2.341735960e-01, v5;
	_ =	sdelay $0x1  }
0x1da: {  	v5 =	vmul.f32 v5, v37;
	_ =	sdelay $0x1  }
0x1db: {  	v5 =	vadd.f32 $3.307878670e-01, v5;
	_ =	sdelay $0x1  }
0x1dc: {  	v39 =	vpop (erf);
	v5 =	vmul.f32 v5, v37  }
0x1dd: {  	v7 =	vadd.f32 $1.000000000e+00, v39  }
0x1de: {  	v5 =	vadd.f32 $-4.998254780e-01, v5  }
0x1df: {  	(erf) = vrcp.f32 v7  }
0x1e0: {  	v5 =	vmul.f32 v5, v37;
	_ =	sdelay $0x1  }
0x1e1: {  	v5 =	vadd.f32 $9.999970790e-01, v5;
	_ =	sdelay $0x1  }
0x1e2: {  	v5 =	vmul.f32 v5, v37;
	_ =	sdelay $0x1  }
0x1e3: {  	v4 =	vmax.f32 v4, $0.0e+00  }
0x1e4: {  	v4 =	vadd.f32 v5, v4  }
0x1e5: {  	v5 =	vpop (erf)  }
0x1e6: {  	v4 =	vmul.f32 v4, v5;
	_ =	sdelay $0x1  }
0x1e7: {  	[tilespmem:s23+$0xFFFFFFF0] =	vst v4  }
0x1e8: {  	v4 =	vld [tilespmem:s1+$0x540]  }
0x1e9: {  	v5 =	vld [tilespmem:s1+$0x2D40];
	_ =	sdelay $0x1  }
0x1ea: {  	v40 =	vld [tilespmem:s1+$0x5540];
	_ =	sdelay $0x2  }
0x1eb: {  	v4 =	vadd.f32 v5, v4;
	_ =	sdelay $0x1  }
0x1ec: {  	v4 =	vadd.f32 v40, v4;
	_ =	sdelay $0x1  }
0x1ed: {  	v5 =	vand.u32 $0x7FFFFFFF, v4  }
0x1ee: {  	v5 =	vsub.f32 $0.0e+00, v5;
	_ =	sdelay $0x1  }
0x1ef: {  	v5 =	vmul.f32 $1.442695020e+00, v5;
	_ =	sdelay $0x1  }
0x1f0: {  	(erf) = vpow2.f32 v5;
	_ =	sdelay $0x2  }
0x1f1: {  	v41 =	vld [tilespmem:s1+$0x2940]  }
0x1f2: {  	v5 =	vld [tilespmem:s1+$0x140];
	_ =	sdelay $0x1  }
0x1f3: {  	v42 =	vld [tilespmem:s1+$0x5140];
	_ =	sdelay $0x2  }
0x1f4: {  	v5 =	vadd.f32 v41, v5;
	v43 =	vpop (erf)  }
0x1f5: {  	v44 =	vmul.f32 $1.402681970e-02, v43  }
0x1f6: {  	v5 =	vadd.f32 v42, v5  }
0x1f7: {  	v7 =	vadd.f32 $-6.577000770e-02, v44  }
0x1f8: {  	v5 =	vsub.f32 $0.0e+00, v5  }
0x1f9: {  	v7 =	vmul.f32 v7, v43  }
0x1fa: {  	v5 =	vmul.f32 $1.442695020e+00, v5  }
0x1fb: {  	v7 =	vadd.f32 $1.481066350e-01, v7  }
0x1fc: {  	(erf) = vpow2.f32 v5  }
0x1fd: {  	v5 =	vmul.f32 v7, v43;
	_ =	sdelay $0x1  }
0x1fe: {  	v5 =	vadd.f32 $-2.341735960e-01, v5;
	_ =	sdelay $0x1  }
0x1ff: {  	v5 =	vmul.f32 v5, v43;
	_ =	sdelay $0x1  }
0x200: {  	v5 =	vadd.f32 $3.307878670e-01, v5;
	_ =	sdelay $0x1  }
0x201: {  	v45 =	vpop (erf);
	v5 =	vmul.f32 v5, v43  }
0x202: {  	v7 =	vadd.f32 $1.000000000e+00, v45  }
0x203: {  	v5 =	vadd.f32 $-4.998254780e-01, v5  }
0x204: {  	(erf) = vrcp.f32 v7  }
0x205: {  	v5 =	vmul.f32 v5, v43;
	_ =	sdelay $0x1  }
0x206: {  	v5 =	vadd.f32 $9.999970790e-01, v5;
	_ =	sdelay $0x1  }
0x207: {  	v5 =	vmul.f32 v5, v43;
	_ =	sdelay $0x1  }
0x208: {  	v4 =	vmax.f32 v4, $0.0e+00  }
0x209: {  	v4 =	vadd.f32 v5, v4  }
0x20a: {  	v5 =	vpop (erf)  }
0x20b: {  	v4 =	vmul.f32 v4, v5;
	_ =	sdelay $0x1  }
0x20c: {  	[tilespmem:s23+$0x0] =	vst v4  }
0x20d: {  	v4 =	vld [tilespmem:s1+$0x550]  }
0x20e: {  	v5 =	vld [tilespmem:s1+$0x2D50];
	_ =	sdelay $0x1  }
0x20f: {  	v46 =	vld [tilespmem:s1+$0x5550];
	_ =	sdelay $0x2  }
0x210: {  	v4 =	vadd.f32 v5, v4;
	_ =	sdelay $0x1  }
0x211: {  	v4 =	vadd.f32 v46, v4;
	_ =	sdelay $0x1  }
0x212: {  	v5 =	vand.u32 $0x7FFFFFFF, v4  }
0x213: {  	v5 =	vsub.f32 $0.0e+00, v5;
	_ =	sdelay $0x1  }
0x214: {  	v5 =	vmul.f32 $1.442695020e+00, v5;
	_ =	sdelay $0x1  }
0x215: {  	(erf) = vpow2.f32 v5;
	_ =	sdelay $0x2  }
0x216: {  	v47 =	vld [tilespmem:s1+$0x2950]  }
0x217: {  	v5 =	vld [tilespmem:s1+$0x150];
	_ =	sdelay $0x1  }
0x218: {  	v48 =	vld [tilespmem:s1+$0x5150];
	_ =	sdelay $0x2  }
0x219: {  	v5 =	vadd.f32 v47, v5;
	v49 =	vpop (erf)  }
0x21a: {  	v50 =	vmul.f32 $1.402681970e-02, v49  }
0x21b: {  	v5 =	vadd.f32 v48, v5  }
0x21c: {  	v7 =	vadd.f32 $-6.577000770e-02, v50  }
0x21d: {  	v5 =	vsub.f32 $0.0e+00, v5  }
0x21e: {  	v7 =	vmul.f32 v7, v49  }
0x21f: {  	v5 =	vmul.f32 $1.442695020e+00, v5  }
0x220: {  	v7 =	vadd.f32 $1.481066350e-01, v7  }
0x221: {  	(erf) = vpow2.f32 v5  }
0x222: {  	v5 =	vmul.f32 v7, v49;
	_ =	sdelay $0x1  }
0x223: {  	v5 =	vadd.f32 $-2.341735960e-01, v5;
	_ =	sdelay $0x1  }
0x224: {  	v5 =	vmul.f32 v5, v49;
	_ =	sdelay $0x1  }
0x225: {  	v5 =	vadd.f32 $3.307878670e-01, v5;
	_ =	sdelay $0x1  }
0x226: {  	v51 =	vpop (erf);
	v5 =	vmul.f32 v5, v49  }
0x227: {  	v7 =	vadd.f32 $1.000000000e+00, v51  }
0x228: {  	v5 =	vadd.f32 $-4.998254780e-01, v5  }
0x229: {  	(erf) = vrcp.f32 v7  }
0x22a: {  	v5 =	vmul.f32 v5, v49;
	_ =	sdelay $0x1  }
0x22b: {  	v5 =	vadd.f32 $9.999970790e-01, v5;
	_ =	sdelay $0x1  }
0x22c: {  	v5 =	vmul.f32 v5, v49;
	_ =	sdelay $0x1  }
0x22d: {  	v4 =	vmax.f32 v4, $0.0e+00  }
0x22e: {  	v4 =	vadd.f32 v5, v4  }
0x22f: {  	v5 =	vpop (erf)  }
0x230: {  	v4 =	vmul.f32 v4, v5;
	_ =	sdelay $0x1  }
0x231: {  	[tilespmem:s23+$0x10] =	vst v4  }
0x232: {  	v4 =	vld [tilespmem:s1+$0x560]  }
0x233: {  	v5 =	vld [tilespmem:s1+$0x2D60];
	_ =	sdelay $0x1  }
0x234: {  	v52 =	vld [tilespmem:s1+$0x5560];
	_ =	sdelay $0x2  }
0x235: {  	v4 =	vadd.f32 v5, v4;
	_ =	sdelay $0x1  }
0x236: {  	v4 =	vadd.f32 v52, v4;
	_ =	sdelay $0x1  }
0x237: {  	v5 =	vand.u32 $0x7FFFFFFF, v4  }
0x238: {  	v5 =	vsub.f32 $0.0e+00, v5;
	_ =	sdelay $0x1  }
0x239: {  	v5 =	vmul.f32 $1.442695020e+00, v5;
	_ =	sdelay $0x1  }
0x23a: {  	(erf) = vpow2.f32 v5;
	_ =	sdelay $0x2  }
0x23b: {  	v53 =	vld [tilespmem:s1+$0x2960]  }
0x23c: {  	v5 =	vld [tilespmem:s1+$0x160];
	_ =	sdelay $0x1  }
0x23d: {  	v54 =	vld [tilespmem:s1+$0x5160];
	_ =	sdelay $0x2  }
0x23e: {  	v5 =	vadd.f32 v53, v5;
	v55 =	vpop (erf)  }
0x23f: {  	v56 =	vmul.f32 $1.402681970e-02, v55  }
0x240: {  	v5 =	vadd.f32 v54, v5  }
0x241: {  	v7 =	vadd.f32 $-6.577000770e-02, v56  }
0x242: {  	v5 =	vsub.f32 $0.0e+00, v5  }
0x243: {  	v7 =	vmul.f32 v7, v55  }
0x244: {  	v5 =	vmul.f32 $1.442695020e+00, v5  }
0x245: {  	v7 =	vadd.f32 $1.481066350e-01, v7  }
0x246: {  	(erf) = vpow2.f32 v5  }
0x247: {  	v5 =	vmul.f32 v7, v55;
	_ =	sdelay $0x1  }
0x248: {  	v5 =	vadd.f32 $-2.341735960e-01, v5;
	_ =	sdelay $0x1  }
0x249: {  	v5 =	vmul.f32 v5, v55;
	_ =	sdelay $0x1  }
0x24a: {  	v5 =	vadd.f32 $3.307878670e-01, v5;
	_ =	sdelay $0x1  }
0x24b: {  	v57 =	vpop (erf);
	v5 =	vmul.f32 v5, v55  }
0x24c: {  	v7 =	vadd.f32 $1.000000000e+00, v57  }
0x24d: {  	v5 =	vadd.f32 $-4.998254780e-01, v5  }
0x24e: {  	(erf) = vrcp.f32 v7  }
0x24f: {  	v5 =	vmul.f32 v5, v55;
	_ =	sdelay $0x1  }
0x250: {  	v5 =	vadd.f32 $9.999970790e-01, v5;
	_ =	sdelay $0x1  }
0x251: {  	v5 =	vmul.f32 v5, v55;
	_ =	sdelay $0x1  }
0x252: {  	v4 =	vmax.f32 v4, $0.0e+00  }
0x253: {  	v4 =	vadd.f32 v5, v4  }
0x254: {  	v5 =	vpop (erf)  }
0x255: {  	v4 =	vmul.f32 v4, v5;
	_ =	sdelay $0x1  }
0x256: {  	[tilespmem:s23+$0x20] =	vst v4  }
0x257: {  	v4 =	vld [tilespmem:s1+$0x570]  }
0x258: {  	v5 =	vld [tilespmem:s1+$0x2D70];
	_ =	sdelay $0x1  }
0x259: {  	v58 =	vld [tilespmem:s1+$0x5570];
	_ =	sdelay $0x2  }
0x25a: {  	v4 =	vadd.f32 v5, v4;
	_ =	sdelay $0x1  }
0x25b: {  	v4 =	vadd.f32 v58, v4;
	_ =	sdelay $0x1  }
0x25c: {  	v5 =	vand.u32 $0x7FFFFFFF, v4  }
0x25d: {  	v5 =	vsub.f32 $0.0e+00, v5;
	_ =	sdelay $0x1  }
0x25e: {  	v5 =	vmul.f32 $1.442695020e+00, v5;
	_ =	sdelay $0x1  }
0x25f: {  	(erf) = vpow2.f32 v5;
	_ =	sdelay $0x2  }
0x260: {  	v59 =	vld [tilespmem:s1+$0x2970]  }
0x261: {  	v5 =	vld [tilespmem:s1+$0x170];
	_ =	sdelay $0x1  }
0x262: {  	v60 =	vld [tilespmem:s1+$0x5170];
	_ =	sdelay $0x2  }
0x263: {  	v5 =	vadd.f32 v59, v5;
	v61 =	vpop (erf)  }
0x264: {  	v62 =	vmul.f32 $1.402681970e-02, v61  }
0x265: {  	v5 =	vadd.f32 v60, v5  }
0x266: {  	v7 =	vadd.f32 $-6.577000770e-02, v62  }
0x267: {  	v5 =	vsub.f32 $0.0e+00, v5  }
0x268: {  	v7 =	vmul.f32 v7, v61  }
0x269: {  	v5 =	vmul.f32 $1.442695020e+00, v5  }
0x26a: {  	v7 =	vadd.f32 $1.481066350e-01, v7  }
0x26b: {  	(erf) = vpow2.f32 v5  }
0x26c: {  	v5 =	vmul.f32 v7, v61;
	_ =	sdelay $0x1  }
0x26d: {  	v5 =	vadd.f32 $-2.341735960e-01, v5;
	_ =	sdelay $0x1  }
0x26e: {  	v5 =	vmul.f32 v5, v61;
	_ =	sdelay $0x1  }
0x26f: {  	v5 =	vadd.f32 $3.307878670e-01, v5;
	_ =	sdelay $0x1  }
0x270: {  	v63 =	vpop (erf);
	v5 =	vmul.f32 v5, v61  }
0x271: {  	v7 =	vadd.f32 $1.000000000e+00, v63  }
0x272: {  	v5 =	vadd.f32 $-4.998254780e-01, v5  }
0x273: {  	(erf) = vrcp.f32 v7  }
0x274: {  	v5 =	vmul.f32 v5, v61;
	_ =	sdelay $0x1  }
0x275: {  	v5 =	vadd.f32 $9.999970790e-01, v5;
	_ =	sdelay $0x1  }
0x276: {  	v5 =	vmul.f32 v5, v61;
	_ =	sdelay $0x1  }
0x277: {  	p3 =	sne.s32 s30, $0x2700;
	v4 =	vmax.f32 v4, $0.0e+00  }
.Ltmp3:
0x278: {  	v4 =	vadd.f32 v5, v4;
	(pc) =	sbr.rel @p3 .LBB2_5-.Ltmp3, $3  }
0x279: {  	v5 =	vpop (erf)  }
0x27a: {  	v4 =	vmul.f32 v4, v5;
	_ =	sdelay $0x1  }
0x27b: {  	s11 =	sadd.s32 $0x80, s11;
	s30 =	sadd.s32 $0x100, s30;
	[tilespmem:s23+$0x30] =	vst v4;
	s23 =	sadd.s32 $0x80, s23  }
0x27c: {  	s0 =	sadd.s32 $0x1, s0  }
0x27d: {  	p3 =	sne.s32 s0, $0x7D  }
.Ltmp4:
0x27e: {  	s1 =	simm.s32 $0x0;
	(pc) =	sbr.rel @p3 .LBB2_4-.Ltmp4, $4  }
0x27f: {  	[spmem:s10] =	stream.indirect.scatter.add.f32 [tilespmem:s29], [sflag:$0x3], $0x80, s1, s28, $0xb8;
	[tilespmem:$0x1CD80] =	vst v63  }
0x280: {  	_ =	swait.ge [sflag:s9], $0x1400  }
0x281: {  	[sflag:s9] =	ssyncset.done $0x0  }
0x282: {  	[sflag:s9] =	ssyncadd.s32 $0xFFFFEC00  }
.Ltmp5:
0x283: {  	(pc) =	sbr.rel @!p0 .LBB2_8-.Ltmp5, $4  }
0x284: {  	_ = 	snop  }
0x285: {  	s0 =	stileid.u32;
	[bflag:$0x0] =	sbarrier.arrive $0xFFFF  }
0x286: {  	s11 =	sshll.u32 s0, $0x6;
	s23 =	rddreg [dreg:$0x5]  }
0x287: {  	s1 =	sshrl.u32 s23, $0x3;
	s0 =	sor.u32 $0x1C03, s11  }
0x288: {  	s0 =	sor.u32 $0x1C03, s11;
	s2 =	rddreg [dreg:$0x11]  }
0x289: {  	[hbm:s2], [sflag:s0] =	dma.local [spmem:s1], $0x2700  }
.Ltmp6:
0x28a: {  	_ = 	snop;
	(pc) =	sbr.rel @p1 .LBB2_11-.Ltmp6, $4  }
.Ltmp7:
0x28b: {  	_ = 	snop;
	(pc) =	sbr.rel @!p1 .LBB2_10-.Ltmp7, $4  }
0x28c: {  	_ =	swait.ge [sflag:s9], $0x2700  }
0x28d: {  	[sflag:s9] =	ssyncset.done $0x0;
	s11 =	sld [smem:$0x7ED]  }
0x28e: {  	s1 =	rddreg [dreg:$0x4];
	[sflag:s9] =	ssyncadd.s32 $0xFFFFD900  }
0x28f: {  	_ = 	snop  }
.LBB2_8:
0x290: {  	s2 =	rddreg [dreg:$0x10]  }
0x291: {  	[hbm:s2], [sflag:s0] =	dma.local [spmem:s1], $0x2700  }
.Ltmp8:
0x292: {  	_ = 	snop;
	(pc) =	sbr.rel @p2 .LBB2_10-.Ltmp8, $4  }
.Ltmp9:
0x293: {  	_ = 	snop;
	(pc) =	sbr.rel @!p2 .LBB2_11-.Ltmp9, $4  }
0x294: {  	_ =	swait.ge [sflag:s9], $0x2700  }
0x295: {  	[sflag:s9] =	ssyncset.done $0x0;
	s11 =	sld [smem:$0x7ED]  }
0x296: {  	s1 =	rddreg [dreg:$0x3];
	[sflag:s9] =	ssyncadd.s32 $0xFFFFD900  }
0x297: {  	_ = 	snop  }
.LBB2_12:
0x298: {  	_ =	sfence.sel $0x180000  }
0x299: {  	[bflag:$0x0] =	sbarrier.arrive $0xFFFF  }
0x29a: {  	_ =	strace $0x90000047  }
0x29b: {  	s0 =	stileid.u32;
	[bflag:$0x2] =	sbarrier.arrive $0xFFFF  }
0x29c: {  	p0 =	sne.s32 s0, $0x0;
	s0 =	rddreg [dreg:$0x2]  }
0x29d: {  	s0 =	sadd.s32 @!p0 $0x100000, s0  }
0x29e: {  	[sflag:s0] =	ssyncadd.tile.s32 @!p0 $0x1;
	_ =	shalt  }
.Lfunc_end2:
_tile_overlayer_lowered:
.L_overlay_start_2:
0x29f: {  	(tag) =	ssettag $0x2  }
0x2a0: {  	s0 =	rddreg [dreg:$0x0];
	s2 =	stileid.u32  }
0x2a1: {  	s1 =	rddreg [dreg:$0x1];
	p0 =	sne.s32 s2, $0x0  }
0x2a2: {  	s3 =	rddreg [dreg:$0x2];
	[bflag:$0x3] =	sbarrier.arrive $0xFFFF;
	s2 =	simm.s32 @!p0 $0x1C03  }
0x2a3: {  	[timem:s3], [sflag:s2] =	dma.local @!p0 [hbm:s0], s1  }
0x2a4: {  	s0 =	simm.s32 @!p0 $0x3  }
0x2a5: {  	_ =	swait.ge @!p0 [sflag:s0], s1  }
0x2a6: {  	s1 =	ssub.s32 @!p0 $0x0, s1;
	[sflag:s0] =	ssyncset.done @!p0 $0x0  }
0x2a7: {  	[sflag:s0] =	ssyncadd.s32 @!p0 s1  }
0x2a8: {  	[bflag:$0x3] =	sbarrier.arrive $0xFFFF  }
0x2a9: {  	_ =	shalt  }

</sc_bundles>
